<compile_context>
chip_gen: v7x
topology: tpu7x:2x2x1
jax: 0.10.2.dev20260603
libtpu: 0.0.44.dev20260713+nightly
codegen_flags: <defaults>
</compile_context>

<pallas_src>
import jax
import jax.numpy as jnp
from jax import lax
from jax.experimental import pallas as pl
from jax.experimental.pallas import tpu as pltpu
from jax.experimental.pallas import tpu_sc as plsc

N = 572
K = 64
D = 128
R = 200
RPAD = 256
NPAD = 576
NC, NS, L = 2, 16, 16
NW = NC * NS
NPW = 18
PPW = NPW // 2
NBUF = 3



def _scores_body(d_ref, r_ref, tT_ref, rT_ref, s_ref, a_ref):
    sc = lax.dot_general(d_ref[...], r_ref[...],
                         dimension_numbers=(((1,), (1,)), ((), ())),
                         preferred_element_type=jnp.float32)
    sc = jnp.concatenate(
        [sc, jnp.zeros((N, RPAD - R), jnp.float32)], axis=1)
    sc = jnp.concatenate(
        [sc, jnp.zeros((NPAD - N, RPAD), jnp.float32)], axis=0)
    s_ref[pl.ds(0, NPAD), :] = sc[:, :D]
    s_ref[pl.ds(NPAD, NPAD), :] = sc[:, D:]
    ap = jnp.concatenate([tT_ref[...].T, rT_ref[...].T], axis=1)
    a_ref[...] = jnp.concatenate(
        [ap, jnp.zeros((NPAD - N, 2 * K), jnp.int32)], axis=0)


_scores_call = pl.pallas_call(
    _scores_body,
    out_shape=(jax.ShapeDtypeStruct((2 * NPAD, D), jnp.float32),
               jax.ShapeDtypeStruct((NPAD, 2 * K), jnp.int32)),
)



def _attend_body(scores_hbm, adj_hbm, ent_hbm, att_hbm,
                 adj_w, tails_w, scores_w, alpha_w, att_w,
                 ent0, ent1, ent2,
                 sem0, sem1, sem2, isem):
    wid = lax.axis_index("s") * NC + lax.axis_index("c")
    pbase = jnp.minimum(wid * PPW, N // 2 - PPW)
    base = 2 * pbase
    cp_a = pltpu.async_copy(adj_hbm.at[pl.ds(base, NPW)], adj_w, isem)
    cp_s0 = pltpu.async_copy(scores_hbm.at[pl.ds(base, NPW)],
                             scores_w.at[pl.ds(0, NPW)], isem)
    cp_s1 = pltpu.async_copy(scores_hbm.at[pl.ds(NPAD + base, NPW)],
                             scores_w.at[pl.ds(NPW, NPW)], isem)
    cp_a.wait()

    for p in range(PPW):
        for h in range(K // L):
            tails_w[p, pl.ds(h * L, L)] = adj_w[2 * p, pl.ds(h * L, L)]
            tails_w[p, pl.ds(K + h * L, L)] = adj_w[2 * p + 1, pl.ds(h * L, L)]

    bufs = (ent0, ent1, ent2)
    sems = (sem0, sem1, sem2)
    for b in range(NBUF):
        pltpu.async_copy(ent_hbm.at[tails_w.at[b]], bufs[b], sems[b])
    cp_s0.wait()
    cp_s1.wait()

    def softmax_one(i, carry):
        i_splat = jnp.full((L,), i, jnp.int32)
        svecs = []
        for g in range(4):
            relg = adj_w[i, pl.ds(K + g * L, L)]
            rowg = i_splat + NPW * lax.shift_right_logical(relg, 7)
            colg = lax.bitwise_and(relg, 127)
            svecs.append(plsc.load_gather(scores_w, [rowg, colg]))
        m = jnp.maximum(jnp.maximum(svecs[0], svecs[1]),
                        jnp.maximum(svecs[2], svecs[3]))
        mmax = jnp.max(m)
        evecs = [jnp.exp(sv - mmax) for sv in svecs]
        tot = jnp.sum(evecs[0] + evecs[1] + evecs[2] + evecs[3])
        for g in range(4):
            alpha_w[i, pl.ds(g * L, L)] = evecs[g] / tot
        return carry

    lax.fori_loop(0, NPW, softmax_one, 0)

    KC = 8

    def _accumulate(i, ent_buf, half):
        i_splat = jnp.full((L,), i, jnp.int32)

        def chunk(c, accs):
            kbase = c * KC
            accs = list(accs)
            for kk in range(KC):
                bk = plsc.load_gather(
                    alpha_w, [i_splat, jnp.full((L,), kbase + kk, jnp.int32)])
                row = half * K + kbase + kk
                for j in range(D // L):
                    accs[j] = accs[j] + bk * ent_buf[row, pl.ds(j * L, L)]
            return tuple(accs)

        accs = lax.fori_loop(
            0, K // KC, chunk,
            tuple(jnp.zeros((L,), jnp.float32) for _ in range(D // L)))
        for j in range(D // L):
            att_w[i, pl.ds(j * L, L)] = accs[j]

    def step(j, carry):
        for b in range(NBUF):
            p = j * NBUF + b
            pltpu.make_async_copy(ent_hbm.at[tails_w.at[0]],
                                  bufs[b], sems[b]).wait()
            _accumulate(2 * p, bufs[b], 0)
            _accumulate(2 * p + 1, bufs[b], 1)
            pnext = p + NBUF

            @pl.when(pnext < PPW)
            def _():
                pltpu.async_copy(ent_hbm.at[tails_w.at[pnext]],
                                 bufs[b], sems[b])
        return carry

    lax.fori_loop(0, PPW // NBUF, step, 0)
    pltpu.sync_copy(att_w, att_hbm.at[pl.ds(base, NPW)])


_attend_call = pl.kernel(
    _attend_body,
    out_type=jax.ShapeDtypeStruct((N, D), jnp.float32),
    mesh=plsc.VectorSubcoreMesh(core_axis_name="c", subcore_axis_name="s",
                                num_cores=NC, num_subcores=NS),
    scratch_types=[
        pltpu.VMEM((NPW, 2 * K), jnp.int32),
        pltpu.VMEM((PPW, 2 * K), jnp.int32),
        pltpu.VMEM((2 * NPW, D), jnp.float32),
        pltpu.VMEM((NPW, K), jnp.float32),
        pltpu.VMEM((NPW, D), jnp.float32),
        pltpu.VMEM((2 * K, D), jnp.float32),
        pltpu.VMEM((2 * K, D), jnp.float32),
        pltpu.VMEM((2 * K, D), jnp.float32),
        pltpu.SemaphoreType.DMA,
        pltpu.SemaphoreType.DMA,
        pltpu.SemaphoreType.DMA,
        pltpu.SemaphoreType.DMA,
    ],
    compiler_params=pltpu.CompilerParams(use_tc_tiling_on_sc=False,
                                         needs_layout_passes=False),
)



def _final_body(a_ref, d_ref, w_ref, b_ref, g_ref, be_ref, o_ref):
    w1 = w_ref[pl.ds(0, D), :]
    w2 = w_ref[pl.ds(D, D), :]
    h = (jnp.dot(a_ref[...], w1, preferred_element_type=jnp.float32)
         + jnp.dot(d_ref[...], w2, preferred_element_type=jnp.float32)
         + b_ref[...].reshape(1, D))
    h = jnp.maximum(h, 0.0)
    mean = jnp.mean(h, axis=0, keepdims=True)
    cen = h - mean
    var = jnp.mean(cen * cen, axis=0, keepdims=True)
    o_ref[...] = (g_ref[...].reshape(1, D) * cen * lax.rsqrt(var + 1e-5)
                  + be_ref[...].reshape(1, D))


_final_call = pl.pallas_call(
    _final_body,
    out_shape=jax.ShapeDtypeStruct((N, D), jnp.float32),
)



def kernel(drug_name, adj_tail, adj_relation, drug_table, rela_table,
           ent_table, lin_W, lin_b, bn_gamma, bn_beta):
    scores, adj_pack = _scores_call(drug_table, rela_table,
                                    adj_tail.T, adj_relation.T)
    attended = _attend_call(scores, adj_pack, ent_table)
    return _final_call(attended, drug_table, lin_W, lin_b, bn_gamma, bn_beta)

# --- scband reference (transcript-rebuilt; emitter-appended) ---
"""Pipeline reference for scband-gnn4-79783312490855 (READ-ONLY COPY).

The authoritative reference and input builder live on the scoring server;
editing this copy changes nothing except your own understanding.
"""

import jax, jax.numpy as jnp
import numpy as np

N_DRUG = 572
K = 64          # neighbor_sample_size
D = 128         # embedding_num
T = 100000      # tail_len['dataset4']
R = 200         # relation_len['dataset4']


def setup_inputs(seed: int = 0) -> dict:
    key = jax.random.key(seed)
    ks = jax.random.split(key, 10)
    inp = {}
    # forward-arg index tensors (arrge() output is precomputed here as random
    # in-range neighbor samples, matching np.random.choice semantics)
    inp["drug_name"] = jnp.arange(N_DRUG, dtype=jnp.int32)
    inp["adj_tail"] = jax.random.randint(ks[0], (N_DRUG, K), 0, T, dtype=jnp.int32)
    inp["adj_relation"] = jax.random.randint(ks[1], (N_DRUG, K), 0, R, dtype=jnp.int32)
    # learned parameters
    inp["drug_table"] = jax.random.normal(ks[2], (N_DRUG, D), dtype=jnp.float32) * 0.1
    inp["rela_table"] = jax.random.normal(ks[3], (R, D), dtype=jnp.float32) * 0.1
    inp["ent_table"] = jax.random.normal(ks[4], (T, D), dtype=jnp.float32) * 0.1
    # Linear1: Linear(2*D -> D) with xavier-uniform init, zero bias
    limit = float(np.sqrt(6.0 / (2 * D + D)))
    inp["lin_W"] = jax.random.uniform(ks[5], (2 * D, D), dtype=jnp.float32, minval=-limit, maxval=limit)
    inp["lin_b"] = jnp.zeros((D,), dtype=jnp.float32)
    # BatchNorm1d affine params (init: weight=1, bias=0)
    inp["bn_gamma"] = jnp.ones((D,), dtype=jnp.float32)
    inp["bn_beta"] = jnp.zeros((D,), dtype=jnp.float32)
    return inp


def reference(drug_name, adj_tail, adj_relation, drug_table, rela_table,
              ent_table, lin_W, lin_b, bn_gamma, bn_beta):
    # embedding lookups (SparseCore gathers)
    drug_emb = jnp.take(drug_table, drug_name, axis=0)        # [N, D]
    rela_emb = jnp.take(rela_table, adj_relation, axis=0)     # [N, K, D]
    ent_emb = jnp.take(ent_table, adj_tail, axis=0)           # [N, K, D]

    # AttentionLayer(drug, ent, rela): relation-aware neighbor attention
    # score_{n,k} = <drug_n, rela_{n,k}> ; softmax over K neighbors;
    # attended_n = sum_k alpha_{n,k} * ent_{n,k}
    scores = jnp.sum(drug_emb[:, None, :] * rela_emb, axis=-1)  # [N, K]
    alpha = jax.nn.softmax(scores, axis=1)                      # [N, K]
    attended = jnp.sum(alpha[:, :, None] * ent_emb, axis=1)     # [N, D]

    # drug_e = cat([attended, drug_emb], dim=1); Linear1 = Linear -> ReLU -> BatchNorm1d
    drug_e = jnp.concatenate([attended, drug_emb], axis=1)      # [N, 2D]
    h = drug_e @ lin_W + lin_b                                  # [N, D]
    h = jax.nn.relu(h)
    mean = jnp.mean(h, axis=0)
    var = jnp.var(h, axis=0)
    drug_f = bn_gamma * (h - mean) / jnp.sqrt(var + 1e-5) + bn_beta
    # (epoch <= 1 path: the invariant_adj neighbor-averaging loop is skipped;
    #  pass-through outputs gnn3/gnn2/gnn1/idx are identity and omitted)
    return drug_f

if __name__ == "__main__":
    import jax
    _d = setup_inputs()
    print(jax.jit(kernel)(*tuple(_d.values())))

</pallas_src>

<mosaic_0001>
#map = affine_map<(d0, d1) -> (0, 0)>
module attributes {stable_mosaic.version = 14 : i64} {
  func.func @_attend_body(%arg0: i32, %arg1: i32, %arg2: memref<1152x128xf32, #tpu.memory_space<hbm>>, %arg3: memref<576x128xi32, #tpu.memory_space<hbm>>, %arg4: memref<100000x128xf32, #tpu.memory_space<hbm>>, %arg5: memref<572x128xf32, #tpu.memory_space<hbm>>, %arg6: memref<18x128xi32, #tpu.memory_space<vmem>>, %arg7: memref<9x128xi32, #tpu.memory_space<vmem>>, %arg8: memref<36x128xf32, #tpu.memory_space<vmem>>, %arg9: memref<18x64xf32, #tpu.memory_space<vmem>>, %arg10: memref<18x128xf32, #tpu.memory_space<vmem>>, %arg11: memref<128x128xf32, #tpu.memory_space<vmem>>, %arg12: memref<128x128xf32, #tpu.memory_space<vmem>>, %arg13: memref<128x128xf32, #tpu.memory_space<vmem>>, %arg14: memref<!tpu.dma_semaphore, #tpu.memory_space<semaphore_mem>>, %arg15: memref<!tpu.dma_semaphore, #tpu.memory_space<semaphore_mem>>, %arg16: memref<!tpu.dma_semaphore, #tpu.memory_space<semaphore_mem>>, %arg17: memref<!tpu.dma_semaphore, #tpu.memory_space<semaphore_mem>>) attributes {dimension_semantics = [#tpu.dimension_semantics<core_parallel>, #tpu.dimension_semantics<subcore_parallel>], iteration_bounds = array<i64: 2, 16>, scalar_prefetch = 0 : i64, scratch_operands = 12 : i64, tpu.core_type = #tpu.core_type<sc_vector_subcore>, window_params = [{transform_indices = #map}, {transform_indices = #map}, {transform_indices = #map}, {transform_indices = #map}]} {
    %mul3A = arith.constant 2 : i32
    %mul3A_0 = arith.muli %arg1, %mul3A : i32
    %add3A = arith.addi %mul3A_0, %arg0 : i32
    %mul3A_1 = arith.constant 9 : i32
    %mul3A_2 = arith.muli %add3A, %mul3A_1 : i32
    %min3A = arith.constant 277 : i32
    %min3A_3 = arith.minsi %mul3A_2, %min3A : i32
    %mul3A_4 = arith.constant 2 : i32
    %mul3A_5 = arith.muli %mul3A_4, %min3A_3 : i32
    %dma_start3A = arith.constant 0 : i32
    %dma_start3A_6 = tpu.memref_slice %arg3[%mul3A_5, %dma_start3A] : memref<576x128xi32, #tpu.memory_space<hbm>> -> memref<18x128xi32, #tpu.memory_space<hbm>>
    %dma_start3A_7 = arith.constant 0 : i32
    %dma_start3A_8 = tpu.memref_slice %arg3[%mul3A_5, %dma_start3A_7] : memref<576x128xi32, #tpu.memory_space<hbm>> -> memref<18x128xi32, #tpu.memory_space<hbm>>
    tpu.enqueue_dma source(%dma_start3A_8 : memref<18x128xi32, #tpu.memory_space<hbm>>) target(%arg6 : memref<18x128xi32, #tpu.memory_space<vmem>>) target_semaphore(%arg17 : memref<!tpu.dma_semaphore, #tpu.memory_space<semaphore_mem>>)
    %dma_start3A_9 = arith.constant 0 : i32
    %dma_start3A_10 = arith.constant 0 : i32
    %dma_start3A_11 = tpu.memref_slice %arg8[%dma_start3A_9, %dma_start3A_10] : memref<36x128xf32, #tpu.memory_space<vmem>> -> memref<18x128xf32, #tpu.memory_space<vmem>>
    %dma_start3A_12 = arith.constant 0 : i32
    %dma_start3A_13 = tpu.memref_slice %arg2[%mul3A_5, %dma_start3A_12] : memref<1152x128xf32, #tpu.memory_space<hbm>> -> memref<18x128xf32, #tpu.memory_space<hbm>>
    %dma_start3A_14 = arith.constant 0 : i32
    %dma_start3A_15 = arith.constant 0 : i32
    %dma_start3A_16 = tpu.memref_slice %arg8[%dma_start3A_14, %dma_start3A_15] : memref<36x128xf32, #tpu.memory_space<vmem>> -> memref<18x128xf32, #tpu.memory_space<vmem>>
    %dma_start3A_17 = arith.constant 0 : i32
    %dma_start3A_18 = tpu.memref_slice %arg2[%mul3A_5, %dma_start3A_17] : memref<1152x128xf32, #tpu.memory_space<hbm>> -> memref<18x128xf32, #tpu.memory_space<hbm>>
    tpu.enqueue_dma source(%dma_start3A_18 : memref<18x128xf32, #tpu.memory_space<hbm>>) target(%dma_start3A_16 : memref<18x128xf32, #tpu.memory_space<vmem>>) target_semaphore(%arg17 : memref<!tpu.dma_semaphore, #tpu.memory_space<semaphore_mem>>)
    %add3A_19 = arith.constant 576 : i32
    %add3A_20 = arith.addi %add3A_19, %mul3A_5 : i32
    %dma_start3A_21 = arith.constant 18 : i32
    %dma_start3A_22 = arith.constant 0 : i32
    %dma_start3A_23 = tpu.memref_slice %arg8[%dma_start3A_21, %dma_start3A_22] : memref<36x128xf32, #tpu.memory_space<vmem>> -> memref<18x128xf32, #tpu.memory_space<vmem>>
    %dma_start3A_24 = arith.constant 0 : i32
    %dma_start3A_25 = tpu.memref_slice %arg2[%add3A_20, %dma_start3A_24] : memref<1152x128xf32, #tpu.memory_space<hbm>> -> memref<18x128xf32, #tpu.memory_space<hbm>>
    %dma_start3A_26 = arith.constant 18 : i32
    %dma_start3A_27 = arith.constant 0 : i32
    %dma_start3A_28 = tpu.memref_slice %arg8[%dma_start3A_26, %dma_start3A_27] : memref<36x128xf32, #tpu.memory_space<vmem>> -> memref<18x128xf32, #tpu.memory_space<vmem>>
    %dma_start3A_29 = arith.constant 0 : i32
    %dma_start3A_30 = tpu.memref_slice %arg2[%add3A_20, %dma_start3A_29] : memref<1152x128xf32, #tpu.memory_space<hbm>> -> memref<18x128xf32, #tpu.memory_space<hbm>>
    tpu.enqueue_dma source(%dma_start3A_30 : memref<18x128xf32, #tpu.memory_space<hbm>>) target(%dma_start3A_28 : memref<18x128xf32, #tpu.memory_space<vmem>>) target_semaphore(%arg17 : memref<!tpu.dma_semaphore, #tpu.memory_space<semaphore_mem>>)
    %dma_wait3A = arith.constant 0 : i32
    %dma_wait3A_31 = tpu.memref_slice %arg3[%mul3A_5, %dma_wait3A] : memref<576x128xi32, #tpu.memory_space<hbm>> -> memref<18x128xi32, #tpu.memory_space<hbm>>
    %dma_wait3A_32 = arith.constant 0 : i32
    %dma_wait3A_33 = tpu.memref_slice %arg3[%mul3A_5, %dma_wait3A_32] : memref<576x128xi32, #tpu.memory_space<hbm>> -> memref<18x128xi32, #tpu.memory_space<hbm>>
    tpu.wait_dma2 semaphore(%arg17 : memref<!tpu.dma_semaphore, #tpu.memory_space<semaphore_mem>>) src(%dma_wait3A_33 : memref<18x128xi32, #tpu.memory_space<hbm>>) dst(%arg6 : memref<18x128xi32, #tpu.memory_space<vmem>>)
    %get3A = arith.constant 0 : i32
    %get3A_34 = arith.index_cast %get3A : i32 to index
    %get3A_35 = arith.constant 0 : index
    %get3A_36 = tpu.vector_load %arg6[%get3A_34, %get3A_35] {strides = array<i32>} : memref<18x128xi32, #tpu.memory_space<vmem>>, vector<16xi32>,
    %swap3A = arith.constant 0 : i32
    %swap3A_37 = arith.index_cast %swap3A : i32 to index
    %swap3A_38 = arith.constant 0 : index
    %swap3A_39 = tpu.vector_load %arg7[%swap3A_37, %swap3A_38] {strides = array<i32>} : memref<9x128xi32, #tpu.memory_space<vmem>>, vector<16xi32>,
    tpu.vector_store %arg7[%swap3A_37, %swap3A_38], %get3A_36 {strides = array<i32>} : memref<9x128xi32, #tpu.memory_space<vmem>>, vector<16xi32>,
    %get3A_40 = arith.constant 1 : i32
    %get3A_41 = arith.index_cast %get3A_40 : i32 to index
    %get3A_42 = arith.constant 0 : index
    %get3A_43 = tpu.vector_load %arg6[%get3A_41, %get3A_42] {strides = array<i32>} : memref<18x128xi32, #tpu.memory_space<vmem>>, vector<16xi32>,
    %swap3A_44 = arith.constant 0 : i32
    %swap3A_45 = arith.index_cast %swap3A_44 : i32 to index
    %swap3A_46 = arith.constant 64 : index
    %swap3A_47 = tpu.vector_load %arg7[%swap3A_45, %swap3A_46] {strides = array<i32>} : memref<9x128xi32, #tpu.memory_space<vmem>>, vector<16xi32>,
    tpu.vector_store %arg7[%swap3A_45, %swap3A_46], %get3A_43 {strides = array<i32>} : memref<9x128xi32, #tpu.memory_space<vmem>>, vector<16xi32>,
    %get3A_48 = arith.constant 0 : i32
    %get3A_49 = arith.index_cast %get3A_48 : i32 to index
    %get3A_50 = arith.constant 16 : index
    %get3A_51 = tpu.vector_load %arg6[%get3A_49, %get3A_50] {strides = array<i32>} : memref<18x128xi32, #tpu.memory_space<vmem>>, vector<16xi32>,
    %swap3A_52 = arith.constant 0 : i32
    %swap3A_53 = arith.index_cast %swap3A_52 : i32 to index
    %swap3A_54 = arith.constant 16 : index
    %swap3A_55 = tpu.vector_load %arg7[%swap3A_53, %swap3A_54] {strides = array<i32>} : memref<9x128xi32, #tpu.memory_space<vmem>>, vector<16xi32>,
    tpu.vector_store %arg7[%swap3A_53, %swap3A_54], %get3A_51 {strides = array<i32>} : memref<9x128xi32, #tpu.memory_space<vmem>>, vector<16xi32>,
    %get3A_56 = arith.constant 1 : i32
    %get3A_57 = arith.index_cast %get3A_56 : i32 to index
    %get3A_58 = arith.constant 16 : index
    %get3A_59 = tpu.vector_load %arg6[%get3A_57, %get3A_58] {strides = array<i32>} : memref<18x128xi32, #tpu.memory_space<vmem>>, vector<16xi32>,
    %swap3A_60 = arith.constant 0 : i32
    %swap3A_61 = arith.index_cast %swap3A_60 : i32 to index
    %swap3A_62 = arith.constant 80 : index
    %swap3A_63 = tpu.vector_load %arg7[%swap3A_61, %swap3A_62] {strides = array<i32>} : memref<9x128xi32, #tpu.memory_space<vmem>>, vector<16xi32>,
    tpu.vector_store %arg7[%swap3A_61, %swap3A_62], %get3A_59 {strides = array<i32>} : memref<9x128xi32, #tpu.memory_space<vmem>>, vector<16xi32>,
    %get3A_64 = arith.constant 0 : i32
    %get3A_65 = arith.index_cast %get3A_64 : i32 to index
    %get3A_66 = arith.constant 32 : index
    %get3A_67 = tpu.vector_load %arg6[%get3A_65, %get3A_66] {strides = array<i32>} : memref<18x128xi32, #tpu.memory_space<vmem>>, vector<16xi32>,
    %swap3A_68 = arith.constant 0 : i32
    %swap3A_69 = arith.index_cast %swap3A_68 : i32 to index
    %swap3A_70 = arith.constant 32 : index
    %swap3A_71 = tpu.vector_load %arg7[%swap3A_69, %swap3A_70] {strides = array<i32>} : memref<9x128xi32, #tpu.memory_space<vmem>>, vector<16xi32>,
    tpu.vector_store %arg7[%swap3A_69, %swap3A_70], %get3A_67 {strides = array<i32>} : memref<9x128xi32, #tpu.memory_space<vmem>>, vector<16xi32>,
    %get3A_72 = arith.constant 1 : i32
    %get3A_73 = arith.index_cast %get3A_72 : i32 to index
    %get3A_74 = arith.constant 32 : index
    %get3A_75 = tpu.vector_load %arg6[%get3A_73, %get3A_74] {strides = array<i32>} : memref<18x128xi32, #tpu.memory_space<vmem>>, vector<16xi32>,
    %swap3A_76 = arith.constant 0 : i32
    %swap3A_77 = arith.index_cast %swap3A_76 : i32 to index
    %swap3A_78 = arith.constant 96 : index
    %swap3A_79 = tpu.vector_load %arg7[%swap3A_77, %swap3A_78] {strides = array<i32>} : memref<9x128xi32, #tpu.memory_space<vmem>>, vector<16xi32>,
    tpu.vector_store %arg7[%swap3A_77, %swap3A_78], %get3A_75 {strides = array<i32>} : memref<9x128xi32, #tpu.memory_space<vmem>>, vector<16xi32>,
    %get3A_80 = arith.constant 0 : i32
    %get3A_81 = arith.index_cast %get3A_80 : i32 to index
    %get3A_82 = arith.constant 48 : index
    %get3A_83 = tpu.vector_load %arg6[%get3A_81, %get3A_82] {strides = array<i32>} : memref<18x128xi32, #tpu.memory_space<vmem>>, vector<16xi32>,
    %swap3A_84 = arith.constant 0 : i32
    %swap3A_85 = arith.index_cast %swap3A_84 : i32 to index
    %swap3A_86 = arith.constant 48 : index
    %swap3A_87 = tpu.vector_load %arg7[%swap3A_85, %swap3A_86] {strides = array<i32>} : memref<9x128xi32, #tpu.memory_space<vmem>>, vector<16xi32>,
    tpu.vector_store %arg7[%swap3A_85, %swap3A_86], %get3A_83 {strides = array<i32>} : memref<9x128xi32, #tpu.memory_space<vmem>>, vector<16xi32>,
    %get3A_88 = arith.constant 1 : i32
    %get3A_89 = arith.index_cast %get3A_88 : i32 to index
    %get3A_90 = arith.constant 48 : index
    %get3A_91 = tpu.vector_load %arg6[%get3A_89, %get3A_90] {strides = array<i32>} : memref<18x128xi32, #tpu.memory_space<vmem>>, vector<16xi32>,
    %swap3A_92 = arith.constant 0 : i32
    %swap3A_93 = arith.index_cast %swap3A_92 : i32 to index
    %swap3A_94 = arith.constant 112 : index
    %swap3A_95 = tpu.vector_load %arg7[%swap3A_93, %swap3A_94] {strides = array<i32>} : memref<9x128xi32, #tpu.memory_space<vmem>>, vector<16xi32>,
    tpu.vector_store %arg7[%swap3A_93, %swap3A_94], %get3A_91 {strides = array<i32>} : memref<9x128xi32, #tpu.memory_space<vmem>>, vector<16xi32>,
    %get3A_96 = arith.constant 2 : i32
    %get3A_97 = arith.index_cast %get3A_96 : i32 to index
    %get3A_98 = arith.constant 0 : index
    %get3A_99 = tpu.vector_load %arg6[%get3A_97, %get3A_98] {strides = array<i32>} : memref<18x128xi32, #tpu.memory_space<vmem>>, vector<16xi32>,
    %swap3A_100 = arith.constant 1 : i32
    %swap3A_101 = arith.index_cast %swap3A_100 : i32 to index
    %swap3A_102 = arith.constant 0 : index
    %swap3A_103 = tpu.vector_load %arg7[%swap3A_101, %swap3A_102] {strides = array<i32>} : memref<9x128xi32, #tpu.memory_space<vmem>>, vector<16xi32>,
    tpu.vector_store %arg7[%swap3A_101, %swap3A_102], %get3A_99 {strides = array<i32>} : memref<9x128xi32, #tpu.memory_space<vmem>>, vector<16xi32>,
    %get3A_104 = arith.constant 3 : i32
    %get3A_105 = arith.index_cast %get3A_104 : i32 to index
    %get3A_106 = arith.constant 0 : index
    %get3A_107 = tpu.vector_load %arg6[%get3A_105, %get3A_106] {strides = array<i32>} : memref<18x128xi32, #tpu.memory_space<vmem>>, vector<16xi32>,
    %swap3A_108 = arith.constant 1 : i32
    %swap3A_109 = arith.index_cast %swap3A_108 : i32 to index
    %swap3A_110 = arith.constant 64 : index
    %swap3A_111 = tpu.vector_load %arg7[%swap3A_109, %swap3A_110] {strides = array<i32>} : memref<9x128xi32, #tpu.memory_space<vmem>>, vector<16xi32>,
    tpu.vector_store %arg7[%swap3A_109, %swap3A_110], %get3A_107 {strides = array<i32>} : memref<9x128xi32, #tpu.memory_space<vmem>>, vector<16xi32>,
    %get3A_112 = arith.constant 2 : i32
    %get3A_113 = arith.index_cast %get3A_112 : i32 to index
    %get3A_114 = arith.constant 16 : index
    %get3A_115 = tpu.vector_load %arg6[%get3A_113, %get3A_114] {strides = array<i32>} : memref<18x128xi32, #tpu.memory_space<vmem>>, vector<16xi32>,
    %swap3A_116 = arith.constant 1 : i32
    %swap3A_117 = arith.index_cast %swap3A_116 : i32 to index
    %swap3A_118 = arith.constant 16 : index
    %swap3A_119 = tpu.vector_load %arg7[%swap3A_117, %swap3A_118] {strides = array<i32>} : memref<9x128xi32, #tpu.memory_space<vmem>>, vector<16xi32>,
    tpu.vector_store %arg7[%swap3A_117, %swap3A_118], %get3A_115 {strides = array<i32>} : memref<9x128xi32, #tpu.memory_space<vmem>>, vector<16xi32>,
    %get3A_120 = arith.constant 3 : i32
    %get3A_121 = arith.index_cast %get3A_120 : i32 to index
    %get3A_122 = arith.constant 16 : index
    %get3A_123 = tpu.vector_load %arg6[%get3A_121, %get3A_122] {strides = array<i32>} : memref<18x128xi32, #tpu.memory_space<vmem>>, vector<16xi32>,
    %swap3A_124 = arith.constant 1 : i32
    %swap3A_125 = arith.index_cast %swap3A_124 : i32 to index
    %swap3A_126 = arith.constant 80 : index
    %swap3A_127 = tpu.vector_load %arg7[%swap3A_125, %swap3A_126] {strides = array<i32>} : memref<9x128xi32, #tpu.memory_space<vmem>>, vector<16xi32>,
    tpu.vector_store %arg7[%swap3A_125, %swap3A_126], %get3A_123 {strides = array<i32>} : memref<9x128xi32, #tpu.memory_space<vmem>>, vector<16xi32>,
    %get3A_128 = arith.constant 2 : i32
    %get3A_129 = arith.index_cast %get3A_128 : i32 to index
    %get3A_130 = arith.constant 32 : index
    %get3A_131 = tpu.vector_load %arg6[%get3A_129, %get3A_130] {strides = array<i32>} : memref<18x128xi32, #tpu.memory_space<vmem>>, vector<16xi32>,
    %swap3A_132 = arith.constant 1 : i32
    %swap3A_133 = arith.index_cast %swap3A_132 : i32 to index
    %swap3A_134 = arith.constant 32 : index
    %swap3A_135 = tpu.vector_load %arg7[%swap3A_133, %swap3A_134] {strides = array<i32>} : memref<9x128xi32, #tpu.memory_space<vmem>>, vector<16xi32>,
    tpu.vector_store %arg7[%swap3A_133, %swap3A_134], %get3A_131 {strides = array<i32>} : memref<9x128xi32, #tpu.memory_space<vmem>>, vector<16xi32>,
    %get3A_136 = arith.constant 3 : i32
    %get3A_137 = arith.index_cast %get3A_136 : i32 to index
    %get3A_138 = arith.constant 32 : index
    %get3A_139 = tpu.vector_load %arg6[%get3A_137, %get3A_138] {strides = array<i32>} : memref<18x128xi32, #tpu.memory_space<vmem>>, vector<16xi32>,
    %swap3A_140 = arith.constant 1 : i32
    %swap3A_141 = arith.index_cast %swap3A_140 : i32 to index
    %swap3A_142 = arith.constant 96 : index
    %swap3A_143 = tpu.vector_load %arg7[%swap3A_141, %swap3A_142] {strides = array<i32>} : memref<9x128xi32, #tpu.memory_space<vmem>>, vector<16xi32>,
    tpu.vector_store %arg7[%swap3A_141, %swap3A_142], %get3A_139 {strides = array<i32>} : memref<9x128xi32, #tpu.memory_space<vmem>>, vector<16xi32>,
    %get3A_144 = arith.constant 2 : i32
    %get3A_145 = arith.index_cast %get3A_144 : i32 to index
    %get3A_146 = arith.constant 48 : index
    %get3A_147 = tpu.vector_load %arg6[%get3A_145, %get3A_146] {strides = array<i32>} : memref<18x128xi32, #tpu.memory_space<vmem>>, vector<16xi32>,
    %swap3A_148 = arith.constant 1 : i32
    %swap3A_149 = arith.index_cast %swap3A_148 : i32 to index
    %swap3A_150 = arith.constant 48 : index
    %swap3A_151 = tpu.vector_load %arg7[%swap3A_149, %swap3A_150] {strides = array<i32>} : memref<9x128xi32, #tpu.memory_space<vmem>>, vector<16xi32>,
    tpu.vector_store %arg7[%swap3A_149, %swap3A_150], %get3A_147 {strides = array<i32>} : memref<9x128xi32, #tpu.memory_space<vmem>>, vector<16xi32>,
    %get3A_152 = arith.constant 3 : i32
    %get3A_153 = arith.index_cast %get3A_152 : i32 to index
    %get3A_154 = arith.constant 48 : index
    %get3A_155 = tpu.vector_load %arg6[%get3A_153, %get3A_154] {strides = array<i32>} : memref<18x128xi32, #tpu.memory_space<vmem>>, vector<16xi32>,
    %swap3A_156 = arith.constant 1 : i32
    %swap3A_157 = arith.index_cast %swap3A_156 : i32 to index
    %swap3A_158 = arith.constant 112 : index
    %swap3A_159 = tpu.vector_load %arg7[%swap3A_157, %swap3A_158] {strides = array<i32>} : memref<9x128xi32, #tpu.memory_space<vmem>>, vector<16xi32>,
    tpu.vector_store %arg7[%swap3A_157, %swap3A_158], %get3A_155 {strides = array<i32>} : memref<9x128xi32, #tpu.memory_space<vmem>>, vector<16xi32>,
    %get3A_160 = arith.constant 4 : i32
    %get3A_161 = arith.index_cast %get3A_160 : i32 to index
    %get3A_162 = arith.constant 0 : index
    %get3A_163 = tpu.vector_load %arg6[%get3A_161, %get3A_162] {strides = array<i32>} : memref<18x128xi32, #tpu.memory_space<vmem>>, vector<16xi32>,
    %swap3A_164 = arith.constant 2 : i32
    %swap3A_165 = arith.index_cast %swap3A_164 : i32 to index
    %swap3A_166 = arith.constant 0 : index
    %swap3A_167 = tpu.vector_load %arg7[%swap3A_165, %swap3A_166] {strides = array<i32>} : memref<9x128xi32, #tpu.memory_space<vmem>>, vector<16xi32>,
    tpu.vector_store %arg7[%swap3A_165, %swap3A_166], %get3A_163 {strides = array<i32>} : memref<9x128xi32, #tpu.memory_space<vmem>>, vector<16xi32>,
    %get3A_168 = arith.constant 5 : i32
    %get3A_169 = arith.index_cast %get3A_168 : i32 to index
    %get3A_170 = arith.constant 0 : index
    %get3A_171 = tpu.vector_load %arg6[%get3A_169, %get3A_170] {strides = array<i32>} : memref<18x128xi32, #tpu.memory_space<vmem>>, vector<16xi32>,
    %swap3A_172 = arith.constant 2 : i32
    %swap3A_173 = arith.index_cast %swap3A_172 : i32 to index
    %swap3A_174 = arith.constant 64 : index
    %swap3A_175 = tpu.vector_load %arg7[%swap3A_173, %swap3A_174] {strides = array<i32>} : memref<9x128xi32, #tpu.memory_space<vmem>>, vector<16xi32>,
    tpu.vector_store %arg7[%swap3A_173, %swap3A_174], %get3A_171 {strides = array<i32>} : memref<9x128xi32, #tpu.memory_space<vmem>>, vector<16xi32>,
    %get3A_176 = arith.constant 4 : i32
    %get3A_177 = arith.index_cast %get3A_176 : i32 to index
    %get3A_178 = arith.constant 16 : index
    %get3A_179 = tpu.vector_load %arg6[%get3A_177, %get3A_178] {strides = array<i32>} : memref<18x128xi32, #tpu.memory_space<vmem>>, vector<16xi32>,
    %swap3A_180 = arith.constant 2 : i32
    %swap3A_181 = arith.index_cast %swap3A_180 : i32 to index
    %swap3A_182 = arith.constant 16 : index
    %swap3A_183 = tpu.vector_load %arg7[%swap3A_181, %swap3A_182] {strides = array<i32>} : memref<9x128xi32, #tpu.memory_space<vmem>>, vector<16xi32>,
    tpu.vector_store %arg7[%swap3A_181, %swap3A_182], %get3A_179 {strides = array<i32>} : memref<9x128xi32, #tpu.memory_space<vmem>>, vector<16xi32>,
    %get3A_184 = arith.constant 5 : i32
    %get3A_185 = arith.index_cast %get3A_184 : i32 to index
    %get3A_186 = arith.constant 16 : index
    %get3A_187 = tpu.vector_load %arg6[%get3A_185, %get3A_186] {strides = array<i32>} : memref<18x128xi32, #tpu.memory_space<vmem>>, vector<16xi32>,
    %swap3A_188 = arith.constant 2 : i32
    %swap3A_189 = arith.index_cast %swap3A_188 : i32 to index
    %swap3A_190 = arith.constant 80 : index
    %swap3A_191 = tpu.vector_load %arg7[%swap3A_189, %swap3A_190] {strides = array<i32>} : memref<9x128xi32, #tpu.memory_space<vmem>>, vector<16xi32>,
    tpu.vector_store %arg7[%swap3A_189, %swap3A_190], %get3A_187 {strides = array<i32>} : memref<9x128xi32, #tpu.memory_space<vmem>>, vector<16xi32>,
    %get3A_192 = arith.constant 4 : i32
    %get3A_193 = arith.index_cast %get3A_192 : i32 to index
    %get3A_194 = arith.constant 32 : index
    %get3A_195 = tpu.vector_load %arg6[%get3A_193, %get3A_194] {strides = array<i32>} : memref<18x128xi32, #tpu.memory_space<vmem>>, vector<16xi32>,
    %swap3A_196 = arith.constant 2 : i32
    %swap3A_197 = arith.index_cast %swap3A_196 : i32 to index
    %swap3A_198 = arith.constant 32 : index
    %swap3A_199 = tpu.vector_load %arg7[%swap3A_197, %swap3A_198] {strides = array<i32>} : memref<9x128xi32, #tpu.memory_space<vmem>>, vector<16xi32>,
    tpu.vector_store %arg7[%swap3A_197, %swap3A_198], %get3A_195 {strides = array<i32>} : memref<9x128xi32, #tpu.memory_space<vmem>>, vector<16xi32>,
    %get3A_200 = arith.constant 5 : i32
    %get3A_201 = arith.index_cast %get3A_200 : i32 to index
    %get3A_202 = arith.constant 32 : index
    %get3A_203 = tpu.vector_load %arg6[%get3A_201, %get3A_202] {strides = array<i32>} : memref<18x128xi32, #tpu.memory_space<vmem>>, vector<16xi32>,
    %swap3A_204 = arith.constant 2 : i32
    %swap3A_205 = arith.index_cast %swap3A_204 : i32 to index
    %swap3A_206 = arith.constant 96 : index
    %swap3A_207 = tpu.vector_load %arg7[%swap3A_205, %swap3A_206] {strides = array<i32>} : memref<9x128xi32, #tpu.memory_space<vmem>>, vector<16xi32>,
    tpu.vector_store %arg7[%swap3A_205, %swap3A_206], %get3A_203 {strides = array<i32>} : memref<9x128xi32, #tpu.memory_space<vmem>>, vector<16xi32>,
    %get3A_208 = arith.constant 4 : i32
    %get3A_209 = arith.index_cast %get3A_208 : i32 to index
    %get3A_210 = arith.constant 48 : index
    %get3A_211 = tpu.vector_load %arg6[%get3A_209, %get3A_210] {strides = array<i32>} : memref<18x128xi32, #tpu.memory_space<vmem>>, vector<16xi32>,
    %swap3A_212 = arith.constant 2 : i32
    %swap3A_213 = arith.index_cast %swap3A_212 : i32 to index
    %swap3A_214 = arith.constant 48 : index
    %swap3A_215 = tpu.vector_load %arg7[%swap3A_213, %swap3A_214] {strides = array<i32>} : memref<9x128xi32, #tpu.memory_space<vmem>>, vector<16xi32>,
    tpu.vector_store %arg7[%swap3A_213, %swap3A_214], %get3A_211 {strides = array<i32>} : memref<9x128xi32, #tpu.memory_space<vmem>>, vector<16xi32>,
    %get3A_216 = arith.constant 5 : i32
    %get3A_217 = arith.index_cast %get3A_216 : i32 to index
    %get3A_218 = arith.constant 48 : index
    %get3A_219 = tpu.vector_load %arg6[%get3A_217, %get3A_218] {strides = array<i32>} : memref<18x128xi32, #tpu.memory_space<vmem>>, vector<16xi32>,
    %swap3A_220 = arith.constant 2 : i32
    %swap3A_221 = arith.index_cast %swap3A_220 : i32 to index
    %swap3A_222 = arith.constant 112 : index
    %swap3A_223 = tpu.vector_load %arg7[%swap3A_221, %swap3A_222] {strides = array<i32>} : memref<9x128xi32, #tpu.memory_space<vmem>>, vector<16xi32>,
    tpu.vector_store %arg7[%swap3A_221, %swap3A_222], %get3A_219 {strides = array<i32>} : memref<9x128xi32, #tpu.memory_space<vmem>>, vector<16xi32>,
    %get3A_224 = arith.constant 6 : i32
    %get3A_225 = arith.index_cast %get3A_224 : i32 to index
    %get3A_226 = arith.constant 0 : index
    %get3A_227 = tpu.vector_load %arg6[%get3A_225, %get3A_226] {strides = array<i32>} : memref<18x128xi32, #tpu.memory_space<vmem>>, vector<16xi32>,
    %swap3A_228 = arith.constant 3 : i32
    %swap3A_229 = arith.index_cast %swap3A_228 : i32 to index
    %swap3A_230 = arith.constant 0 : index
    %swap3A_231 = tpu.vector_load %arg7[%swap3A_229, %swap3A_230] {strides = array<i32>} : memref<9x128xi32, #tpu.memory_space<vmem>>, vector<16xi32>,
    tpu.vector_store %arg7[%swap3A_229, %swap3A_230], %get3A_227 {strides = array<i32>} : memref<9x128xi32, #tpu.memory_space<vmem>>, vector<16xi32>,
    %get3A_232 = arith.constant 7 : i32
    %get3A_233 = arith.index_cast %get3A_232 : i32 to index
    %get3A_234 = arith.constant 0 : index
    %get3A_235 = tpu.vector_load %arg6[%get3A_233, %get3A_234] {strides = array<i32>} : memref<18x128xi32, #tpu.memory_space<vmem>>, vector<16xi32>,
    %swap3A_236 = arith.constant 3 : i32
    %swap3A_237 = arith.index_cast %swap3A_236 : i32 to index
    %swap3A_238 = arith.constant 64 : index
    %swap3A_239 = tpu.vector_load %arg7[%swap3A_237, %swap3A_238] {strides = array<i32>} : memref<9x128xi32, #tpu.memory_space<vmem>>, vector<16xi32>,
    tpu.vector_store %arg7[%swap3A_237, %swap3A_238], %get3A_235 {strides = array<i32>} : memref<9x128xi32, #tpu.memory_space<vmem>>, vector<16xi32>,
    %get3A_240 = arith.constant 6 : i32
    %get3A_241 = arith.index_cast %get3A_240 : i32 to index
    %get3A_242 = arith.constant 16 : index
    %get3A_243 = tpu.vector_load %arg6[%get3A_241, %get3A_242] {strides = array<i32>} : memref<18x128xi32, #tpu.memory_space<vmem>>, vector<16xi32>,
    %swap3A_244 = arith.constant 3 : i32
    %swap3A_245 = arith.index_cast %swap3A_244 : i32 to index
    %swap3A_246 = arith.constant 16 : index
    %swap3A_247 = tpu.vector_load %arg7[%swap3A_245, %swap3A_246] {strides = array<i32>} : memref<9x128xi32, #tpu.memory_space<vmem>>, vector<16xi32>,
    tpu.vector_store %arg7[%swap3A_245, %swap3A_246], %get3A_243 {strides = array<i32>} : memref<9x128xi32, #tpu.memory_space<vmem>>, vector<16xi32>,
    %get3A_248 = arith.constant 7 : i32
    %get3A_249 = arith.index_cast %get3A_248 : i32 to index
    %get3A_250 = arith.constant 16 : index
    %get3A_251 = tpu.vector_load %arg6[%get3A_249, %get3A_250] {strides = array<i32>} : memref<18x128xi32, #tpu.memory_space<vmem>>, vector<16xi32>,
    %swap3A_252 = arith.constant 3 : i32
    %swap3A_253 = arith.index_cast %swap3A_252 : i32 to index
    %swap3A_254 = arith.constant 80 : index
    %swap3A_255 = tpu.vector_load %arg7[%swap3A_253, %swap3A_254] {strides = array<i32>} : memref<9x128xi32, #tpu.memory_space<vmem>>, vector<16xi32>,
    tpu.vector_store %arg7[%swap3A_253, %swap3A_254], %get3A_251 {strides = array<i32>} : memref<9x128xi32, #tpu.memory_space<vmem>>, vector<16xi32>,
    %get3A_256 = arith.constant 6 : i32
    %get3A_257 = arith.index_cast %get3A_256 : i32 to index
    %get3A_258 = arith.constant 32 : index
    %get3A_259 = tpu.vector_load %arg6[%get3A_257, %get3A_258] {strides = array<i32>} : memref<18x128xi32, #tpu.memory_space<vmem>>, vector<16xi32>,
    %swap3A_260 = arith.constant 3 : i32
    %swap3A_261 = arith.index_cast %swap3A_260 : i32 to index
    %swap3A_262 = arith.constant 32 : index
    %swap3A_263 = tpu.vector_load %arg7[%swap3A_261, %swap3A_262] {strides = array<i32>} : memref<9x128xi32, #tpu.memory_space<vmem>>, vector<16xi32>,
    tpu.vector_store %arg7[%swap3A_261, %swap3A_262], %get3A_259 {strides = array<i32>} : memref<9x128xi32, #tpu.memory_space<vmem>>, vector<16xi32>,
    %get3A_264 = arith.constant 7 : i32
    %get3A_265 = arith.index_cast %get3A_264 : i32 to index
    %get3A_266 = arith.constant 32 : index
    %get3A_267 = tpu.vector_load %arg6[%get3A_265, %get3A_266] {strides = array<i32>} : memref<18x128xi32, #tpu.memory_space<vmem>>, vector<16xi32>,
    %swap3A_268 = arith.constant 3 : i32
    %swap3A_269 = arith.index_cast %swap3A_268 : i32 to index
    %swap3A_270 = arith.constant 96 : index
    %swap3A_271 = tpu.vector_load %arg7[%swap3A_269, %swap3A_270] {strides = array<i32>} : memref<9x128xi32, #tpu.memory_space<vmem>>, vector<16xi32>,
    tpu.vector_store %arg7[%swap3A_269, %swap3A_270], %get3A_267 {strides = array<i32>} : memref<9x128xi32, #tpu.memory_space<vmem>>, vector<16xi32>,
    %get3A_272 = arith.constant 6 : i32
    %get3A_273 = arith.index_cast %get3A_272 : i32 to index
    %get3A_274 = arith.constant 48 : index
    %get3A_275 = tpu.vector_load %arg6[%get3A_273, %get3A_274] {strides = array<i32>} : memref<18x128xi32, #tpu.memory_space<vmem>>, vector<16xi32>,
    %swap3A_276 = arith.constant 3 : i32
    %swap3A_277 = arith.index_cast %swap3A_276 : i32 to index
    %swap3A_278 = arith.constant 48 : index
    %swap3A_279 = tpu.vector_load %arg7[%swap3A_277, %swap3A_278] {strides = array<i32>} : memref<9x128xi32, #tpu.memory_space<vmem>>, vector<16xi32>,
    tpu.vector_store %arg7[%swap3A_277, %swap3A_278], %get3A_275 {strides = array<i32>} : memref<9x128xi32, #tpu.memory_space<vmem>>, vector<16xi32>,
    %get3A_280 = arith.constant 7 : i32
    %get3A_281 = arith.index_cast %get3A_280 : i32 to index
    %get3A_282 = arith.constant 48 : index
    %get3A_283 = tpu.vector_load %arg6[%get3A_281, %get3A_282] {strides = array<i32>} : memref<18x128xi32, #tpu.memory_space<vmem>>, vector<16xi32>,
    %swap3A_284 = arith.constant 3 : i32
    %swap3A_285 = arith.index_cast %swap3A_284 : i32 to index
    %swap3A_286 = arith.constant 112 : index
    %swap3A_287 = tpu.vector_load %arg7[%swap3A_285, %swap3A_286] {strides = array<i32>} : memref<9x128xi32, #tpu.memory_space<vmem>>, vector<16xi32>,
    tpu.vector_store %arg7[%swap3A_285, %swap3A_286], %get3A_283 {strides = array<i32>} : memref<9x128xi32, #tpu.memory_space<vmem>>, vector<16xi32>,
    %get3A_288 = arith.constant 8 : i32
    %get3A_289 = arith.index_cast %get3A_288 : i32 to index
    %get3A_290 = arith.constant 0 : index
    %get3A_291 = tpu.vector_load %arg6[%get3A_289, %get3A_290] {strides = array<i32>} : memref<18x128xi32, #tpu.memory_space<vmem>>, vector<16xi32>,
    %swap3A_292 = arith.constant 4 : i32
    %swap3A_293 = arith.index_cast %swap3A_292 : i32 to index
    %swap3A_294 = arith.constant 0 : index
    %swap3A_295 = tpu.vector_load %arg7[%swap3A_293, %swap3A_294] {strides = array<i32>} : memref<9x128xi32, #tpu.memory_space<vmem>>, vector<16xi32>,
    tpu.vector_store %arg7[%swap3A_293, %swap3A_294], %get3A_291 {strides = array<i32>} : memref<9x128xi32, #tpu.memory_space<vmem>>, vector<16xi32>,
    %get3A_296 = arith.constant 9 : i32
    %get3A_297 = arith.index_cast %get3A_296 : i32 to index
    %get3A_298 = arith.constant 0 : index
    %get3A_299 = tpu.vector_load %arg6[%get3A_297, %get3A_298] {strides = array<i32>} : memref<18x128xi32, #tpu.memory_space<vmem>>, vector<16xi32>,
    %swap3A_300 = arith.constant 4 : i32
    %swap3A_301 = arith.index_cast %swap3A_300 : i32 to index
    %swap3A_302 = arith.constant 64 : index
    %swap3A_303 = tpu.vector_load %arg7[%swap3A_301, %swap3A_302] {strides = array<i32>} : memref<9x128xi32, #tpu.memory_space<vmem>>, vector<16xi32>,
    tpu.vector_store %arg7[%swap3A_301, %swap3A_302], %get3A_299 {strides = array<i32>} : memref<9x128xi32, #tpu.memory_space<vmem>>, vector<16xi32>,
    %get3A_304 = arith.constant 8 : i32
    %get3A_305 = arith.index_cast %get3A_304 : i32 to index
    %get3A_306 = arith.constant 16 : index
    %get3A_307 = tpu.vector_load %arg6[%get3A_305, %get3A_306] {strides = array<i32>} : memref<18x128xi32, #tpu.memory_space<vmem>>, vector<16xi32>,
    %swap3A_308 = arith.constant 4 : i32
    %swap3A_309 = arith.index_cast %swap3A_308 : i32 to index
    %swap3A_310 = arith.constant 16 : index
    %swap3A_311 = tpu.vector_load %arg7[%swap3A_309, %swap3A_310] {strides = array<i32>} : memref<9x128xi32, #tpu.memory_space<vmem>>, vector<16xi32>,
    tpu.vector_store %arg7[%swap3A_309, %swap3A_310], %get3A_307 {strides = array<i32>} : memref<9x128xi32, #tpu.memory_space<vmem>>, vector<16xi32>,
    %get3A_312 = arith.constant 9 : i32
    %get3A_313 = arith.index_cast %get3A_312 : i32 to index
    %get3A_314 = arith.constant 16 : index
    %get3A_315 = tpu.vector_load %arg6[%get3A_313, %get3A_314] {strides = array<i32>} : memref<18x128xi32, #tpu.memory_space<vmem>>, vector<16xi32>,
    %swap3A_316 = arith.constant 4 : i32
    %swap3A_317 = arith.index_cast %swap3A_316 : i32 to index
    %swap3A_318 = arith.constant 80 : index
    %swap3A_319 = tpu.vector_load %arg7[%swap3A_317, %swap3A_318] {strides = array<i32>} : memref<9x128xi32, #tpu.memory_space<vmem>>, vector<16xi32>,
    tpu.vector_store %arg7[%swap3A_317, %swap3A_318], %get3A_315 {strides = array<i32>} : memref<9x128xi32, #tpu.memory_space<vmem>>, vector<16xi32>,
    %get3A_320 = arith.constant 8 : i32
    %get3A_321 = arith.index_cast %get3A_320 : i32 to index
    %get3A_322 = arith.constant 32 : index
    %get3A_323 = tpu.vector_load %arg6[%get3A_321, %get3A_322] {strides = array<i32>} : memref<18x128xi32, #tpu.memory_space<vmem>>, vector<16xi32>,
    %swap3A_324 = arith.constant 4 : i32
    %swap3A_325 = arith.index_cast %swap3A_324 : i32 to index
    %swap3A_326 = arith.constant 32 : index
    %swap3A_327 = tpu.vector_load %arg7[%swap3A_325, %swap3A_326] {strides = array<i32>} : memref<9x128xi32, #tpu.memory_space<vmem>>, vector<16xi32>,
    tpu.vector_store %arg7[%swap3A_325, %swap3A_326], %get3A_323 {strides = array<i32>} : memref<9x128xi32, #tpu.memory_space<vmem>>, vector<16xi32>,
    %get3A_328 = arith.constant 9 : i32
    %get3A_329 = arith.index_cast %get3A_328 : i32 to index
    %get3A_330 = arith.constant 32 : index
    %get3A_331 = tpu.vector_load %arg6[%get3A_329, %get3A_330] {strides = array<i32>} : memref<18x128xi32, #tpu.memory_space<vmem>>, vector<16xi32>,
    %swap3A_332 = arith.constant 4 : i32
    %swap3A_333 = arith.index_cast %swap3A_332 : i32 to index
    %swap3A_334 = arith.constant 96 : index
    %swap3A_335 = tpu.vector_load %arg7[%swap3A_333, %swap3A_334] {strides = array<i32>} : memref<9x128xi32, #tpu.memory_space<vmem>>, vector<16xi32>,
    tpu.vector_store %arg7[%swap3A_333, %swap3A_334], %get3A_331 {strides = array<i32>} : memref<9x128xi32, #tpu.memory_space<vmem>>, vector<16xi32>,
    %get3A_336 = arith.constant 8 : i32
    %get3A_337 = arith.index_cast %get3A_336 : i32 to index
    %get3A_338 = arith.constant 48 : index
    %get3A_339 = tpu.vector_load %arg6[%get3A_337, %get3A_338] {strides = array<i32>} : memref<18x128xi32, #tpu.memory_space<vmem>>, vector<16xi32>,
    %swap3A_340 = arith.constant 4 : i32
    %swap3A_341 = arith.index_cast %swap3A_340 : i32 to index
    %swap3A_342 = arith.constant 48 : index
    %swap3A_343 = tpu.vector_load %arg7[%swap3A_341, %swap3A_342] {strides = array<i32>} : memref<9x128xi32, #tpu.memory_space<vmem>>, vector<16xi32>,
    tpu.vector_store %arg7[%swap3A_341, %swap3A_342], %get3A_339 {strides = array<i32>} : memref<9x128xi32, #tpu.memory_space<vmem>>, vector<16xi32>,
    %get3A_344 = arith.constant 9 : i32
    %get3A_345 = arith.index_cast %get3A_344 : i32 to index
    %get3A_346 = arith.constant 48 : index
    %get3A_347 = tpu.vector_load %arg6[%get3A_345, %get3A_346] {strides = array<i32>} : memref<18x128xi32, #tpu.memory_space<vmem>>, vector<16xi32>,
    %swap3A_348 = arith.constant 4 : i32
    %swap3A_349 = arith.index_cast %swap3A_348 : i32 to index
    %swap3A_350 = arith.constant 112 : index
    %swap3A_351 = tpu.vector_load %arg7[%swap3A_349, %swap3A_350] {strides = array<i32>} : memref<9x128xi32, #tpu.memory_space<vmem>>, vector<16xi32>,
    tpu.vector_store %arg7[%swap3A_349, %swap3A_350], %get3A_347 {strides = array<i32>} : memref<9x128xi32, #tpu.memory_space<vmem>>, vector<16xi32>,
    %get3A_352 = arith.constant 10 : i32
    %get3A_353 = arith.index_cast %get3A_352 : i32 to index
    %get3A_354 = arith.constant 0 : index
    %get3A_355 = tpu.vector_load %arg6[%get3A_353, %get3A_354] {strides = array<i32>} : memref<18x128xi32, #tpu.memory_space<vmem>>, vector<16xi32>,
    %swap3A_356 = arith.constant 5 : i32
    %swap3A_357 = arith.index_cast %swap3A_356 : i32 to index
    %swap3A_358 = arith.constant 0 : index
    %swap3A_359 = tpu.vector_load %arg7[%swap3A_357, %swap3A_358] {strides = array<i32>} : memref<9x128xi32, #tpu.memory_space<vmem>>, vector<16xi32>,
    tpu.vector_store %arg7[%swap3A_357, %swap3A_358], %get3A_355 {strides = array<i32>} : memref<9x128xi32, #tpu.memory_space<vmem>>, vector<16xi32>,
    %get3A_360 = arith.constant 11 : i32
    %get3A_361 = arith.index_cast %get3A_360 : i32 to index
    %get3A_362 = arith.constant 0 : index
    %get3A_363 = tpu.vector_load %arg6[%get3A_361, %get3A_362] {strides = array<i32>} : memref<18x128xi32, #tpu.memory_space<vmem>>, vector<16xi32>,
    %swap3A_364 = arith.constant 5 : i32
    %swap3A_365 = arith.index_cast %swap3A_364 : i32 to index
    %swap3A_366 = arith.constant 64 : index
    %swap3A_367 = tpu.vector_load %arg7[%swap3A_365, %swap3A_366] {strides = array<i32>} : memref<9x128xi32, #tpu.memory_space<vmem>>, vector<16xi32>,
    tpu.vector_store %arg7[%swap3A_365, %swap3A_366], %get3A_363 {strides = array<i32>} : memref<9x128xi32, #tpu.memory_space<vmem>>, vector<16xi32>,
    %get3A_368 = arith.constant 10 : i32
    %get3A_369 = arith.index_cast %get3A_368 : i32 to index
    %get3A_370 = arith.constant 16 : index
    %get3A_371 = tpu.vector_load %arg6[%get3A_369, %get3A_370] {strides = array<i32>} : memref<18x128xi32, #tpu.memory_space<vmem>>, vector<16xi32>,
    %swap3A_372 = arith.constant 5 : i32
    %swap3A_373 = arith.index_cast %swap3A_372 : i32 to index
    %swap3A_374 = arith.constant 16 : index
    %swap3A_375 = tpu.vector_load %arg7[%swap3A_373, %swap3A_374] {strides = array<i32>} : memref<9x128xi32, #tpu.memory_space<vmem>>, vector<16xi32>,
    tpu.vector_store %arg7[%swap3A_373, %swap3A_374], %get3A_371 {strides = array<i32>} : memref<9x128xi32, #tpu.memory_space<vmem>>, vector<16xi32>,
    %get3A_376 = arith.constant 11 : i32
    %get3A_377 = arith.index_cast %get3A_376 : i32 to index
    %get3A_378 = arith.constant 16 : index
    %get3A_379 = tpu.vector_load %arg6[%get3A_377, %get3A_378] {strides = array<i32>} : memref<18x128xi32, #tpu.memory_space<vmem>>, vector<16xi32>,
    %swap3A_380 = arith.constant 5 : i32
    %swap3A_381 = arith.index_cast %swap3A_380 : i32 to index
    %swap3A_382 = arith.constant 80 : index
    %swap3A_383 = tpu.vector_load %arg7[%swap3A_381, %swap3A_382] {strides = array<i32>} : memref<9x128xi32, #tpu.memory_space<vmem>>, vector<16xi32>,
    tpu.vector_store %arg7[%swap3A_381, %swap3A_382], %get3A_379 {strides = array<i32>} : memref<9x128xi32, #tpu.memory_space<vmem>>, vector<16xi32>,
    %get3A_384 = arith.constant 10 : i32
    %get3A_385 = arith.index_cast %get3A_384 : i32 to index
    %get3A_386 = arith.constant 32 : index
    %get3A_387 = tpu.vector_load %arg6[%get3A_385, %get3A_386] {strides = array<i32>} : memref<18x128xi32, #tpu.memory_space<vmem>>, vector<16xi32>,
    %swap3A_388 = arith.constant 5 : i32
    %swap3A_389 = arith.index_cast %swap3A_388 : i32 to index
    %swap3A_390 = arith.constant 32 : index
    %swap3A_391 = tpu.vector_load %arg7[%swap3A_389, %swap3A_390] {strides = array<i32>} : memref<9x128xi32, #tpu.memory_space<vmem>>, vector<16xi32>,
    tpu.vector_store %arg7[%swap3A_389, %swap3A_390], %get3A_387 {strides = array<i32>} : memref<9x128xi32, #tpu.memory_space<vmem>>, vector<16xi32>,
    %get3A_392 = arith.constant 11 : i32
    %get3A_393 = arith.index_cast %get3A_392 : i32 to index
    %get3A_394 = arith.constant 32 : index
    %get3A_395 = tpu.vector_load %arg6[%get3A_393, %get3A_394] {strides = array<i32>} : memref<18x128xi32, #tpu.memory_space<vmem>>, vector<16xi32>,
    %swap3A_396 = arith.constant 5 : i32
    %swap3A_397 = arith.index_cast %swap3A_396 : i32 to index
    %swap3A_398 = arith.constant 96 : index
    %swap3A_399 = tpu.vector_load %arg7[%swap3A_397, %swap3A_398] {strides = array<i32>} : memref<9x128xi32, #tpu.memory_space<vmem>>, vector<16xi32>,
    tpu.vector_store %arg7[%swap3A_397, %swap3A_398], %get3A_395 {strides = array<i32>} : memref<9x128xi32, #tpu.memory_space<vmem>>, vector<16xi32>,
    %get3A_400 = arith.constant 10 : i32
    %get3A_401 = arith.index_cast %get3A_400 : i32 to index
    %get3A_402 = arith.constant 48 : index
    %get3A_403 = tpu.vector_load %arg6[%get3A_401, %get3A_402] {strides = array<i32>} : memref<18x128xi32, #tpu.memory_space<vmem>>, vector<16xi32>,
    %swap3A_404 = arith.constant 5 : i32
    %swap3A_405 = arith.index_cast %swap3A_404 : i32 to index
    %swap3A_406 = arith.constant 48 : index
    %swap3A_407 = tpu.vector_load %arg7[%swap3A_405, %swap3A_406] {strides = array<i32>} : memref<9x128xi32, #tpu.memory_space<vmem>>, vector<16xi32>,
    tpu.vector_store %arg7[%swap3A_405, %swap3A_406], %get3A_403 {strides = array<i32>} : memref<9x128xi32, #tpu.memory_space<vmem>>, vector<16xi32>,
    %get3A_408 = arith.constant 11 : i32
    %get3A_409 = arith.index_cast %get3A_408 : i32 to index
    %get3A_410 = arith.constant 48 : index
    %get3A_411 = tpu.vector_load %arg6[%get3A_409, %get3A_410] {strides = array<i32>} : memref<18x128xi32, #tpu.memory_space<vmem>>, vector<16xi32>,
    %swap3A_412 = arith.constant 5 : i32
    %swap3A_413 = arith.index_cast %swap3A_412 : i32 to index
    %swap3A_414 = arith.constant 112 : index
    %swap3A_415 = tpu.vector_load %arg7[%swap3A_413, %swap3A_414] {strides = array<i32>} : memref<9x128xi32, #tpu.memory_space<vmem>>, vector<16xi32>,
    tpu.vector_store %arg7[%swap3A_413, %swap3A_414], %get3A_411 {strides = array<i32>} : memref<9x128xi32, #tpu.memory_space<vmem>>, vector<16xi32>,
    %get3A_416 = arith.constant 12 : i32
    %get3A_417 = arith.index_cast %get3A_416 : i32 to index
    %get3A_418 = arith.constant 0 : index
    %get3A_419 = tpu.vector_load %arg6[%get3A_417, %get3A_418] {strides = array<i32>} : memref<18x128xi32, #tpu.memory_space<vmem>>, vector<16xi32>,
    %swap3A_420 = arith.constant 6 : i32
    %swap3A_421 = arith.index_cast %swap3A_420 : i32 to index
    %swap3A_422 = arith.constant 0 : index
    %swap3A_423 = tpu.vector_load %arg7[%swap3A_421, %swap3A_422] {strides = array<i32>} : memref<9x128xi32, #tpu.memory_space<vmem>>, vector<16xi32>,
    tpu.vector_store %arg7[%swap3A_421, %swap3A_422], %get3A_419 {strides = array<i32>} : memref<9x128xi32, #tpu.memory_space<vmem>>, vector<16xi32>,
    %get3A_424 = arith.constant 13 : i32
    %get3A_425 = arith.index_cast %get3A_424 : i32 to index
    %get3A_426 = arith.constant 0 : index
    %get3A_427 = tpu.vector_load %arg6[%get3A_425, %get3A_426] {strides = array<i32>} : memref<18x128xi32, #tpu.memory_space<vmem>>, vector<16xi32>,
    %swap3A_428 = arith.constant 6 : i32
    %swap3A_429 = arith.index_cast %swap3A_428 : i32 to index
    %swap3A_430 = arith.constant 64 : index
    %swap3A_431 = tpu.vector_load %arg7[%swap3A_429, %swap3A_430] {strides = array<i32>} : memref<9x128xi32, #tpu.memory_space<vmem>>, vector<16xi32>,
    tpu.vector_store %arg7[%swap3A_429, %swap3A_430], %get3A_427 {strides = array<i32>} : memref<9x128xi32, #tpu.memory_space<vmem>>, vector<16xi32>,
    %get3A_432 = arith.constant 12 : i32
    %get3A_433 = arith.index_cast %get3A_432 : i32 to index
    %get3A_434 = arith.constant 16 : index
    %get3A_435 = tpu.vector_load %arg6[%get3A_433, %get3A_434] {strides = array<i32>} : memref<18x128xi32, #tpu.memory_space<vmem>>, vector<16xi32>,
    %swap3A_436 = arith.constant 6 : i32
    %swap3A_437 = arith.index_cast %swap3A_436 : i32 to index
    %swap3A_438 = arith.constant 16 : index
    %swap3A_439 = tpu.vector_load %arg7[%swap3A_437, %swap3A_438] {strides = array<i32>} : memref<9x128xi32, #tpu.memory_space<vmem>>, vector<16xi32>,
    tpu.vector_store %arg7[%swap3A_437, %swap3A_438], %get3A_435 {strides = array<i32>} : memref<9x128xi32, #tpu.memory_space<vmem>>, vector<16xi32>,
    %get3A_440 = arith.constant 13 : i32
    %get3A_441 = arith.index_cast %get3A_440 : i32 to index
    %get3A_442 = arith.constant 16 : index
    %get3A_443 = tpu.vector_load %arg6[%get3A_441, %get3A_442] {strides = array<i32>} : memref<18x128xi32, #tpu.memory_space<vmem>>, vector<16xi32>,
    %swap3A_444 = arith.constant 6 : i32
    %swap3A_445 = arith.index_cast %swap3A_444 : i32 to index
    %swap3A_446 = arith.constant 80 : index
    %swap3A_447 = tpu.vector_load %arg7[%swap3A_445, %swap3A_446] {strides = array<i32>} : memref<9x128xi32, #tpu.memory_space<vmem>>, vector<16xi32>,
    tpu.vector_store %arg7[%swap3A_445, %swap3A_446], %get3A_443 {strides = array<i32>} : memref<9x128xi32, #tpu.memory_space<vmem>>, vector<16xi32>,
    %get3A_448 = arith.constant 12 : i32
    %get3A_449 = arith.index_cast %get3A_448 : i32 to index
    %get3A_450 = arith.constant 32 : index
    %get3A_451 = tpu.vector_load %arg6[%get3A_449, %get3A_450] {strides = array<i32>} : memref<18x128xi32, #tpu.memory_space<vmem>>, vector<16xi32>,
    %swap3A_452 = arith.constant 6 : i32
    %swap3A_453 = arith.index_cast %swap3A_452 : i32 to index
    %swap3A_454 = arith.constant 32 : index
    %swap3A_455 = tpu.vector_load %arg7[%swap3A_453, %swap3A_454] {strides = array<i32>} : memref<9x128xi32, #tpu.memory_space<vmem>>, vector<16xi32>,
    tpu.vector_store %arg7[%swap3A_453, %swap3A_454], %get3A_451 {strides = array<i32>} : memref<9x128xi32, #tpu.memory_space<vmem>>, vector<16xi32>,
    %get3A_456 = arith.constant 13 : i32
    %get3A_457 = arith.index_cast %get3A_456 : i32 to index
    %get3A_458 = arith.constant 32 : index
    %get3A_459 = tpu.vector_load %arg6[%get3A_457, %get3A_458] {strides = array<i32>} : memref<18x128xi32, #tpu.memory_space<vmem>>, vector<16xi32>,
    %swap3A_460 = arith.constant 6 : i32
    %swap3A_461 = arith.index_cast %swap3A_460 : i32 to index
    %swap3A_462 = arith.constant 96 : index
    %swap3A_463 = tpu.vector_load %arg7[%swap3A_461, %swap3A_462] {strides = array<i32>} : memref<9x128xi32, #tpu.memory_space<vmem>>, vector<16xi32>,
    tpu.vector_store %arg7[%swap3A_461, %swap3A_462], %get3A_459 {strides = array<i32>} : memref<9x128xi32, #tpu.memory_space<vmem>>, vector<16xi32>,
    %get3A_464 = arith.constant 12 : i32
    %get3A_465 = arith.index_cast %get3A_464 : i32 to index
    %get3A_466 = arith.constant 48 : index
    %get3A_467 = tpu.vector_load %arg6[%get3A_465, %get3A_466] {strides = array<i32>} : memref<18x128xi32, #tpu.memory_space<vmem>>, vector<16xi32>,
    %swap3A_468 = arith.constant 6 : i32
    %swap3A_469 = arith.index_cast %swap3A_468 : i32 to index
    %swap3A_470 = arith.constant 48 : index
    %swap3A_471 = tpu.vector_load %arg7[%swap3A_469, %swap3A_470] {strides = array<i32>} : memref<9x128xi32, #tpu.memory_space<vmem>>, vector<16xi32>,
    tpu.vector_store %arg7[%swap3A_469, %swap3A_470], %get3A_467 {strides = array<i32>} : memref<9x128xi32, #tpu.memory_space<vmem>>, vector<16xi32>,
    %get3A_472 = arith.constant 13 : i32
    %get3A_473 = arith.index_cast %get3A_472 : i32 to index
    %get3A_474 = arith.constant 48 : index
    %get3A_475 = tpu.vector_load %arg6[%get3A_473, %get3A_474] {strides = array<i32>} : memref<18x128xi32, #tpu.memory_space<vmem>>, vector<16xi32>,
    %swap3A_476 = arith.constant 6 : i32
    %swap3A_477 = arith.index_cast %swap3A_476 : i32 to index
    %swap3A_478 = arith.constant 112 : index
    %swap3A_479 = tpu.vector_load %arg7[%swap3A_477, %swap3A_478] {strides = array<i32>} : memref<9x128xi32, #tpu.memory_space<vmem>>, vector<16xi32>,
    tpu.vector_store %arg7[%swap3A_477, %swap3A_478], %get3A_475 {strides = array<i32>} : memref<9x128xi32, #tpu.memory_space<vmem>>, vector<16xi32>,
    %get3A_480 = arith.constant 14 : i32
    %get3A_481 = arith.index_cast %get3A_480 : i32 to index
    %get3A_482 = arith.constant 0 : index
    %get3A_483 = tpu.vector_load %arg6[%get3A_481, %get3A_482] {strides = array<i32>} : memref<18x128xi32, #tpu.memory_space<vmem>>, vector<16xi32>,
    %swap3A_484 = arith.constant 7 : i32
    %swap3A_485 = arith.index_cast %swap3A_484 : i32 to index
    %swap3A_486 = arith.constant 0 : index
    %swap3A_487 = tpu.vector_load %arg7[%swap3A_485, %swap3A_486] {strides = array<i32>} : memref<9x128xi32, #tpu.memory_space<vmem>>, vector<16xi32>,
    tpu.vector_store %arg7[%swap3A_485, %swap3A_486], %get3A_483 {strides = array<i32>} : memref<9x128xi32, #tpu.memory_space<vmem>>, vector<16xi32>,
    %get3A_488 = arith.constant 15 : i32
    %get3A_489 = arith.index_cast %get3A_488 : i32 to index
    %get3A_490 = arith.constant 0 : index
    %get3A_491 = tpu.vector_load %arg6[%get3A_489, %get3A_490] {strides = array<i32>} : memref<18x128xi32, #tpu.memory_space<vmem>>, vector<16xi32>,
    %swap3A_492 = arith.constant 7 : i32
    %swap3A_493 = arith.index_cast %swap3A_492 : i32 to index
    %swap3A_494 = arith.constant 64 : index
    %swap3A_495 = tpu.vector_load %arg7[%swap3A_493, %swap3A_494] {strides = array<i32>} : memref<9x128xi32, #tpu.memory_space<vmem>>, vector<16xi32>,
    tpu.vector_store %arg7[%swap3A_493, %swap3A_494], %get3A_491 {strides = array<i32>} : memref<9x128xi32, #tpu.memory_space<vmem>>, vector<16xi32>,
    %get3A_496 = arith.constant 14 : i32
    %get3A_497 = arith.index_cast %get3A_496 : i32 to index
    %get3A_498 = arith.constant 16 : index
    %get3A_499 = tpu.vector_load %arg6[%get3A_497, %get3A_498] {strides = array<i32>} : memref<18x128xi32, #tpu.memory_space<vmem>>, vector<16xi32>,
    %swap3A_500 = arith.constant 7 : i32
    %swap3A_501 = arith.index_cast %swap3A_500 : i32 to index
    %swap3A_502 = arith.constant 16 : index
    %swap3A_503 = tpu.vector_load %arg7[%swap3A_501, %swap3A_502] {strides = array<i32>} : memref<9x128xi32, #tpu.memory_space<vmem>>, vector<16xi32>,
    tpu.vector_store %arg7[%swap3A_501, %swap3A_502], %get3A_499 {strides = array<i32>} : memref<9x128xi32, #tpu.memory_space<vmem>>, vector<16xi32>,
    %get3A_504 = arith.constant 15 : i32
    %get3A_505 = arith.index_cast %get3A_504 : i32 to index
    %get3A_506 = arith.constant 16 : index
    %get3A_507 = tpu.vector_load %arg6[%get3A_505, %get3A_506] {strides = array<i32>} : memref<18x128xi32, #tpu.memory_space<vmem>>, vector<16xi32>,
    %swap3A_508 = arith.constant 7 : i32
    %swap3A_509 = arith.index_cast %swap3A_508 : i32 to index
    %swap3A_510 = arith.constant 80 : index
    %swap3A_511 = tpu.vector_load %arg7[%swap3A_509, %swap3A_510] {strides = array<i32>} : memref<9x128xi32, #tpu.memory_space<vmem>>, vector<16xi32>,
    tpu.vector_store %arg7[%swap3A_509, %swap3A_510], %get3A_507 {strides = array<i32>} : memref<9x128xi32, #tpu.memory_space<vmem>>, vector<16xi32>,
    %get3A_512 = arith.constant 14 : i32
    %get3A_513 = arith.index_cast %get3A_512 : i32 to index
    %get3A_514 = arith.constant 32 : index
    %get3A_515 = tpu.vector_load %arg6[%get3A_513, %get3A_514] {strides = array<i32>} : memref<18x128xi32, #tpu.memory_space<vmem>>, vector<16xi32>,
    %swap3A_516 = arith.constant 7 : i32
    %swap3A_517 = arith.index_cast %swap3A_516 : i32 to index
    %swap3A_518 = arith.constant 32 : index
    %swap3A_519 = tpu.vector_load %arg7[%swap3A_517, %swap3A_518] {strides = array<i32>} : memref<9x128xi32, #tpu.memory_space<vmem>>, vector<16xi32>,
    tpu.vector_store %arg7[%swap3A_517, %swap3A_518], %get3A_515 {strides = array<i32>} : memref<9x128xi32, #tpu.memory_space<vmem>>, vector<16xi32>,
    %get3A_520 = arith.constant 15 : i32
    %get3A_521 = arith.index_cast %get3A_520 : i32 to index
    %get3A_522 = arith.constant 32 : index
    %get3A_523 = tpu.vector_load %arg6[%get3A_521, %get3A_522] {strides = array<i32>} : memref<18x128xi32, #tpu.memory_space<vmem>>, vector<16xi32>,
    %swap3A_524 = arith.constant 7 : i32
    %swap3A_525 = arith.index_cast %swap3A_524 : i32 to index
    %swap3A_526 = arith.constant 96 : index
    %swap3A_527 = tpu.vector_load %arg7[%swap3A_525, %swap3A_526] {strides = array<i32>} : memref<9x128xi32, #tpu.memory_space<vmem>>, vector<16xi32>,
    tpu.vector_store %arg7[%swap3A_525, %swap3A_526], %get3A_523 {strides = array<i32>} : memref<9x128xi32, #tpu.memory_space<vmem>>, vector<16xi32>,
    %get3A_528 = arith.constant 14 : i32
    %get3A_529 = arith.index_cast %get3A_528 : i32 to index
    %get3A_530 = arith.constant 48 : index
    %get3A_531 = tpu.vector_load %arg6[%get3A_529, %get3A_530] {strides = array<i32>} : memref<18x128xi32, #tpu.memory_space<vmem>>, vector<16xi32>,
    %swap3A_532 = arith.constant 7 : i32
    %swap3A_533 = arith.index_cast %swap3A_532 : i32 to index
    %swap3A_534 = arith.constant 48 : index
    %swap3A_535 = tpu.vector_load %arg7[%swap3A_533, %swap3A_534] {strides = array<i32>} : memref<9x128xi32, #tpu.memory_space<vmem>>, vector<16xi32>,
    tpu.vector_store %arg7[%swap3A_533, %swap3A_534], %get3A_531 {strides = array<i32>} : memref<9x128xi32, #tpu.memory_space<vmem>>, vector<16xi32>,
    %get3A_536 = arith.constant 15 : i32
    %get3A_537 = arith.index_cast %get3A_536 : i32 to index
    %get3A_538 = arith.constant 48 : index
    %get3A_539 = tpu.vector_load %arg6[%get3A_537, %get3A_538] {strides = array<i32>} : memref<18x128xi32, #tpu.memory_space<vmem>>, vector<16xi32>,
    %swap3A_540 = arith.constant 7 : i32
    %swap3A_541 = arith.index_cast %swap3A_540 : i32 to index
    %swap3A_542 = arith.constant 112 : index
    %swap3A_543 = tpu.vector_load %arg7[%swap3A_541, %swap3A_542] {strides = array<i32>} : memref<9x128xi32, #tpu.memory_space<vmem>>, vector<16xi32>,
    tpu.vector_store %arg7[%swap3A_541, %swap3A_542], %get3A_539 {strides = array<i32>} : memref<9x128xi32, #tpu.memory_space<vmem>>, vector<16xi32>,
    %get3A_544 = arith.constant 16 : i32
    %get3A_545 = arith.index_cast %get3A_544 : i32 to index
    %get3A_546 = arith.constant 0 : index
    %get3A_547 = tpu.vector_load %arg6[%get3A_545, %get3A_546] {strides = array<i32>} : memref<18x128xi32, #tpu.memory_space<vmem>>, vector<16xi32>,
    %swap3A_548 = arith.constant 8 : i32
    %swap3A_549 = arith.index_cast %swap3A_548 : i32 to index
    %swap3A_550 = arith.constant 0 : index
    %swap3A_551 = tpu.vector_load %arg7[%swap3A_549, %swap3A_550] {strides = array<i32>} : memref<9x128xi32, #tpu.memory_space<vmem>>, vector<16xi32>,
    tpu.vector_store %arg7[%swap3A_549, %swap3A_550], %get3A_547 {strides = array<i32>} : memref<9x128xi32, #tpu.memory_space<vmem>>, vector<16xi32>,
    %get3A_552 = arith.constant 17 : i32
    %get3A_553 = arith.index_cast %get3A_552 : i32 to index
    %get3A_554 = arith.constant 0 : index
    %get3A_555 = tpu.vector_load %arg6[%get3A_553, %get3A_554] {strides = array<i32>} : memref<18x128xi32, #tpu.memory_space<vmem>>, vector<16xi32>,
    %swap3A_556 = arith.constant 8 : i32
    %swap3A_557 = arith.index_cast %swap3A_556 : i32 to index
    %swap3A_558 = arith.constant 64 : index
    %swap3A_559 = tpu.vector_load %arg7[%swap3A_557, %swap3A_558] {strides = array<i32>} : memref<9x128xi32, #tpu.memory_space<vmem>>, vector<16xi32>,
    tpu.vector_store %arg7[%swap3A_557, %swap3A_558], %get3A_555 {strides = array<i32>} : memref<9x128xi32, #tpu.memory_space<vmem>>, vector<16xi32>,
    %get3A_560 = arith.constant 16 : i32
    %get3A_561 = arith.index_cast %get3A_560 : i32 to index
    %get3A_562 = arith.constant 16 : index
    %get3A_563 = tpu.vector_load %arg6[%get3A_561, %get3A_562] {strides = array<i32>} : memref<18x128xi32, #tpu.memory_space<vmem>>, vector<16xi32>,
    %swap3A_564 = arith.constant 8 : i32
    %swap3A_565 = arith.index_cast %swap3A_564 : i32 to index
    %swap3A_566 = arith.constant 16 : index
    %swap3A_567 = tpu.vector_load %arg7[%swap3A_565, %swap3A_566] {strides = array<i32>} : memref<9x128xi32, #tpu.memory_space<vmem>>, vector<16xi32>,
    tpu.vector_store %arg7[%swap3A_565, %swap3A_566], %get3A_563 {strides = array<i32>} : memref<9x128xi32, #tpu.memory_space<vmem>>, vector<16xi32>,
    %get3A_568 = arith.constant 17 : i32
    %get3A_569 = arith.index_cast %get3A_568 : i32 to index
    %get3A_570 = arith.constant 16 : index
    %get3A_571 = tpu.vector_load %arg6[%get3A_569, %get3A_570] {strides = array<i32>} : memref<18x128xi32, #tpu.memory_space<vmem>>, vector<16xi32>,
    %swap3A_572 = arith.constant 8 : i32
    %swap3A_573 = arith.index_cast %swap3A_572 : i32 to index
    %swap3A_574 = arith.constant 80 : index
    %swap3A_575 = tpu.vector_load %arg7[%swap3A_573, %swap3A_574] {strides = array<i32>} : memref<9x128xi32, #tpu.memory_space<vmem>>, vector<16xi32>,
    tpu.vector_store %arg7[%swap3A_573, %swap3A_574], %get3A_571 {strides = array<i32>} : memref<9x128xi32, #tpu.memory_space<vmem>>, vector<16xi32>,
    %get3A_576 = arith.constant 16 : i32
    %get3A_577 = arith.index_cast %get3A_576 : i32 to index
    %get3A_578 = arith.constant 32 : index
    %get3A_579 = tpu.vector_load %arg6[%get3A_577, %get3A_578] {strides = array<i32>} : memref<18x128xi32, #tpu.memory_space<vmem>>, vector<16xi32>,
    %swap3A_580 = arith.constant 8 : i32
    %swap3A_581 = arith.index_cast %swap3A_580 : i32 to index
    %swap3A_582 = arith.constant 32 : index
    %swap3A_583 = tpu.vector_load %arg7[%swap3A_581, %swap3A_582] {strides = array<i32>} : memref<9x128xi32, #tpu.memory_space<vmem>>, vector<16xi32>,
    tpu.vector_store %arg7[%swap3A_581, %swap3A_582], %get3A_579 {strides = array<i32>} : memref<9x128xi32, #tpu.memory_space<vmem>>, vector<16xi32>,
    %get3A_584 = arith.constant 17 : i32
    %get3A_585 = arith.index_cast %get3A_584 : i32 to index
    %get3A_586 = arith.constant 32 : index
    %get3A_587 = tpu.vector_load %arg6[%get3A_585, %get3A_586] {strides = array<i32>} : memref<18x128xi32, #tpu.memory_space<vmem>>, vector<16xi32>,
    %swap3A_588 = arith.constant 8 : i32
    %swap3A_589 = arith.index_cast %swap3A_588 : i32 to index
    %swap3A_590 = arith.constant 96 : index
    %swap3A_591 = tpu.vector_load %arg7[%swap3A_589, %swap3A_590] {strides = array<i32>} : memref<9x128xi32, #tpu.memory_space<vmem>>, vector<16xi32>,
    tpu.vector_store %arg7[%swap3A_589, %swap3A_590], %get3A_587 {strides = array<i32>} : memref<9x128xi32, #tpu.memory_space<vmem>>, vector<16xi32>,
    %get3A_592 = arith.constant 16 : i32
    %get3A_593 = arith.index_cast %get3A_592 : i32 to index
    %get3A_594 = arith.constant 48 : index
    %get3A_595 = tpu.vector_load %arg6[%get3A_593, %get3A_594] {strides = array<i32>} : memref<18x128xi32, #tpu.memory_space<vmem>>, vector<16xi32>,
    %swap3A_596 = arith.constant 8 : i32
    %swap3A_597 = arith.index_cast %swap3A_596 : i32 to index
    %swap3A_598 = arith.constant 48 : index
    %swap3A_599 = tpu.vector_load %arg7[%swap3A_597, %swap3A_598] {strides = array<i32>} : memref<9x128xi32, #tpu.memory_space<vmem>>, vector<16xi32>,
    tpu.vector_store %arg7[%swap3A_597, %swap3A_598], %get3A_595 {strides = array<i32>} : memref<9x128xi32, #tpu.memory_space<vmem>>, vector<16xi32>,
    %get3A_600 = arith.constant 17 : i32
    %get3A_601 = arith.index_cast %get3A_600 : i32 to index
    %get3A_602 = arith.constant 48 : index
    %get3A_603 = tpu.vector_load %arg6[%get3A_601, %get3A_602] {strides = array<i32>} : memref<18x128xi32, #tpu.memory_space<vmem>>, vector<16xi32>,
    %swap3A_604 = arith.constant 8 : i32
    %swap3A_605 = arith.index_cast %swap3A_604 : i32 to index
    %swap3A_606 = arith.constant 112 : index
    %swap3A_607 = tpu.vector_load %arg7[%swap3A_605, %swap3A_606] {strides = array<i32>} : memref<9x128xi32, #tpu.memory_space<vmem>>, vector<16xi32>,
    tpu.vector_store %arg7[%swap3A_605, %swap3A_606], %get3A_603 {strides = array<i32>} : memref<9x128xi32, #tpu.memory_space<vmem>>, vector<16xi32>,
    %dma_start3A_608 = arith.constant 0 : i32
    %dma_start3A_609 = arith.constant 0 : i32
    %dma_start3A_610 = tpu.memref_slice %arg7[%dma_start3A_608, %dma_start3A_609] : memref<9x128xi32, #tpu.memory_space<vmem>> -> memref<1x128xi32, #tpu.memory_space<vmem>>
    %dma_start3A_611 = tpu.memref_squeeze %dma_start3A_610 : memref<1x128xi32, #tpu.memory_space<vmem>> -> memref<128xi32, #tpu.memory_space<vmem>>
    %dma_start3A_612 = arith.constant 0 : i32
    %dma_start3A_613 = arith.constant 0 : i32
    %dma_start3A_614 = tpu.memref_slice %arg4[%dma_start3A_612, %dma_start3A_613] : memref<100000x128xf32, #tpu.memory_space<hbm>> -> memref<100000x128xf32, #tpu.memory_space<hbm>>
    tpu.enqueue_indirect_dma source(%dma_start3A_614 : memref<100000x128xf32, #tpu.memory_space<hbm>>) target(%arg11 : memref<128x128xf32, #tpu.memory_space<vmem>>) offsets(%dma_start3A_611 : memref<128xi32, #tpu.memory_space<vmem>>) semaphore(%arg14 : memref<!tpu.dma_semaphore, #tpu.memory_space<semaphore_mem>>)
    %dma_start3A_615 = arith.constant 1 : i32
    %dma_start3A_616 = arith.constant 0 : i32
    %dma_start3A_617 = tpu.memref_slice %arg7[%dma_start3A_615, %dma_start3A_616] : memref<9x128xi32, #tpu.memory_space<vmem>> -> memref<1x128xi32, #tpu.memory_space<vmem>>
    %dma_start3A_618 = tpu.memref_squeeze %dma_start3A_617 : memref<1x128xi32, #tpu.memory_space<vmem>> -> memref<128xi32, #tpu.memory_space<vmem>>
    %dma_start3A_619 = arith.constant 0 : i32
    %dma_start3A_620 = arith.constant 0 : i32
    %dma_start3A_621 = tpu.memref_slice %arg4[%dma_start3A_619, %dma_start3A_620] : memref<100000x128xf32, #tpu.memory_space<hbm>> -> memref<100000x128xf32, #tpu.memory_space<hbm>>
    tpu.enqueue_indirect_dma source(%dma_start3A_621 : memref<100000x128xf32, #tpu.memory_space<hbm>>) target(%arg12 : memref<128x128xf32, #tpu.memory_space<vmem>>) offsets(%dma_start3A_618 : memref<128xi32, #tpu.memory_space<vmem>>) semaphore(%arg15 : memref<!tpu.dma_semaphore, #tpu.memory_space<semaphore_mem>>)
    %dma_start3A_622 = arith.constant 2 : i32
    %dma_start3A_623 = arith.constant 0 : i32
    %dma_start3A_624 = tpu.memref_slice %arg7[%dma_start3A_622, %dma_start3A_623] : memref<9x128xi32, #tpu.memory_space<vmem>> -> memref<1x128xi32, #tpu.memory_space<vmem>>
    %dma_start3A_625 = tpu.memref_squeeze %dma_start3A_624 : memref<1x128xi32, #tpu.memory_space<vmem>> -> memref<128xi32, #tpu.memory_space<vmem>>
    %dma_start3A_626 = arith.constant 0 : i32
    %dma_start3A_627 = arith.constant 0 : i32
    %dma_start3A_628 = tpu.memref_slice %arg4[%dma_start3A_626, %dma_start3A_627] : memref<100000x128xf32, #tpu.memory_space<hbm>> -> memref<100000x128xf32, #tpu.memory_space<hbm>>
    tpu.enqueue_indirect_dma source(%dma_start3A_628 : memref<100000x128xf32, #tpu.memory_space<hbm>>) target(%arg13 : memref<128x128xf32, #tpu.memory_space<vmem>>) offsets(%dma_start3A_625 : memref<128xi32, #tpu.memory_space<vmem>>) semaphore(%arg16 : memref<!tpu.dma_semaphore, #tpu.memory_space<semaphore_mem>>)
    %dma_wait3A_629 = arith.constant 0 : i32
    %dma_wait3A_630 = arith.constant 0 : i32
    %dma_wait3A_631 = tpu.memref_slice %arg8[%dma_wait3A_629, %dma_wait3A_630] : memref<36x128xf32, #tpu.memory_space<vmem>> -> memref<18x128xf32, #tpu.memory_space<vmem>>
    %dma_wait3A_632 = arith.constant 0 : i32
    %dma_wait3A_633 = tpu.memref_slice %arg2[%mul3A_5, %dma_wait3A_632] : memref<1152x128xf32, #tpu.memory_space<hbm>> -> memref<18x128xf32, #tpu.memory_space<hbm>>
    %dma_wait3A_634 = arith.constant 0 : i32
    %dma_wait3A_635 = arith.constant 0 : i32
    %dma_wait3A_636 = tpu.memref_slice %arg8[%dma_wait3A_634, %dma_wait3A_635] : memref<36x128xf32, #tpu.memory_space<vmem>> -> memref<18x128xf32, #tpu.memory_space<vmem>>
    %dma_wait3A_637 = arith.constant 0 : i32
    %dma_wait3A_638 = tpu.memref_slice %arg2[%mul3A_5, %dma_wait3A_637] : memref<1152x128xf32, #tpu.memory_space<hbm>> -> memref<18x128xf32, #tpu.memory_space<hbm>>
    tpu.wait_dma2 semaphore(%arg17 : memref<!tpu.dma_semaphore, #tpu.memory_space<semaphore_mem>>) src(%dma_wait3A_638 : memref<18x128xf32, #tpu.memory_space<hbm>>) dst(%dma_wait3A_636 : memref<18x128xf32, #tpu.memory_space<vmem>>)
    %dma_wait3A_639 = arith.constant 18 : i32
    %dma_wait3A_640 = arith.constant 0 : i32
    %dma_wait3A_641 = tpu.memref_slice %arg8[%dma_wait3A_639, %dma_wait3A_640] : memref<36x128xf32, #tpu.memory_space<vmem>> -> memref<18x128xf32, #tpu.memory_space<vmem>>
    %dma_wait3A_642 = arith.constant 0 : i32
    %dma_wait3A_643 = tpu.memref_slice %arg2[%add3A_20, %dma_wait3A_642] : memref<1152x128xf32, #tpu.memory_space<hbm>> -> memref<18x128xf32, #tpu.memory_space<hbm>>
    %dma_wait3A_644 = arith.constant 18 : i32
    %dma_wait3A_645 = arith.constant 0 : i32
    %dma_wait3A_646 = tpu.memref_slice %arg8[%dma_wait3A_644, %dma_wait3A_645] : memref<36x128xf32, #tpu.memory_space<vmem>> -> memref<18x128xf32, #tpu.memory_space<vmem>>
    %dma_wait3A_647 = arith.constant 0 : i32
    %dma_wait3A_648 = tpu.memref_slice %arg2[%add3A_20, %dma_wait3A_647] : memref<1152x128xf32, #tpu.memory_space<hbm>> -> memref<18x128xf32, #tpu.memory_space<hbm>>
    tpu.wait_dma2 semaphore(%arg17 : memref<!tpu.dma_semaphore, #tpu.memory_space<semaphore_mem>>) src(%dma_wait3A_648 : memref<18x128xf32, #tpu.memory_space<hbm>>) dst(%dma_wait3A_646 : memref<18x128xf32, #tpu.memory_space<vmem>>)
    %scan3A = arith.constant 0 : i32
    %scan3A_649 = arith.constant 0 : i32
    %scan3A_650 = arith.constant 18 : i32
    %scan3A_651 = arith.addi %scan3A_649, %scan3A_650 : i32
    %scan3A_652 = arith.constant 1 : i32
    scf.for %scan3A_660 = %scan3A_649 to %scan3A_651 step %scan3A_652  : i32 {
      %broadcast_in_dim3A = vector.broadcast %scan3A_660 : i32 to vector<16xi32>
      %get3A_661 = arith.index_cast %scan3A_660 : i32 to index
      %get3A_662 = arith.constant 64 : index
      %get3A_663 = tpu.vector_load %arg6[%get3A_661, %get3A_662] {strides = array<i32>} : memref<18x128xi32, #tpu.memory_space<vmem>>, vector<16xi32>,
      %shift_right_logical3A = arith.constant 7 : i32
      %shift_right_logical3A_664 = vector.broadcast %shift_right_logical3A : i32 to vector<16xi32>
      %shift_right_logical3A_665 = arith.shrui %get3A_663, %shift_right_logical3A_664 : vector<16xi32>
      %mul3A_666 = arith.constant 18 : i32
      %mul3A_667 = vector.broadcast %mul3A_666 : i32 to vector<16xi32>
      %mul3A_668 = arith.muli %mul3A_667, %shift_right_logical3A_665 : vector<16xi32>
      %add3A_669 = arith.addi %broadcast_in_dim3A, %mul3A_668 : vector<16xi32>
      %and3A = arith.constant 127 : i32
      %and3A_670 = vector.broadcast %and3A : i32 to vector<16xi32>
      %and3A_671 = arith.andi %get3A_663, %and3A_670 : vector<16xi32>
      %gather3A = tpu.vector_load_idx %arg8[%add3A_669, %and3A_671] : memref<36x128xf32, #tpu.memory_space<vmem>>[vector<16xi32>, vector<16xi32>], vector<16xf32>,
      %get3A_672 = arith.index_cast %scan3A_660 : i32 to index
      %get3A_673 = arith.constant 80 : index
      %get3A_674 = tpu.vector_load %arg6[%get3A_672, %get3A_673] {strides = array<i32>} : memref<18x128xi32, #tpu.memory_space<vmem>>, vector<16xi32>,
      %shift_right_logical3A_675 = arith.constant 7 : i32
      %shift_right_logical3A_676 = vector.broadcast %shift_right_logical3A_675 : i32 to vector<16xi32>
      %shift_right_logical3A_677 = arith.shrui %get3A_674, %shift_right_logical3A_676 : vector<16xi32>
      %mul3A_678 = arith.constant 18 : i32
      %mul3A_679 = vector.broadcast %mul3A_678 : i32 to vector<16xi32>
      %mul3A_680 = arith.muli %mul3A_679, %shift_right_logical3A_677 : vector<16xi32>
      %add3A_681 = arith.addi %broadcast_in_dim3A, %mul3A_680 : vector<16xi32>
      %and3A_682 = arith.constant 127 : i32
      %and3A_683 = vector.broadcast %and3A_682 : i32 to vector<16xi32>
      %and3A_684 = arith.andi %get3A_674, %and3A_683 : vector<16xi32>
      %gather3A_685 = tpu.vector_load_idx %arg8[%add3A_681, %and3A_684] : memref<36x128xf32, #tpu.memory_space<vmem>>[vector<16xi32>, vector<16xi32>], vector<16xf32>,
      %get3A_686 = arith.index_cast %scan3A_660 : i32 to index
      %get3A_687 = arith.constant 96 : index
      %get3A_688 = tpu.vector_load %arg6[%get3A_686, %get3A_687] {strides = array<i32>} : memref<18x128xi32, #tpu.memory_space<vmem>>, vector<16xi32>,
      %shift_right_logical3A_689 = arith.constant 7 : i32
      %shift_right_logical3A_690 = vector.broadcast %shift_right_logical3A_689 : i32 to vector<16xi32>
      %shift_right_logical3A_691 = arith.shrui %get3A_688, %shift_right_logical3A_690 : vector<16xi32>
      %mul3A_692 = arith.constant 18 : i32
      %mul3A_693 = vector.broadcast %mul3A_692 : i32 to vector<16xi32>
      %mul3A_694 = arith.muli %mul3A_693, %shift_right_logical3A_691 : vector<16xi32>
      %add3A_695 = arith.addi %broadcast_in_dim3A, %mul3A_694 : vector<16xi32>
      %and3A_696 = arith.constant 127 : i32
      %and3A_697 = vector.broadcast %and3A_696 : i32 to vector<16xi32>
      %and3A_698 = arith.andi %get3A_688, %and3A_697 : vector<16xi32>
      %gather3A_699 = tpu.vector_load_idx %arg8[%add3A_695, %and3A_698] : memref<36x128xf32, #tpu.memory_space<vmem>>[vector<16xi32>, vector<16xi32>], vector<16xf32>,
      %get3A_700 = arith.index_cast %scan3A_660 : i32 to index
      %get3A_701 = arith.constant 112 : index
      %get3A_702 = tpu.vector_load %arg6[%get3A_700, %get3A_701] {strides = array<i32>} : memref<18x128xi32, #tpu.memory_space<vmem>>, vector<16xi32>,
      %shift_right_logical3A_703 = arith.constant 7 : i32
      %shift_right_logical3A_704 = vector.broadcast %shift_right_logical3A_703 : i32 to vector<16xi32>
      %shift_right_logical3A_705 = arith.shrui %get3A_702, %shift_right_logical3A_704 : vector<16xi32>
      %mul3A_706 = arith.constant 18 : i32
      %mul3A_707 = vector.broadcast %mul3A_706 : i32 to vector<16xi32>
      %mul3A_708 = arith.muli %mul3A_707, %shift_right_logical3A_705 : vector<16xi32>
      %add3A_709 = arith.addi %broadcast_in_dim3A, %mul3A_708 : vector<16xi32>
      %and3A_710 = arith.constant 127 : i32
      %and3A_711 = vector.broadcast %and3A_710 : i32 to vector<16xi32>
      %and3A_712 = arith.andi %get3A_702, %and3A_711 : vector<16xi32>
      %gather3A_713 = tpu.vector_load_idx %arg8[%add3A_709, %and3A_712] : memref<36x128xf32, #tpu.memory_space<vmem>>[vector<16xi32>, vector<16xi32>], vector<16xf32>,
      %max3A = arith.maximumf %gather3A, %gather3A_685 : vector<16xf32>
      %max3A_714 = arith.maximumf %gather3A_699, %gather3A_713 : vector<16xf32>
      %max3A_715 = arith.maximumf %max3A, %max3A_714 : vector<16xf32>
      %reduce_max3A = arith.constant true
      %reduce_max3A_716 = vector.broadcast %reduce_max3A : i1 to vector<16xi1>
      %reduce_max3A_717 = tpu.scan <max>, %max3A_715 masked %reduce_max3A_716 : vector<16xf32>, vector<16xi1> -> vector<16xf32>
      %reduce_max3A_718 = vector.extract %reduce_max3A_717[15] : f32 from vector<16xf32>
      %sub3A = vector.broadcast %reduce_max3A_718 : f32 to vector<16xf32>
      %sub3A_719 = arith.subf %gather3A, %sub3A : vector<16xf32>
      %exp3A = math.exp %sub3A_719 : vector<16xf32>
      %sub3A_720 = vector.broadcast %reduce_max3A_718 : f32 to vector<16xf32>
      %sub3A_721 = arith.subf %gather3A_685, %sub3A_720 : vector<16xf32>
      %exp3A_722 = math.exp %sub3A_721 : vector<16xf32>
      %sub3A_723 = vector.broadcast %reduce_max3A_718 : f32 to vector<16xf32>
      %sub3A_724 = arith.subf %gather3A_699, %sub3A_723 : vector<16xf32>
      %exp3A_725 = math.exp %sub3A_724 : vector<16xf32>
      %sub3A_726 = vector.broadcast %reduce_max3A_718 : f32 to vector<16xf32>
      %sub3A_727 = arith.subf %gather3A_713, %sub3A_726 : vector<16xf32>
      %exp3A_728 = math.exp %sub3A_727 : vector<16xf32>
      %add3A_729 = arith.addf %exp3A, %exp3A_722 : vector<16xf32>
      %add3A_730 = arith.addf %add3A_729, %exp3A_725 : vector<16xf32>
      %add3A_731 = arith.addf %add3A_730, %exp3A_728 : vector<16xf32>
      %reduce_sum3A = arith.constant true
      %reduce_sum3A_732 = vector.broadcast %reduce_sum3A : i1 to vector<16xi1>
      %reduce_sum3A_733 = tpu.scan <sum>, %add3A_731 masked %reduce_sum3A_732 : vector<16xf32>, vector<16xi1> -> vector<16xf32>
      %reduce_sum3A_734 = vector.extract %reduce_sum3A_733[15] : f32 from vector<16xf32>
      %div3A = vector.broadcast %reduce_sum3A_734 : f32 to vector<16xf32>
      %div3A_735 = arith.divf %exp3A, %div3A : vector<16xf32>
      %swap3A_736 = arith.index_cast %scan3A_660 : i32 to index
      %swap3A_737 = arith.constant 0 : index
      %swap3A_738 = tpu.vector_load %arg9[%swap3A_736, %swap3A_737] {strides = array<i32>} : memref<18x64xf32, #tpu.memory_space<vmem>>, vector<16xf32>,
      tpu.vector_store %arg9[%swap3A_736, %swap3A_737], %div3A_735 {strides = array<i32>} : memref<18x64xf32, #tpu.memory_space<vmem>>, vector<16xf32>,
      %div3A_739 = vector.broadcast %reduce_sum3A_734 : f32 to vector<16xf32>
      %div3A_740 = arith.divf %exp3A_722, %div3A_739 : vector<16xf32>
      %swap3A_741 = arith.index_cast %scan3A_660 : i32 to index
      %swap3A_742 = arith.constant 16 : index
      %swap3A_743 = tpu.vector_load %arg9[%swap3A_741, %swap3A_742] {strides = array<i32>} : memref<18x64xf32, #tpu.memory_space<vmem>>, vector<16xf32>,
      tpu.vector_store %arg9[%swap3A_741, %swap3A_742], %div3A_740 {strides = array<i32>} : memref<18x64xf32, #tpu.memory_space<vmem>>, vector<16xf32>,
      %div3A_744 = vector.broadcast %reduce_sum3A_734 : f32 to vector<16xf32>
      %div3A_745 = arith.divf %exp3A_725, %div3A_744 : vector<16xf32>
      %swap3A_746 = arith.index_cast %scan3A_660 : i32 to index
      %swap3A_747 = arith.constant 32 : index
      %swap3A_748 = tpu.vector_load %arg9[%swap3A_746, %swap3A_747] {strides = array<i32>} : memref<18x64xf32, #tpu.memory_space<vmem>>, vector<16xf32>,
      tpu.vector_store %arg9[%swap3A_746, %swap3A_747], %div3A_745 {strides = array<i32>} : memref<18x64xf32, #tpu.memory_space<vmem>>, vector<16xf32>,
      %div3A_749 = vector.broadcast %reduce_sum3A_734 : f32 to vector<16xf32>
      %div3A_750 = arith.divf %exp3A_728, %div3A_749 : vector<16xf32>
      %swap3A_751 = arith.index_cast %scan3A_660 : i32 to index
      %swap3A_752 = arith.constant 48 : index
      %swap3A_753 = tpu.vector_load %arg9[%swap3A_751, %swap3A_752] {strides = array<i32>} : memref<18x64xf32, #tpu.memory_space<vmem>>, vector<16xf32>,
      tpu.vector_store %arg9[%swap3A_751, %swap3A_752], %div3A_750 {strides = array<i32>} : memref<18x64xf32, #tpu.memory_space<vmem>>, vector<16xf32>,
    }
    %scan3A_653 = arith.constant 18 : i32
    %scan3A_654 = arith.constant 0 : i32
    %scan3A_655 = arith.constant 0 : i32
    %scan3A_656 = arith.constant 3 : i32
    %scan3A_657 = arith.addi %scan3A_655, %scan3A_656 : i32
    %scan3A_658 = arith.constant 1 : i32
    scf.for %scan3A_660 = %scan3A_655 to %scan3A_657 step %scan3A_658  : i32 {
      %mul3A_661 = arith.constant 3 : i32
      %mul3A_662 = arith.muli %scan3A_660, %mul3A_661 : i32
      %add3A_663 = arith.constant 0 : i32
      %add3A_664 = arith.addi %mul3A_662, %add3A_663 : i32
      %dma_wait3A_665 = arith.constant 0 : i32
      %dma_wait3A_666 = arith.constant 0 : i32
      %dma_wait3A_667 = tpu.memref_slice %arg7[%dma_wait3A_665, %dma_wait3A_666] : memref<9x128xi32, #tpu.memory_space<vmem>> -> memref<1x128xi32, #tpu.memory_space<vmem>>
      %dma_wait3A_668 = tpu.memref_squeeze %dma_wait3A_667 : memref<1x128xi32, #tpu.memory_space<vmem>> -> memref<128xi32, #tpu.memory_space<vmem>>
      %dma_wait3A_669 = arith.constant 0 : i32
      %dma_wait3A_670 = arith.constant 0 : i32
      %dma_wait3A_671 = tpu.memref_slice %arg4[%dma_wait3A_669, %dma_wait3A_670] : memref<100000x128xf32, #tpu.memory_space<hbm>> -> memref<100000x128xf32, #tpu.memory_space<hbm>>
      tpu.wait_indirect_dma semaphore(%arg14 : memref<!tpu.dma_semaphore, #tpu.memory_space<semaphore_mem>>) src(%dma_wait3A_671 : memref<100000x128xf32, #tpu.memory_space<hbm>>) dst(%arg11 : memref<128x128xf32, #tpu.memory_space<vmem>>)
      %mul3A_672 = arith.constant 2 : i32
      %mul3A_673 = arith.muli %mul3A_672, %add3A_664 : i32
      %broadcast_in_dim3A = vector.broadcast %mul3A_673 : i32 to vector<16xi32>
      %broadcast_in_dim3A_674 = arith.constant 0.000000e+00 : f32
      %broadcast_in_dim3A_675 = vector.broadcast %broadcast_in_dim3A_674 : f32 to vector<16xf32>
      %broadcast_in_dim3A_676 = arith.constant 0.000000e+00 : f32
      %broadcast_in_dim3A_677 = vector.broadcast %broadcast_in_dim3A_676 : f32 to vector<16xf32>
      %broadcast_in_dim3A_678 = arith.constant 0.000000e+00 : f32
      %broadcast_in_dim3A_679 = vector.broadcast %broadcast_in_dim3A_678 : f32 to vector<16xf32>
      %broadcast_in_dim3A_680 = arith.constant 0.000000e+00 : f32
      %broadcast_in_dim3A_681 = vector.broadcast %broadcast_in_dim3A_680 : f32 to vector<16xf32>
      %broadcast_in_dim3A_682 = arith.constant 0.000000e+00 : f32
      %broadcast_in_dim3A_683 = vector.broadcast %broadcast_in_dim3A_682 : f32 to vector<16xf32>
      %broadcast_in_dim3A_684 = arith.constant 0.000000e+00 : f32
      %broadcast_in_dim3A_685 = vector.broadcast %broadcast_in_dim3A_684 : f32 to vector<16xf32>
      %broadcast_in_dim3A_686 = arith.constant 0.000000e+00 : f32
      %broadcast_in_dim3A_687 = vector.broadcast %broadcast_in_dim3A_686 : f32 to vector<16xf32>
      %broadcast_in_dim3A_688 = arith.constant 0.000000e+00 : f32
      %broadcast_in_dim3A_689 = vector.broadcast %broadcast_in_dim3A_688 : f32 to vector<16xf32>
      %scan3A_690 = arith.constant 0 : i32
      %scan3A_691 = arith.constant 8 : i32
      %scan3A_692 = arith.addi %scan3A_690, %scan3A_691 : i32
      %scan3A_693 = arith.constant 1 : i32
      %scan3A_694:8 = scf.for %scan3A_1011 = %scan3A_690 to %scan3A_692 step %scan3A_693 iter_args(%scan3A_1012 = %broadcast_in_dim3A_675, %scan3A_1013 = %broadcast_in_dim3A_677, %scan3A_1014 = %broadcast_in_dim3A_679, %scan3A_1015 = %broadcast_in_dim3A_681, %scan3A_1016 = %broadcast_in_dim3A_683, %scan3A_1017 = %broadcast_in_dim3A_685, %scan3A_1018 = %broadcast_in_dim3A_687, %scan3A_1019 = %broadcast_in_dim3A_689) -> (vector<16xf32>, vector<16xf32>, vector<16xf32>, vector<16xf32>, vector<16xf32>, vector<16xf32>, vector<16xf32>, vector<16xf32>)  : i32 {
        %mul3A_1020 = arith.constant 8 : i32
        %mul3A_1021 = arith.muli %scan3A_1011, %mul3A_1020 : i32
        %add3A_1022 = arith.constant 0 : i32
        %add3A_1023 = arith.addi %mul3A_1021, %add3A_1022 : i32
        %broadcast_in_dim3A_1024 = vector.broadcast %add3A_1023 : i32 to vector<16xi32>
        %gather3A = tpu.vector_load_idx %arg9[%broadcast_in_dim3A, %broadcast_in_dim3A_1024] : memref<18x64xf32, #tpu.memory_space<vmem>>[vector<16xi32>, vector<16xi32>], vector<16xf32>,
        %add3A_1025 = arith.constant 0 : i32
        %add3A_1026 = arith.addi %add3A_1025, %mul3A_1021 : i32
        %add3A_1027 = arith.constant 0 : i32
        %add3A_1028 = arith.addi %add3A_1026, %add3A_1027 : i32
        %get3A_1029 = arith.index_cast %add3A_1028 : i32 to index
        %get3A_1030 = arith.constant 0 : index
        %get3A_1031 = tpu.vector_load %arg11[%get3A_1029, %get3A_1030] {strides = array<i32>} : memref<128x128xf32, #tpu.memory_space<vmem>>, vector<16xf32>,
        %mul3A_1032 = arith.mulf %gather3A, %get3A_1031 : vector<16xf32>
        %add3A_1033 = arith.addf %scan3A_1012, %mul3A_1032 : vector<16xf32>
        %get3A_1034 = arith.index_cast %add3A_1028 : i32 to index
        %get3A_1035 = arith.constant 16 : index
        %get3A_1036 = tpu.vector_load %arg11[%get3A_1034, %get3A_1035] {strides = array<i32>} : memref<128x128xf32, #tpu.memory_space<vmem>>, vector<16xf32>,
        %mul3A_1037 = arith.mulf %gather3A, %get3A_1036 : vector<16xf32>
        %add3A_1038 = arith.addf %scan3A_1013, %mul3A_1037 : vector<16xf32>
        %get3A_1039 = arith.index_cast %add3A_1028 : i32 to index
        %get3A_1040 = arith.constant 32 : index
        %get3A_1041 = tpu.vector_load %arg11[%get3A_1039, %get3A_1040] {strides = array<i32>} : memref<128x128xf32, #tpu.memory_space<vmem>>, vector<16xf32>,
        %mul3A_1042 = arith.mulf %gather3A, %get3A_1041 : vector<16xf32>
        %add3A_1043 = arith.addf %scan3A_1014, %mul3A_1042 : vector<16xf32>
        %get3A_1044 = arith.index_cast %add3A_1028 : i32 to index
        %get3A_1045 = arith.constant 48 : index
        %get3A_1046 = tpu.vector_load %arg11[%get3A_1044, %get3A_1045] {strides = array<i32>} : memref<128x128xf32, #tpu.memory_space<vmem>>, vector<16xf32>,
        %mul3A_1047 = arith.mulf %gather3A, %get3A_1046 : vector<16xf32>
        %add3A_1048 = arith.addf %scan3A_1015, %mul3A_1047 : vector<16xf32>
        %get3A_1049 = arith.index_cast %add3A_1028 : i32 to index
        %get3A_1050 = arith.constant 64 : index
        %get3A_1051 = tpu.vector_load %arg11[%get3A_1049, %get3A_1050] {strides = array<i32>} : memref<128x128xf32, #tpu.memory_space<vmem>>, vector<16xf32>,
        %mul3A_1052 = arith.mulf %gather3A, %get3A_1051 : vector<16xf32>
        %add3A_1053 = arith.addf %scan3A_1016, %mul3A_1052 : vector<16xf32>
        %get3A_1054 = arith.index_cast %add3A_1028 : i32 to index
        %get3A_1055 = arith.constant 80 : index
        %get3A_1056 = tpu.vector_load %arg11[%get3A_1054, %get3A_1055] {strides = array<i32>} : memref<128x128xf32, #tpu.memory_space<vmem>>, vector<16xf32>,
        %mul3A_1057 = arith.mulf %gather3A, %get3A_1056 : vector<16xf32>
        %add3A_1058 = arith.addf %scan3A_1017, %mul3A_1057 : vector<16xf32>
        %get3A_1059 = arith.index_cast %add3A_1028 : i32 to index
        %get3A_1060 = arith.constant 96 : index
        %get3A_1061 = tpu.vector_load %arg11[%get3A_1059, %get3A_1060] {strides = array<i32>} : memref<128x128xf32, #tpu.memory_space<vmem>>, vector<16xf32>,
        %mul3A_1062 = arith.mulf %gather3A, %get3A_1061 : vector<16xf32>
        %add3A_1063 = arith.addf %scan3A_1018, %mul3A_1062 : vector<16xf32>
        %get3A_1064 = arith.index_cast %add3A_1028 : i32 to index
        %get3A_1065 = arith.constant 112 : index
        %get3A_1066 = tpu.vector_load %arg11[%get3A_1064, %get3A_1065] {strides = array<i32>} : memref<128x128xf32, #tpu.memory_space<vmem>>, vector<16xf32>,
        %mul3A_1067 = arith.mulf %gather3A, %get3A_1066 : vector<16xf32>
        %add3A_1068 = arith.addf %scan3A_1019, %mul3A_1067 : vector<16xf32>
        %add3A_1069 = arith.constant 1 : i32
        %add3A_1070 = arith.addi %mul3A_1021, %add3A_1069 : i32
        %broadcast_in_dim3A_1071 = vector.broadcast %add3A_1070 : i32 to vector<16xi32>
        %gather3A_1072 = tpu.vector_load_idx %arg9[%broadcast_in_dim3A, %broadcast_in_dim3A_1071] : memref<18x64xf32, #tpu.memory_space<vmem>>[vector<16xi32>, vector<16xi32>], vector<16xf32>,
        %add3A_1073 = arith.constant 0 : i32
        %add3A_1074 = arith.addi %add3A_1073, %mul3A_1021 : i32
        %add3A_1075 = arith.constant 1 : i32
        %add3A_1076 = arith.addi %add3A_1074, %add3A_1075 : i32
        %get3A_1077 = arith.index_cast %add3A_1076 : i32 to index
        %get3A_1078 = arith.constant 0 : index
        %get3A_1079 = tpu.vector_load %arg11[%get3A_1077, %get3A_1078] {strides = array<i32>} : memref<128x128xf32, #tpu.memory_space<vmem>>, vector<16xf32>,
        %mul3A_1080 = arith.mulf %gather3A_1072, %get3A_1079 : vector<16xf32>
        %add3A_1081 = arith.addf %add3A_1033, %mul3A_1080 : vector<16xf32>
        %get3A_1082 = arith.index_cast %add3A_1076 : i32 to index
        %get3A_1083 = arith.constant 16 : index
        %get3A_1084 = tpu.vector_load %arg11[%get3A_1082, %get3A_1083] {strides = array<i32>} : memref<128x128xf32, #tpu.memory_space<vmem>>, vector<16xf32>,
        %mul3A_1085 = arith.mulf %gather3A_1072, %get3A_1084 : vector<16xf32>
        %add3A_1086 = arith.addf %add3A_1038, %mul3A_1085 : vector<16xf32>
        %get3A_1087 = arith.index_cast %add3A_1076 : i32 to index
        %get3A_1088 = arith.constant 32 : index
        %get3A_1089 = tpu.vector_load %arg11[%get3A_1087, %get3A_1088] {strides = array<i32>} : memref<128x128xf32, #tpu.memory_space<vmem>>, vector<16xf32>,
        %mul3A_1090 = arith.mulf %gather3A_1072, %get3A_1089 : vector<16xf32>
        %add3A_1091 = arith.addf %add3A_1043, %mul3A_1090 : vector<16xf32>
        %get3A_1092 = arith.index_cast %add3A_1076 : i32 to index
        %get3A_1093 = arith.constant 48 : index
        %get3A_1094 = tpu.vector_load %arg11[%get3A_1092, %get3A_1093] {strides = array<i32>} : memref<128x128xf32, #tpu.memory_space<vmem>>, vector<16xf32>,
        %mul3A_1095 = arith.mulf %gather3A_1072, %get3A_1094 : vector<16xf32>
        %add3A_1096 = arith.addf %add3A_1048, %mul3A_1095 : vector<16xf32>
        %get3A_1097 = arith.index_cast %add3A_1076 : i32 to index
        %get3A_1098 = arith.constant 64 : index
        %get3A_1099 = tpu.vector_load %arg11[%get3A_1097, %get3A_1098] {strides = array<i32>} : memref<128x128xf32, #tpu.memory_space<vmem>>, vector<16xf32>,
        %mul3A_1100 = arith.mulf %gather3A_1072, %get3A_1099 : vector<16xf32>
        %add3A_1101 = arith.addf %add3A_1053, %mul3A_1100 : vector<16xf32>
        %get3A_1102 = arith.index_cast %add3A_1076 : i32 to index
        %get3A_1103 = arith.constant 80 : index
        %get3A_1104 = tpu.vector_load %arg11[%get3A_1102, %get3A_1103] {strides = array<i32>} : memref<128x128xf32, #tpu.memory_space<vmem>>, vector<16xf32>,
        %mul3A_1105 = arith.mulf %gather3A_1072, %get3A_1104 : vector<16xf32>
        %add3A_1106 = arith.addf %add3A_1058, %mul3A_1105 : vector<16xf32>
        %get3A_1107 = arith.index_cast %add3A_1076 : i32 to index
        %get3A_1108 = arith.constant 96 : index
        %get3A_1109 = tpu.vector_load %arg11[%get3A_1107, %get3A_1108] {strides = array<i32>} : memref<128x128xf32, #tpu.memory_space<vmem>>, vector<16xf32>,
        %mul3A_1110 = arith.mulf %gather3A_1072, %get3A_1109 : vector<16xf32>
        %add3A_1111 = arith.addf %add3A_1063, %mul3A_1110 : vector<16xf32>
        %get3A_1112 = arith.index_cast %add3A_1076 : i32 to index
        %get3A_1113 = arith.constant 112 : index
        %get3A_1114 = tpu.vector_load %arg11[%get3A_1112, %get3A_1113] {strides = array<i32>} : memref<128x128xf32, #tpu.memory_space<vmem>>, vector<16xf32>,
        %mul3A_1115 = arith.mulf %gather3A_1072, %get3A_1114 : vector<16xf32>
        %add3A_1116 = arith.addf %add3A_1068, %mul3A_1115 : vector<16xf32>
        %add3A_1117 = arith.constant 2 : i32
        %add3A_1118 = arith.addi %mul3A_1021, %add3A_1117 : i32
        %broadcast_in_dim3A_1119 = vector.broadcast %add3A_1118 : i32 to vector<16xi32>
        %gather3A_1120 = tpu.vector_load_idx %arg9[%broadcast_in_dim3A, %broadcast_in_dim3A_1119] : memref<18x64xf32, #tpu.memory_space<vmem>>[vector<16xi32>, vector<16xi32>], vector<16xf32>,
        %add3A_1121 = arith.constant 0 : i32
        %add3A_1122 = arith.addi %add3A_1121, %mul3A_1021 : i32
        %add3A_1123 = arith.constant 2 : i32
        %add3A_1124 = arith.addi %add3A_1122, %add3A_1123 : i32
        %get3A_1125 = arith.index_cast %add3A_1124 : i32 to index
        %get3A_1126 = arith.constant 0 : index
        %get3A_1127 = tpu.vector_load %arg11[%get3A_1125, %get3A_1126] {strides = array<i32>} : memref<128x128xf32, #tpu.memory_space<vmem>>, vector<16xf32>,
        %mul3A_1128 = arith.mulf %gather3A_1120, %get3A_1127 : vector<16xf32>
        %add3A_1129 = arith.addf %add3A_1081, %mul3A_1128 : vector<16xf32>
        %get3A_1130 = arith.index_cast %add3A_1124 : i32 to index
        %get3A_1131 = arith.constant 16 : index
        %get3A_1132 = tpu.vector_load %arg11[%get3A_1130, %get3A_1131] {strides = array<i32>} : memref<128x128xf32, #tpu.memory_space<vmem>>, vector<16xf32>,
        %mul3A_1133 = arith.mulf %gather3A_1120, %get3A_1132 : vector<16xf32>
        %add3A_1134 = arith.addf %add3A_1086, %mul3A_1133 : vector<16xf32>
        %get3A_1135 = arith.index_cast %add3A_1124 : i32 to index
        %get3A_1136 = arith.constant 32 : index
        %get3A_1137 = tpu.vector_load %arg11[%get3A_1135, %get3A_1136] {strides = array<i32>} : memref<128x128xf32, #tpu.memory_space<vmem>>, vector<16xf32>,
        %mul3A_1138 = arith.mulf %gather3A_1120, %get3A_1137 : vector<16xf32>
        %add3A_1139 = arith.addf %add3A_1091, %mul3A_1138 : vector<16xf32>
        %get3A_1140 = arith.index_cast %add3A_1124 : i32 to index
        %get3A_1141 = arith.constant 48 : index
        %get3A_1142 = tpu.vector_load %arg11[%get3A_1140, %get3A_1141] {strides = array<i32>} : memref<128x128xf32, #tpu.memory_space<vmem>>, vector<16xf32>,
        %mul3A_1143 = arith.mulf %gather3A_1120, %get3A_1142 : vector<16xf32>
        %add3A_1144 = arith.addf %add3A_1096, %mul3A_1143 : vector<16xf32>
        %get3A_1145 = arith.index_cast %add3A_1124 : i32 to index
        %get3A_1146 = arith.constant 64 : index
        %get3A_1147 = tpu.vector_load %arg11[%get3A_1145, %get3A_1146] {strides = array<i32>} : memref<128x128xf32, #tpu.memory_space<vmem>>, vector<16xf32>,
        %mul3A_1148 = arith.mulf %gather3A_1120, %get3A_1147 : vector<16xf32>
        %add3A_1149 = arith.addf %add3A_1101, %mul3A_1148 : vector<16xf32>
        %get3A_1150 = arith.index_cast %add3A_1124 : i32 to index
        %get3A_1151 = arith.constant 80 : index
        %get3A_1152 = tpu.vector_load %arg11[%get3A_1150, %get3A_1151] {strides = array<i32>} : memref<128x128xf32, #tpu.memory_space<vmem>>, vector<16xf32>,
        %mul3A_1153 = arith.mulf %gather3A_1120, %get3A_1152 : vector<16xf32>
        %add3A_1154 = arith.addf %add3A_1106, %mul3A_1153 : vector<16xf32>
        %get3A_1155 = arith.index_cast %add3A_1124 : i32 to index
        %get3A_1156 = arith.constant 96 : index
        %get3A_1157 = tpu.vector_load %arg11[%get3A_1155, %get3A_1156] {strides = array<i32>} : memref<128x128xf32, #tpu.memory_space<vmem>>, vector<16xf32>,
        %mul3A_1158 = arith.mulf %gather3A_1120, %get3A_1157 : vector<16xf32>
        %add3A_1159 = arith.addf %add3A_1111, %mul3A_1158 : vector<16xf32>
        %get3A_1160 = arith.index_cast %add3A_1124 : i32 to index
        %get3A_1161 = arith.constant 112 : index
        %get3A_1162 = tpu.vector_load %arg11[%get3A_1160, %get3A_1161] {strides = array<i32>} : memref<128x128xf32, #tpu.memory_space<vmem>>, vector<16xf32>,
        %mul3A_1163 = arith.mulf %gather3A_1120, %get3A_1162 : vector<16xf32>
        %add3A_1164 = arith.addf %add3A_1116, %mul3A_1163 : vector<16xf32>
        %add3A_1165 = arith.constant 3 : i32
        %add3A_1166 = arith.addi %mul3A_1021, %add3A_1165 : i32
        %broadcast_in_dim3A_1167 = vector.broadcast %add3A_1166 : i32 to vector<16xi32>
        %gather3A_1168 = tpu.vector_load_idx %arg9[%broadcast_in_dim3A, %broadcast_in_dim3A_1167] : memref<18x64xf32, #tpu.memory_space<vmem>>[vector<16xi32>, vector<16xi32>], vector<16xf32>,
        %add3A_1169 = arith.constant 0 : i32
        %add3A_1170 = arith.addi %add3A_1169, %mul3A_1021 : i32
        %add3A_1171 = arith.constant 3 : i32
        %add3A_1172 = arith.addi %add3A_1170, %add3A_1171 : i32
        %get3A_1173 = arith.index_cast %add3A_1172 : i32 to index
        %get3A_1174 = arith.constant 0 : index
        %get3A_1175 = tpu.vector_load %arg11[%get3A_1173, %get3A_1174] {strides = array<i32>} : memref<128x128xf32, #tpu.memory_space<vmem>>, vector<16xf32>,
        %mul3A_1176 = arith.mulf %gather3A_1168, %get3A_1175 : vector<16xf32>
        %add3A_1177 = arith.addf %add3A_1129, %mul3A_1176 : vector<16xf32>
        %get3A_1178 = arith.index_cast %add3A_1172 : i32 to index
        %get3A_1179 = arith.constant 16 : index
        %get3A_1180 = tpu.vector_load %arg11[%get3A_1178, %get3A_1179] {strides = array<i32>} : memref<128x128xf32, #tpu.memory_space<vmem>>, vector<16xf32>,
        %mul3A_1181 = arith.mulf %gather3A_1168, %get3A_1180 : vector<16xf32>
        %add3A_1182 = arith.addf %add3A_1134, %mul3A_1181 : vector<16xf32>
        %get3A_1183 = arith.index_cast %add3A_1172 : i32 to index
        %get3A_1184 = arith.constant 32 : index
        %get3A_1185 = tpu.vector_load %arg11[%get3A_1183, %get3A_1184] {strides = array<i32>} : memref<128x128xf32, #tpu.memory_space<vmem>>, vector<16xf32>,
        %mul3A_1186 = arith.mulf %gather3A_1168, %get3A_1185 : vector<16xf32>
        %add3A_1187 = arith.addf %add3A_1139, %mul3A_1186 : vector<16xf32>
        %get3A_1188 = arith.index_cast %add3A_1172 : i32 to index
        %get3A_1189 = arith.constant 48 : index
        %get3A_1190 = tpu.vector_load %arg11[%get3A_1188, %get3A_1189] {strides = array<i32>} : memref<128x128xf32, #tpu.memory_space<vmem>>, vector<16xf32>,
        %mul3A_1191 = arith.mulf %gather3A_1168, %get3A_1190 : vector<16xf32>
        %add3A_1192 = arith.addf %add3A_1144, %mul3A_1191 : vector<16xf32>
        %get3A_1193 = arith.index_cast %add3A_1172 : i32 to index
        %get3A_1194 = arith.constant 64 : index
        %get3A_1195 = tpu.vector_load %arg11[%get3A_1193, %get3A_1194] {strides = array<i32>} : memref<128x128xf32, #tpu.memory_space<vmem>>, vector<16xf32>,
        %mul3A_1196 = arith.mulf %gather3A_1168, %get3A_1195 : vector<16xf32>
        %add3A_1197 = arith.addf %add3A_1149, %mul3A_1196 : vector<16xf32>
        %get3A_1198 = arith.index_cast %add3A_1172 : i32 to index
        %get3A_1199 = arith.constant 80 : index
        %get3A_1200 = tpu.vector_load %arg11[%get3A_1198, %get3A_1199] {strides = array<i32>} : memref<128x128xf32, #tpu.memory_space<vmem>>, vector<16xf32>,
        %mul3A_1201 = arith.mulf %gather3A_1168, %get3A_1200 : vector<16xf32>
        %add3A_1202 = arith.addf %add3A_1154, %mul3A_1201 : vector<16xf32>
        %get3A_1203 = arith.index_cast %add3A_1172 : i32 to index
        %get3A_1204 = arith.constant 96 : index
        %get3A_1205 = tpu.vector_load %arg11[%get3A_1203, %get3A_1204] {strides = array<i32>} : memref<128x128xf32, #tpu.memory_space<vmem>>, vector<16xf32>,
        %mul3A_1206 = arith.mulf %gather3A_1168, %get3A_1205 : vector<16xf32>
        %add3A_1207 = arith.addf %add3A_1159, %mul3A_1206 : vector<16xf32>
        %get3A_1208 = arith.index_cast %add3A_1172 : i32 to index
        %get3A_1209 = arith.constant 112 : index
        %get3A_1210 = tpu.vector_load %arg11[%get3A_1208, %get3A_1209] {strides = array<i32>} : memref<128x128xf32, #tpu.memory_space<vmem>>, vector<16xf32>,
        %mul3A_1211 = arith.mulf %gather3A_1168, %get3A_1210 : vector<16xf32>
        %add3A_1212 = arith.addf %add3A_1164, %mul3A_1211 : vector<16xf32>
        %add3A_1213 = arith.constant 4 : i32
        %add3A_1214 = arith.addi %mul3A_1021, %add3A_1213 : i32
        %broadcast_in_dim3A_1215 = vector.broadcast %add3A_1214 : i32 to vector<16xi32>
        %gather3A_1216 = tpu.vector_load_idx %arg9[%broadcast_in_dim3A, %broadcast_in_dim3A_1215] : memref<18x64xf32, #tpu.memory_space<vmem>>[vector<16xi32>, vector<16xi32>], vector<16xf32>,
        %add3A_1217 = arith.constant 0 : i32
        %add3A_1218 = arith.addi %add3A_1217, %mul3A_1021 : i32
        %add3A_1219 = arith.constant 4 : i32
        %add3A_1220 = arith.addi %add3A_1218, %add3A_1219 : i32
        %get3A_1221 = arith.index_cast %add3A_1220 : i32 to index
        %get3A_1222 = arith.constant 0 : index
        %get3A_1223 = tpu.vector_load %arg11[%get3A_1221, %get3A_1222] {strides = array<i32>} : memref<128x128xf32, #tpu.memory_space<vmem>>, vector<16xf32>,
        %mul3A_1224 = arith.mulf %gather3A_1216, %get3A_1223 : vector<16xf32>
        %add3A_1225 = arith.addf %add3A_1177, %mul3A_1224 : vector<16xf32>
        %get3A_1226 = arith.index_cast %add3A_1220 : i32 to index
        %get3A_1227 = arith.constant 16 : index
        %get3A_1228 = tpu.vector_load %arg11[%get3A_1226, %get3A_1227] {strides = array<i32>} : memref<128x128xf32, #tpu.memory_space<vmem>>, vector<16xf32>,
        %mul3A_1229 = arith.mulf %gather3A_1216, %get3A_1228 : vector<16xf32>
        %add3A_1230 = arith.addf %add3A_1182, %mul3A_1229 : vector<16xf32>
        %get3A_1231 = arith.index_cast %add3A_1220 : i32 to index
        %get3A_1232 = arith.constant 32 : index
        %get3A_1233 = tpu.vector_load %arg11[%get3A_1231, %get3A_1232] {strides = array<i32>} : memref<128x128xf32, #tpu.memory_space<vmem>>, vector<16xf32>,
        %mul3A_1234 = arith.mulf %gather3A_1216, %get3A_1233 : vector<16xf32>
        %add3A_1235 = arith.addf %add3A_1187, %mul3A_1234 : vector<16xf32>
        %get3A_1236 = arith.index_cast %add3A_1220 : i32 to index
        %get3A_1237 = arith.constant 48 : index
        %get3A_1238 = tpu.vector_load %arg11[%get3A_1236, %get3A_1237] {strides = array<i32>} : memref<128x128xf32, #tpu.memory_space<vmem>>, vector<16xf32>,
        %mul3A_1239 = arith.mulf %gather3A_1216, %get3A_1238 : vector<16xf32>
        %add3A_1240 = arith.addf %add3A_1192, %mul3A_1239 : vector<16xf32>
        %get3A_1241 = arith.index_cast %add3A_1220 : i32 to index
        %get3A_1242 = arith.constant 64 : index
        %get3A_1243 = tpu.vector_load %arg11[%get3A_1241, %get3A_1242] {strides = array<i32>} : memref<128x128xf32, #tpu.memory_space<vmem>>, vector<16xf32>,
        %mul3A_1244 = arith.mulf %gather3A_1216, %get3A_1243 : vector<16xf32>
        %add3A_1245 = arith.addf %add3A_1197, %mul3A_1244 : vector<16xf32>
        %get3A_1246 = arith.index_cast %add3A_1220 : i32 to index
        %get3A_1247 = arith.constant 80 : index
        %get3A_1248 = tpu.vector_load %arg11[%get3A_1246, %get3A_1247] {strides = array<i32>} : memref<128x128xf32, #tpu.memory_space<vmem>>, vector<16xf32>,
        %mul3A_1249 = arith.mulf %gather3A_1216, %get3A_1248 : vector<16xf32>
        %add3A_1250 = arith.addf %add3A_1202, %mul3A_1249 : vector<16xf32>
        %get3A_1251 = arith.index_cast %add3A_1220 : i32 to index
        %get3A_1252 = arith.constant 96 : index
        %get3A_1253 = tpu.vector_load %arg11[%get3A_1251, %get3A_1252] {strides = array<i32>} : memref<128x128xf32, #tpu.memory_space<vmem>>, vector<16xf32>,
        %mul3A_1254 = arith.mulf %gather3A_1216, %get3A_1253 : vector<16xf32>
        %add3A_1255 = arith.addf %add3A_1207, %mul3A_1254 : vector<16xf32>
        %get3A_1256 = arith.index_cast %add3A_1220 : i32 to index
        %get3A_1257 = arith.constant 112 : index
        %get3A_1258 = tpu.vector_load %arg11[%get3A_1256, %get3A_1257] {strides = array<i32>} : memref<128x128xf32, #tpu.memory_space<vmem>>, vector<16xf32>,
        %mul3A_1259 = arith.mulf %gather3A_1216, %get3A_1258 : vector<16xf32>
        %add3A_1260 = arith.addf %add3A_1212, %mul3A_1259 : vector<16xf32>
        %add3A_1261 = arith.constant 5 : i32
        %add3A_1262 = arith.addi %mul3A_1021, %add3A_1261 : i32
        %broadcast_in_dim3A_1263 = vector.broadcast %add3A_1262 : i32 to vector<16xi32>
        %gather3A_1264 = tpu.vector_load_idx %arg9[%broadcast_in_dim3A, %broadcast_in_dim3A_1263] : memref<18x64xf32, #tpu.memory_space<vmem>>[vector<16xi32>, vector<16xi32>], vector<16xf32>,
        %add3A_1265 = arith.constant 0 : i32
        %add3A_1266 = arith.addi %add3A_1265, %mul3A_1021 : i32
        %add3A_1267 = arith.constant 5 : i32
        %add3A_1268 = arith.addi %add3A_1266, %add3A_1267 : i32
        %get3A_1269 = arith.index_cast %add3A_1268 : i32 to index
        %get3A_1270 = arith.constant 0 : index
        %get3A_1271 = tpu.vector_load %arg11[%get3A_1269, %get3A_1270] {strides = array<i32>} : memref<128x128xf32, #tpu.memory_space<vmem>>, vector<16xf32>,
        %mul3A_1272 = arith.mulf %gather3A_1264, %get3A_1271 : vector<16xf32>
        %add3A_1273 = arith.addf %add3A_1225, %mul3A_1272 : vector<16xf32>
        %get3A_1274 = arith.index_cast %add3A_1268 : i32 to index
        %get3A_1275 = arith.constant 16 : index
        %get3A_1276 = tpu.vector_load %arg11[%get3A_1274, %get3A_1275] {strides = array<i32>} : memref<128x128xf32, #tpu.memory_space<vmem>>, vector<16xf32>,
        %mul3A_1277 = arith.mulf %gather3A_1264, %get3A_1276 : vector<16xf32>
        %add3A_1278 = arith.addf %add3A_1230, %mul3A_1277 : vector<16xf32>
        %get3A_1279 = arith.index_cast %add3A_1268 : i32 to index
        %get3A_1280 = arith.constant 32 : index
        %get3A_1281 = tpu.vector_load %arg11[%get3A_1279, %get3A_1280] {strides = array<i32>} : memref<128x128xf32, #tpu.memory_space<vmem>>, vector<16xf32>,
        %mul3A_1282 = arith.mulf %gather3A_1264, %get3A_1281 : vector<16xf32>
        %add3A_1283 = arith.addf %add3A_1235, %mul3A_1282 : vector<16xf32>
        %get3A_1284 = arith.index_cast %add3A_1268 : i32 to index
        %get3A_1285 = arith.constant 48 : index
        %get3A_1286 = tpu.vector_load %arg11[%get3A_1284, %get3A_1285] {strides = array<i32>} : memref<128x128xf32, #tpu.memory_space<vmem>>, vector<16xf32>,
        %mul3A_1287 = arith.mulf %gather3A_1264, %get3A_1286 : vector<16xf32>
        %add3A_1288 = arith.addf %add3A_1240, %mul3A_1287 : vector<16xf32>
        %get3A_1289 = arith.index_cast %add3A_1268 : i32 to index
        %get3A_1290 = arith.constant 64 : index
        %get3A_1291 = tpu.vector_load %arg11[%get3A_1289, %get3A_1290] {strides = array<i32>} : memref<128x128xf32, #tpu.memory_space<vmem>>, vector<16xf32>,
        %mul3A_1292 = arith.mulf %gather3A_1264, %get3A_1291 : vector<16xf32>
        %add3A_1293 = arith.addf %add3A_1245, %mul3A_1292 : vector<16xf32>
        %get3A_1294 = arith.index_cast %add3A_1268 : i32 to index
        %get3A_1295 = arith.constant 80 : index
        %get3A_1296 = tpu.vector_load %arg11[%get3A_1294, %get3A_1295] {strides = array<i32>} : memref<128x128xf32, #tpu.memory_space<vmem>>, vector<16xf32>,
        %mul3A_1297 = arith.mulf %gather3A_1264, %get3A_1296 : vector<16xf32>
        %add3A_1298 = arith.addf %add3A_1250, %mul3A_1297 : vector<16xf32>
        %get3A_1299 = arith.index_cast %add3A_1268 : i32 to index
        %get3A_1300 = arith.constant 96 : index
        %get3A_1301 = tpu.vector_load %arg11[%get3A_1299, %get3A_1300] {strides = array<i32>} : memref<128x128xf32, #tpu.memory_space<vmem>>, vector<16xf32>,
        %mul3A_1302 = arith.mulf %gather3A_1264, %get3A_1301 : vector<16xf32>
        %add3A_1303 = arith.addf %add3A_1255, %mul3A_1302 : vector<16xf32>
        %get3A_1304 = arith.index_cast %add3A_1268 : i32 to index
        %get3A_1305 = arith.constant 112 : index
        %get3A_1306 = tpu.vector_load %arg11[%get3A_1304, %get3A_1305] {strides = array<i32>} : memref<128x128xf32, #tpu.memory_space<vmem>>, vector<16xf32>,
        %mul3A_1307 = arith.mulf %gather3A_1264, %get3A_1306 : vector<16xf32>
        %add3A_1308 = arith.addf %add3A_1260, %mul3A_1307 : vector<16xf32>
        %add3A_1309 = arith.constant 6 : i32
        %add3A_1310 = arith.addi %mul3A_1021, %add3A_1309 : i32
        %broadcast_in_dim3A_1311 = vector.broadcast %add3A_1310 : i32 to vector<16xi32>
        %gather3A_1312 = tpu.vector_load_idx %arg9[%broadcast_in_dim3A, %broadcast_in_dim3A_1311] : memref<18x64xf32, #tpu.memory_space<vmem>>[vector<16xi32>, vector<16xi32>], vector<16xf32>,
        %add3A_1313 = arith.constant 0 : i32
        %add3A_1314 = arith.addi %add3A_1313, %mul3A_1021 : i32
        %add3A_1315 = arith.constant 6 : i32
        %add3A_1316 = arith.addi %add3A_1314, %add3A_1315 : i32
        %get3A_1317 = arith.index_cast %add3A_1316 : i32 to index
        %get3A_1318 = arith.constant 0 : index
        %get3A_1319 = tpu.vector_load %arg11[%get3A_1317, %get3A_1318] {strides = array<i32>} : memref<128x128xf32, #tpu.memory_space<vmem>>, vector<16xf32>,
        %mul3A_1320 = arith.mulf %gather3A_1312, %get3A_1319 : vector<16xf32>
        %add3A_1321 = arith.addf %add3A_1273, %mul3A_1320 : vector<16xf32>
        %get3A_1322 = arith.index_cast %add3A_1316 : i32 to index
        %get3A_1323 = arith.constant 16 : index
        %get3A_1324 = tpu.vector_load %arg11[%get3A_1322, %get3A_1323] {strides = array<i32>} : memref<128x128xf32, #tpu.memory_space<vmem>>, vector<16xf32>,
        %mul3A_1325 = arith.mulf %gather3A_1312, %get3A_1324 : vector<16xf32>
        %add3A_1326 = arith.addf %add3A_1278, %mul3A_1325 : vector<16xf32>
        %get3A_1327 = arith.index_cast %add3A_1316 : i32 to index
        %get3A_1328 = arith.constant 32 : index
        %get3A_1329 = tpu.vector_load %arg11[%get3A_1327, %get3A_1328] {strides = array<i32>} : memref<128x128xf32, #tpu.memory_space<vmem>>, vector<16xf32>,
        %mul3A_1330 = arith.mulf %gather3A_1312, %get3A_1329 : vector<16xf32>
        %add3A_1331 = arith.addf %add3A_1283, %mul3A_1330 : vector<16xf32>
        %get3A_1332 = arith.index_cast %add3A_1316 : i32 to index
        %get3A_1333 = arith.constant 48 : index
        %get3A_1334 = tpu.vector_load %arg11[%get3A_1332, %get3A_1333] {strides = array<i32>} : memref<128x128xf32, #tpu.memory_space<vmem>>, vector<16xf32>,
        %mul3A_1335 = arith.mulf %gather3A_1312, %get3A_1334 : vector<16xf32>
        %add3A_1336 = arith.addf %add3A_1288, %mul3A_1335 : vector<16xf32>
        %get3A_1337 = arith.index_cast %add3A_1316 : i32 to index
        %get3A_1338 = arith.constant 64 : index
        %get3A_1339 = tpu.vector_load %arg11[%get3A_1337, %get3A_1338] {strides = array<i32>} : memref<128x128xf32, #tpu.memory_space<vmem>>, vector<16xf32>,
        %mul3A_1340 = arith.mulf %gather3A_1312, %get3A_1339 : vector<16xf32>
        %add3A_1341 = arith.addf %add3A_1293, %mul3A_1340 : vector<16xf32>
        %get3A_1342 = arith.index_cast %add3A_1316 : i32 to index
        %get3A_1343 = arith.constant 80 : index
        %get3A_1344 = tpu.vector_load %arg11[%get3A_1342, %get3A_1343] {strides = array<i32>} : memref<128x128xf32, #tpu.memory_space<vmem>>, vector<16xf32>,
        %mul3A_1345 = arith.mulf %gather3A_1312, %get3A_1344 : vector<16xf32>
        %add3A_1346 = arith.addf %add3A_1298, %mul3A_1345 : vector<16xf32>
        %get3A_1347 = arith.index_cast %add3A_1316 : i32 to index
        %get3A_1348 = arith.constant 96 : index
        %get3A_1349 = tpu.vector_load %arg11[%get3A_1347, %get3A_1348] {strides = array<i32>} : memref<128x128xf32, #tpu.memory_space<vmem>>, vector<16xf32>,
        %mul3A_1350 = arith.mulf %gather3A_1312, %get3A_1349 : vector<16xf32>
        %add3A_1351 = arith.addf %add3A_1303, %mul3A_1350 : vector<16xf32>
        %get3A_1352 = arith.index_cast %add3A_1316 : i32 to index
        %get3A_1353 = arith.constant 112 : index
        %get3A_1354 = tpu.vector_load %arg11[%get3A_1352, %get3A_1353] {strides = array<i32>} : memref<128x128xf32, #tpu.memory_space<vmem>>, vector<16xf32>,
        %mul3A_1355 = arith.mulf %gather3A_1312, %get3A_1354 : vector<16xf32>
        %add3A_1356 = arith.addf %add3A_1308, %mul3A_1355 : vector<16xf32>
        %add3A_1357 = arith.constant 7 : i32
        %add3A_1358 = arith.addi %mul3A_1021, %add3A_1357 : i32
        %broadcast_in_dim3A_1359 = vector.broadcast %add3A_1358 : i32 to vector<16xi32>
        %gather3A_1360 = tpu.vector_load_idx %arg9[%broadcast_in_dim3A, %broadcast_in_dim3A_1359] : memref<18x64xf32, #tpu.memory_space<vmem>>[vector<16xi32>, vector<16xi32>], vector<16xf32>,
        %add3A_1361 = arith.constant 0 : i32
        %add3A_1362 = arith.addi %add3A_1361, %mul3A_1021 : i32
        %add3A_1363 = arith.constant 7 : i32
        %add3A_1364 = arith.addi %add3A_1362, %add3A_1363 : i32
        %get3A_1365 = arith.index_cast %add3A_1364 : i32 to index
        %get3A_1366 = arith.constant 0 : index
        %get3A_1367 = tpu.vector_load %arg11[%get3A_1365, %get3A_1366] {strides = array<i32>} : memref<128x128xf32, #tpu.memory_space<vmem>>, vector<16xf32>,
        %mul3A_1368 = arith.mulf %gather3A_1360, %get3A_1367 : vector<16xf32>
        %add3A_1369 = arith.addf %add3A_1321, %mul3A_1368 : vector<16xf32>
        %get3A_1370 = arith.index_cast %add3A_1364 : i32 to index
        %get3A_1371 = arith.constant 16 : index
        %get3A_1372 = tpu.vector_load %arg11[%get3A_1370, %get3A_1371] {strides = array<i32>} : memref<128x128xf32, #tpu.memory_space<vmem>>, vector<16xf32>,
        %mul3A_1373 = arith.mulf %gather3A_1360, %get3A_1372 : vector<16xf32>
        %add3A_1374 = arith.addf %add3A_1326, %mul3A_1373 : vector<16xf32>
        %get3A_1375 = arith.index_cast %add3A_1364 : i32 to index
        %get3A_1376 = arith.constant 32 : index
        %get3A_1377 = tpu.vector_load %arg11[%get3A_1375, %get3A_1376] {strides = array<i32>} : memref<128x128xf32, #tpu.memory_space<vmem>>, vector<16xf32>,
        %mul3A_1378 = arith.mulf %gather3A_1360, %get3A_1377 : vector<16xf32>
        %add3A_1379 = arith.addf %add3A_1331, %mul3A_1378 : vector<16xf32>
        %get3A_1380 = arith.index_cast %add3A_1364 : i32 to index
        %get3A_1381 = arith.constant 48 : index
        %get3A_1382 = tpu.vector_load %arg11[%get3A_1380, %get3A_1381] {strides = array<i32>} : memref<128x128xf32, #tpu.memory_space<vmem>>, vector<16xf32>,
        %mul3A_1383 = arith.mulf %gather3A_1360, %get3A_1382 : vector<16xf32>
        %add3A_1384 = arith.addf %add3A_1336, %mul3A_1383 : vector<16xf32>
        %get3A_1385 = arith.index_cast %add3A_1364 : i32 to index
        %get3A_1386 = arith.constant 64 : index
        %get3A_1387 = tpu.vector_load %arg11[%get3A_1385, %get3A_1386] {strides = array<i32>} : memref<128x128xf32, #tpu.memory_space<vmem>>, vector<16xf32>,
        %mul3A_1388 = arith.mulf %gather3A_1360, %get3A_1387 : vector<16xf32>
        %add3A_1389 = arith.addf %add3A_1341, %mul3A_1388 : vector<16xf32>
        %get3A_1390 = arith.index_cast %add3A_1364 : i32 to index
        %get3A_1391 = arith.constant 80 : index
        %get3A_1392 = tpu.vector_load %arg11[%get3A_1390, %get3A_1391] {strides = array<i32>} : memref<128x128xf32, #tpu.memory_space<vmem>>, vector<16xf32>,
        %mul3A_1393 = arith.mulf %gather3A_1360, %get3A_1392 : vector<16xf32>
        %add3A_1394 = arith.addf %add3A_1346, %mul3A_1393 : vector<16xf32>
        %get3A_1395 = arith.index_cast %add3A_1364 : i32 to index
        %get3A_1396 = arith.constant 96 : index
        %get3A_1397 = tpu.vector_load %arg11[%get3A_1395, %get3A_1396] {strides = array<i32>} : memref<128x128xf32, #tpu.memory_space<vmem>>, vector<16xf32>,
        %mul3A_1398 = arith.mulf %gather3A_1360, %get3A_1397 : vector<16xf32>
        %add3A_1399 = arith.addf %add3A_1351, %mul3A_1398 : vector<16xf32>
        %get3A_1400 = arith.index_cast %add3A_1364 : i32 to index
        %get3A_1401 = arith.constant 112 : index
        %get3A_1402 = tpu.vector_load %arg11[%get3A_1400, %get3A_1401] {strides = array<i32>} : memref<128x128xf32, #tpu.memory_space<vmem>>, vector<16xf32>,
        %mul3A_1403 = arith.mulf %gather3A_1360, %get3A_1402 : vector<16xf32>
        %add3A_1404 = arith.addf %add3A_1356, %mul3A_1403 : vector<16xf32>
        scf.yield %add3A_1369, %add3A_1374, %add3A_1379, %add3A_1384, %add3A_1389, %add3A_1394, %add3A_1399, %add3A_1404 : vector<16xf32>, vector<16xf32>, vector<16xf32>, vector<16xf32>, vector<16xf32>, vector<16xf32>, vector<16xf32>, vector<16xf32>
      }
      %scan3A_695 = arith.constant 8 : i32
      %swap3A_696 = arith.index_cast %mul3A_673 : i32 to index
      %swap3A_697 = arith.constant 0 : index
      %swap3A_698 = tpu.vector_load %arg10[%swap3A_696, %swap3A_697] {strides = array<i32>} : memref<18x128xf32, #tpu.memory_space<vmem>>, vector<16xf32>,
      tpu.vector_store %arg10[%swap3A_696, %swap3A_697], %scan3A_694#0 {strides = array<i32>} : memref<18x128xf32, #tpu.memory_space<vmem>>, vector<16xf32>,
      %swap3A_699 = arith.index_cast %mul3A_673 : i32 to index
      %swap3A_700 = arith.constant 16 : index
      %swap3A_701 = tpu.vector_load %arg10[%swap3A_699, %swap3A_700] {strides = array<i32>} : memref<18x128xf32, #tpu.memory_space<vmem>>, vector<16xf32>,
      tpu.vector_store %arg10[%swap3A_699, %swap3A_700], %scan3A_694#1 {strides = array<i32>} : memref<18x128xf32, #tpu.memory_space<vmem>>, vector<16xf32>,
      %swap3A_702 = arith.index_cast %mul3A_673 : i32 to index
      %swap3A_703 = arith.constant 32 : index
      %swap3A_704 = tpu.vector_load %arg10[%swap3A_702, %swap3A_703] {strides = array<i32>} : memref<18x128xf32, #tpu.memory_space<vmem>>, vector<16xf32>,
      tpu.vector_store %arg10[%swap3A_702, %swap3A_703], %scan3A_694#2 {strides = array<i32>} : memref<18x128xf32, #tpu.memory_space<vmem>>, vector<16xf32>,
      %swap3A_705 = arith.index_cast %mul3A_673 : i32 to index
      %swap3A_706 = arith.constant 48 : index
      %swap3A_707 = tpu.vector_load %arg10[%swap3A_705, %swap3A_706] {strides = array<i32>} : memref<18x128xf32, #tpu.memory_space<vmem>>, vector<16xf32>,
      tpu.vector_store %arg10[%swap3A_705, %swap3A_706], %scan3A_694#3 {strides = array<i32>} : memref<18x128xf32, #tpu.memory_space<vmem>>, vector<16xf32>,
      %swap3A_708 = arith.index_cast %mul3A_673 : i32 to index
      %swap3A_709 = arith.constant 64 : index
      %swap3A_710 = tpu.vector_load %arg10[%swap3A_708, %swap3A_709] {strides = array<i32>} : memref<18x128xf32, #tpu.memory_space<vmem>>, vector<16xf32>,
      tpu.vector_store %arg10[%swap3A_708, %swap3A_709], %scan3A_694#4 {strides = array<i32>} : memref<18x128xf32, #tpu.memory_space<vmem>>, vector<16xf32>,
      %swap3A_711 = arith.index_cast %mul3A_673 : i32 to index
      %swap3A_712 = arith.constant 80 : index
      %swap3A_713 = tpu.vector_load %arg10[%swap3A_711, %swap3A_712] {strides = array<i32>} : memref<18x128xf32, #tpu.memory_space<vmem>>, vector<16xf32>,
      tpu.vector_store %arg10[%swap3A_711, %swap3A_712], %scan3A_694#5 {strides = array<i32>} : memref<18x128xf32, #tpu.memory_space<vmem>>, vector<16xf32>,
      %swap3A_714 = arith.index_cast %mul3A_673 : i32 to index
      %swap3A_715 = arith.constant 96 : index
      %swap3A_716 = tpu.vector_load %arg10[%swap3A_714, %swap3A_715] {strides = array<i32>} : memref<18x128xf32, #tpu.memory_space<vmem>>, vector<16xf32>,
      tpu.vector_store %arg10[%swap3A_714, %swap3A_715], %scan3A_694#6 {strides = array<i32>} : memref<18x128xf32, #tpu.memory_space<vmem>>, vector<16xf32>,
      %swap3A_717 = arith.index_cast %mul3A_673 : i32 to index
      %swap3A_718 = arith.constant 112 : index
      %swap3A_719 = tpu.vector_load %arg10[%swap3A_717, %swap3A_718] {strides = array<i32>} : memref<18x128xf32, #tpu.memory_space<vmem>>, vector<16xf32>,
      tpu.vector_store %arg10[%swap3A_717, %swap3A_718], %scan3A_694#7 {strides = array<i32>} : memref<18x128xf32, #tpu.memory_space<vmem>>, vector<16xf32>,
      %mul3A_720 = arith.constant 2 : i32
      %mul3A_721 = arith.muli %mul3A_720, %add3A_664 : i32
      %add3A_722 = arith.constant 1 : i32
      %add3A_723 = arith.addi %mul3A_721, %add3A_722 : i32
      %broadcast_in_dim3A_724 = vector.broadcast %add3A_723 : i32 to vector<16xi32>
      %broadcast_in_dim3A_725 = arith.constant 0.000000e+00 : f32
      %broadcast_in_dim3A_726 = vector.broadcast %broadcast_in_dim3A_725 : f32 to vector<16xf32>
      %broadcast_in_dim3A_727 = arith.constant 0.000000e+00 : f32
      %broadcast_in_dim3A_728 = vector.broadcast %broadcast_in_dim3A_727 : f32 to vector<16xf32>
      %broadcast_in_dim3A_729 = arith.constant 0.000000e+00 : f32
      %broadcast_in_dim3A_730 = vector.broadcast %broadcast_in_dim3A_729 : f32 to vector<16xf32>
      %broadcast_in_dim3A_731 = arith.constant 0.000000e+00 : f32
      %broadcast_in_dim3A_732 = vector.broadcast %broadcast_in_dim3A_731 : f32 to vector<16xf32>
      %broadcast_in_dim3A_733 = arith.constant 0.000000e+00 : f32
      %broadcast_in_dim3A_734 = vector.broadcast %broadcast_in_dim3A_733 : f32 to vector<16xf32>
      %broadcast_in_dim3A_735 = arith.constant 0.000000e+00 : f32
      %broadcast_in_dim3A_736 = vector.broadcast %broadcast_in_dim3A_735 : f32 to vector<16xf32>
      %broadcast_in_dim3A_737 = arith.constant 0.000000e+00 : f32
      %broadcast_in_dim3A_738 = vector.broadcast %broadcast_in_dim3A_737 : f32 to vector<16xf32>
      %broadcast_in_dim3A_739 = arith.constant 0.000000e+00 : f32
      %broadcast_in_dim3A_740 = vector.broadcast %broadcast_in_dim3A_739 : f32 to vector<16xf32>
      %scan3A_741 = arith.constant 0 : i32
      %scan3A_742 = arith.constant 8 : i32
      %scan3A_743 = arith.addi %scan3A_741, %scan3A_742 : i32
      %scan3A_744 = arith.constant 1 : i32
      %scan3A_745:8 = scf.for %scan3A_1011 = %scan3A_741 to %scan3A_743 step %scan3A_744 iter_args(%scan3A_1012 = %broadcast_in_dim3A_726, %scan3A_1013 = %broadcast_in_dim3A_728, %scan3A_1014 = %broadcast_in_dim3A_730, %scan3A_1015 = %broadcast_in_dim3A_732, %scan3A_1016 = %broadcast_in_dim3A_734, %scan3A_1017 = %broadcast_in_dim3A_736, %scan3A_1018 = %broadcast_in_dim3A_738, %scan3A_1019 = %broadcast_in_dim3A_740) -> (vector<16xf32>, vector<16xf32>, vector<16xf32>, vector<16xf32>, vector<16xf32>, vector<16xf32>, vector<16xf32>, vector<16xf32>)  : i32 {
        %mul3A_1020 = arith.constant 8 : i32
        %mul3A_1021 = arith.muli %scan3A_1011, %mul3A_1020 : i32
        %add3A_1022 = arith.constant 0 : i32
        %add3A_1023 = arith.addi %mul3A_1021, %add3A_1022 : i32
        %broadcast_in_dim3A_1024 = vector.broadcast %add3A_1023 : i32 to vector<16xi32>
        %gather3A = tpu.vector_load_idx %arg9[%broadcast_in_dim3A_724, %broadcast_in_dim3A_1024] : memref<18x64xf32, #tpu.memory_space<vmem>>[vector<16xi32>, vector<16xi32>], vector<16xf32>,
        %add3A_1025 = arith.constant 64 : i32
        %add3A_1026 = arith.addi %add3A_1025, %mul3A_1021 : i32
        %add3A_1027 = arith.constant 0 : i32
        %add3A_1028 = arith.addi %add3A_1026, %add3A_1027 : i32
        %get3A_1029 = arith.index_cast %add3A_1028 : i32 to index
        %get3A_1030 = arith.constant 0 : index
        %get3A_1031 = tpu.vector_load %arg11[%get3A_1029, %get3A_1030] {strides = array<i32>} : memref<128x128xf32, #tpu.memory_space<vmem>>, vector<16xf32>,
        %mul3A_1032 = arith.mulf %gather3A, %get3A_1031 : vector<16xf32>
        %add3A_1033 = arith.addf %scan3A_1012, %mul3A_1032 : vector<16xf32>
        %get3A_1034 = arith.index_cast %add3A_1028 : i32 to index
        %get3A_1035 = arith.constant 16 : index
        %get3A_1036 = tpu.vector_load %arg11[%get3A_1034, %get3A_1035] {strides = array<i32>} : memref<128x128xf32, #tpu.memory_space<vmem>>, vector<16xf32>,
        %mul3A_1037 = arith.mulf %gather3A, %get3A_1036 : vector<16xf32>
        %add3A_1038 = arith.addf %scan3A_1013, %mul3A_1037 : vector<16xf32>
        %get3A_1039 = arith.index_cast %add3A_1028 : i32 to index
        %get3A_1040 = arith.constant 32 : index
        %get3A_1041 = tpu.vector_load %arg11[%get3A_1039, %get3A_1040] {strides = array<i32>} : memref<128x128xf32, #tpu.memory_space<vmem>>, vector<16xf32>,
        %mul3A_1042 = arith.mulf %gather3A, %get3A_1041 : vector<16xf32>
        %add3A_1043 = arith.addf %scan3A_1014, %mul3A_1042 : vector<16xf32>
        %get3A_1044 = arith.index_cast %add3A_1028 : i32 to index
        %get3A_1045 = arith.constant 48 : index
        %get3A_1046 = tpu.vector_load %arg11[%get3A_1044, %get3A_1045] {strides = array<i32>} : memref<128x128xf32, #tpu.memory_space<vmem>>, vector<16xf32>,
        %mul3A_1047 = arith.mulf %gather3A, %get3A_1046 : vector<16xf32>
        %add3A_1048 = arith.addf %scan3A_1015, %mul3A_1047 : vector<16xf32>
        %get3A_1049 = arith.index_cast %add3A_1028 : i32 to index
        %get3A_1050 = arith.constant 64 : index
        %get3A_1051 = tpu.vector_load %arg11[%get3A_1049, %get3A_1050] {strides = array<i32>} : memref<128x128xf32, #tpu.memory_space<vmem>>, vector<16xf32>,
        %mul3A_1052 = arith.mulf %gather3A, %get3A_1051 : vector<16xf32>
        %add3A_1053 = arith.addf %scan3A_1016, %mul3A_1052 : vector<16xf32>
        %get3A_1054 = arith.index_cast %add3A_1028 : i32 to index
        %get3A_1055 = arith.constant 80 : index
        %get3A_1056 = tpu.vector_load %arg11[%get3A_1054, %get3A_1055] {strides = array<i32>} : memref<128x128xf32, #tpu.memory_space<vmem>>, vector<16xf32>,
        %mul3A_1057 = arith.mulf %gather3A, %get3A_1056 : vector<16xf32>
        %add3A_1058 = arith.addf %scan3A_1017, %mul3A_1057 : vector<16xf32>
        %get3A_1059 = arith.index_cast %add3A_1028 : i32 to index
        %get3A_1060 = arith.constant 96 : index
        %get3A_1061 = tpu.vector_load %arg11[%get3A_1059, %get3A_1060] {strides = array<i32>} : memref<128x128xf32, #tpu.memory_space<vmem>>, vector<16xf32>,
        %mul3A_1062 = arith.mulf %gather3A, %get3A_1061 : vector<16xf32>
        %add3A_1063 = arith.addf %scan3A_1018, %mul3A_1062 : vector<16xf32>
        %get3A_1064 = arith.index_cast %add3A_1028 : i32 to index
        %get3A_1065 = arith.constant 112 : index
        %get3A_1066 = tpu.vector_load %arg11[%get3A_1064, %get3A_1065] {strides = array<i32>} : memref<128x128xf32, #tpu.memory_space<vmem>>, vector<16xf32>,
        %mul3A_1067 = arith.mulf %gather3A, %get3A_1066 : vector<16xf32>
        %add3A_1068 = arith.addf %scan3A_1019, %mul3A_1067 : vector<16xf32>
        %add3A_1069 = arith.constant 1 : i32
        %add3A_1070 = arith.addi %mul3A_1021, %add3A_1069 : i32
        %broadcast_in_dim3A_1071 = vector.broadcast %add3A_1070 : i32 to vector<16xi32>
        %gather3A_1072 = tpu.vector_load_idx %arg9[%broadcast_in_dim3A_724, %broadcast_in_dim3A_1071] : memref<18x64xf32, #tpu.memory_space<vmem>>[vector<16xi32>, vector<16xi32>], vector<16xf32>,
        %add3A_1073 = arith.constant 64 : i32
        %add3A_1074 = arith.addi %add3A_1073, %mul3A_1021 : i32
        %add3A_1075 = arith.constant 1 : i32
        %add3A_1076 = arith.addi %add3A_1074, %add3A_1075 : i32
        %get3A_1077 = arith.index_cast %add3A_1076 : i32 to index
        %get3A_1078 = arith.constant 0 : index
        %get3A_1079 = tpu.vector_load %arg11[%get3A_1077, %get3A_1078] {strides = array<i32>} : memref<128x128xf32, #tpu.memory_space<vmem>>, vector<16xf32>,
        %mul3A_1080 = arith.mulf %gather3A_1072, %get3A_1079 : vector<16xf32>
        %add3A_1081 = arith.addf %add3A_1033, %mul3A_1080 : vector<16xf32>
        %get3A_1082 = arith.index_cast %add3A_1076 : i32 to index
        %get3A_1083 = arith.constant 16 : index
        %get3A_1084 = tpu.vector_load %arg11[%get3A_1082, %get3A_1083] {strides = array<i32>} : memref<128x128xf32, #tpu.memory_space<vmem>>, vector<16xf32>,
        %mul3A_1085 = arith.mulf %gather3A_1072, %get3A_1084 : vector<16xf32>
        %add3A_1086 = arith.addf %add3A_1038, %mul3A_1085 : vector<16xf32>
        %get3A_1087 = arith.index_cast %add3A_1076 : i32 to index
        %get3A_1088 = arith.constant 32 : index
        %get3A_1089 = tpu.vector_load %arg11[%get3A_1087, %get3A_1088] {strides = array<i32>} : memref<128x128xf32, #tpu.memory_space<vmem>>, vector<16xf32>,
        %mul3A_1090 = arith.mulf %gather3A_1072, %get3A_1089 : vector<16xf32>
        %add3A_1091 = arith.addf %add3A_1043, %mul3A_1090 : vector<16xf32>
        %get3A_1092 = arith.index_cast %add3A_1076 : i32 to index
        %get3A_1093 = arith.constant 48 : index
        %get3A_1094 = tpu.vector_load %arg11[%get3A_1092, %get3A_1093] {strides = array<i32>} : memref<128x128xf32, #tpu.memory_space<vmem>>, vector<16xf32>,
        %mul3A_1095 = arith.mulf %gather3A_1072, %get3A_1094 : vector<16xf32>
        %add3A_1096 = arith.addf %add3A_1048, %mul3A_1095 : vector<16xf32>
        %get3A_1097 = arith.index_cast %add3A_1076 : i32 to index
        %get3A_1098 = arith.constant 64 : index
        %get3A_1099 = tpu.vector_load %arg11[%get3A_1097, %get3A_1098] {strides = array<i32>} : memref<128x128xf32, #tpu.memory_space<vmem>>, vector<16xf32>,
        %mul3A_1100 = arith.mulf %gather3A_1072, %get3A_1099 : vector<16xf32>
        %add3A_1101 = arith.addf %add3A_1053, %mul3A_1100 : vector<16xf32>
        %get3A_1102 = arith.index_cast %add3A_1076 : i32 to index
        %get3A_1103 = arith.constant 80 : index
        %get3A_1104 = tpu.vector_load %arg11[%get3A_1102, %get3A_1103] {strides = array<i32>} : memref<128x128xf32, #tpu.memory_space<vmem>>, vector<16xf32>,
        %mul3A_1105 = arith.mulf %gather3A_1072, %get3A_1104 : vector<16xf32>
        %add3A_1106 = arith.addf %add3A_1058, %mul3A_1105 : vector<16xf32>
        %get3A_1107 = arith.index_cast %add3A_1076 : i32 to index
        %get3A_1108 = arith.constant 96 : index
        %get3A_1109 = tpu.vector_load %arg11[%get3A_1107, %get3A_1108] {strides = array<i32>} : memref<128x128xf32, #tpu.memory_space<vmem>>, vector<16xf32>,
        %mul3A_1110 = arith.mulf %gather3A_1072, %get3A_1109 : vector<16xf32>
        %add3A_1111 = arith.addf %add3A_1063, %mul3A_1110 : vector<16xf32>
        %get3A_1112 = arith.index_cast %add3A_1076 : i32 to index
        %get3A_1113 = arith.constant 112 : index
        %get3A_1114 = tpu.vector_load %arg11[%get3A_1112, %get3A_1113] {strides = array<i32>} : memref<128x128xf32, #tpu.memory_space<vmem>>, vector<16xf32>,
        %mul3A_1115 = arith.mulf %gather3A_1072, %get3A_1114 : vector<16xf32>
        %add3A_1116 = arith.addf %add3A_1068, %mul3A_1115 : vector<16xf32>
        %add3A_1117 = arith.constant 2 : i32
        %add3A_1118 = arith.addi %mul3A_1021, %add3A_1117 : i32
        %broadcast_in_dim3A_1119 = vector.broadcast %add3A_1118 : i32 to vector<16xi32>
        %gather3A_1120 = tpu.vector_load_idx %arg9[%broadcast_in_dim3A_724, %broadcast_in_dim3A_1119] : memref<18x64xf32, #tpu.memory_space<vmem>>[vector<16xi32>, vector<16xi32>], vector<16xf32>,
        %add3A_1121 = arith.constant 64 : i32
        %add3A_1122 = arith.addi %add3A_1121, %mul3A_1021 : i32
        %add3A_1123 = arith.constant 2 : i32
        %add3A_1124 = arith.addi %add3A_1122, %add3A_1123 : i32
        %get3A_1125 = arith.index_cast %add3A_1124 : i32 to index
        %get3A_1126 = arith.constant 0 : index
        %get3A_1127 = tpu.vector_load %arg11[%get3A_1125, %get3A_1126] {strides = array<i32>} : memref<128x128xf32, #tpu.memory_space<vmem>>, vector<16xf32>,
        %mul3A_1128 = arith.mulf %gather3A_1120, %get3A_1127 : vector<16xf32>
        %add3A_1129 = arith.addf %add3A_1081, %mul3A_1128 : vector<16xf32>
        %get3A_1130 = arith.index_cast %add3A_1124 : i32 to index
        %get3A_1131 = arith.constant 16 : index
        %get3A_1132 = tpu.vector_load %arg11[%get3A_1130, %get3A_1131] {strides = array<i32>} : memref<128x128xf32, #tpu.memory_space<vmem>>, vector<16xf32>,
        %mul3A_1133 = arith.mulf %gather3A_1120, %get3A_1132 : vector<16xf32>
        %add3A_1134 = arith.addf %add3A_1086, %mul3A_1133 : vector<16xf32>
        %get3A_1135 = arith.index_cast %add3A_1124 : i32 to index
        %get3A_1136 = arith.constant 32 : index
        %get3A_1137 = tpu.vector_load %arg11[%get3A_1135, %get3A_1136] {strides = array<i32>} : memref<128x128xf32, #tpu.memory_space<vmem>>, vector<16xf32>,
        %mul3A_1138 = arith.mulf %gather3A_1120, %get3A_1137 : vector<16xf32>
        %add3A_1139 = arith.addf %add3A_1091, %mul3A_1138 : vector<16xf32>
        %get3A_1140 = arith.index_cast %add3A_1124 : i32 to index
        %get3A_1141 = arith.constant 48 : index
        %get3A_1142 = tpu.vector_load %arg11[%get3A_1140, %get3A_1141] {strides = array<i32>} : memref<128x128xf32, #tpu.memory_space<vmem>>, vector<16xf32>,
        %mul3A_1143 = arith.mulf %gather3A_1120, %get3A_1142 : vector<16xf32>
        %add3A_1144 = arith.addf %add3A_1096, %mul3A_1143 : vector<16xf32>
        %get3A_1145 = arith.index_cast %add3A_1124 : i32 to index
        %get3A_1146 = arith.constant 64 : index
        %get3A_1147 = tpu.vector_load %arg11[%get3A_1145, %get3A_1146] {strides = array<i32>} : memref<128x128xf32, #tpu.memory_space<vmem>>, vector<16xf32>,
        %mul3A_1148 = arith.mulf %gather3A_1120, %get3A_1147 : vector<16xf32>
        %add3A_1149 = arith.addf %add3A_1101, %mul3A_1148 : vector<16xf32>
        %get3A_1150 = arith.index_cast %add3A_1124 : i32 to index
        %get3A_1151 = arith.constant 80 : index
        %get3A_1152 = tpu.vector_load %arg11[%get3A_1150, %get3A_1151] {strides = array<i32>} : memref<128x128xf32, #tpu.memory_space<vmem>>, vector<16xf32>,
        %mul3A_1153 = arith.mulf %gather3A_1120, %get3A_1152 : vector<16xf32>
        %add3A_1154 = arith.addf %add3A_1106, %mul3A_1153 : vector<16xf32>
        %get3A_1155 = arith.index_cast %add3A_1124 : i32 to index
        %get3A_1156 = arith.constant 96 : index
        %get3A_1157 = tpu.vector_load %arg11[%get3A_1155, %get3A_1156] {strides = array<i32>} : memref<128x128xf32, #tpu.memory_space<vmem>>, vector<16xf32>,
        %mul3A_1158 = arith.mulf %gather3A_1120, %get3A_1157 : vector<16xf32>
        %add3A_1159 = arith.addf %add3A_1111, %mul3A_1158 : vector<16xf32>
        %get3A_1160 = arith.index_cast %add3A_1124 : i32 to index
        %get3A_1161 = arith.constant 112 : index
        %get3A_1162 = tpu.vector_load %arg11[%get3A_1160, %get3A_1161] {strides = array<i32>} : memref<128x128xf32, #tpu.memory_space<vmem>>, vector<16xf32>,
        %mul3A_1163 = arith.mulf %gather3A_1120, %get3A_1162 : vector<16xf32>
        %add3A_1164 = arith.addf %add3A_1116, %mul3A_1163 : vector<16xf32>
        %add3A_1165 = arith.constant 3 : i32
        %add3A_1166 = arith.addi %mul3A_1021, %add3A_1165 : i32
        %broadcast_in_dim3A_1167 = vector.broadcast %add3A_1166 : i32 to vector<16xi32>
        %gather3A_1168 = tpu.vector_load_idx %arg9[%broadcast_in_dim3A_724, %broadcast_in_dim3A_1167] : memref<18x64xf32, #tpu.memory_space<vmem>>[vector<16xi32>, vector<16xi32>], vector<16xf32>,
        %add3A_1169 = arith.constant 64 : i32
        %add3A_1170 = arith.addi %add3A_1169, %mul3A_1021 : i32
        %add3A_1171 = arith.constant 3 : i32
        %add3A_1172 = arith.addi %add3A_1170, %add3A_1171 : i32
        %get3A_1173 = arith.index_cast %add3A_1172 : i32 to index
        %get3A_1174 = arith.constant 0 : index
        %get3A_1175 = tpu.vector_load %arg11[%get3A_1173, %get3A_1174] {strides = array<i32>} : memref<128x128xf32, #tpu.memory_space<vmem>>, vector<16xf32>,
        %mul3A_1176 = arith.mulf %gather3A_1168, %get3A_1175 : vector<16xf32>
        %add3A_1177 = arith.addf %add3A_1129, %mul3A_1176 : vector<16xf32>
        %get3A_1178 = arith.index_cast %add3A_1172 : i32 to index
        %get3A_1179 = arith.constant 16 : index
        %get3A_1180 = tpu.vector_load %arg11[%get3A_1178, %get3A_1179] {strides = array<i32>} : memref<128x128xf32, #tpu.memory_space<vmem>>, vector<16xf32>,
        %mul3A_1181 = arith.mulf %gather3A_1168, %get3A_1180 : vector<16xf32>
        %add3A_1182 = arith.addf %add3A_1134, %mul3A_1181 : vector<16xf32>
        %get3A_1183 = arith.index_cast %add3A_1172 : i32 to index
        %get3A_1184 = arith.constant 32 : index
        %get3A_1185 = tpu.vector_load %arg11[%get3A_1183, %get3A_1184] {strides = array<i32>} : memref<128x128xf32, #tpu.memory_space<vmem>>, vector<16xf32>,
        %mul3A_1186 = arith.mulf %gather3A_1168, %get3A_1185 : vector<16xf32>
        %add3A_1187 = arith.addf %add3A_1139, %mul3A_1186 : vector<16xf32>
        %get3A_1188 = arith.index_cast %add3A_1172 : i32 to index
        %get3A_1189 = arith.constant 48 : index
        %get3A_1190 = tpu.vector_load %arg11[%get3A_1188, %get3A_1189] {strides = array<i32>} : memref<128x128xf32, #tpu.memory_space<vmem>>, vector<16xf32>,
        %mul3A_1191 = arith.mulf %gather3A_1168, %get3A_1190 : vector<16xf32>
        %add3A_1192 = arith.addf %add3A_1144, %mul3A_1191 : vector<16xf32>
        %get3A_1193 = arith.index_cast %add3A_1172 : i32 to index
        %get3A_1194 = arith.constant 64 : index
        %get3A_1195 = tpu.vector_load %arg11[%get3A_1193, %get3A_1194] {strides = array<i32>} : memref<128x128xf32, #tpu.memory_space<vmem>>, vector<16xf32>,
        %mul3A_1196 = arith.mulf %gather3A_1168, %get3A_1195 : vector<16xf32>
        %add3A_1197 = arith.addf %add3A_1149, %mul3A_1196 : vector<16xf32>
        %get3A_1198 = arith.index_cast %add3A_1172 : i32 to index
        %get3A_1199 = arith.constant 80 : index
        %get3A_1200 = tpu.vector_load %arg11[%get3A_1198, %get3A_1199] {strides = array<i32>} : memref<128x128xf32, #tpu.memory_space<vmem>>, vector<16xf32>,
        %mul3A_1201 = arith.mulf %gather3A_1168, %get3A_1200 : vector<16xf32>
        %add3A_1202 = arith.addf %add3A_1154, %mul3A_1201 : vector<16xf32>
        %get3A_1203 = arith.index_cast %add3A_1172 : i32 to index
        %get3A_1204 = arith.constant 96 : index
        %get3A_1205 = tpu.vector_load %arg11[%get3A_1203, %get3A_1204] {strides = array<i32>} : memref<128x128xf32, #tpu.memory_space<vmem>>, vector<16xf32>,
        %mul3A_1206 = arith.mulf %gather3A_1168, %get3A_1205 : vector<16xf32>
        %add3A_1207 = arith.addf %add3A_1159, %mul3A_1206 : vector<16xf32>
        %get3A_1208 = arith.index_cast %add3A_1172 : i32 to index
        %get3A_1209 = arith.constant 112 : index
        %get3A_1210 = tpu.vector_load %arg11[%get3A_1208, %get3A_1209] {strides = array<i32>} : memref<128x128xf32, #tpu.memory_space<vmem>>, vector<16xf32>,
        %mul3A_1211 = arith.mulf %gather3A_1168, %get3A_1210 : vector<16xf32>
        %add3A_1212 = arith.addf %add3A_1164, %mul3A_1211 : vector<16xf32>
        %add3A_1213 = arith.constant 4 : i32
        %add3A_1214 = arith.addi %mul3A_1021, %add3A_1213 : i32
        %broadcast_in_dim3A_1215 = vector.broadcast %add3A_1214 : i32 to vector<16xi32>
        %gather3A_1216 = tpu.vector_load_idx %arg9[%broadcast_in_dim3A_724, %broadcast_in_dim3A_1215] : memref<18x64xf32, #tpu.memory_space<vmem>>[vector<16xi32>, vector<16xi32>], vector<16xf32>,
        %add3A_1217 = arith.constant 64 : i32
        %add3A_1218 = arith.addi %add3A_1217, %mul3A_1021 : i32
        %add3A_1219 = arith.constant 4 : i32
        %add3A_1220 = arith.addi %add3A_1218, %add3A_1219 : i32
        %get3A_1221 = arith.index_cast %add3A_1220 : i32 to index
        %get3A_1222 = arith.constant 0 : index
        %get3A_1223 = tpu.vector_load %arg11[%get3A_1221, %get3A_1222] {strides = array<i32>} : memref<128x128xf32, #tpu.memory_space<vmem>>, vector<16xf32>,
        %mul3A_1224 = arith.mulf %gather3A_1216, %get3A_1223 : vector<16xf32>
        %add3A_1225 = arith.addf %add3A_1177, %mul3A_1224 : vector<16xf32>
        %get3A_1226 = arith.index_cast %add3A_1220 : i32 to index
        %get3A_1227 = arith.constant 16 : index
        %get3A_1228 = tpu.vector_load %arg11[%get3A_1226, %get3A_1227] {strides = array<i32>} : memref<128x128xf32, #tpu.memory_space<vmem>>, vector<16xf32>,
        %mul3A_1229 = arith.mulf %gather3A_1216, %get3A_1228 : vector<16xf32>
        %add3A_1230 = arith.addf %add3A_1182, %mul3A_1229 : vector<16xf32>
        %get3A_1231 = arith.index_cast %add3A_1220 : i32 to index
        %get3A_1232 = arith.constant 32 : index
        %get3A_1233 = tpu.vector_load %arg11[%get3A_1231, %get3A_1232] {strides = array<i32>} : memref<128x128xf32, #tpu.memory_space<vmem>>, vector<16xf32>,
        %mul3A_1234 = arith.mulf %gather3A_1216, %get3A_1233 : vector<16xf32>
        %add3A_1235 = arith.addf %add3A_1187, %mul3A_1234 : vector<16xf32>
        %get3A_1236 = arith.index_cast %add3A_1220 : i32 to index
        %get3A_1237 = arith.constant 48 : index
        %get3A_1238 = tpu.vector_load %arg11[%get3A_1236, %get3A_1237] {strides = array<i32>} : memref<128x128xf32, #tpu.memory_space<vmem>>, vector<16xf32>,
        %mul3A_1239 = arith.mulf %gather3A_1216, %get3A_1238 : vector<16xf32>
        %add3A_1240 = arith.addf %add3A_1192, %mul3A_1239 : vector<16xf32>
        %get3A_1241 = arith.index_cast %add3A_1220 : i32 to index
        %get3A_1242 = arith.constant 64 : index
        %get3A_1243 = tpu.vector_load %arg11[%get3A_1241, %get3A_1242] {strides = array<i32>} : memref<128x128xf32, #tpu.memory_space<vmem>>, vector<16xf32>,
        %mul3A_1244 = arith.mulf %gather3A_1216, %get3A_1243 : vector<16xf32>
        %add3A_1245 = arith.addf %add3A_1197, %mul3A_1244 : vector<16xf32>
        %get3A_1246 = arith.index_cast %add3A_1220 : i32 to index
        %get3A_1247 = arith.constant 80 : index
        %get3A_1248 = tpu.vector_load %arg11[%get3A_1246, %get3A_1247] {strides = array<i32>} : memref<128x128xf32, #tpu.memory_space<vmem>>, vector<16xf32>,
        %mul3A_1249 = arith.mulf %gather3A_1216, %get3A_1248 : vector<16xf32>
        %add3A_1250 = arith.addf %add3A_1202, %mul3A_1249 : vector<16xf32>
        %get3A_1251 = arith.index_cast %add3A_1220 : i32 to index
        %get3A_1252 = arith.constant 96 : index
        %get3A_1253 = tpu.vector_load %arg11[%get3A_1251, %get3A_1252] {strides = array<i32>} : memref<128x128xf32, #tpu.memory_space<vmem>>, vector<16xf32>,
        %mul3A_1254 = arith.mulf %gather3A_1216, %get3A_1253 : vector<16xf32>
        %add3A_1255 = arith.addf %add3A_1207, %mul3A_1254 : vector<16xf32>
        %get3A_1256 = arith.index_cast %add3A_1220 : i32 to index
        %get3A_1257 = arith.constant 112 : index
        %get3A_1258 = tpu.vector_load %arg11[%get3A_1256, %get3A_1257] {strides = array<i32>} : memref<128x128xf32, #tpu.memory_space<vmem>>, vector<16xf32>,
        %mul3A_1259 = arith.mulf %gather3A_1216, %get3A_1258 : vector<16xf32>
        %add3A_1260 = arith.addf %add3A_1212, %mul3A_1259 : vector<16xf32>
        %add3A_1261 = arith.constant 5 : i32
        %add3A_1262 = arith.addi %mul3A_1021, %add3A_1261 : i32
        %broadcast_in_dim3A_1263 = vector.broadcast %add3A_1262 : i32 to vector<16xi32>
        %gather3A_1264 = tpu.vector_load_idx %arg9[%broadcast_in_dim3A_724, %broadcast_in_dim3A_1263] : memref<18x64xf32, #tpu.memory_space<vmem>>[vector<16xi32>, vector<16xi32>], vector<16xf32>,
        %add3A_1265 = arith.constant 64 : i32
        %add3A_1266 = arith.addi %add3A_1265, %mul3A_1021 : i32
        %add3A_1267 = arith.constant 5 : i32
        %add3A_1268 = arith.addi %add3A_1266, %add3A_1267 : i32
        %get3A_1269 = arith.index_cast %add3A_1268 : i32 to index
        %get3A_1270 = arith.constant 0 : index
        %get3A_1271 = tpu.vector_load %arg11[%get3A_1269, %get3A_1270] {strides = array<i32>} : memref<128x128xf32, #tpu.memory_space<vmem>>, vector<16xf32>,
        %mul3A_1272 = arith.mulf %gather3A_1264, %get3A_1271 : vector<16xf32>
        %add3A_1273 = arith.addf %add3A_1225, %mul3A_1272 : vector<16xf32>
        %get3A_1274 = arith.index_cast %add3A_1268 : i32 to index
        %get3A_1275 = arith.constant 16 : index
        %get3A_1276 = tpu.vector_load %arg11[%get3A_1274, %get3A_1275] {strides = array<i32>} : memref<128x128xf32, #tpu.memory_space<vmem>>, vector<16xf32>,
        %mul3A_1277 = arith.mulf %gather3A_1264, %get3A_1276 : vector<16xf32>
        %add3A_1278 = arith.addf %add3A_1230, %mul3A_1277 : vector<16xf32>
        %get3A_1279 = arith.index_cast %add3A_1268 : i32 to index
        %get3A_1280 = arith.constant 32 : index
        %get3A_1281 = tpu.vector_load %arg11[%get3A_1279, %get3A_1280] {strides = array<i32>} : memref<128x128xf32, #tpu.memory_space<vmem>>, vector<16xf32>,
        %mul3A_1282 = arith.mulf %gather3A_1264, %get3A_1281 : vector<16xf32>
        %add3A_1283 = arith.addf %add3A_1235, %mul3A_1282 : vector<16xf32>
        %get3A_1284 = arith.index_cast %add3A_1268 : i32 to index
        %get3A_1285 = arith.constant 48 : index
        %get3A_1286 = tpu.vector_load %arg11[%get3A_1284, %get3A_1285] {strides = array<i32>} : memref<128x128xf32, #tpu.memory_space<vmem>>, vector<16xf32>,
        %mul3A_1287 = arith.mulf %gather3A_1264, %get3A_1286 : vector<16xf32>
        %add3A_1288 = arith.addf %add3A_1240, %mul3A_1287 : vector<16xf32>
        %get3A_1289 = arith.index_cast %add3A_1268 : i32 to index
        %get3A_1290 = arith.constant 64 : index
        %get3A_1291 = tpu.vector_load %arg11[%get3A_1289, %get3A_1290] {strides = array<i32>} : memref<128x128xf32, #tpu.memory_space<vmem>>, vector<16xf32>,
        %mul3A_1292 = arith.mulf %gather3A_1264, %get3A_1291 : vector<16xf32>
        %add3A_1293 = arith.addf %add3A_1245, %mul3A_1292 : vector<16xf32>
        %get3A_1294 = arith.index_cast %add3A_1268 : i32 to index
        %get3A_1295 = arith.constant 80 : index
        %get3A_1296 = tpu.vector_load %arg11[%get3A_1294, %get3A_1295] {strides = array<i32>} : memref<128x128xf32, #tpu.memory_space<vmem>>, vector<16xf32>,
        %mul3A_1297 = arith.mulf %gather3A_1264, %get3A_1296 : vector<16xf32>
        %add3A_1298 = arith.addf %add3A_1250, %mul3A_1297 : vector<16xf32>
        %get3A_1299 = arith.index_cast %add3A_1268 : i32 to index
        %get3A_1300 = arith.constant 96 : index
        %get3A_1301 = tpu.vector_load %arg11[%get3A_1299, %get3A_1300] {strides = array<i32>} : memref<128x128xf32, #tpu.memory_space<vmem>>, vector<16xf32>,
        %mul3A_1302 = arith.mulf %gather3A_1264, %get3A_1301 : vector<16xf32>
        %add3A_1303 = arith.addf %add3A_1255, %mul3A_1302 : vector<16xf32>
        %get3A_1304 = arith.index_cast %add3A_1268 : i32 to index
        %get3A_1305 = arith.constant 112 : index
        %get3A_1306 = tpu.vector_load %arg11[%get3A_1304, %get3A_1305] {strides = array<i32>} : memref<128x128xf32, #tpu.memory_space<vmem>>, vector<16xf32>,
        %mul3A_1307 = arith.mulf %gather3A_1264, %get3A_1306 : vector<16xf32>
        %add3A_1308 = arith.addf %add3A_1260, %mul3A_1307 : vector<16xf32>
        %add3A_1309 = arith.constant 6 : i32
        %add3A_1310 = arith.addi %mul3A_1021, %add3A_1309 : i32
        %broadcast_in_dim3A_1311 = vector.broadcast %add3A_1310 : i32 to vector<16xi32>
        %gather3A_1312 = tpu.vector_load_idx %arg9[%broadcast_in_dim3A_724, %broadcast_in_dim3A_1311] : memref<18x64xf32, #tpu.memory_space<vmem>>[vector<16xi32>, vector<16xi32>], vector<16xf32>,
        %add3A_1313 = arith.constant 64 : i32
        %add3A_1314 = arith.addi %add3A_1313, %mul3A_1021 : i32
        %add3A_1315 = arith.constant 6 : i32
        %add3A_1316 = arith.addi %add3A_1314, %add3A_1315 : i32
        %get3A_1317 = arith.index_cast %add3A_1316 : i32 to index
        %get3A_1318 = arith.constant 0 : index
        %get3A_1319 = tpu.vector_load %arg11[%get3A_1317, %get3A_1318] {strides = array<i32>} : memref<128x128xf32, #tpu.memory_space<vmem>>, vector<16xf32>,
        %mul3A_1320 = arith.mulf %gather3A_1312, %get3A_1319 : vector<16xf32>
        %add3A_1321 = arith.addf %add3A_1273, %mul3A_1320 : vector<16xf32>
        %get3A_1322 = arith.index_cast %add3A_1316 : i32 to index
        %get3A_1323 = arith.constant 16 : index
        %get3A_1324 = tpu.vector_load %arg11[%get3A_1322, %get3A_1323] {strides = array<i32>} : memref<128x128xf32, #tpu.memory_space<vmem>>, vector<16xf32>,
        %mul3A_1325 = arith.mulf %gather3A_1312, %get3A_1324 : vector<16xf32>
        %add3A_1326 = arith.addf %add3A_1278, %mul3A_1325 : vector<16xf32>
        %get3A_1327 = arith.index_cast %add3A_1316 : i32 to index
        %get3A_1328 = arith.constant 32 : index
        %get3A_1329 = tpu.vector_load %arg11[%get3A_1327, %get3A_1328] {strides = array<i32>} : memref<128x128xf32, #tpu.memory_space<vmem>>, vector<16xf32>,
        %mul3A_1330 = arith.mulf %gather3A_1312, %get3A_1329 : vector<16xf32>
        %add3A_1331 = arith.addf %add3A_1283, %mul3A_1330 : vector<16xf32>
        %get3A_1332 = arith.index_cast %add3A_1316 : i32 to index
        %get3A_1333 = arith.constant 48 : index
        %get3A_1334 = tpu.vector_load %arg11[%get3A_1332, %get3A_1333] {strides = array<i32>} : memref<128x128xf32, #tpu.memory_space<vmem>>, vector<16xf32>,
        %mul3A_1335 = arith.mulf %gather3A_1312, %get3A_1334 : vector<16xf32>
        %add3A_1336 = arith.addf %add3A_1288, %mul3A_1335 : vector<16xf32>
        %get3A_1337 = arith.index_cast %add3A_1316 : i32 to index
        %get3A_1338 = arith.constant 64 : index
        %get3A_1339 = tpu.vector_load %arg11[%get3A_1337, %get3A_1338] {strides = array<i32>} : memref<128x128xf32, #tpu.memory_space<vmem>>, vector<16xf32>,
        %mul3A_1340 = arith.mulf %gather3A_1312, %get3A_1339 : vector<16xf32>
        %add3A_1341 = arith.addf %add3A_1293, %mul3A_1340 : vector<16xf32>
        %get3A_1342 = arith.index_cast %add3A_1316 : i32 to index
        %get3A_1343 = arith.constant 80 : index
        %get3A_1344 = tpu.vector_load %arg11[%get3A_1342, %get3A_1343] {strides = array<i32>} : memref<128x128xf32, #tpu.memory_space<vmem>>, vector<16xf32>,
        %mul3A_1345 = arith.mulf %gather3A_1312, %get3A_1344 : vector<16xf32>
        %add3A_1346 = arith.addf %add3A_1298, %mul3A_1345 : vector<16xf32>
        %get3A_1347 = arith.index_cast %add3A_1316 : i32 to index
        %get3A_1348 = arith.constant 96 : index
        %get3A_1349 = tpu.vector_load %arg11[%get3A_1347, %get3A_1348] {strides = array<i32>} : memref<128x128xf32, #tpu.memory_space<vmem>>, vector<16xf32>,
        %mul3A_1350 = arith.mulf %gather3A_1312, %get3A_1349 : vector<16xf32>
        %add3A_1351 = arith.addf %add3A_1303, %mul3A_1350 : vector<16xf32>
        %get3A_1352 = arith.index_cast %add3A_1316 : i32 to index
        %get3A_1353 = arith.constant 112 : index
        %get3A_1354 = tpu.vector_load %arg11[%get3A_1352, %get3A_1353] {strides = array<i32>} : memref<128x128xf32, #tpu.memory_space<vmem>>, vector<16xf32>,
        %mul3A_1355 = arith.mulf %gather3A_1312, %get3A_1354 : vector<16xf32>
        %add3A_1356 = arith.addf %add3A_1308, %mul3A_1355 : vector<16xf32>
        %add3A_1357 = arith.constant 7 : i32
        %add3A_1358 = arith.addi %mul3A_1021, %add3A_1357 : i32
        %broadcast_in_dim3A_1359 = vector.broadcast %add3A_1358 : i32 to vector<16xi32>
        %gather3A_1360 = tpu.vector_load_idx %arg9[%broadcast_in_dim3A_724, %broadcast_in_dim3A_1359] : memref<18x64xf32, #tpu.memory_space<vmem>>[vector<16xi32>, vector<16xi32>], vector<16xf32>,
        %add3A_1361 = arith.constant 64 : i32
        %add3A_1362 = arith.addi %add3A_1361, %mul3A_1021 : i32
        %add3A_1363 = arith.constant 7 : i32
        %add3A_1364 = arith.addi %add3A_1362, %add3A_1363 : i32
        %get3A_1365 = arith.index_cast %add3A_1364 : i32 to index
        %get3A_1366 = arith.constant 0 : index
        %get3A_1367 = tpu.vector_load %arg11[%get3A_1365, %get3A_1366] {strides = array<i32>} : memref<128x128xf32, #tpu.memory_space<vmem>>, vector<16xf32>,
        %mul3A_1368 = arith.mulf %gather3A_1360, %get3A_1367 : vector<16xf32>
        %add3A_1369 = arith.addf %add3A_1321, %mul3A_1368 : vector<16xf32>
        %get3A_1370 = arith.index_cast %add3A_1364 : i32 to index
        %get3A_1371 = arith.constant 16 : index
        %get3A_1372 = tpu.vector_load %arg11[%get3A_1370, %get3A_1371] {strides = array<i32>} : memref<128x128xf32, #tpu.memory_space<vmem>>, vector<16xf32>,
        %mul3A_1373 = arith.mulf %gather3A_1360, %get3A_1372 : vector<16xf32>
        %add3A_1374 = arith.addf %add3A_1326, %mul3A_1373 : vector<16xf32>
        %get3A_1375 = arith.index_cast %add3A_1364 : i32 to index
        %get3A_1376 = arith.constant 32 : index
        %get3A_1377 = tpu.vector_load %arg11[%get3A_1375, %get3A_1376] {strides = array<i32>} : memref<128x128xf32, #tpu.memory_space<vmem>>, vector<16xf32>,
        %mul3A_1378 = arith.mulf %gather3A_1360, %get3A_1377 : vector<16xf32>
        %add3A_1379 = arith.addf %add3A_1331, %mul3A_1378 : vector<16xf32>
        %get3A_1380 = arith.index_cast %add3A_1364 : i32 to index
        %get3A_1381 = arith.constant 48 : index
        %get3A_1382 = tpu.vector_load %arg11[%get3A_1380, %get3A_1381] {strides = array<i32>} : memref<128x128xf32, #tpu.memory_space<vmem>>, vector<16xf32>,
        %mul3A_1383 = arith.mulf %gather3A_1360, %get3A_1382 : vector<16xf32>
        %add3A_1384 = arith.addf %add3A_1336, %mul3A_1383 : vector<16xf32>
        %get3A_1385 = arith.index_cast %add3A_1364 : i32 to index
        %get3A_1386 = arith.constant 64 : index
        %get3A_1387 = tpu.vector_load %arg11[%get3A_1385, %get3A_1386] {strides = array<i32>} : memref<128x128xf32, #tpu.memory_space<vmem>>, vector<16xf32>,
        %mul3A_1388 = arith.mulf %gather3A_1360, %get3A_1387 : vector<16xf32>
        %add3A_1389 = arith.addf %add3A_1341, %mul3A_1388 : vector<16xf32>
        %get3A_1390 = arith.index_cast %add3A_1364 : i32 to index
        %get3A_1391 = arith.constant 80 : index
        %get3A_1392 = tpu.vector_load %arg11[%get3A_1390, %get3A_1391] {strides = array<i32>} : memref<128x128xf32, #tpu.memory_space<vmem>>, vector<16xf32>,
        %mul3A_1393 = arith.mulf %gather3A_1360, %get3A_1392 : vector<16xf32>
        %add3A_1394 = arith.addf %add3A_1346, %mul3A_1393 : vector<16xf32>
        %get3A_1395 = arith.index_cast %add3A_1364 : i32 to index
        %get3A_1396 = arith.constant 96 : index
        %get3A_1397 = tpu.vector_load %arg11[%get3A_1395, %get3A_1396] {strides = array<i32>} : memref<128x128xf32, #tpu.memory_space<vmem>>, vector<16xf32>,
        %mul3A_1398 = arith.mulf %gather3A_1360, %get3A_1397 : vector<16xf32>
        %add3A_1399 = arith.addf %add3A_1351, %mul3A_1398 : vector<16xf32>
        %get3A_1400 = arith.index_cast %add3A_1364 : i32 to index
        %get3A_1401 = arith.constant 112 : index
        %get3A_1402 = tpu.vector_load %arg11[%get3A_1400, %get3A_1401] {strides = array<i32>} : memref<128x128xf32, #tpu.memory_space<vmem>>, vector<16xf32>,
        %mul3A_1403 = arith.mulf %gather3A_1360, %get3A_1402 : vector<16xf32>
        %add3A_1404 = arith.addf %add3A_1356, %mul3A_1403 : vector<16xf32>
        scf.yield %add3A_1369, %add3A_1374, %add3A_1379, %add3A_1384, %add3A_1389, %add3A_1394, %add3A_1399, %add3A_1404 : vector<16xf32>, vector<16xf32>, vector<16xf32>, vector<16xf32>, vector<16xf32>, vector<16xf32>, vector<16xf32>, vector<16xf32>
      }
      %scan3A_746 = arith.constant 8 : i32
      %swap3A_747 = arith.index_cast %add3A_723 : i32 to index
      %swap3A_748 = arith.constant 0 : index
      %swap3A_749 = tpu.vector_load %arg10[%swap3A_747, %swap3A_748] {strides = array<i32>} : memref<18x128xf32, #tpu.memory_space<vmem>>, vector<16xf32>,
      tpu.vector_store %arg10[%swap3A_747, %swap3A_748], %scan3A_745#0 {strides = array<i32>} : memref<18x128xf32, #tpu.memory_space<vmem>>, vector<16xf32>,
      %swap3A_750 = arith.index_cast %add3A_723 : i32 to index
      %swap3A_751 = arith.constant 16 : index
      %swap3A_752 = tpu.vector_load %arg10[%swap3A_750, %swap3A_751] {strides = array<i32>} : memref<18x128xf32, #tpu.memory_space<vmem>>, vector<16xf32>,
      tpu.vector_store %arg10[%swap3A_750, %swap3A_751], %scan3A_745#1 {strides = array<i32>} : memref<18x128xf32, #tpu.memory_space<vmem>>, vector<16xf32>,
      %swap3A_753 = arith.index_cast %add3A_723 : i32 to index
      %swap3A_754 = arith.constant 32 : index
      %swap3A_755 = tpu.vector_load %arg10[%swap3A_753, %swap3A_754] {strides = array<i32>} : memref<18x128xf32, #tpu.memory_space<vmem>>, vector<16xf32>,
      tpu.vector_store %arg10[%swap3A_753, %swap3A_754], %scan3A_745#2 {strides = array<i32>} : memref<18x128xf32, #tpu.memory_space<vmem>>, vector<16xf32>,
      %swap3A_756 = arith.index_cast %add3A_723 : i32 to index
      %swap3A_757 = arith.constant 48 : index
      %swap3A_758 = tpu.vector_load %arg10[%swap3A_756, %swap3A_757] {strides = array<i32>} : memref<18x128xf32, #tpu.memory_space<vmem>>, vector<16xf32>,
      tpu.vector_store %arg10[%swap3A_756, %swap3A_757], %scan3A_745#3 {strides = array<i32>} : memref<18x128xf32, #tpu.memory_space<vmem>>, vector<16xf32>,
      %swap3A_759 = arith.index_cast %add3A_723 : i32 to index
      %swap3A_760 = arith.constant 64 : index
      %swap3A_761 = tpu.vector_load %arg10[%swap3A_759, %swap3A_760] {strides = array<i32>} : memref<18x128xf32, #tpu.memory_space<vmem>>, vector<16xf32>,
      tpu.vector_store %arg10[%swap3A_759, %swap3A_760], %scan3A_745#4 {strides = array<i32>} : memref<18x128xf32, #tpu.memory_space<vmem>>, vector<16xf32>,
      %swap3A_762 = arith.index_cast %add3A_723 : i32 to index
      %swap3A_763 = arith.constant 80 : index
      %swap3A_764 = tpu.vector_load %arg10[%swap3A_762, %swap3A_763] {strides = array<i32>} : memref<18x128xf32, #tpu.memory_space<vmem>>, vector<16xf32>,
      tpu.vector_store %arg10[%swap3A_762, %swap3A_763], %scan3A_745#5 {strides = array<i32>} : memref<18x128xf32, #tpu.memory_space<vmem>>, vector<16xf32>,
      %swap3A_765 = arith.index_cast %add3A_723 : i32 to index
      %swap3A_766 = arith.constant 96 : index
      %swap3A_767 = tpu.vector_load %arg10[%swap3A_765, %swap3A_766] {strides = array<i32>} : memref<18x128xf32, #tpu.memory_space<vmem>>, vector<16xf32>,
      tpu.vector_store %arg10[%swap3A_765, %swap3A_766], %scan3A_745#6 {strides = array<i32>} : memref<18x128xf32, #tpu.memory_space<vmem>>, vector<16xf32>,
      %swap3A_768 = arith.index_cast %add3A_723 : i32 to index
      %swap3A_769 = arith.constant 112 : index
      %swap3A_770 = tpu.vector_load %arg10[%swap3A_768, %swap3A_769] {strides = array<i32>} : memref<18x128xf32, #tpu.memory_space<vmem>>, vector<16xf32>,
      tpu.vector_store %arg10[%swap3A_768, %swap3A_769], %scan3A_745#7 {strides = array<i32>} : memref<18x128xf32, #tpu.memory_space<vmem>>, vector<16xf32>,
      %add3A_771 = arith.constant 3 : i32
      %add3A_772 = arith.addi %add3A_664, %add3A_771 : i32
      %lt3A = arith.constant 9 : i32
      %lt3A_773 = arith.cmpi slt, %add3A_772, %lt3A : i32
      %convert_element_type3A = arith.extui %lt3A_773 : i1 to i32
      %cond3A = arith.constant 0 : i32
      %cond3A_774 = arith.cmpi ne, %convert_element_type3A, %cond3A : i32
      scf.if %cond3A_774 {
        %dma_start3A_1011 = arith.constant 0 : i32
        %dma_start3A_1012 = tpu.memref_slice %arg7[%add3A_772, %dma_start3A_1011] : memref<9x128xi32, #tpu.memory_space<vmem>> -> memref<1x128xi32, #tpu.memory_space<vmem>>
        %dma_start3A_1013 = tpu.memref_squeeze %dma_start3A_1012 : memref<1x128xi32, #tpu.memory_space<vmem>> -> memref<128xi32, #tpu.memory_space<vmem>>
        %dma_start3A_1014 = arith.constant 0 : i32
        %dma_start3A_1015 = arith.constant 0 : i32
        %dma_start3A_1016 = tpu.memref_slice %arg4[%dma_start3A_1014, %dma_start3A_1015] : memref<100000x128xf32, #tpu.memory_space<hbm>> -> memref<100000x128xf32, #tpu.memory_space<hbm>>
        tpu.enqueue_indirect_dma source(%dma_start3A_1016 : memref<100000x128xf32, #tpu.memory_space<hbm>>) target(%arg11 : memref<128x128xf32, #tpu.memory_space<vmem>>) offsets(%dma_start3A_1013 : memref<128xi32, #tpu.memory_space<vmem>>) semaphore(%arg14 : memref<!tpu.dma_semaphore, #tpu.memory_space<semaphore_mem>>)
      } else {
      }
      %mul3A_775 = arith.constant 3 : i32
      %mul3A_776 = arith.muli %scan3A_660, %mul3A_775 : i32
      %add3A_777 = arith.constant 1 : i32
      %add3A_778 = arith.addi %mul3A_776, %add3A_777 : i32
      %dma_wait3A_779 = arith.constant 0 : i32
      %dma_wait3A_780 = arith.constant 0 : i32
      %dma_wait3A_781 = tpu.memref_slice %arg7[%dma_wait3A_779, %dma_wait3A_780] : memref<9x128xi32, #tpu.memory_space<vmem>> -> memref<1x128xi32, #tpu.memory_space<vmem>>
      %dma_wait3A_782 = tpu.memref_squeeze %dma_wait3A_781 : memref<1x128xi32, #tpu.memory_space<vmem>> -> memref<128xi32, #tpu.memory_space<vmem>>
      %dma_wait3A_783 = arith.constant 0 : i32
      %dma_wait3A_784 = arith.constant 0 : i32
      %dma_wait3A_785 = tpu.memref_slice %arg4[%dma_wait3A_783, %dma_wait3A_784] : memref<100000x128xf32, #tpu.memory_space<hbm>> -> memref<100000x128xf32, #tpu.memory_space<hbm>>
      tpu.wait_indirect_dma semaphore(%arg15 : memref<!tpu.dma_semaphore, #tpu.memory_space<semaphore_mem>>) src(%dma_wait3A_785 : memref<100000x128xf32, #tpu.memory_space<hbm>>) dst(%arg12 : memref<128x128xf32, #tpu.memory_space<vmem>>)
      %mul3A_786 = arith.constant 2 : i32
      %mul3A_787 = arith.muli %mul3A_786, %add3A_778 : i32
      %broadcast_in_dim3A_788 = vector.broadcast %mul3A_787 : i32 to vector<16xi32>
      %broadcast_in_dim3A_789 = arith.constant 0.000000e+00 : f32
      %broadcast_in_dim3A_790 = vector.broadcast %broadcast_in_dim3A_789 : f32 to vector<16xf32>
      %broadcast_in_dim3A_791 = arith.constant 0.000000e+00 : f32
      %broadcast_in_dim3A_792 = vector.broadcast %broadcast_in_dim3A_791 : f32 to vector<16xf32>
      %broadcast_in_dim3A_793 = arith.constant 0.000000e+00 : f32
      %broadcast_in_dim3A_794 = vector.broadcast %broadcast_in_dim3A_793 : f32 to vector<16xf32>
      %broadcast_in_dim3A_795 = arith.constant 0.000000e+00 : f32
      %broadcast_in_dim3A_796 = vector.broadcast %broadcast_in_dim3A_795 : f32 to vector<16xf32>
      %broadcast_in_dim3A_797 = arith.constant 0.000000e+00 : f32
      %broadcast_in_dim3A_798 = vector.broadcast %broadcast_in_dim3A_797 : f32 to vector<16xf32>
      %broadcast_in_dim3A_799 = arith.constant 0.000000e+00 : f32
      %broadcast_in_dim3A_800 = vector.broadcast %broadcast_in_dim3A_799 : f32 to vector<16xf32>
      %broadcast_in_dim3A_801 = arith.constant 0.000000e+00 : f32
      %broadcast_in_dim3A_802 = vector.broadcast %broadcast_in_dim3A_801 : f32 to vector<16xf32>
      %broadcast_in_dim3A_803 = arith.constant 0.000000e+00 : f32
      %broadcast_in_dim3A_804 = vector.broadcast %broadcast_in_dim3A_803 : f32 to vector<16xf32>
      %scan3A_805 = arith.constant 0 : i32
      %scan3A_806 = arith.constant 8 : i32
      %scan3A_807 = arith.addi %scan3A_805, %scan3A_806 : i32
      %scan3A_808 = arith.constant 1 : i32
      %scan3A_809:8 = scf.for %scan3A_1011 = %scan3A_805 to %scan3A_807 step %scan3A_808 iter_args(%scan3A_1012 = %broadcast_in_dim3A_790, %scan3A_1013 = %broadcast_in_dim3A_792, %scan3A_1014 = %broadcast_in_dim3A_794, %scan3A_1015 = %broadcast_in_dim3A_796, %scan3A_1016 = %broadcast_in_dim3A_798, %scan3A_1017 = %broadcast_in_dim3A_800, %scan3A_1018 = %broadcast_in_dim3A_802, %scan3A_1019 = %broadcast_in_dim3A_804) -> (vector<16xf32>, vector<16xf32>, vector<16xf32>, vector<16xf32>, vector<16xf32>, vector<16xf32>, vector<16xf32>, vector<16xf32>)  : i32 {
        %mul3A_1020 = arith.constant 8 : i32
        %mul3A_1021 = arith.muli %scan3A_1011, %mul3A_1020 : i32
        %add3A_1022 = arith.constant 0 : i32
        %add3A_1023 = arith.addi %mul3A_1021, %add3A_1022 : i32
        %broadcast_in_dim3A_1024 = vector.broadcast %add3A_1023 : i32 to vector<16xi32>
        %gather3A = tpu.vector_load_idx %arg9[%broadcast_in_dim3A_788, %broadcast_in_dim3A_1024] : memref<18x64xf32, #tpu.memory_space<vmem>>[vector<16xi32>, vector<16xi32>], vector<16xf32>,
        %add3A_1025 = arith.constant 0 : i32
        %add3A_1026 = arith.addi %add3A_1025, %mul3A_1021 : i32
        %add3A_1027 = arith.constant 0 : i32
        %add3A_1028 = arith.addi %add3A_1026, %add3A_1027 : i32
        %get3A_1029 = arith.index_cast %add3A_1028 : i32 to index
        %get3A_1030 = arith.constant 0 : index
        %get3A_1031 = tpu.vector_load %arg12[%get3A_1029, %get3A_1030] {strides = array<i32>} : memref<128x128xf32, #tpu.memory_space<vmem>>, vector<16xf32>,
        %mul3A_1032 = arith.mulf %gather3A, %get3A_1031 : vector<16xf32>
        %add3A_1033 = arith.addf %scan3A_1012, %mul3A_1032 : vector<16xf32>
        %get3A_1034 = arith.index_cast %add3A_1028 : i32 to index
        %get3A_1035 = arith.constant 16 : index
        %get3A_1036 = tpu.vector_load %arg12[%get3A_1034, %get3A_1035] {strides = array<i32>} : memref<128x128xf32, #tpu.memory_space<vmem>>, vector<16xf32>,
        %mul3A_1037 = arith.mulf %gather3A, %get3A_1036 : vector<16xf32>
        %add3A_1038 = arith.addf %scan3A_1013, %mul3A_1037 : vector<16xf32>
        %get3A_1039 = arith.index_cast %add3A_1028 : i32 to index
        %get3A_1040 = arith.constant 32 : index
        %get3A_1041 = tpu.vector_load %arg12[%get3A_1039, %get3A_1040] {strides = array<i32>} : memref<128x128xf32, #tpu.memory_space<vmem>>, vector<16xf32>,
        %mul3A_1042 = arith.mulf %gather3A, %get3A_1041 : vector<16xf32>
        %add3A_1043 = arith.addf %scan3A_1014, %mul3A_1042 : vector<16xf32>
        %get3A_1044 = arith.index_cast %add3A_1028 : i32 to index
        %get3A_1045 = arith.constant 48 : index
        %get3A_1046 = tpu.vector_load %arg12[%get3A_1044, %get3A_1045] {strides = array<i32>} : memref<128x128xf32, #tpu.memory_space<vmem>>, vector<16xf32>,
        %mul3A_1047 = arith.mulf %gather3A, %get3A_1046 : vector<16xf32>
        %add3A_1048 = arith.addf %scan3A_1015, %mul3A_1047 : vector<16xf32>
        %get3A_1049 = arith.index_cast %add3A_1028 : i32 to index
        %get3A_1050 = arith.constant 64 : index
        %get3A_1051 = tpu.vector_load %arg12[%get3A_1049, %get3A_1050] {strides = array<i32>} : memref<128x128xf32, #tpu.memory_space<vmem>>, vector<16xf32>,
        %mul3A_1052 = arith.mulf %gather3A, %get3A_1051 : vector<16xf32>
        %add3A_1053 = arith.addf %scan3A_1016, %mul3A_1052 : vector<16xf32>
        %get3A_1054 = arith.index_cast %add3A_1028 : i32 to index
        %get3A_1055 = arith.constant 80 : index
        %get3A_1056 = tpu.vector_load %arg12[%get3A_1054, %get3A_1055] {strides = array<i32>} : memref<128x128xf32, #tpu.memory_space<vmem>>, vector<16xf32>,
        %mul3A_1057 = arith.mulf %gather3A, %get3A_1056 : vector<16xf32>
        %add3A_1058 = arith.addf %scan3A_1017, %mul3A_1057 : vector<16xf32>
        %get3A_1059 = arith.index_cast %add3A_1028 : i32 to index
        %get3A_1060 = arith.constant 96 : index
        %get3A_1061 = tpu.vector_load %arg12[%get3A_1059, %get3A_1060] {strides = array<i32>} : memref<128x128xf32, #tpu.memory_space<vmem>>, vector<16xf32>,
        %mul3A_1062 = arith.mulf %gather3A, %get3A_1061 : vector<16xf32>
        %add3A_1063 = arith.addf %scan3A_1018, %mul3A_1062 : vector<16xf32>
        %get3A_1064 = arith.index_cast %add3A_1028 : i32 to index
        %get3A_1065 = arith.constant 112 : index
        %get3A_1066 = tpu.vector_load %arg12[%get3A_1064, %get3A_1065] {strides = array<i32>} : memref<128x128xf32, #tpu.memory_space<vmem>>, vector<16xf32>,
        %mul3A_1067 = arith.mulf %gather3A, %get3A_1066 : vector<16xf32>
        %add3A_1068 = arith.addf %scan3A_1019, %mul3A_1067 : vector<16xf32>
        %add3A_1069 = arith.constant 1 : i32
        %add3A_1070 = arith.addi %mul3A_1021, %add3A_1069 : i32
        %broadcast_in_dim3A_1071 = vector.broadcast %add3A_1070 : i32 to vector<16xi32>
        %gather3A_1072 = tpu.vector_load_idx %arg9[%broadcast_in_dim3A_788, %broadcast_in_dim3A_1071] : memref<18x64xf32, #tpu.memory_space<vmem>>[vector<16xi32>, vector<16xi32>], vector<16xf32>,
        %add3A_1073 = arith.constant 0 : i32
        %add3A_1074 = arith.addi %add3A_1073, %mul3A_1021 : i32
        %add3A_1075 = arith.constant 1 : i32
        %add3A_1076 = arith.addi %add3A_1074, %add3A_1075 : i32
        %get3A_1077 = arith.index_cast %add3A_1076 : i32 to index
        %get3A_1078 = arith.constant 0 : index
        %get3A_1079 = tpu.vector_load %arg12[%get3A_1077, %get3A_1078] {strides = array<i32>} : memref<128x128xf32, #tpu.memory_space<vmem>>, vector<16xf32>,
        %mul3A_1080 = arith.mulf %gather3A_1072, %get3A_1079 : vector<16xf32>
        %add3A_1081 = arith.addf %add3A_1033, %mul3A_1080 : vector<16xf32>
        %get3A_1082 = arith.index_cast %add3A_1076 : i32 to index
        %get3A_1083 = arith.constant 16 : index
        %get3A_1084 = tpu.vector_load %arg12[%get3A_1082, %get3A_1083] {strides = array<i32>} : memref<128x128xf32, #tpu.memory_space<vmem>>, vector<16xf32>,
        %mul3A_1085 = arith.mulf %gather3A_1072, %get3A_1084 : vector<16xf32>
        %add3A_1086 = arith.addf %add3A_1038, %mul3A_1085 : vector<16xf32>
        %get3A_1087 = arith.index_cast %add3A_1076 : i32 to index
        %get3A_1088 = arith.constant 32 : index
        %get3A_1089 = tpu.vector_load %arg12[%get3A_1087, %get3A_1088] {strides = array<i32>} : memref<128x128xf32, #tpu.memory_space<vmem>>, vector<16xf32>,
        %mul3A_1090 = arith.mulf %gather3A_1072, %get3A_1089 : vector<16xf32>
        %add3A_1091 = arith.addf %add3A_1043, %mul3A_1090 : vector<16xf32>
        %get3A_1092 = arith.index_cast %add3A_1076 : i32 to index
        %get3A_1093 = arith.constant 48 : index
        %get3A_1094 = tpu.vector_load %arg12[%get3A_1092, %get3A_1093] {strides = array<i32>} : memref<128x128xf32, #tpu.memory_space<vmem>>, vector<16xf32>,
        %mul3A_1095 = arith.mulf %gather3A_1072, %get3A_1094 : vector<16xf32>
        %add3A_1096 = arith.addf %add3A_1048, %mul3A_1095 : vector<16xf32>
        %get3A_1097 = arith.index_cast %add3A_1076 : i32 to index
        %get3A_1098 = arith.constant 64 : index
        %get3A_1099 = tpu.vector_load %arg12[%get3A_1097, %get3A_1098] {strides = array<i32>} : memref<128x128xf32, #tpu.memory_space<vmem>>, vector<16xf32>,
        %mul3A_1100 = arith.mulf %gather3A_1072, %get3A_1099 : vector<16xf32>
        %add3A_1101 = arith.addf %add3A_1053, %mul3A_1100 : vector<16xf32>
        %get3A_1102 = arith.index_cast %add3A_1076 : i32 to index
        %get3A_1103 = arith.constant 80 : index
        %get3A_1104 = tpu.vector_load %arg12[%get3A_1102, %get3A_1103] {strides = array<i32>} : memref<128x128xf32, #tpu.memory_space<vmem>>, vector<16xf32>,
        %mul3A_1105 = arith.mulf %gather3A_1072, %get3A_1104 : vector<16xf32>
        %add3A_1106 = arith.addf %add3A_1058, %mul3A_1105 : vector<16xf32>
        %get3A_1107 = arith.index_cast %add3A_1076 : i32 to index
        %get3A_1108 = arith.constant 96 : index
        %get3A_1109 = tpu.vector_load %arg12[%get3A_1107, %get3A_1108] {strides = array<i32>} : memref<128x128xf32, #tpu.memory_space<vmem>>, vector<16xf32>,
        %mul3A_1110 = arith.mulf %gather3A_1072, %get3A_1109 : vector<16xf32>
        %add3A_1111 = arith.addf %add3A_1063, %mul3A_1110 : vector<16xf32>
        %get3A_1112 = arith.index_cast %add3A_1076 : i32 to index
        %get3A_1113 = arith.constant 112 : index
        %get3A_1114 = tpu.vector_load %arg12[%get3A_1112, %get3A_1113] {strides = array<i32>} : memref<128x128xf32, #tpu.memory_space<vmem>>, vector<16xf32>,
        %mul3A_1115 = arith.mulf %gather3A_1072, %get3A_1114 : vector<16xf32>
        %add3A_1116 = arith.addf %add3A_1068, %mul3A_1115 : vector<16xf32>
        %add3A_1117 = arith.constant 2 : i32
        %add3A_1118 = arith.addi %mul3A_1021, %add3A_1117 : i32
        %broadcast_in_dim3A_1119 = vector.broadcast %add3A_1118 : i32 to vector<16xi32>
        %gather3A_1120 = tpu.vector_load_idx %arg9[%broadcast_in_dim3A_788, %broadcast_in_dim3A_1119] : memref<18x64xf32, #tpu.memory_space<vmem>>[vector<16xi32>, vector<16xi32>], vector<16xf32>,
        %add3A_1121 = arith.constant 0 : i32
        %add3A_1122 = arith.addi %add3A_1121, %mul3A_1021 : i32
        %add3A_1123 = arith.constant 2 : i32
        %add3A_1124 = arith.addi %add3A_1122, %add3A_1123 : i32
        %get3A_1125 = arith.index_cast %add3A_1124 : i32 to index
        %get3A_1126 = arith.constant 0 : index
        %get3A_1127 = tpu.vector_load %arg12[%get3A_1125, %get3A_1126] {strides = array<i32>} : memref<128x128xf32, #tpu.memory_space<vmem>>, vector<16xf32>,
        %mul3A_1128 = arith.mulf %gather3A_1120, %get3A_1127 : vector<16xf32>
        %add3A_1129 = arith.addf %add3A_1081, %mul3A_1128 : vector<16xf32>
        %get3A_1130 = arith.index_cast %add3A_1124 : i32 to index
        %get3A_1131 = arith.constant 16 : index
        %get3A_1132 = tpu.vector_load %arg12[%get3A_1130, %get3A_1131] {strides = array<i32>} : memref<128x128xf32, #tpu.memory_space<vmem>>, vector<16xf32>,
        %mul3A_1133 = arith.mulf %gather3A_1120, %get3A_1132 : vector<16xf32>
        %add3A_1134 = arith.addf %add3A_1086, %mul3A_1133 : vector<16xf32>
        %get3A_1135 = arith.index_cast %add3A_1124 : i32 to index
        %get3A_1136 = arith.constant 32 : index
        %get3A_1137 = tpu.vector_load %arg12[%get3A_1135, %get3A_1136] {strides = array<i32>} : memref<128x128xf32, #tpu.memory_space<vmem>>, vector<16xf32>,
        %mul3A_1138 = arith.mulf %gather3A_1120, %get3A_1137 : vector<16xf32>
        %add3A_1139 = arith.addf %add3A_1091, %mul3A_1138 : vector<16xf32>
        %get3A_1140 = arith.index_cast %add3A_1124 : i32 to index
        %get3A_1141 = arith.constant 48 : index
        %get3A_1142 = tpu.vector_load %arg12[%get3A_1140, %get3A_1141] {strides = array<i32>} : memref<128x128xf32, #tpu.memory_space<vmem>>, vector<16xf32>,
        %mul3A_1143 = arith.mulf %gather3A_1120, %get3A_1142 : vector<16xf32>
        %add3A_1144 = arith.addf %add3A_1096, %mul3A_1143 : vector<16xf32>
        %get3A_1145 = arith.index_cast %add3A_1124 : i32 to index
        %get3A_1146 = arith.constant 64 : index
        %get3A_1147 = tpu.vector_load %arg12[%get3A_1145, %get3A_1146] {strides = array<i32>} : memref<128x128xf32, #tpu.memory_space<vmem>>, vector<16xf32>,
        %mul3A_1148 = arith.mulf %gather3A_1120, %get3A_1147 : vector<16xf32>
        %add3A_1149 = arith.addf %add3A_1101, %mul3A_1148 : vector<16xf32>
        %get3A_1150 = arith.index_cast %add3A_1124 : i32 to index
        %get3A_1151 = arith.constant 80 : index
        %get3A_1152 = tpu.vector_load %arg12[%get3A_1150, %get3A_1151] {strides = array<i32>} : memref<128x128xf32, #tpu.memory_space<vmem>>, vector<16xf32>,
        %mul3A_1153 = arith.mulf %gather3A_1120, %get3A_1152 : vector<16xf32>
        %add3A_1154 = arith.addf %add3A_1106, %mul3A_1153 : vector<16xf32>
        %get3A_1155 = arith.index_cast %add3A_1124 : i32 to index
        %get3A_1156 = arith.constant 96 : index
        %get3A_1157 = tpu.vector_load %arg12[%get3A_1155, %get3A_1156] {strides = array<i32>} : memref<128x128xf32, #tpu.memory_space<vmem>>, vector<16xf32>,
        %mul3A_1158 = arith.mulf %gather3A_1120, %get3A_1157 : vector<16xf32>
        %add3A_1159 = arith.addf %add3A_1111, %mul3A_1158 : vector<16xf32>
        %get3A_1160 = arith.index_cast %add3A_1124 : i32 to index
        %get3A_1161 = arith.constant 112 : index
        %get3A_1162 = tpu.vector_load %arg12[%get3A_1160, %get3A_1161] {strides = array<i32>} : memref<128x128xf32, #tpu.memory_space<vmem>>, vector<16xf32>,
        %mul3A_1163 = arith.mulf %gather3A_1120, %get3A_1162 : vector<16xf32>
        %add3A_1164 = arith.addf %add3A_1116, %mul3A_1163 : vector<16xf32>
        %add3A_1165 = arith.constant 3 : i32
        %add3A_1166 = arith.addi %mul3A_1021, %add3A_1165 : i32
        %broadcast_in_dim3A_1167 = vector.broadcast %add3A_1166 : i32 to vector<16xi32>
        %gather3A_1168 = tpu.vector_load_idx %arg9[%broadcast_in_dim3A_788, %broadcast_in_dim3A_1167] : memref<18x64xf32, #tpu.memory_space<vmem>>[vector<16xi32>, vector<16xi32>], vector<16xf32>,
        %add3A_1169 = arith.constant 0 : i32
        %add3A_1170 = arith.addi %add3A_1169, %mul3A_1021 : i32
        %add3A_1171 = arith.constant 3 : i32
        %add3A_1172 = arith.addi %add3A_1170, %add3A_1171 : i32
        %get3A_1173 = arith.index_cast %add3A_1172 : i32 to index
        %get3A_1174 = arith.constant 0 : index
        %get3A_1175 = tpu.vector_load %arg12[%get3A_1173, %get3A_1174] {strides = array<i32>} : memref<128x128xf32, #tpu.memory_space<vmem>>, vector<16xf32>,
        %mul3A_1176 = arith.mulf %gather3A_1168, %get3A_1175 : vector<16xf32>
        %add3A_1177 = arith.addf %add3A_1129, %mul3A_1176 : vector<16xf32>
        %get3A_1178 = arith.index_cast %add3A_1172 : i32 to index
        %get3A_1179 = arith.constant 16 : index
        %get3A_1180 = tpu.vector_load %arg12[%get3A_1178, %get3A_1179] {strides = array<i32>} : memref<128x128xf32, #tpu.memory_space<vmem>>, vector<16xf32>,
        %mul3A_1181 = arith.mulf %gather3A_1168, %get3A_1180 : vector<16xf32>
        %add3A_1182 = arith.addf %add3A_1134, %mul3A_1181 : vector<16xf32>
        %get3A_1183 = arith.index_cast %add3A_1172 : i32 to index
        %get3A_1184 = arith.constant 32 : index
        %get3A_1185 = tpu.vector_load %arg12[%get3A_1183, %get3A_1184] {strides = array<i32>} : memref<128x128xf32, #tpu.memory_space<vmem>>, vector<16xf32>,
        %mul3A_1186 = arith.mulf %gather3A_1168, %get3A_1185 : vector<16xf32>
        %add3A_1187 = arith.addf %add3A_1139, %mul3A_1186 : vector<16xf32>
        %get3A_1188 = arith.index_cast %add3A_1172 : i32 to index
        %get3A_1189 = arith.constant 48 : index
        %get3A_1190 = tpu.vector_load %arg12[%get3A_1188, %get3A_1189] {strides = array<i32>} : memref<128x128xf32, #tpu.memory_space<vmem>>, vector<16xf32>,
        %mul3A_1191 = arith.mulf %gather3A_1168, %get3A_1190 : vector<16xf32>
        %add3A_1192 = arith.addf %add3A_1144, %mul3A_1191 : vector<16xf32>
        %get3A_1193 = arith.index_cast %add3A_1172 : i32 to index
        %get3A_1194 = arith.constant 64 : index
        %get3A_1195 = tpu.vector_load %arg12[%get3A_1193, %get3A_1194] {strides = array<i32>} : memref<128x128xf32, #tpu.memory_space<vmem>>, vector<16xf32>,
        %mul3A_1196 = arith.mulf %gather3A_1168, %get3A_1195 : vector<16xf32>
        %add3A_1197 = arith.addf %add3A_1149, %mul3A_1196 : vector<16xf32>
        %get3A_1198 = arith.index_cast %add3A_1172 : i32 to index
        %get3A_1199 = arith.constant 80 : index
        %get3A_1200 = tpu.vector_load %arg12[%get3A_1198, %get3A_1199] {strides = array<i32>} : memref<128x128xf32, #tpu.memory_space<vmem>>, vector<16xf32>,
        %mul3A_1201 = arith.mulf %gather3A_1168, %get3A_1200 : vector<16xf32>
        %add3A_1202 = arith.addf %add3A_1154, %mul3A_1201 : vector<16xf32>
        %get3A_1203 = arith.index_cast %add3A_1172 : i32 to index
        %get3A_1204 = arith.constant 96 : index
        %get3A_1205 = tpu.vector_load %arg12[%get3A_1203, %get3A_1204] {strides = array<i32>} : memref<128x128xf32, #tpu.memory_space<vmem>>, vector<16xf32>,
        %mul3A_1206 = arith.mulf %gather3A_1168, %get3A_1205 : vector<16xf32>
        %add3A_1207 = arith.addf %add3A_1159, %mul3A_1206 : vector<16xf32>
        %get3A_1208 = arith.index_cast %add3A_1172 : i32 to index
        %get3A_1209 = arith.constant 112 : index
        %get3A_1210 = tpu.vector_load %arg12[%get3A_1208, %get3A_1209] {strides = array<i32>} : memref<128x128xf32, #tpu.memory_space<vmem>>, vector<16xf32>,
        %mul3A_1211 = arith.mulf %gather3A_1168, %get3A_1210 : vector<16xf32>
        %add3A_1212 = arith.addf %add3A_1164, %mul3A_1211 : vector<16xf32>
        %add3A_1213 = arith.constant 4 : i32
        %add3A_1214 = arith.addi %mul3A_1021, %add3A_1213 : i32
        %broadcast_in_dim3A_1215 = vector.broadcast %add3A_1214 : i32 to vector<16xi32>
        %gather3A_1216 = tpu.vector_load_idx %arg9[%broadcast_in_dim3A_788, %broadcast_in_dim3A_1215] : memref<18x64xf32, #tpu.memory_space<vmem>>[vector<16xi32>, vector<16xi32>], vector<16xf32>,
        %add3A_1217 = arith.constant 0 : i32
        %add3A_1218 = arith.addi %add3A_1217, %mul3A_1021 : i32
        %add3A_1219 = arith.constant 4 : i32
        %add3A_1220 = arith.addi %add3A_1218, %add3A_1219 : i32
        %get3A_1221 = arith.index_cast %add3A_1220 : i32 to index
        %get3A_1222 = arith.constant 0 : index
        %get3A_1223 = tpu.vector_load %arg12[%get3A_1221, %get3A_1222] {strides = array<i32>} : memref<128x128xf32, #tpu.memory_space<vmem>>, vector<16xf32>,
        %mul3A_1224 = arith.mulf %gather3A_1216, %get3A_1223 : vector<16xf32>
        %add3A_1225 = arith.addf %add3A_1177, %mul3A_1224 : vector<16xf32>
        %get3A_1226 = arith.index_cast %add3A_1220 : i32 to index
        %get3A_1227 = arith.constant 16 : index
        %get3A_1228 = tpu.vector_load %arg12[%get3A_1226, %get3A_1227] {strides = array<i32>} : memref<128x128xf32, #tpu.memory_space<vmem>>, vector<16xf32>,
        %mul3A_1229 = arith.mulf %gather3A_1216, %get3A_1228 : vector<16xf32>
        %add3A_1230 = arith.addf %add3A_1182, %mul3A_1229 : vector<16xf32>
        %get3A_1231 = arith.index_cast %add3A_1220 : i32 to index
        %get3A_1232 = arith.constant 32 : index
        %get3A_1233 = tpu.vector_load %arg12[%get3A_1231, %get3A_1232] {strides = array<i32>} : memref<128x128xf32, #tpu.memory_space<vmem>>, vector<16xf32>,
        %mul3A_1234 = arith.mulf %gather3A_1216, %get3A_1233 : vector<16xf32>
        %add3A_1235 = arith.addf %add3A_1187, %mul3A_1234 : vector<16xf32>
        %get3A_1236 = arith.index_cast %add3A_1220 : i32 to index
        %get3A_1237 = arith.constant 48 : index
        %get3A_1238 = tpu.vector_load %arg12[%get3A_1236, %get3A_1237] {strides = array<i32>} : memref<128x128xf32, #tpu.memory_space<vmem>>, vector<16xf32>,
        %mul3A_1239 = arith.mulf %gather3A_1216, %get3A_1238 : vector<16xf32>
        %add3A_1240 = arith.addf %add3A_1192, %mul3A_1239 : vector<16xf32>
        %get3A_1241 = arith.index_cast %add3A_1220 : i32 to index
        %get3A_1242 = arith.constant 64 : index
        %get3A_1243 = tpu.vector_load %arg12[%get3A_1241, %get3A_1242] {strides = array<i32>} : memref<128x128xf32, #tpu.memory_space<vmem>>, vector<16xf32>,
        %mul3A_1244 = arith.mulf %gather3A_1216, %get3A_1243 : vector<16xf32>
        %add3A_1245 = arith.addf %add3A_1197, %mul3A_1244 : vector<16xf32>
        %get3A_1246 = arith.index_cast %add3A_1220 : i32 to index
        %get3A_1247 = arith.constant 80 : index
        %get3A_1248 = tpu.vector_load %arg12[%get3A_1246, %get3A_1247] {strides = array<i32>} : memref<128x128xf32, #tpu.memory_space<vmem>>, vector<16xf32>,
        %mul3A_1249 = arith.mulf %gather3A_1216, %get3A_1248 : vector<16xf32>
        %add3A_1250 = arith.addf %add3A_1202, %mul3A_1249 : vector<16xf32>
        %get3A_1251 = arith.index_cast %add3A_1220 : i32 to index
        %get3A_1252 = arith.constant 96 : index
        %get3A_1253 = tpu.vector_load %arg12[%get3A_1251, %get3A_1252] {strides = array<i32>} : memref<128x128xf32, #tpu.memory_space<vmem>>, vector<16xf32>,
        %mul3A_1254 = arith.mulf %gather3A_1216, %get3A_1253 : vector<16xf32>
        %add3A_1255 = arith.addf %add3A_1207, %mul3A_1254 : vector<16xf32>
        %get3A_1256 = arith.index_cast %add3A_1220 : i32 to index
        %get3A_1257 = arith.constant 112 : index
        %get3A_1258 = tpu.vector_load %arg12[%get3A_1256, %get3A_1257] {strides = array<i32>} : memref<128x128xf32, #tpu.memory_space<vmem>>, vector<16xf32>,
        %mul3A_1259 = arith.mulf %gather3A_1216, %get3A_1258 : vector<16xf32>
        %add3A_1260 = arith.addf %add3A_1212, %mul3A_1259 : vector<16xf32>
        %add3A_1261 = arith.constant 5 : i32
        %add3A_1262 = arith.addi %mul3A_1021, %add3A_1261 : i32
        %broadcast_in_dim3A_1263 = vector.broadcast %add3A_1262 : i32 to vector<16xi32>
        %gather3A_1264 = tpu.vector_load_idx %arg9[%broadcast_in_dim3A_788, %broadcast_in_dim3A_1263] : memref<18x64xf32, #tpu.memory_space<vmem>>[vector<16xi32>, vector<16xi32>], vector<16xf32>,
        %add3A_1265 = arith.constant 0 : i32
        %add3A_1266 = arith.addi %add3A_1265, %mul3A_1021 : i32
        %add3A_1267 = arith.constant 5 : i32
        %add3A_1268 = arith.addi %add3A_1266, %add3A_1267 : i32
        %get3A_1269 = arith.index_cast %add3A_1268 : i32 to index
        %get3A_1270 = arith.constant 0 : index
        %get3A_1271 = tpu.vector_load %arg12[%get3A_1269, %get3A_1270] {strides = array<i32>} : memref<128x128xf32, #tpu.memory_space<vmem>>, vector<16xf32>,
        %mul3A_1272 = arith.mulf %gather3A_1264, %get3A_1271 : vector<16xf32>
        %add3A_1273 = arith.addf %add3A_1225, %mul3A_1272 : vector<16xf32>
        %get3A_1274 = arith.index_cast %add3A_1268 : i32 to index
        %get3A_1275 = arith.constant 16 : index
        %get3A_1276 = tpu.vector_load %arg12[%get3A_1274, %get3A_1275] {strides = array<i32>} : memref<128x128xf32, #tpu.memory_space<vmem>>, vector<16xf32>,
        %mul3A_1277 = arith.mulf %gather3A_1264, %get3A_1276 : vector<16xf32>
        %add3A_1278 = arith.addf %add3A_1230, %mul3A_1277 : vector<16xf32>
        %get3A_1279 = arith.index_cast %add3A_1268 : i32 to index
        %get3A_1280 = arith.constant 32 : index
        %get3A_1281 = tpu.vector_load %arg12[%get3A_1279, %get3A_1280] {strides = array<i32>} : memref<128x128xf32, #tpu.memory_space<vmem>>, vector<16xf32>,
        %mul3A_1282 = arith.mulf %gather3A_1264, %get3A_1281 : vector<16xf32>
        %add3A_1283 = arith.addf %add3A_1235, %mul3A_1282 : vector<16xf32>
        %get3A_1284 = arith.index_cast %add3A_1268 : i32 to index
        %get3A_1285 = arith.constant 48 : index
        %get3A_1286 = tpu.vector_load %arg12[%get3A_1284, %get3A_1285] {strides = array<i32>} : memref<128x128xf32, #tpu.memory_space<vmem>>, vector<16xf32>,
        %mul3A_1287 = arith.mulf %gather3A_1264, %get3A_1286 : vector<16xf32>
        %add3A_1288 = arith.addf %add3A_1240, %mul3A_1287 : vector<16xf32>
        %get3A_1289 = arith.index_cast %add3A_1268 : i32 to index
        %get3A_1290 = arith.constant 64 : index
        %get3A_1291 = tpu.vector_load %arg12[%get3A_1289, %get3A_1290] {strides = array<i32>} : memref<128x128xf32, #tpu.memory_space<vmem>>, vector<16xf32>,
        %mul3A_1292 = arith.mulf %gather3A_1264, %get3A_1291 : vector<16xf32>
        %add3A_1293 = arith.addf %add3A_1245, %mul3A_1292 : vector<16xf32>
        %get3A_1294 = arith.index_cast %add3A_1268 : i32 to index
        %get3A_1295 = arith.constant 80 : index
        %get3A_1296 = tpu.vector_load %arg12[%get3A_1294, %get3A_1295] {strides = array<i32>} : memref<128x128xf32, #tpu.memory_space<vmem>>, vector<16xf32>,
        %mul3A_1297 = arith.mulf %gather3A_1264, %get3A_1296 : vector<16xf32>
        %add3A_1298 = arith.addf %add3A_1250, %mul3A_1297 : vector<16xf32>
        %get3A_1299 = arith.index_cast %add3A_1268 : i32 to index
        %get3A_1300 = arith.constant 96 : index
        %get3A_1301 = tpu.vector_load %arg12[%get3A_1299, %get3A_1300] {strides = array<i32>} : memref<128x128xf32, #tpu.memory_space<vmem>>, vector<16xf32>,
        %mul3A_1302 = arith.mulf %gather3A_1264, %get3A_1301 : vector<16xf32>
        %add3A_1303 = arith.addf %add3A_1255, %mul3A_1302 : vector<16xf32>
        %get3A_1304 = arith.index_cast %add3A_1268 : i32 to index
        %get3A_1305 = arith.constant 112 : index
        %get3A_1306 = tpu.vector_load %arg12[%get3A_1304, %get3A_1305] {strides = array<i32>} : memref<128x128xf32, #tpu.memory_space<vmem>>, vector<16xf32>,
        %mul3A_1307 = arith.mulf %gather3A_1264, %get3A_1306 : vector<16xf32>
        %add3A_1308 = arith.addf %add3A_1260, %mul3A_1307 : vector<16xf32>
        %add3A_1309 = arith.constant 6 : i32
        %add3A_1310 = arith.addi %mul3A_1021, %add3A_1309 : i32
        %broadcast_in_dim3A_1311 = vector.broadcast %add3A_1310 : i32 to vector<16xi32>
        %gather3A_1312 = tpu.vector_load_idx %arg9[%broadcast_in_dim3A_788, %broadcast_in_dim3A_1311] : memref<18x64xf32, #tpu.memory_space<vmem>>[vector<16xi32>, vector<16xi32>], vector<16xf32>,
        %add3A_1313 = arith.constant 0 : i32
        %add3A_1314 = arith.addi %add3A_1313, %mul3A_1021 : i32
        %add3A_1315 = arith.constant 6 : i32
        %add3A_1316 = arith.addi %add3A_1314, %add3A_1315 : i32
        %get3A_1317 = arith.index_cast %add3A_1316 : i32 to index
        %get3A_1318 = arith.constant 0 : index
        %get3A_1319 = tpu.vector_load %arg12[%get3A_1317, %get3A_1318] {strides = array<i32>} : memref<128x128xf32, #tpu.memory_space<vmem>>, vector<16xf32>,
        %mul3A_1320 = arith.mulf %gather3A_1312, %get3A_1319 : vector<16xf32>
        %add3A_1321 = arith.addf %add3A_1273, %mul3A_1320 : vector<16xf32>
        %get3A_1322 = arith.index_cast %add3A_1316 : i32 to index
        %get3A_1323 = arith.constant 16 : index
        %get3A_1324 = tpu.vector_load %arg12[%get3A_1322, %get3A_1323] {strides = array<i32>} : memref<128x128xf32, #tpu.memory_space<vmem>>, vector<16xf32>,
        %mul3A_1325 = arith.mulf %gather3A_1312, %get3A_1324 : vector<16xf32>
        %add3A_1326 = arith.addf %add3A_1278, %mul3A_1325 : vector<16xf32>
        %get3A_1327 = arith.index_cast %add3A_1316 : i32 to index
        %get3A_1328 = arith.constant 32 : index
        %get3A_1329 = tpu.vector_load %arg12[%get3A_1327, %get3A_1328] {strides = array<i32>} : memref<128x128xf32, #tpu.memory_space<vmem>>, vector<16xf32>,
        %mul3A_1330 = arith.mulf %gather3A_1312, %get3A_1329 : vector<16xf32>
        %add3A_1331 = arith.addf %add3A_1283, %mul3A_1330 : vector<16xf32>
        %get3A_1332 = arith.index_cast %add3A_1316 : i32 to index
        %get3A_1333 = arith.constant 48 : index
        %get3A_1334 = tpu.vector_load %arg12[%get3A_1332, %get3A_1333] {strides = array<i32>} : memref<128x128xf32, #tpu.memory_space<vmem>>, vector<16xf32>,
        %mul3A_1335 = arith.mulf %gather3A_1312, %get3A_1334 : vector<16xf32>
        %add3A_1336 = arith.addf %add3A_1288, %mul3A_1335 : vector<16xf32>
        %get3A_1337 = arith.index_cast %add3A_1316 : i32 to index
        %get3A_1338 = arith.constant 64 : index
        %get3A_1339 = tpu.vector_load %arg12[%get3A_1337, %get3A_1338] {strides = array<i32>} : memref<128x128xf32, #tpu.memory_space<vmem>>, vector<16xf32>,
        %mul3A_1340 = arith.mulf %gather3A_1312, %get3A_1339 : vector<16xf32>
        %add3A_1341 = arith.addf %add3A_1293, %mul3A_1340 : vector<16xf32>
        %get3A_1342 = arith.index_cast %add3A_1316 : i32 to index
        %get3A_1343 = arith.constant 80 : index
        %get3A_1344 = tpu.vector_load %arg12[%get3A_1342, %get3A_1343] {strides = array<i32>} : memref<128x128xf32, #tpu.memory_space<vmem>>, vector<16xf32>,
        %mul3A_1345 = arith.mulf %gather3A_1312, %get3A_1344 : vector<16xf32>
        %add3A_1346 = arith.addf %add3A_1298, %mul3A_1345 : vector<16xf32>
        %get3A_1347 = arith.index_cast %add3A_1316 : i32 to index
        %get3A_1348 = arith.constant 96 : index
        %get3A_1349 = tpu.vector_load %arg12[%get3A_1347, %get3A_1348] {strides = array<i32>} : memref<128x128xf32, #tpu.memory_space<vmem>>, vector<16xf32>,
        %mul3A_1350 = arith.mulf %gather3A_1312, %get3A_1349 : vector<16xf32>
        %add3A_1351 = arith.addf %add3A_1303, %mul3A_1350 : vector<16xf32>
        %get3A_1352 = arith.index_cast %add3A_1316 : i32 to index
        %get3A_1353 = arith.constant 112 : index
        %get3A_1354 = tpu.vector_load %arg12[%get3A_1352, %get3A_1353] {strides = array<i32>} : memref<128x128xf32, #tpu.memory_space<vmem>>, vector<16xf32>,
        %mul3A_1355 = arith.mulf %gather3A_1312, %get3A_1354 : vector<16xf32>
        %add3A_1356 = arith.addf %add3A_1308, %mul3A_1355 : vector<16xf32>
        %add3A_1357 = arith.constant 7 : i32
        %add3A_1358 = arith.addi %mul3A_1021, %add3A_1357 : i32
        %broadcast_in_dim3A_1359 = vector.broadcast %add3A_1358 : i32 to vector<16xi32>
        %gather3A_1360 = tpu.vector_load_idx %arg9[%broadcast_in_dim3A_788, %broadcast_in_dim3A_1359] : memref<18x64xf32, #tpu.memory_space<vmem>>[vector<16xi32>, vector<16xi32>], vector<16xf32>,
        %add3A_1361 = arith.constant 0 : i32
        %add3A_1362 = arith.addi %add3A_1361, %mul3A_1021 : i32
        %add3A_1363 = arith.constant 7 : i32
        %add3A_1364 = arith.addi %add3A_1362, %add3A_1363 : i32
        %get3A_1365 = arith.index_cast %add3A_1364 : i32 to index
        %get3A_1366 = arith.constant 0 : index
        %get3A_1367 = tpu.vector_load %arg12[%get3A_1365, %get3A_1366] {strides = array<i32>} : memref<128x128xf32, #tpu.memory_space<vmem>>, vector<16xf32>,
        %mul3A_1368 = arith.mulf %gather3A_1360, %get3A_1367 : vector<16xf32>
        %add3A_1369 = arith.addf %add3A_1321, %mul3A_1368 : vector<16xf32>
        %get3A_1370 = arith.index_cast %add3A_1364 : i32 to index
        %get3A_1371 = arith.constant 16 : index
        %get3A_1372 = tpu.vector_load %arg12[%get3A_1370, %get3A_1371] {strides = array<i32>} : memref<128x128xf32, #tpu.memory_space<vmem>>, vector<16xf32>,
        %mul3A_1373 = arith.mulf %gather3A_1360, %get3A_1372 : vector<16xf32>
        %add3A_1374 = arith.addf %add3A_1326, %mul3A_1373 : vector<16xf32>
        %get3A_1375 = arith.index_cast %add3A_1364 : i32 to index
        %get3A_1376 = arith.constant 32 : index
        %get3A_1377 = tpu.vector_load %arg12[%get3A_1375, %get3A_1376] {strides = array<i32>} : memref<128x128xf32, #tpu.memory_space<vmem>>, vector<16xf32>,
        %mul3A_1378 = arith.mulf %gather3A_1360, %get3A_1377 : vector<16xf32>
        %add3A_1379 = arith.addf %add3A_1331, %mul3A_1378 : vector<16xf32>
        %get3A_1380 = arith.index_cast %add3A_1364 : i32 to index
        %get3A_1381 = arith.constant 48 : index
        %get3A_1382 = tpu.vector_load %arg12[%get3A_1380, %get3A_1381] {strides = array<i32>} : memref<128x128xf32, #tpu.memory_space<vmem>>, vector<16xf32>,
        %mul3A_1383 = arith.mulf %gather3A_1360, %get3A_1382 : vector<16xf32>
        %add3A_1384 = arith.addf %add3A_1336, %mul3A_1383 : vector<16xf32>
        %get3A_1385 = arith.index_cast %add3A_1364 : i32 to index
        %get3A_1386 = arith.constant 64 : index
        %get3A_1387 = tpu.vector_load %arg12[%get3A_1385, %get3A_1386] {strides = array<i32>} : memref<128x128xf32, #tpu.memory_space<vmem>>, vector<16xf32>,
        %mul3A_1388 = arith.mulf %gather3A_1360, %get3A_1387 : vector<16xf32>
        %add3A_1389 = arith.addf %add3A_1341, %mul3A_1388 : vector<16xf32>
        %get3A_1390 = arith.index_cast %add3A_1364 : i32 to index
        %get3A_1391 = arith.constant 80 : index
        %get3A_1392 = tpu.vector_load %arg12[%get3A_1390, %get3A_1391] {strides = array<i32>} : memref<128x128xf32, #tpu.memory_space<vmem>>, vector<16xf32>,
        %mul3A_1393 = arith.mulf %gather3A_1360, %get3A_1392 : vector<16xf32>
        %add3A_1394 = arith.addf %add3A_1346, %mul3A_1393 : vector<16xf32>
        %get3A_1395 = arith.index_cast %add3A_1364 : i32 to index
        %get3A_1396 = arith.constant 96 : index
        %get3A_1397 = tpu.vector_load %arg12[%get3A_1395, %get3A_1396] {strides = array<i32>} : memref<128x128xf32, #tpu.memory_space<vmem>>, vector<16xf32>,
        %mul3A_1398 = arith.mulf %gather3A_1360, %get3A_1397 : vector<16xf32>
        %add3A_1399 = arith.addf %add3A_1351, %mul3A_1398 : vector<16xf32>
        %get3A_1400 = arith.index_cast %add3A_1364 : i32 to index
        %get3A_1401 = arith.constant 112 : index
        %get3A_1402 = tpu.vector_load %arg12[%get3A_1400, %get3A_1401] {strides = array<i32>} : memref<128x128xf32, #tpu.memory_space<vmem>>, vector<16xf32>,
        %mul3A_1403 = arith.mulf %gather3A_1360, %get3A_1402 : vector<16xf32>
        %add3A_1404 = arith.addf %add3A_1356, %mul3A_1403 : vector<16xf32>
        scf.yield %add3A_1369, %add3A_1374, %add3A_1379, %add3A_1384, %add3A_1389, %add3A_1394, %add3A_1399, %add3A_1404 : vector<16xf32>, vector<16xf32>, vector<16xf32>, vector<16xf32>, vector<16xf32>, vector<16xf32>, vector<16xf32>, vector<16xf32>
      }
      %scan3A_810 = arith.constant 8 : i32
      %swap3A_811 = arith.index_cast %mul3A_787 : i32 to index
      %swap3A_812 = arith.constant 0 : index
      %swap3A_813 = tpu.vector_load %arg10[%swap3A_811, %swap3A_812] {strides = array<i32>} : memref<18x128xf32, #tpu.memory_space<vmem>>, vector<16xf32>,
      tpu.vector_store %arg10[%swap3A_811, %swap3A_812], %scan3A_809#0 {strides = array<i32>} : memref<18x128xf32, #tpu.memory_space<vmem>>, vector<16xf32>,
      %swap3A_814 = arith.index_cast %mul3A_787 : i32 to index
      %swap3A_815 = arith.constant 16 : index
      %swap3A_816 = tpu.vector_load %arg10[%swap3A_814, %swap3A_815] {strides = array<i32>} : memref<18x128xf32, #tpu.memory_space<vmem>>, vector<16xf32>,
      tpu.vector_store %arg10[%swap3A_814, %swap3A_815], %scan3A_809#1 {strides = array<i32>} : memref<18x128xf32, #tpu.memory_space<vmem>>, vector<16xf32>,
      %swap3A_817 = arith.index_cast %mul3A_787 : i32 to index
      %swap3A_818 = arith.constant 32 : index
      %swap3A_819 = tpu.vector_load %arg10[%swap3A_817, %swap3A_818] {strides = array<i32>} : memref<18x128xf32, #tpu.memory_space<vmem>>, vector<16xf32>,
      tpu.vector_store %arg10[%swap3A_817, %swap3A_818], %scan3A_809#2 {strides = array<i32>} : memref<18x128xf32, #tpu.memory_space<vmem>>, vector<16xf32>,
      %swap3A_820 = arith.index_cast %mul3A_787 : i32 to index
      %swap3A_821 = arith.constant 48 : index
      %swap3A_822 = tpu.vector_load %arg10[%swap3A_820, %swap3A_821] {strides = array<i32>} : memref<18x128xf32, #tpu.memory_space<vmem>>, vector<16xf32>,
      tpu.vector_store %arg10[%swap3A_820, %swap3A_821], %scan3A_809#3 {strides = array<i32>} : memref<18x128xf32, #tpu.memory_space<vmem>>, vector<16xf32>,
      %swap3A_823 = arith.index_cast %mul3A_787 : i32 to index
      %swap3A_824 = arith.constant 64 : index
      %swap3A_825 = tpu.vector_load %arg10[%swap3A_823, %swap3A_824] {strides = array<i32>} : memref<18x128xf32, #tpu.memory_space<vmem>>, vector<16xf32>,
      tpu.vector_store %arg10[%swap3A_823, %swap3A_824], %scan3A_809#4 {strides = array<i32>} : memref<18x128xf32, #tpu.memory_space<vmem>>, vector<16xf32>,
      %swap3A_826 = arith.index_cast %mul3A_787 : i32 to index
      %swap3A_827 = arith.constant 80 : index
      %swap3A_828 = tpu.vector_load %arg10[%swap3A_826, %swap3A_827] {strides = array<i32>} : memref<18x128xf32, #tpu.memory_space<vmem>>, vector<16xf32>,
      tpu.vector_store %arg10[%swap3A_826, %swap3A_827], %scan3A_809#5 {strides = array<i32>} : memref<18x128xf32, #tpu.memory_space<vmem>>, vector<16xf32>,
      %swap3A_829 = arith.index_cast %mul3A_787 : i32 to index
      %swap3A_830 = arith.constant 96 : index
      %swap3A_831 = tpu.vector_load %arg10[%swap3A_829, %swap3A_830] {strides = array<i32>} : memref<18x128xf32, #tpu.memory_space<vmem>>, vector<16xf32>,
      tpu.vector_store %arg10[%swap3A_829, %swap3A_830], %scan3A_809#6 {strides = array<i32>} : memref<18x128xf32, #tpu.memory_space<vmem>>, vector<16xf32>,
      %swap3A_832 = arith.index_cast %mul3A_787 : i32 to index
      %swap3A_833 = arith.constant 112 : index
      %swap3A_834 = tpu.vector_load %arg10[%swap3A_832, %swap3A_833] {strides = array<i32>} : memref<18x128xf32, #tpu.memory_space<vmem>>, vector<16xf32>,
      tpu.vector_store %arg10[%swap3A_832, %swap3A_833], %scan3A_809#7 {strides = array<i32>} : memref<18x128xf32, #tpu.memory_space<vmem>>, vector<16xf32>,
      %mul3A_835 = arith.constant 2 : i32
      %mul3A_836 = arith.muli %mul3A_835, %add3A_778 : i32
      %add3A_837 = arith.constant 1 : i32
      %add3A_838 = arith.addi %mul3A_836, %add3A_837 : i32
      %broadcast_in_dim3A_839 = vector.broadcast %add3A_838 : i32 to vector<16xi32>
      %broadcast_in_dim3A_840 = arith.constant 0.000000e+00 : f32
      %broadcast_in_dim3A_841 = vector.broadcast %broadcast_in_dim3A_840 : f32 to vector<16xf32>
      %broadcast_in_dim3A_842 = arith.constant 0.000000e+00 : f32
      %broadcast_in_dim3A_843 = vector.broadcast %broadcast_in_dim3A_842 : f32 to vector<16xf32>
      %broadcast_in_dim3A_844 = arith.constant 0.000000e+00 : f32
      %broadcast_in_dim3A_845 = vector.broadcast %broadcast_in_dim3A_844 : f32 to vector<16xf32>
      %broadcast_in_dim3A_846 = arith.constant 0.000000e+00 : f32
      %broadcast_in_dim3A_847 = vector.broadcast %broadcast_in_dim3A_846 : f32 to vector<16xf32>
      %broadcast_in_dim3A_848 = arith.constant 0.000000e+00 : f32
      %broadcast_in_dim3A_849 = vector.broadcast %broadcast_in_dim3A_848 : f32 to vector<16xf32>
      %broadcast_in_dim3A_850 = arith.constant 0.000000e+00 : f32
      %broadcast_in_dim3A_851 = vector.broadcast %broadcast_in_dim3A_850 : f32 to vector<16xf32>
      %broadcast_in_dim3A_852 = arith.constant 0.000000e+00 : f32
      %broadcast_in_dim3A_853 = vector.broadcast %broadcast_in_dim3A_852 : f32 to vector<16xf32>
      %broadcast_in_dim3A_854 = arith.constant 0.000000e+00 : f32
      %broadcast_in_dim3A_855 = vector.broadcast %broadcast_in_dim3A_854 : f32 to vector<16xf32>
      %scan3A_856 = arith.constant 0 : i32
      %scan3A_857 = arith.constant 8 : i32
      %scan3A_858 = arith.addi %scan3A_856, %scan3A_857 : i32
      %scan3A_859 = arith.constant 1 : i32
      %scan3A_860:8 = scf.for %scan3A_1011 = %scan3A_856 to %scan3A_858 step %scan3A_859 iter_args(%scan3A_1012 = %broadcast_in_dim3A_841, %scan3A_1013 = %broadcast_in_dim3A_843, %scan3A_1014 = %broadcast_in_dim3A_845, %scan3A_1015 = %broadcast_in_dim3A_847, %scan3A_1016 = %broadcast_in_dim3A_849, %scan3A_1017 = %broadcast_in_dim3A_851, %scan3A_1018 = %broadcast_in_dim3A_853, %scan3A_1019 = %broadcast_in_dim3A_855) -> (vector<16xf32>, vector<16xf32>, vector<16xf32>, vector<16xf32>, vector<16xf32>, vector<16xf32>, vector<16xf32>, vector<16xf32>)  : i32 {
        %mul3A_1020 = arith.constant 8 : i32
        %mul3A_1021 = arith.muli %scan3A_1011, %mul3A_1020 : i32
        %add3A_1022 = arith.constant 0 : i32
        %add3A_1023 = arith.addi %mul3A_1021, %add3A_1022 : i32
        %broadcast_in_dim3A_1024 = vector.broadcast %add3A_1023 : i32 to vector<16xi32>
        %gather3A = tpu.vector_load_idx %arg9[%broadcast_in_dim3A_839, %broadcast_in_dim3A_1024] : memref<18x64xf32, #tpu.memory_space<vmem>>[vector<16xi32>, vector<16xi32>], vector<16xf32>,
        %add3A_1025 = arith.constant 64 : i32
        %add3A_1026 = arith.addi %add3A_1025, %mul3A_1021 : i32
        %add3A_1027 = arith.constant 0 : i32
        %add3A_1028 = arith.addi %add3A_1026, %add3A_1027 : i32
        %get3A_1029 = arith.index_cast %add3A_1028 : i32 to index
        %get3A_1030 = arith.constant 0 : index
        %get3A_1031 = tpu.vector_load %arg12[%get3A_1029, %get3A_1030] {strides = array<i32>} : memref<128x128xf32, #tpu.memory_space<vmem>>, vector<16xf32>,
        %mul3A_1032 = arith.mulf %gather3A, %get3A_1031 : vector<16xf32>
        %add3A_1033 = arith.addf %scan3A_1012, %mul3A_1032 : vector<16xf32>
        %get3A_1034 = arith.index_cast %add3A_1028 : i32 to index
        %get3A_1035 = arith.constant 16 : index
        %get3A_1036 = tpu.vector_load %arg12[%get3A_1034, %get3A_1035] {strides = array<i32>} : memref<128x128xf32, #tpu.memory_space<vmem>>, vector<16xf32>,
        %mul3A_1037 = arith.mulf %gather3A, %get3A_1036 : vector<16xf32>
        %add3A_1038 = arith.addf %scan3A_1013, %mul3A_1037 : vector<16xf32>
        %get3A_1039 = arith.index_cast %add3A_1028 : i32 to index
        %get3A_1040 = arith.constant 32 : index
        %get3A_1041 = tpu.vector_load %arg12[%get3A_1039, %get3A_1040] {strides = array<i32>} : memref<128x128xf32, #tpu.memory_space<vmem>>, vector<16xf32>,
        %mul3A_1042 = arith.mulf %gather3A, %get3A_1041 : vector<16xf32>
        %add3A_1043 = arith.addf %scan3A_1014, %mul3A_1042 : vector<16xf32>
        %get3A_1044 = arith.index_cast %add3A_1028 : i32 to index
        %get3A_1045 = arith.constant 48 : index
        %get3A_1046 = tpu.vector_load %arg12[%get3A_1044, %get3A_1045] {strides = array<i32>} : memref<128x128xf32, #tpu.memory_space<vmem>>, vector<16xf32>,
        %mul3A_1047 = arith.mulf %gather3A, %get3A_1046 : vector<16xf32>
        %add3A_1048 = arith.addf %scan3A_1015, %mul3A_1047 : vector<16xf32>
        %get3A_1049 = arith.index_cast %add3A_1028 : i32 to index
        %get3A_1050 = arith.constant 64 : index
        %get3A_1051 = tpu.vector_load %arg12[%get3A_1049, %get3A_1050] {strides = array<i32>} : memref<128x128xf32, #tpu.memory_space<vmem>>, vector<16xf32>,
        %mul3A_1052 = arith.mulf %gather3A, %get3A_1051 : vector<16xf32>
        %add3A_1053 = arith.addf %scan3A_1016, %mul3A_1052 : vector<16xf32>
        %get3A_1054 = arith.index_cast %add3A_1028 : i32 to index
        %get3A_1055 = arith.constant 80 : index
        %get3A_1056 = tpu.vector_load %arg12[%get3A_1054, %get3A_1055] {strides = array<i32>} : memref<128x128xf32, #tpu.memory_space<vmem>>, vector<16xf32>,
        %mul3A_1057 = arith.mulf %gather3A, %get3A_1056 : vector<16xf32>
        %add3A_1058 = arith.addf %scan3A_1017, %mul3A_1057 : vector<16xf32>
        %get3A_1059 = arith.index_cast %add3A_1028 : i32 to index
        %get3A_1060 = arith.constant 96 : index
        %get3A_1061 = tpu.vector_load %arg12[%get3A_1059, %get3A_1060] {strides = array<i32>} : memref<128x128xf32, #tpu.memory_space<vmem>>, vector<16xf32>,
        %mul3A_1062 = arith.mulf %gather3A, %get3A_1061 : vector<16xf32>
        %add3A_1063 = arith.addf %scan3A_1018, %mul3A_1062 : vector<16xf32>
        %get3A_1064 = arith.index_cast %add3A_1028 : i32 to index
        %get3A_1065 = arith.constant 112 : index
        %get3A_1066 = tpu.vector_load %arg12[%get3A_1064, %get3A_1065] {strides = array<i32>} : memref<128x128xf32, #tpu.memory_space<vmem>>, vector<16xf32>,
        %mul3A_1067 = arith.mulf %gather3A, %get3A_1066 : vector<16xf32>
        %add3A_1068 = arith.addf %scan3A_1019, %mul3A_1067 : vector<16xf32>
        %add3A_1069 = arith.constant 1 : i32
        %add3A_1070 = arith.addi %mul3A_1021, %add3A_1069 : i32
        %broadcast_in_dim3A_1071 = vector.broadcast %add3A_1070 : i32 to vector<16xi32>
        %gather3A_1072 = tpu.vector_load_idx %arg9[%broadcast_in_dim3A_839, %broadcast_in_dim3A_1071] : memref<18x64xf32, #tpu.memory_space<vmem>>[vector<16xi32>, vector<16xi32>], vector<16xf32>,
        %add3A_1073 = arith.constant 64 : i32
        %add3A_1074 = arith.addi %add3A_1073, %mul3A_1021 : i32
        %add3A_1075 = arith.constant 1 : i32
        %add3A_1076 = arith.addi %add3A_1074, %add3A_1075 : i32
        %get3A_1077 = arith.index_cast %add3A_1076 : i32 to index
        %get3A_1078 = arith.constant 0 : index
        %get3A_1079 = tpu.vector_load %arg12[%get3A_1077, %get3A_1078] {strides = array<i32>} : memref<128x128xf32, #tpu.memory_space<vmem>>, vector<16xf32>,
        %mul3A_1080 = arith.mulf %gather3A_1072, %get3A_1079 : vector<16xf32>
        %add3A_1081 = arith.addf %add3A_1033, %mul3A_1080 : vector<16xf32>
        %get3A_1082 = arith.index_cast %add3A_1076 : i32 to index
        %get3A_1083 = arith.constant 16 : index
        %get3A_1084 = tpu.vector_load %arg12[%get3A_1082, %get3A_1083] {strides = array<i32>} : memref<128x128xf32, #tpu.memory_space<vmem>>, vector<16xf32>,
        %mul3A_1085 = arith.mulf %gather3A_1072, %get3A_1084 : vector<16xf32>
        %add3A_1086 = arith.addf %add3A_1038, %mul3A_1085 : vector<16xf32>
        %get3A_1087 = arith.index_cast %add3A_1076 : i32 to index
        %get3A_1088 = arith.constant 32 : index
        %get3A_1089 = tpu.vector_load %arg12[%get3A_1087, %get3A_1088] {strides = array<i32>} : memref<128x128xf32, #tpu.memory_space<vmem>>, vector<16xf32>,
        %mul3A_1090 = arith.mulf %gather3A_1072, %get3A_1089 : vector<16xf32>
        %add3A_1091 = arith.addf %add3A_1043, %mul3A_1090 : vector<16xf32>
        %get3A_1092 = arith.index_cast %add3A_1076 : i32 to index
        %get3A_1093 = arith.constant 48 : index
        %get3A_1094 = tpu.vector_load %arg12[%get3A_1092, %get3A_1093] {strides = array<i32>} : memref<128x128xf32, #tpu.memory_space<vmem>>, vector<16xf32>,
        %mul3A_1095 = arith.mulf %gather3A_1072, %get3A_1094 : vector<16xf32>
        %add3A_1096 = arith.addf %add3A_1048, %mul3A_1095 : vector<16xf32>
        %get3A_1097 = arith.index_cast %add3A_1076 : i32 to index
        %get3A_1098 = arith.constant 64 : index
        %get3A_1099 = tpu.vector_load %arg12[%get3A_1097, %get3A_1098] {strides = array<i32>} : memref<128x128xf32, #tpu.memory_space<vmem>>, vector<16xf32>,
        %mul3A_1100 = arith.mulf %gather3A_1072, %get3A_1099 : vector<16xf32>
        %add3A_1101 = arith.addf %add3A_1053, %mul3A_1100 : vector<16xf32>
        %get3A_1102 = arith.index_cast %add3A_1076 : i32 to index
        %get3A_1103 = arith.constant 80 : index
        %get3A_1104 = tpu.vector_load %arg12[%get3A_1102, %get3A_1103] {strides = array<i32>} : memref<128x128xf32, #tpu.memory_space<vmem>>, vector<16xf32>,
        %mul3A_1105 = arith.mulf %gather3A_1072, %get3A_1104 : vector<16xf32>
        %add3A_1106 = arith.addf %add3A_1058, %mul3A_1105 : vector<16xf32>
        %get3A_1107 = arith.index_cast %add3A_1076 : i32 to index
        %get3A_1108 = arith.constant 96 : index
        %get3A_1109 = tpu.vector_load %arg12[%get3A_1107, %get3A_1108] {strides = array<i32>} : memref<128x128xf32, #tpu.memory_space<vmem>>, vector<16xf32>,
        %mul3A_1110 = arith.mulf %gather3A_1072, %get3A_1109 : vector<16xf32>
        %add3A_1111 = arith.addf %add3A_1063, %mul3A_1110 : vector<16xf32>
        %get3A_1112 = arith.index_cast %add3A_1076 : i32 to index
        %get3A_1113 = arith.constant 112 : index
        %get3A_1114 = tpu.vector_load %arg12[%get3A_1112, %get3A_1113] {strides = array<i32>} : memref<128x128xf32, #tpu.memory_space<vmem>>, vector<16xf32>,
        %mul3A_1115 = arith.mulf %gather3A_1072, %get3A_1114 : vector<16xf32>
        %add3A_1116 = arith.addf %add3A_1068, %mul3A_1115 : vector<16xf32>
        %add3A_1117 = arith.constant 2 : i32
        %add3A_1118 = arith.addi %mul3A_1021, %add3A_1117 : i32
        %broadcast_in_dim3A_1119 = vector.broadcast %add3A_1118 : i32 to vector<16xi32>
        %gather3A_1120 = tpu.vector_load_idx %arg9[%broadcast_in_dim3A_839, %broadcast_in_dim3A_1119] : memref<18x64xf32, #tpu.memory_space<vmem>>[vector<16xi32>, vector<16xi32>], vector<16xf32>,
        %add3A_1121 = arith.constant 64 : i32
        %add3A_1122 = arith.addi %add3A_1121, %mul3A_1021 : i32
        %add3A_1123 = arith.constant 2 : i32
        %add3A_1124 = arith.addi %add3A_1122, %add3A_1123 : i32
        %get3A_1125 = arith.index_cast %add3A_1124 : i32 to index
        %get3A_1126 = arith.constant 0 : index
        %get3A_1127 = tpu.vector_load %arg12[%get3A_1125, %get3A_1126] {strides = array<i32>} : memref<128x128xf32, #tpu.memory_space<vmem>>, vector<16xf32>,
        %mul3A_1128 = arith.mulf %gather3A_1120, %get3A_1127 : vector<16xf32>
        %add3A_1129 = arith.addf %add3A_1081, %mul3A_1128 : vector<16xf32>
        %get3A_1130 = arith.index_cast %add3A_1124 : i32 to index
        %get3A_1131 = arith.constant 16 : index
        %get3A_1132 = tpu.vector_load %arg12[%get3A_1130, %get3A_1131] {strides = array<i32>} : memref<128x128xf32, #tpu.memory_space<vmem>>, vector<16xf32>,
        %mul3A_1133 = arith.mulf %gather3A_1120, %get3A_1132 : vector<16xf32>
        %add3A_1134 = arith.addf %add3A_1086, %mul3A_1133 : vector<16xf32>
        %get3A_1135 = arith.index_cast %add3A_1124 : i32 to index
        %get3A_1136 = arith.constant 32 : index
        %get3A_1137 = tpu.vector_load %arg12[%get3A_1135, %get3A_1136] {strides = array<i32>} : memref<128x128xf32, #tpu.memory_space<vmem>>, vector<16xf32>,
        %mul3A_1138 = arith.mulf %gather3A_1120, %get3A_1137 : vector<16xf32>
        %add3A_1139 = arith.addf %add3A_1091, %mul3A_1138 : vector<16xf32>
        %get3A_1140 = arith.index_cast %add3A_1124 : i32 to index
        %get3A_1141 = arith.constant 48 : index
        %get3A_1142 = tpu.vector_load %arg12[%get3A_1140, %get3A_1141] {strides = array<i32>} : memref<128x128xf32, #tpu.memory_space<vmem>>, vector<16xf32>,
        %mul3A_1143 = arith.mulf %gather3A_1120, %get3A_1142 : vector<16xf32>
        %add3A_1144 = arith.addf %add3A_1096, %mul3A_1143 : vector<16xf32>
        %get3A_1145 = arith.index_cast %add3A_1124 : i32 to index
        %get3A_1146 = arith.constant 64 : index
        %get3A_1147 = tpu.vector_load %arg12[%get3A_1145, %get3A_1146] {strides = array<i32>} : memref<128x128xf32, #tpu.memory_space<vmem>>, vector<16xf32>,
        %mul3A_1148 = arith.mulf %gather3A_1120, %get3A_1147 : vector<16xf32>
        %add3A_1149 = arith.addf %add3A_1101, %mul3A_1148 : vector<16xf32>
        %get3A_1150 = arith.index_cast %add3A_1124 : i32 to index
        %get3A_1151 = arith.constant 80 : index
        %get3A_1152 = tpu.vector_load %arg12[%get3A_1150, %get3A_1151] {strides = array<i32>} : memref<128x128xf32, #tpu.memory_space<vmem>>, vector<16xf32>,
        %mul3A_1153 = arith.mulf %gather3A_1120, %get3A_1152 : vector<16xf32>
        %add3A_1154 = arith.addf %add3A_1106, %mul3A_1153 : vector<16xf32>
        %get3A_1155 = arith.index_cast %add3A_1124 : i32 to index
        %get3A_1156 = arith.constant 96 : index
        %get3A_1157 = tpu.vector_load %arg12[%get3A_1155, %get3A_1156] {strides = array<i32>} : memref<128x128xf32, #tpu.memory_space<vmem>>, vector<16xf32>,
        %mul3A_1158 = arith.mulf %gather3A_1120, %get3A_1157 : vector<16xf32>
        %add3A_1159 = arith.addf %add3A_1111, %mul3A_1158 : vector<16xf32>
        %get3A_1160 = arith.index_cast %add3A_1124 : i32 to index
        %get3A_1161 = arith.constant 112 : index
        %get3A_1162 = tpu.vector_load %arg12[%get3A_1160, %get3A_1161] {strides = array<i32>} : memref<128x128xf32, #tpu.memory_space<vmem>>, vector<16xf32>,
        %mul3A_1163 = arith.mulf %gather3A_1120, %get3A_1162 : vector<16xf32>
        %add3A_1164 = arith.addf %add3A_1116, %mul3A_1163 : vector<16xf32>
        %add3A_1165 = arith.constant 3 : i32
        %add3A_1166 = arith.addi %mul3A_1021, %add3A_1165 : i32
        %broadcast_in_dim3A_1167 = vector.broadcast %add3A_1166 : i32 to vector<16xi32>
        %gather3A_1168 = tpu.vector_load_idx %arg9[%broadcast_in_dim3A_839, %broadcast_in_dim3A_1167] : memref<18x64xf32, #tpu.memory_space<vmem>>[vector<16xi32>, vector<16xi32>], vector<16xf32>,
        %add3A_1169 = arith.constant 64 : i32
        %add3A_1170 = arith.addi %add3A_1169, %mul3A_1021 : i32
        %add3A_1171 = arith.constant 3 : i32
        %add3A_1172 = arith.addi %add3A_1170, %add3A_1171 : i32
        %get3A_1173 = arith.index_cast %add3A_1172 : i32 to index
        %get3A_1174 = arith.constant 0 : index
        %get3A_1175 = tpu.vector_load %arg12[%get3A_1173, %get3A_1174] {strides = array<i32>} : memref<128x128xf32, #tpu.memory_space<vmem>>, vector<16xf32>,
        %mul3A_1176 = arith.mulf %gather3A_1168, %get3A_1175 : vector<16xf32>
        %add3A_1177 = arith.addf %add3A_1129, %mul3A_1176 : vector<16xf32>
        %get3A_1178 = arith.index_cast %add3A_1172 : i32 to index
        %get3A_1179 = arith.constant 16 : index
        %get3A_1180 = tpu.vector_load %arg12[%get3A_1178, %get3A_1179] {strides = array<i32>} : memref<128x128xf32, #tpu.memory_space<vmem>>, vector<16xf32>,
        %mul3A_1181 = arith.mulf %gather3A_1168, %get3A_1180 : vector<16xf32>
        %add3A_1182 = arith.addf %add3A_1134, %mul3A_1181 : vector<16xf32>
        %get3A_1183 = arith.index_cast %add3A_1172 : i32 to index
        %get3A_1184 = arith.constant 32 : index
        %get3A_1185 = tpu.vector_load %arg12[%get3A_1183, %get3A_1184] {strides = array<i32>} : memref<128x128xf32, #tpu.memory_space<vmem>>, vector<16xf32>,
        %mul3A_1186 = arith.mulf %gather3A_1168, %get3A_1185 : vector<16xf32>
        %add3A_1187 = arith.addf %add3A_1139, %mul3A_1186 : vector<16xf32>
        %get3A_1188 = arith.index_cast %add3A_1172 : i32 to index
        %get3A_1189 = arith.constant 48 : index
        %get3A_1190 = tpu.vector_load %arg12[%get3A_1188, %get3A_1189] {strides = array<i32>} : memref<128x128xf32, #tpu.memory_space<vmem>>, vector<16xf32>,
        %mul3A_1191 = arith.mulf %gather3A_1168, %get3A_1190 : vector<16xf32>
        %add3A_1192 = arith.addf %add3A_1144, %mul3A_1191 : vector<16xf32>
        %get3A_1193 = arith.index_cast %add3A_1172 : i32 to index
        %get3A_1194 = arith.constant 64 : index
        %get3A_1195 = tpu.vector_load %arg12[%get3A_1193, %get3A_1194] {strides = array<i32>} : memref<128x128xf32, #tpu.memory_space<vmem>>, vector<16xf32>,
        %mul3A_1196 = arith.mulf %gather3A_1168, %get3A_1195 : vector<16xf32>
        %add3A_1197 = arith.addf %add3A_1149, %mul3A_1196 : vector<16xf32>
        %get3A_1198 = arith.index_cast %add3A_1172 : i32 to index
        %get3A_1199 = arith.constant 80 : index
        %get3A_1200 = tpu.vector_load %arg12[%get3A_1198, %get3A_1199] {strides = array<i32>} : memref<128x128xf32, #tpu.memory_space<vmem>>, vector<16xf32>,
        %mul3A_1201 = arith.mulf %gather3A_1168, %get3A_1200 : vector<16xf32>
        %add3A_1202 = arith.addf %add3A_1154, %mul3A_1201 : vector<16xf32>
        %get3A_1203 = arith.index_cast %add3A_1172 : i32 to index
        %get3A_1204 = arith.constant 96 : index
        %get3A_1205 = tpu.vector_load %arg12[%get3A_1203, %get3A_1204] {strides = array<i32>} : memref<128x128xf32, #tpu.memory_space<vmem>>, vector<16xf32>,
        %mul3A_1206 = arith.mulf %gather3A_1168, %get3A_1205 : vector<16xf32>
        %add3A_1207 = arith.addf %add3A_1159, %mul3A_1206 : vector<16xf32>
        %get3A_1208 = arith.index_cast %add3A_1172 : i32 to index
        %get3A_1209 = arith.constant 112 : index
        %get3A_1210 = tpu.vector_load %arg12[%get3A_1208, %get3A_1209] {strides = array<i32>} : memref<128x128xf32, #tpu.memory_space<vmem>>, vector<16xf32>,
        %mul3A_1211 = arith.mulf %gather3A_1168, %get3A_1210 : vector<16xf32>
        %add3A_1212 = arith.addf %add3A_1164, %mul3A_1211 : vector<16xf32>
        %add3A_1213 = arith.constant 4 : i32
        %add3A_1214 = arith.addi %mul3A_1021, %add3A_1213 : i32
        %broadcast_in_dim3A_1215 = vector.broadcast %add3A_1214 : i32 to vector<16xi32>
        %gather3A_1216 = tpu.vector_load_idx %arg9[%broadcast_in_dim3A_839, %broadcast_in_dim3A_1215] : memref<18x64xf32, #tpu.memory_space<vmem>>[vector<16xi32>, vector<16xi32>], vector<16xf32>,
        %add3A_1217 = arith.constant 64 : i32
        %add3A_1218 = arith.addi %add3A_1217, %mul3A_1021 : i32
        %add3A_1219 = arith.constant 4 : i32
        %add3A_1220 = arith.addi %add3A_1218, %add3A_1219 : i32
        %get3A_1221 = arith.index_cast %add3A_1220 : i32 to index
        %get3A_1222 = arith.constant 0 : index
        %get3A_1223 = tpu.vector_load %arg12[%get3A_1221, %get3A_1222] {strides = array<i32>} : memref<128x128xf32, #tpu.memory_space<vmem>>, vector<16xf32>,
        %mul3A_1224 = arith.mulf %gather3A_1216, %get3A_1223 : vector<16xf32>
        %add3A_1225 = arith.addf %add3A_1177, %mul3A_1224 : vector<16xf32>
        %get3A_1226 = arith.index_cast %add3A_1220 : i32 to index
        %get3A_1227 = arith.constant 16 : index
        %get3A_1228 = tpu.vector_load %arg12[%get3A_1226, %get3A_1227] {strides = array<i32>} : memref<128x128xf32, #tpu.memory_space<vmem>>, vector<16xf32>,
        %mul3A_1229 = arith.mulf %gather3A_1216, %get3A_1228 : vector<16xf32>
        %add3A_1230 = arith.addf %add3A_1182, %mul3A_1229 : vector<16xf32>
        %get3A_1231 = arith.index_cast %add3A_1220 : i32 to index
        %get3A_1232 = arith.constant 32 : index
        %get3A_1233 = tpu.vector_load %arg12[%get3A_1231, %get3A_1232] {strides = array<i32>} : memref<128x128xf32, #tpu.memory_space<vmem>>, vector<16xf32>,
        %mul3A_1234 = arith.mulf %gather3A_1216, %get3A_1233 : vector<16xf32>
        %add3A_1235 = arith.addf %add3A_1187, %mul3A_1234 : vector<16xf32>
        %get3A_1236 = arith.index_cast %add3A_1220 : i32 to index
        %get3A_1237 = arith.constant 48 : index
        %get3A_1238 = tpu.vector_load %arg12[%get3A_1236, %get3A_1237] {strides = array<i32>} : memref<128x128xf32, #tpu.memory_space<vmem>>, vector<16xf32>,
        %mul3A_1239 = arith.mulf %gather3A_1216, %get3A_1238 : vector<16xf32>
        %add3A_1240 = arith.addf %add3A_1192, %mul3A_1239 : vector<16xf32>
        %get3A_1241 = arith.index_cast %add3A_1220 : i32 to index
        %get3A_1242 = arith.constant 64 : index
        %get3A_1243 = tpu.vector_load %arg12[%get3A_1241, %get3A_1242] {strides = array<i32>} : memref<128x128xf32, #tpu.memory_space<vmem>>, vector<16xf32>,
        %mul3A_1244 = arith.mulf %gather3A_1216, %get3A_1243 : vector<16xf32>
        %add3A_1245 = arith.addf %add3A_1197, %mul3A_1244 : vector<16xf32>
        %get3A_1246 = arith.index_cast %add3A_1220 : i32 to index
        %get3A_1247 = arith.constant 80 : index
        %get3A_1248 = tpu.vector_load %arg12[%get3A_1246, %get3A_1247] {strides = array<i32>} : memref<128x128xf32, #tpu.memory_space<vmem>>, vector<16xf32>,
        %mul3A_1249 = arith.mulf %gather3A_1216, %get3A_1248 : vector<16xf32>
        %add3A_1250 = arith.addf %add3A_1202, %mul3A_1249 : vector<16xf32>
        %get3A_1251 = arith.index_cast %add3A_1220 : i32 to index
        %get3A_1252 = arith.constant 96 : index
        %get3A_1253 = tpu.vector_load %arg12[%get3A_1251, %get3A_1252] {strides = array<i32>} : memref<128x128xf32, #tpu.memory_space<vmem>>, vector<16xf32>,
        %mul3A_1254 = arith.mulf %gather3A_1216, %get3A_1253 : vector<16xf32>
        %add3A_1255 = arith.addf %add3A_1207, %mul3A_1254 : vector<16xf32>
        %get3A_1256 = arith.index_cast %add3A_1220 : i32 to index
        %get3A_1257 = arith.constant 112 : index
        %get3A_1258 = tpu.vector_load %arg12[%get3A_1256, %get3A_1257] {strides = array<i32>} : memref<128x128xf32, #tpu.memory_space<vmem>>, vector<16xf32>,
        %mul3A_1259 = arith.mulf %gather3A_1216, %get3A_1258 : vector<16xf32>
        %add3A_1260 = arith.addf %add3A_1212, %mul3A_1259 : vector<16xf32>
        %add3A_1261 = arith.constant 5 : i32
        %add3A_1262 = arith.addi %mul3A_1021, %add3A_1261 : i32
        %broadcast_in_dim3A_1263 = vector.broadcast %add3A_1262 : i32 to vector<16xi32>
        %gather3A_1264 = tpu.vector_load_idx %arg9[%broadcast_in_dim3A_839, %broadcast_in_dim3A_1263] : memref<18x64xf32, #tpu.memory_space<vmem>>[vector<16xi32>, vector<16xi32>], vector<16xf32>,
        %add3A_1265 = arith.constant 64 : i32
        %add3A_1266 = arith.addi %add3A_1265, %mul3A_1021 : i32
        %add3A_1267 = arith.constant 5 : i32
        %add3A_1268 = arith.addi %add3A_1266, %add3A_1267 : i32
        %get3A_1269 = arith.index_cast %add3A_1268 : i32 to index
        %get3A_1270 = arith.constant 0 : index
        %get3A_1271 = tpu.vector_load %arg12[%get3A_1269, %get3A_1270] {strides = array<i32>} : memref<128x128xf32, #tpu.memory_space<vmem>>, vector<16xf32>,
        %mul3A_1272 = arith.mulf %gather3A_1264, %get3A_1271 : vector<16xf32>
        %add3A_1273 = arith.addf %add3A_1225, %mul3A_1272 : vector<16xf32>
        %get3A_1274 = arith.index_cast %add3A_1268 : i32 to index
        %get3A_1275 = arith.constant 16 : index
        %get3A_1276 = tpu.vector_load %arg12[%get3A_1274, %get3A_1275] {strides = array<i32>} : memref<128x128xf32, #tpu.memory_space<vmem>>, vector<16xf32>,
        %mul3A_1277 = arith.mulf %gather3A_1264, %get3A_1276 : vector<16xf32>
        %add3A_1278 = arith.addf %add3A_1230, %mul3A_1277 : vector<16xf32>
        %get3A_1279 = arith.index_cast %add3A_1268 : i32 to index
        %get3A_1280 = arith.constant 32 : index
        %get3A_1281 = tpu.vector_load %arg12[%get3A_1279, %get3A_1280] {strides = array<i32>} : memref<128x128xf32, #tpu.memory_space<vmem>>, vector<16xf32>,
        %mul3A_1282 = arith.mulf %gather3A_1264, %get3A_1281 : vector<16xf32>
        %add3A_1283 = arith.addf %add3A_1235, %mul3A_1282 : vector<16xf32>
        %get3A_1284 = arith.index_cast %add3A_1268 : i32 to index
        %get3A_1285 = arith.constant 48 : index
        %get3A_1286 = tpu.vector_load %arg12[%get3A_1284, %get3A_1285] {strides = array<i32>} : memref<128x128xf32, #tpu.memory_space<vmem>>, vector<16xf32>,
        %mul3A_1287 = arith.mulf %gather3A_1264, %get3A_1286 : vector<16xf32>
        %add3A_1288 = arith.addf %add3A_1240, %mul3A_1287 : vector<16xf32>
        %get3A_1289 = arith.index_cast %add3A_1268 : i32 to index
        %get3A_1290 = arith.constant 64 : index
        %get3A_1291 = tpu.vector_load %arg12[%get3A_1289, %get3A_1290] {strides = array<i32>} : memref<128x128xf32, #tpu.memory_space<vmem>>, vector<16xf32>,
        %mul3A_1292 = arith.mulf %gather3A_1264, %get3A_1291 : vector<16xf32>
        %add3A_1293 = arith.addf %add3A_1245, %mul3A_1292 : vector<16xf32>
        %get3A_1294 = arith.index_cast %add3A_1268 : i32 to index
        %get3A_1295 = arith.constant 80 : index
        %get3A_1296 = tpu.vector_load %arg12[%get3A_1294, %get3A_1295] {strides = array<i32>} : memref<128x128xf32, #tpu.memory_space<vmem>>, vector<16xf32>,
        %mul3A_1297 = arith.mulf %gather3A_1264, %get3A_1296 : vector<16xf32>
        %add3A_1298 = arith.addf %add3A_1250, %mul3A_1297 : vector<16xf32>
        %get3A_1299 = arith.index_cast %add3A_1268 : i32 to index
        %get3A_1300 = arith.constant 96 : index
        %get3A_1301 = tpu.vector_load %arg12[%get3A_1299, %get3A_1300] {strides = array<i32>} : memref<128x128xf32, #tpu.memory_space<vmem>>, vector<16xf32>,
        %mul3A_1302 = arith.mulf %gather3A_1264, %get3A_1301 : vector<16xf32>
        %add3A_1303 = arith.addf %add3A_1255, %mul3A_1302 : vector<16xf32>
        %get3A_1304 = arith.index_cast %add3A_1268 : i32 to index
        %get3A_1305 = arith.constant 112 : index
        %get3A_1306 = tpu.vector_load %arg12[%get3A_1304, %get3A_1305] {strides = array<i32>} : memref<128x128xf32, #tpu.memory_space<vmem>>, vector<16xf32>,
        %mul3A_1307 = arith.mulf %gather3A_1264, %get3A_1306 : vector<16xf32>
        %add3A_1308 = arith.addf %add3A_1260, %mul3A_1307 : vector<16xf32>
        %add3A_1309 = arith.constant 6 : i32
        %add3A_1310 = arith.addi %mul3A_1021, %add3A_1309 : i32
        %broadcast_in_dim3A_1311 = vector.broadcast %add3A_1310 : i32 to vector<16xi32>
        %gather3A_1312 = tpu.vector_load_idx %arg9[%broadcast_in_dim3A_839, %broadcast_in_dim3A_1311] : memref<18x64xf32, #tpu.memory_space<vmem>>[vector<16xi32>, vector<16xi32>], vector<16xf32>,
        %add3A_1313 = arith.constant 64 : i32
        %add3A_1314 = arith.addi %add3A_1313, %mul3A_1021 : i32
        %add3A_1315 = arith.constant 6 : i32
        %add3A_1316 = arith.addi %add3A_1314, %add3A_1315 : i32
        %get3A_1317 = arith.index_cast %add3A_1316 : i32 to index
        %get3A_1318 = arith.constant 0 : index
        %get3A_1319 = tpu.vector_load %arg12[%get3A_1317, %get3A_1318] {strides = array<i32>} : memref<128x128xf32, #tpu.memory_space<vmem>>, vector<16xf32>,
        %mul3A_1320 = arith.mulf %gather3A_1312, %get3A_1319 : vector<16xf32>
        %add3A_1321 = arith.addf %add3A_1273, %mul3A_1320 : vector<16xf32>
        %get3A_1322 = arith.index_cast %add3A_1316 : i32 to index
        %get3A_1323 = arith.constant 16 : index
        %get3A_1324 = tpu.vector_load %arg12[%get3A_1322, %get3A_1323] {strides = array<i32>} : memref<128x128xf32, #tpu.memory_space<vmem>>, vector<16xf32>,
        %mul3A_1325 = arith.mulf %gather3A_1312, %get3A_1324 : vector<16xf32>
        %add3A_1326 = arith.addf %add3A_1278, %mul3A_1325 : vector<16xf32>
        %get3A_1327 = arith.index_cast %add3A_1316 : i32 to index
        %get3A_1328 = arith.constant 32 : index
        %get3A_1329 = tpu.vector_load %arg12[%get3A_1327, %get3A_1328] {strides = array<i32>} : memref<128x128xf32, #tpu.memory_space<vmem>>, vector<16xf32>,
        %mul3A_1330 = arith.mulf %gather3A_1312, %get3A_1329 : vector<16xf32>
        %add3A_1331 = arith.addf %add3A_1283, %mul3A_1330 : vector<16xf32>
        %get3A_1332 = arith.index_cast %add3A_1316 : i32 to index
        %get3A_1333 = arith.constant 48 : index
        %get3A_1334 = tpu.vector_load %arg12[%get3A_1332, %get3A_1333] {strides = array<i32>} : memref<128x128xf32, #tpu.memory_space<vmem>>, vector<16xf32>,
        %mul3A_1335 = arith.mulf %gather3A_1312, %get3A_1334 : vector<16xf32>
        %add3A_1336 = arith.addf %add3A_1288, %mul3A_1335 : vector<16xf32>
        %get3A_1337 = arith.index_cast %add3A_1316 : i32 to index
        %get3A_1338 = arith.constant 64 : index
        %get3A_1339 = tpu.vector_load %arg12[%get3A_1337, %get3A_1338] {strides = array<i32>} : memref<128x128xf32, #tpu.memory_space<vmem>>, vector<16xf32>,
        %mul3A_1340 = arith.mulf %gather3A_1312, %get3A_1339 : vector<16xf32>
        %add3A_1341 = arith.addf %add3A_1293, %mul3A_1340 : vector<16xf32>
        %get3A_1342 = arith.index_cast %add3A_1316 : i32 to index
        %get3A_1343 = arith.constant 80 : index
        %get3A_1344 = tpu.vector_load %arg12[%get3A_1342, %get3A_1343] {strides = array<i32>} : memref<128x128xf32, #tpu.memory_space<vmem>>, vector<16xf32>,
        %mul3A_1345 = arith.mulf %gather3A_1312, %get3A_1344 : vector<16xf32>
        %add3A_1346 = arith.addf %add3A_1298, %mul3A_1345 : vector<16xf32>
        %get3A_1347 = arith.index_cast %add3A_1316 : i32 to index
        %get3A_1348 = arith.constant 96 : index
        %get3A_1349 = tpu.vector_load %arg12[%get3A_1347, %get3A_1348] {strides = array<i32>} : memref<128x128xf32, #tpu.memory_space<vmem>>, vector<16xf32>,
        %mul3A_1350 = arith.mulf %gather3A_1312, %get3A_1349 : vector<16xf32>
        %add3A_1351 = arith.addf %add3A_1303, %mul3A_1350 : vector<16xf32>
        %get3A_1352 = arith.index_cast %add3A_1316 : i32 to index
        %get3A_1353 = arith.constant 112 : index
        %get3A_1354 = tpu.vector_load %arg12[%get3A_1352, %get3A_1353] {strides = array<i32>} : memref<128x128xf32, #tpu.memory_space<vmem>>, vector<16xf32>,
        %mul3A_1355 = arith.mulf %gather3A_1312, %get3A_1354 : vector<16xf32>
        %add3A_1356 = arith.addf %add3A_1308, %mul3A_1355 : vector<16xf32>
        %add3A_1357 = arith.constant 7 : i32
        %add3A_1358 = arith.addi %mul3A_1021, %add3A_1357 : i32
        %broadcast_in_dim3A_1359 = vector.broadcast %add3A_1358 : i32 to vector<16xi32>
        %gather3A_1360 = tpu.vector_load_idx %arg9[%broadcast_in_dim3A_839, %broadcast_in_dim3A_1359] : memref<18x64xf32, #tpu.memory_space<vmem>>[vector<16xi32>, vector<16xi32>], vector<16xf32>,
        %add3A_1361 = arith.constant 64 : i32
        %add3A_1362 = arith.addi %add3A_1361, %mul3A_1021 : i32
        %add3A_1363 = arith.constant 7 : i32
        %add3A_1364 = arith.addi %add3A_1362, %add3A_1363 : i32
        %get3A_1365 = arith.index_cast %add3A_1364 : i32 to index
        %get3A_1366 = arith.constant 0 : index
        %get3A_1367 = tpu.vector_load %arg12[%get3A_1365, %get3A_1366] {strides = array<i32>} : memref<128x128xf32, #tpu.memory_space<vmem>>, vector<16xf32>,
        %mul3A_1368 = arith.mulf %gather3A_1360, %get3A_1367 : vector<16xf32>
        %add3A_1369 = arith.addf %add3A_1321, %mul3A_1368 : vector<16xf32>
        %get3A_1370 = arith.index_cast %add3A_1364 : i32 to index
        %get3A_1371 = arith.constant 16 : index
        %get3A_1372 = tpu.vector_load %arg12[%get3A_1370, %get3A_1371] {strides = array<i32>} : memref<128x128xf32, #tpu.memory_space<vmem>>, vector<16xf32>,
        %mul3A_1373 = arith.mulf %gather3A_1360, %get3A_1372 : vector<16xf32>
        %add3A_1374 = arith.addf %add3A_1326, %mul3A_1373 : vector<16xf32>
        %get3A_1375 = arith.index_cast %add3A_1364 : i32 to index
        %get3A_1376 = arith.constant 32 : index
        %get3A_1377 = tpu.vector_load %arg12[%get3A_1375, %get3A_1376] {strides = array<i32>} : memref<128x128xf32, #tpu.memory_space<vmem>>, vector<16xf32>,
        %mul3A_1378 = arith.mulf %gather3A_1360, %get3A_1377 : vector<16xf32>
        %add3A_1379 = arith.addf %add3A_1331, %mul3A_1378 : vector<16xf32>
        %get3A_1380 = arith.index_cast %add3A_1364 : i32 to index
        %get3A_1381 = arith.constant 48 : index
        %get3A_1382 = tpu.vector_load %arg12[%get3A_1380, %get3A_1381] {strides = array<i32>} : memref<128x128xf32, #tpu.memory_space<vmem>>, vector<16xf32>,
        %mul3A_1383 = arith.mulf %gather3A_1360, %get3A_1382 : vector<16xf32>
        %add3A_1384 = arith.addf %add3A_1336, %mul3A_1383 : vector<16xf32>
        %get3A_1385 = arith.index_cast %add3A_1364 : i32 to index
        %get3A_1386 = arith.constant 64 : index
        %get3A_1387 = tpu.vector_load %arg12[%get3A_1385, %get3A_1386] {strides = array<i32>} : memref<128x128xf32, #tpu.memory_space<vmem>>, vector<16xf32>,
        %mul3A_1388 = arith.mulf %gather3A_1360, %get3A_1387 : vector<16xf32>
        %add3A_1389 = arith.addf %add3A_1341, %mul3A_1388 : vector<16xf32>
        %get3A_1390 = arith.index_cast %add3A_1364 : i32 to index
        %get3A_1391 = arith.constant 80 : index
        %get3A_1392 = tpu.vector_load %arg12[%get3A_1390, %get3A_1391] {strides = array<i32>} : memref<128x128xf32, #tpu.memory_space<vmem>>, vector<16xf32>,
        %mul3A_1393 = arith.mulf %gather3A_1360, %get3A_1392 : vector<16xf32>
        %add3A_1394 = arith.addf %add3A_1346, %mul3A_1393 : vector<16xf32>
        %get3A_1395 = arith.index_cast %add3A_1364 : i32 to index
        %get3A_1396 = arith.constant 96 : index
        %get3A_1397 = tpu.vector_load %arg12[%get3A_1395, %get3A_1396] {strides = array<i32>} : memref<128x128xf32, #tpu.memory_space<vmem>>, vector<16xf32>,
        %mul3A_1398 = arith.mulf %gather3A_1360, %get3A_1397 : vector<16xf32>
        %add3A_1399 = arith.addf %add3A_1351, %mul3A_1398 : vector<16xf32>
        %get3A_1400 = arith.index_cast %add3A_1364 : i32 to index
        %get3A_1401 = arith.constant 112 : index
        %get3A_1402 = tpu.vector_load %arg12[%get3A_1400, %get3A_1401] {strides = array<i32>} : memref<128x128xf32, #tpu.memory_space<vmem>>, vector<16xf32>,
        %mul3A_1403 = arith.mulf %gather3A_1360, %get3A_1402 : vector<16xf32>
        %add3A_1404 = arith.addf %add3A_1356, %mul3A_1403 : vector<16xf32>
        scf.yield %add3A_1369, %add3A_1374, %add3A_1379, %add3A_1384, %add3A_1389, %add3A_1394, %add3A_1399, %add3A_1404 : vector<16xf32>, vector<16xf32>, vector<16xf32>, vector<16xf32>, vector<16xf32>, vector<16xf32>, vector<16xf32>, vector<16xf32>
      }
      %scan3A_861 = arith.constant 8 : i32
      %swap3A_862 = arith.index_cast %add3A_838 : i32 to index
      %swap3A_863 = arith.constant 0 : index
      %swap3A_864 = tpu.vector_load %arg10[%swap3A_862, %swap3A_863] {strides = array<i32>} : memref<18x128xf32, #tpu.memory_space<vmem>>, vector<16xf32>,
      tpu.vector_store %arg10[%swap3A_862, %swap3A_863], %scan3A_860#0 {strides = array<i32>} : memref<18x128xf32, #tpu.memory_space<vmem>>, vector<16xf32>,
      %swap3A_865 = arith.index_cast %add3A_838 : i32 to index
      %swap3A_866 = arith.constant 16 : index
      %swap3A_867 = tpu.vector_load %arg10[%swap3A_865, %swap3A_866] {strides = array<i32>} : memref<18x128xf32, #tpu.memory_space<vmem>>, vector<16xf32>,
      tpu.vector_store %arg10[%swap3A_865, %swap3A_866], %scan3A_860#1 {strides = array<i32>} : memref<18x128xf32, #tpu.memory_space<vmem>>, vector<16xf32>,
      %swap3A_868 = arith.index_cast %add3A_838 : i32 to index
      %swap3A_869 = arith.constant 32 : index
      %swap3A_870 = tpu.vector_load %arg10[%swap3A_868, %swap3A_869] {strides = array<i32>} : memref<18x128xf32, #tpu.memory_space<vmem>>, vector<16xf32>,
      tpu.vector_store %arg10[%swap3A_868, %swap3A_869], %scan3A_860#2 {strides = array<i32>} : memref<18x128xf32, #tpu.memory_space<vmem>>, vector<16xf32>,
      %swap3A_871 = arith.index_cast %add3A_838 : i32 to index
      %swap3A_872 = arith.constant 48 : index
      %swap3A_873 = tpu.vector_load %arg10[%swap3A_871, %swap3A_872] {strides = array<i32>} : memref<18x128xf32, #tpu.memory_space<vmem>>, vector<16xf32>,
      tpu.vector_store %arg10[%swap3A_871, %swap3A_872], %scan3A_860#3 {strides = array<i32>} : memref<18x128xf32, #tpu.memory_space<vmem>>, vector<16xf32>,
      %swap3A_874 = arith.index_cast %add3A_838 : i32 to index
      %swap3A_875 = arith.constant 64 : index
      %swap3A_876 = tpu.vector_load %arg10[%swap3A_874, %swap3A_875] {strides = array<i32>} : memref<18x128xf32, #tpu.memory_space<vmem>>, vector<16xf32>,
      tpu.vector_store %arg10[%swap3A_874, %swap3A_875], %scan3A_860#4 {strides = array<i32>} : memref<18x128xf32, #tpu.memory_space<vmem>>, vector<16xf32>,
      %swap3A_877 = arith.index_cast %add3A_838 : i32 to index
      %swap3A_878 = arith.constant 80 : index
      %swap3A_879 = tpu.vector_load %arg10[%swap3A_877, %swap3A_878] {strides = array<i32>} : memref<18x128xf32, #tpu.memory_space<vmem>>, vector<16xf32>,
      tpu.vector_store %arg10[%swap3A_877, %swap3A_878], %scan3A_860#5 {strides = array<i32>} : memref<18x128xf32, #tpu.memory_space<vmem>>, vector<16xf32>,
      %swap3A_880 = arith.index_cast %add3A_838 : i32 to index
      %swap3A_881 = arith.constant 96 : index
      %swap3A_882 = tpu.vector_load %arg10[%swap3A_880, %swap3A_881] {strides = array<i32>} : memref<18x128xf32, #tpu.memory_space<vmem>>, vector<16xf32>,
      tpu.vector_store %arg10[%swap3A_880, %swap3A_881], %scan3A_860#6 {strides = array<i32>} : memref<18x128xf32, #tpu.memory_space<vmem>>, vector<16xf32>,
      %swap3A_883 = arith.index_cast %add3A_838 : i32 to index
      %swap3A_884 = arith.constant 112 : index
      %swap3A_885 = tpu.vector_load %arg10[%swap3A_883, %swap3A_884] {strides = array<i32>} : memref<18x128xf32, #tpu.memory_space<vmem>>, vector<16xf32>,
      tpu.vector_store %arg10[%swap3A_883, %swap3A_884], %scan3A_860#7 {strides = array<i32>} : memref<18x128xf32, #tpu.memory_space<vmem>>, vector<16xf32>,
      %add3A_886 = arith.constant 3 : i32
      %add3A_887 = arith.addi %add3A_778, %add3A_886 : i32
      %lt3A_888 = arith.constant 9 : i32
      %lt3A_889 = arith.cmpi slt, %add3A_887, %lt3A_888 : i32
      %convert_element_type3A_890 = arith.extui %lt3A_889 : i1 to i32
      %cond3A_891 = arith.constant 0 : i32
      %cond3A_892 = arith.cmpi ne, %convert_element_type3A_890, %cond3A_891 : i32
      scf.if %cond3A_892 {
        %dma_start3A_1011 = arith.constant 0 : i32
        %dma_start3A_1012 = tpu.memref_slice %arg7[%add3A_887, %dma_start3A_1011] : memref<9x128xi32, #tpu.memory_space<vmem>> -> memref<1x128xi32, #tpu.memory_space<vmem>>
        %dma_start3A_1013 = tpu.memref_squeeze %dma_start3A_1012 : memref<1x128xi32, #tpu.memory_space<vmem>> -> memref<128xi32, #tpu.memory_space<vmem>>
        %dma_start3A_1014 = arith.constant 0 : i32
        %dma_start3A_1015 = arith.constant 0 : i32
        %dma_start3A_1016 = tpu.memref_slice %arg4[%dma_start3A_1014, %dma_start3A_1015] : memref<100000x128xf32, #tpu.memory_space<hbm>> -> memref<100000x128xf32, #tpu.memory_space<hbm>>
        tpu.enqueue_indirect_dma source(%dma_start3A_1016 : memref<100000x128xf32, #tpu.memory_space<hbm>>) target(%arg12 : memref<128x128xf32, #tpu.memory_space<vmem>>) offsets(%dma_start3A_1013 : memref<128xi32, #tpu.memory_space<vmem>>) semaphore(%arg15 : memref<!tpu.dma_semaphore, #tpu.memory_space<semaphore_mem>>)
      } else {
      }
      %mul3A_893 = arith.constant 3 : i32
      %mul3A_894 = arith.muli %scan3A_660, %mul3A_893 : i32
      %add3A_895 = arith.constant 2 : i32
      %add3A_896 = arith.addi %mul3A_894, %add3A_895 : i32
      %dma_wait3A_897 = arith.constant 0 : i32
      %dma_wait3A_898 = arith.constant 0 : i32
      %dma_wait3A_899 = tpu.memref_slice %arg7[%dma_wait3A_897, %dma_wait3A_898] : memref<9x128xi32, #tpu.memory_space<vmem>> -> memref<1x128xi32, #tpu.memory_space<vmem>>
      %dma_wait3A_900 = tpu.memref_squeeze %dma_wait3A_899 : memref<1x128xi32, #tpu.memory_space<vmem>> -> memref<128xi32, #tpu.memory_space<vmem>>
      %dma_wait3A_901 = arith.constant 0 : i32
      %dma_wait3A_902 = arith.constant 0 : i32
      %dma_wait3A_903 = tpu.memref_slice %arg4[%dma_wait3A_901, %dma_wait3A_902] : memref<100000x128xf32, #tpu.memory_space<hbm>> -> memref<100000x128xf32, #tpu.memory_space<hbm>>
      tpu.wait_indirect_dma semaphore(%arg16 : memref<!tpu.dma_semaphore, #tpu.memory_space<semaphore_mem>>) src(%dma_wait3A_903 : memref<100000x128xf32, #tpu.memory_space<hbm>>) dst(%arg13 : memref<128x128xf32, #tpu.memory_space<vmem>>)
      %mul3A_904 = arith.constant 2 : i32
      %mul3A_905 = arith.muli %mul3A_904, %add3A_896 : i32
      %broadcast_in_dim3A_906 = vector.broadcast %mul3A_905 : i32 to vector<16xi32>
      %broadcast_in_dim3A_907 = arith.constant 0.000000e+00 : f32
      %broadcast_in_dim3A_908 = vector.broadcast %broadcast_in_dim3A_907 : f32 to vector<16xf32>
      %broadcast_in_dim3A_909 = arith.constant 0.000000e+00 : f32
      %broadcast_in_dim3A_910 = vector.broadcast %broadcast_in_dim3A_909 : f32 to vector<16xf32>
      %broadcast_in_dim3A_911 = arith.constant 0.000000e+00 : f32
      %broadcast_in_dim3A_912 = vector.broadcast %broadcast_in_dim3A_911 : f32 to vector<16xf32>
      %broadcast_in_dim3A_913 = arith.constant 0.000000e+00 : f32
      %broadcast_in_dim3A_914 = vector.broadcast %broadcast_in_dim3A_913 : f32 to vector<16xf32>
      %broadcast_in_dim3A_915 = arith.constant 0.000000e+00 : f32
      %broadcast_in_dim3A_916 = vector.broadcast %broadcast_in_dim3A_915 : f32 to vector<16xf32>
      %broadcast_in_dim3A_917 = arith.constant 0.000000e+00 : f32
      %broadcast_in_dim3A_918 = vector.broadcast %broadcast_in_dim3A_917 : f32 to vector<16xf32>
      %broadcast_in_dim3A_919 = arith.constant 0.000000e+00 : f32
      %broadcast_in_dim3A_920 = vector.broadcast %broadcast_in_dim3A_919 : f32 to vector<16xf32>
      %broadcast_in_dim3A_921 = arith.constant 0.000000e+00 : f32
      %broadcast_in_dim3A_922 = vector.broadcast %broadcast_in_dim3A_921 : f32 to vector<16xf32>
      %scan3A_923 = arith.constant 0 : i32
      %scan3A_924 = arith.constant 8 : i32
      %scan3A_925 = arith.addi %scan3A_923, %scan3A_924 : i32
      %scan3A_926 = arith.constant 1 : i32
      %scan3A_927:8 = scf.for %scan3A_1011 = %scan3A_923 to %scan3A_925 step %scan3A_926 iter_args(%scan3A_1012 = %broadcast_in_dim3A_908, %scan3A_1013 = %broadcast_in_dim3A_910, %scan3A_1014 = %broadcast_in_dim3A_912, %scan3A_1015 = %broadcast_in_dim3A_914, %scan3A_1016 = %broadcast_in_dim3A_916, %scan3A_1017 = %broadcast_in_dim3A_918, %scan3A_1018 = %broadcast_in_dim3A_920, %scan3A_1019 = %broadcast_in_dim3A_922) -> (vector<16xf32>, vector<16xf32>, vector<16xf32>, vector<16xf32>, vector<16xf32>, vector<16xf32>, vector<16xf32>, vector<16xf32>)  : i32 {
        %mul3A_1020 = arith.constant 8 : i32
        %mul3A_1021 = arith.muli %scan3A_1011, %mul3A_1020 : i32
        %add3A_1022 = arith.constant 0 : i32
        %add3A_1023 = arith.addi %mul3A_1021, %add3A_1022 : i32
        %broadcast_in_dim3A_1024 = vector.broadcast %add3A_1023 : i32 to vector<16xi32>
        %gather3A = tpu.vector_load_idx %arg9[%broadcast_in_dim3A_906, %broadcast_in_dim3A_1024] : memref<18x64xf32, #tpu.memory_space<vmem>>[vector<16xi32>, vector<16xi32>], vector<16xf32>,
        %add3A_1025 = arith.constant 0 : i32
        %add3A_1026 = arith.addi %add3A_1025, %mul3A_1021 : i32
        %add3A_1027 = arith.constant 0 : i32
        %add3A_1028 = arith.addi %add3A_1026, %add3A_1027 : i32
        %get3A_1029 = arith.index_cast %add3A_1028 : i32 to index
        %get3A_1030 = arith.constant 0 : index
        %get3A_1031 = tpu.vector_load %arg13[%get3A_1029, %get3A_1030] {strides = array<i32>} : memref<128x128xf32, #tpu.memory_space<vmem>>, vector<16xf32>,
        %mul3A_1032 = arith.mulf %gather3A, %get3A_1031 : vector<16xf32>
        %add3A_1033 = arith.addf %scan3A_1012, %mul3A_1032 : vector<16xf32>
        %get3A_1034 = arith.index_cast %add3A_1028 : i32 to index
        %get3A_1035 = arith.constant 16 : index
        %get3A_1036 = tpu.vector_load %arg13[%get3A_1034, %get3A_1035] {strides = array<i32>} : memref<128x128xf32, #tpu.memory_space<vmem>>, vector<16xf32>,
        %mul3A_1037 = arith.mulf %gather3A, %get3A_1036 : vector<16xf32>
        %add3A_1038 = arith.addf %scan3A_1013, %mul3A_1037 : vector<16xf32>
        %get3A_1039 = arith.index_cast %add3A_1028 : i32 to index
        %get3A_1040 = arith.constant 32 : index
        %get3A_1041 = tpu.vector_load %arg13[%get3A_1039, %get3A_1040] {strides = array<i32>} : memref<128x128xf32, #tpu.memory_space<vmem>>, vector<16xf32>,
        %mul3A_1042 = arith.mulf %gather3A, %get3A_1041 : vector<16xf32>
        %add3A_1043 = arith.addf %scan3A_1014, %mul3A_1042 : vector<16xf32>
        %get3A_1044 = arith.index_cast %add3A_1028 : i32 to index
        %get3A_1045 = arith.constant 48 : index
        %get3A_1046 = tpu.vector_load %arg13[%get3A_1044, %get3A_1045] {strides = array<i32>} : memref<128x128xf32, #tpu.memory_space<vmem>>, vector<16xf32>,
        %mul3A_1047 = arith.mulf %gather3A, %get3A_1046 : vector<16xf32>
        %add3A_1048 = arith.addf %scan3A_1015, %mul3A_1047 : vector<16xf32>
        %get3A_1049 = arith.index_cast %add3A_1028 : i32 to index
        %get3A_1050 = arith.constant 64 : index
        %get3A_1051 = tpu.vector_load %arg13[%get3A_1049, %get3A_1050] {strides = array<i32>} : memref<128x128xf32, #tpu.memory_space<vmem>>, vector<16xf32>,
        %mul3A_1052 = arith.mulf %gather3A, %get3A_1051 : vector<16xf32>
        %add3A_1053 = arith.addf %scan3A_1016, %mul3A_1052 : vector<16xf32>
        %get3A_1054 = arith.index_cast %add3A_1028 : i32 to index
        %get3A_1055 = arith.constant 80 : index
        %get3A_1056 = tpu.vector_load %arg13[%get3A_1054, %get3A_1055] {strides = array<i32>} : memref<128x128xf32, #tpu.memory_space<vmem>>, vector<16xf32>,
        %mul3A_1057 = arith.mulf %gather3A, %get3A_1056 : vector<16xf32>
        %add3A_1058 = arith.addf %scan3A_1017, %mul3A_1057 : vector<16xf32>
        %get3A_1059 = arith.index_cast %add3A_1028 : i32 to index
        %get3A_1060 = arith.constant 96 : index
        %get3A_1061 = tpu.vector_load %arg13[%get3A_1059, %get3A_1060] {strides = array<i32>} : memref<128x128xf32, #tpu.memory_space<vmem>>, vector<16xf32>,
        %mul3A_1062 = arith.mulf %gather3A, %get3A_1061 : vector<16xf32>
        %add3A_1063 = arith.addf %scan3A_1018, %mul3A_1062 : vector<16xf32>
        %get3A_1064 = arith.index_cast %add3A_1028 : i32 to index
        %get3A_1065 = arith.constant 112 : index
        %get3A_1066 = tpu.vector_load %arg13[%get3A_1064, %get3A_1065] {strides = array<i32>} : memref<128x128xf32, #tpu.memory_space<vmem>>, vector<16xf32>,
        %mul3A_1067 = arith.mulf %gather3A, %get3A_1066 : vector<16xf32>
        %add3A_1068 = arith.addf %scan3A_1019, %mul3A_1067 : vector<16xf32>
        %add3A_1069 = arith.constant 1 : i32
        %add3A_1070 = arith.addi %mul3A_1021, %add3A_1069 : i32
        %broadcast_in_dim3A_1071 = vector.broadcast %add3A_1070 : i32 to vector<16xi32>
        %gather3A_1072 = tpu.vector_load_idx %arg9[%broadcast_in_dim3A_906, %broadcast_in_dim3A_1071] : memref<18x64xf32, #tpu.memory_space<vmem>>[vector<16xi32>, vector<16xi32>], vector<16xf32>,
        %add3A_1073 = arith.constant 0 : i32
        %add3A_1074 = arith.addi %add3A_1073, %mul3A_1021 : i32
        %add3A_1075 = arith.constant 1 : i32
        %add3A_1076 = arith.addi %add3A_1074, %add3A_1075 : i32
        %get3A_1077 = arith.index_cast %add3A_1076 : i32 to index
        %get3A_1078 = arith.constant 0 : index
        %get3A_1079 = tpu.vector_load %arg13[%get3A_1077, %get3A_1078] {strides = array<i32>} : memref<128x128xf32, #tpu.memory_space<vmem>>, vector<16xf32>,
        %mul3A_1080 = arith.mulf %gather3A_1072, %get3A_1079 : vector<16xf32>
        %add3A_1081 = arith.addf %add3A_1033, %mul3A_1080 : vector<16xf32>
        %get3A_1082 = arith.index_cast %add3A_1076 : i32 to index
        %get3A_1083 = arith.constant 16 : index
        %get3A_1084 = tpu.vector_load %arg13[%get3A_1082, %get3A_1083] {strides = array<i32>} : memref<128x128xf32, #tpu.memory_space<vmem>>, vector<16xf32>,
        %mul3A_1085 = arith.mulf %gather3A_1072, %get3A_1084 : vector<16xf32>
        %add3A_1086 = arith.addf %add3A_1038, %mul3A_1085 : vector<16xf32>
        %get3A_1087 = arith.index_cast %add3A_1076 : i32 to index
        %get3A_1088 = arith.constant 32 : index
        %get3A_1089 = tpu.vector_load %arg13[%get3A_1087, %get3A_1088] {strides = array<i32>} : memref<128x128xf32, #tpu.memory_space<vmem>>, vector<16xf32>,
        %mul3A_1090 = arith.mulf %gather3A_1072, %get3A_1089 : vector<16xf32>
        %add3A_1091 = arith.addf %add3A_1043, %mul3A_1090 : vector<16xf32>
        %get3A_1092 = arith.index_cast %add3A_1076 : i32 to index
        %get3A_1093 = arith.constant 48 : index
        %get3A_1094 = tpu.vector_load %arg13[%get3A_1092, %get3A_1093] {strides = array<i32>} : memref<128x128xf32, #tpu.memory_space<vmem>>, vector<16xf32>,
        %mul3A_1095 = arith.mulf %gather3A_1072, %get3A_1094 : vector<16xf32>
        %add3A_1096 = arith.addf %add3A_1048, %mul3A_1095 : vector<16xf32>
        %get3A_1097 = arith.index_cast %add3A_1076 : i32 to index
        %get3A_1098 = arith.constant 64 : index
        %get3A_1099 = tpu.vector_load %arg13[%get3A_1097, %get3A_1098] {strides = array<i32>} : memref<128x128xf32, #tpu.memory_space<vmem>>, vector<16xf32>,
        %mul3A_1100 = arith.mulf %gather3A_1072, %get3A_1099 : vector<16xf32>
        %add3A_1101 = arith.addf %add3A_1053, %mul3A_1100 : vector<16xf32>
        %get3A_1102 = arith.index_cast %add3A_1076 : i32 to index
        %get3A_1103 = arith.constant 80 : index
        %get3A_1104 = tpu.vector_load %arg13[%get3A_1102, %get3A_1103] {strides = array<i32>} : memref<128x128xf32, #tpu.memory_space<vmem>>, vector<16xf32>,
        %mul3A_1105 = arith.mulf %gather3A_1072, %get3A_1104 : vector<16xf32>
        %add3A_1106 = arith.addf %add3A_1058, %mul3A_1105 : vector<16xf32>
        %get3A_1107 = arith.index_cast %add3A_1076 : i32 to index
        %get3A_1108 = arith.constant 96 : index
        %get3A_1109 = tpu.vector_load %arg13[%get3A_1107, %get3A_1108] {strides = array<i32>} : memref<128x128xf32, #tpu.memory_space<vmem>>, vector<16xf32>,
        %mul3A_1110 = arith.mulf %gather3A_1072, %get3A_1109 : vector<16xf32>
        %add3A_1111 = arith.addf %add3A_1063, %mul3A_1110 : vector<16xf32>
        %get3A_1112 = arith.index_cast %add3A_1076 : i32 to index
        %get3A_1113 = arith.constant 112 : index
        %get3A_1114 = tpu.vector_load %arg13[%get3A_1112, %get3A_1113] {strides = array<i32>} : memref<128x128xf32, #tpu.memory_space<vmem>>, vector<16xf32>,
        %mul3A_1115 = arith.mulf %gather3A_1072, %get3A_1114 : vector<16xf32>
        %add3A_1116 = arith.addf %add3A_1068, %mul3A_1115 : vector<16xf32>
        %add3A_1117 = arith.constant 2 : i32
        %add3A_1118 = arith.addi %mul3A_1021, %add3A_1117 : i32
        %broadcast_in_dim3A_1119 = vector.broadcast %add3A_1118 : i32 to vector<16xi32>
        %gather3A_1120 = tpu.vector_load_idx %arg9[%broadcast_in_dim3A_906, %broadcast_in_dim3A_1119] : memref<18x64xf32, #tpu.memory_space<vmem>>[vector<16xi32>, vector<16xi32>], vector<16xf32>,
        %add3A_1121 = arith.constant 0 : i32
        %add3A_1122 = arith.addi %add3A_1121, %mul3A_1021 : i32
        %add3A_1123 = arith.constant 2 : i32
        %add3A_1124 = arith.addi %add3A_1122, %add3A_1123 : i32
        %get3A_1125 = arith.index_cast %add3A_1124 : i32 to index
        %get3A_1126 = arith.constant 0 : index
        %get3A_1127 = tpu.vector_load %arg13[%get3A_1125, %get3A_1126] {strides = array<i32>} : memref<128x128xf32, #tpu.memory_space<vmem>>, vector<16xf32>,
        %mul3A_1128 = arith.mulf %gather3A_1120, %get3A_1127 : vector<16xf32>
        %add3A_1129 = arith.addf %add3A_1081, %mul3A_1128 : vector<16xf32>
        %get3A_1130 = arith.index_cast %add3A_1124 : i32 to index
        %get3A_1131 = arith.constant 16 : index
        %get3A_1132 = tpu.vector_load %arg13[%get3A_1130, %get3A_1131] {strides = array<i32>} : memref<128x128xf32, #tpu.memory_space<vmem>>, vector<16xf32>,
        %mul3A_1133 = arith.mulf %gather3A_1120, %get3A_1132 : vector<16xf32>
        %add3A_1134 = arith.addf %add3A_1086, %mul3A_1133 : vector<16xf32>
        %get3A_1135 = arith.index_cast %add3A_1124 : i32 to index
        %get3A_1136 = arith.constant 32 : index
        %get3A_1137 = tpu.vector_load %arg13[%get3A_1135, %get3A_1136] {strides = array<i32>} : memref<128x128xf32, #tpu.memory_space<vmem>>, vector<16xf32>,
        %mul3A_1138 = arith.mulf %gather3A_1120, %get3A_1137 : vector<16xf32>
        %add3A_1139 = arith.addf %add3A_1091, %mul3A_1138 : vector<16xf32>
        %get3A_1140 = arith.index_cast %add3A_1124 : i32 to index
        %get3A_1141 = arith.constant 48 : index
        %get3A_1142 = tpu.vector_load %arg13[%get3A_1140, %get3A_1141] {strides = array<i32>} : memref<128x128xf32, #tpu.memory_space<vmem>>, vector<16xf32>,
        %mul3A_1143 = arith.mulf %gather3A_1120, %get3A_1142 : vector<16xf32>
        %add3A_1144 = arith.addf %add3A_1096, %mul3A_1143 : vector<16xf32>
        %get3A_1145 = arith.index_cast %add3A_1124 : i32 to index
        %get3A_1146 = arith.constant 64 : index
        %get3A_1147 = tpu.vector_load %arg13[%get3A_1145, %get3A_1146] {strides = array<i32>} : memref<128x128xf32, #tpu.memory_space<vmem>>, vector<16xf32>,
        %mul3A_1148 = arith.mulf %gather3A_1120, %get3A_1147 : vector<16xf32>
        %add3A_1149 = arith.addf %add3A_1101, %mul3A_1148 : vector<16xf32>
        %get3A_1150 = arith.index_cast %add3A_1124 : i32 to index
        %get3A_1151 = arith.constant 80 : index
        %get3A_1152 = tpu.vector_load %arg13[%get3A_1150, %get3A_1151] {strides = array<i32>} : memref<128x128xf32, #tpu.memory_space<vmem>>, vector<16xf32>,
        %mul3A_1153 = arith.mulf %gather3A_1120, %get3A_1152 : vector<16xf32>
        %add3A_1154 = arith.addf %add3A_1106, %mul3A_1153 : vector<16xf32>
        %get3A_1155 = arith.index_cast %add3A_1124 : i32 to index
        %get3A_1156 = arith.constant 96 : index
        %get3A_1157 = tpu.vector_load %arg13[%get3A_1155, %get3A_1156] {strides = array<i32>} : memref<128x128xf32, #tpu.memory_space<vmem>>, vector<16xf32>,
        %mul3A_1158 = arith.mulf %gather3A_1120, %get3A_1157 : vector<16xf32>
        %add3A_1159 = arith.addf %add3A_1111, %mul3A_1158 : vector<16xf32>
        %get3A_1160 = arith.index_cast %add3A_1124 : i32 to index
        %get3A_1161 = arith.constant 112 : index
        %get3A_1162 = tpu.vector_load %arg13[%get3A_1160, %get3A_1161] {strides = array<i32>} : memref<128x128xf32, #tpu.memory_space<vmem>>, vector<16xf32>,
        %mul3A_1163 = arith.mulf %gather3A_1120, %get3A_1162 : vector<16xf32>
        %add3A_1164 = arith.addf %add3A_1116, %mul3A_1163 : vector<16xf32>
        %add3A_1165 = arith.constant 3 : i32
        %add3A_1166 = arith.addi %mul3A_1021, %add3A_1165 : i32
        %broadcast_in_dim3A_1167 = vector.broadcast %add3A_1166 : i32 to vector<16xi32>
        %gather3A_1168 = tpu.vector_load_idx %arg9[%broadcast_in_dim3A_906, %broadcast_in_dim3A_1167] : memref<18x64xf32, #tpu.memory_space<vmem>>[vector<16xi32>, vector<16xi32>], vector<16xf32>,
        %add3A_1169 = arith.constant 0 : i32
        %add3A_1170 = arith.addi %add3A_1169, %mul3A_1021 : i32
        %add3A_1171 = arith.constant 3 : i32
        %add3A_1172 = arith.addi %add3A_1170, %add3A_1171 : i32
        %get3A_1173 = arith.index_cast %add3A_1172 : i32 to index
        %get3A_1174 = arith.constant 0 : index
        %get3A_1175 = tpu.vector_load %arg13[%get3A_1173, %get3A_1174] {strides = array<i32>} : memref<128x128xf32, #tpu.memory_space<vmem>>, vector<16xf32>,
        %mul3A_1176 = arith.mulf %gather3A_1168, %get3A_1175 : vector<16xf32>
        %add3A_1177 = arith.addf %add3A_1129, %mul3A_1176 : vector<16xf32>
        %get3A_1178 = arith.index_cast %add3A_1172 : i32 to index
        %get3A_1179 = arith.constant 16 : index
        %get3A_1180 = tpu.vector_load %arg13[%get3A_1178, %get3A_1179] {strides = array<i32>} : memref<128x128xf32, #tpu.memory_space<vmem>>, vector<16xf32>,
        %mul3A_1181 = arith.mulf %gather3A_1168, %get3A_1180 : vector<16xf32>
        %add3A_1182 = arith.addf %add3A_1134, %mul3A_1181 : vector<16xf32>
        %get3A_1183 = arith.index_cast %add3A_1172 : i32 to index
        %get3A_1184 = arith.constant 32 : index
        %get3A_1185 = tpu.vector_load %arg13[%get3A_1183, %get3A_1184] {strides = array<i32>} : memref<128x128xf32, #tpu.memory_space<vmem>>, vector<16xf32>,
        %mul3A_1186 = arith.mulf %gather3A_1168, %get3A_1185 : vector<16xf32>
        %add3A_1187 = arith.addf %add3A_1139, %mul3A_1186 : vector<16xf32>
        %get3A_1188 = arith.index_cast %add3A_1172 : i32 to index
        %get3A_1189 = arith.constant 48 : index
        %get3A_1190 = tpu.vector_load %arg13[%get3A_1188, %get3A_1189] {strides = array<i32>} : memref<128x128xf32, #tpu.memory_space<vmem>>, vector<16xf32>,
        %mul3A_1191 = arith.mulf %gather3A_1168, %get3A_1190 : vector<16xf32>
        %add3A_1192 = arith.addf %add3A_1144, %mul3A_1191 : vector<16xf32>
        %get3A_1193 = arith.index_cast %add3A_1172 : i32 to index
        %get3A_1194 = arith.constant 64 : index
        %get3A_1195 = tpu.vector_load %arg13[%get3A_1193, %get3A_1194] {strides = array<i32>} : memref<128x128xf32, #tpu.memory_space<vmem>>, vector<16xf32>,
        %mul3A_1196 = arith.mulf %gather3A_1168, %get3A_1195 : vector<16xf32>
        %add3A_1197 = arith.addf %add3A_1149, %mul3A_1196 : vector<16xf32>
        %get3A_1198 = arith.index_cast %add3A_1172 : i32 to index
        %get3A_1199 = arith.constant 80 : index
        %get3A_1200 = tpu.vector_load %arg13[%get3A_1198, %get3A_1199] {strides = array<i32>} : memref<128x128xf32, #tpu.memory_space<vmem>>, vector<16xf32>,
        %mul3A_1201 = arith.mulf %gather3A_1168, %get3A_1200 : vector<16xf32>
        %add3A_1202 = arith.addf %add3A_1154, %mul3A_1201 : vector<16xf32>
        %get3A_1203 = arith.index_cast %add3A_1172 : i32 to index
        %get3A_1204 = arith.constant 96 : index
        %get3A_1205 = tpu.vector_load %arg13[%get3A_1203, %get3A_1204] {strides = array<i32>} : memref<128x128xf32, #tpu.memory_space<vmem>>, vector<16xf32>,
        %mul3A_1206 = arith.mulf %gather3A_1168, %get3A_1205 : vector<16xf32>
        %add3A_1207 = arith.addf %add3A_1159, %mul3A_1206 : vector<16xf32>
        %get3A_1208 = arith.index_cast %add3A_1172 : i32 to index
        %get3A_1209 = arith.constant 112 : index
        %get3A_1210 = tpu.vector_load %arg13[%get3A_1208, %get3A_1209] {strides = array<i32>} : memref<128x128xf32, #tpu.memory_space<vmem>>, vector<16xf32>,
        %mul3A_1211 = arith.mulf %gather3A_1168, %get3A_1210 : vector<16xf32>
        %add3A_1212 = arith.addf %add3A_1164, %mul3A_1211 : vector<16xf32>
        %add3A_1213 = arith.constant 4 : i32
        %add3A_1214 = arith.addi %mul3A_1021, %add3A_1213 : i32
        %broadcast_in_dim3A_1215 = vector.broadcast %add3A_1214 : i32 to vector<16xi32>
        %gather3A_1216 = tpu.vector_load_idx %arg9[%broadcast_in_dim3A_906, %broadcast_in_dim3A_1215] : memref<18x64xf32, #tpu.memory_space<vmem>>[vector<16xi32>, vector<16xi32>], vector<16xf32>,
        %add3A_1217 = arith.constant 0 : i32
        %add3A_1218 = arith.addi %add3A_1217, %mul3A_1021 : i32
        %add3A_1219 = arith.constant 4 : i32
        %add3A_1220 = arith.addi %add3A_1218, %add3A_1219 : i32
        %get3A_1221 = arith.index_cast %add3A_1220 : i32 to index
        %get3A_1222 = arith.constant 0 : index
        %get3A_1223 = tpu.vector_load %arg13[%get3A_1221, %get3A_1222] {strides = array<i32>} : memref<128x128xf32, #tpu.memory_space<vmem>>, vector<16xf32>,
        %mul3A_1224 = arith.mulf %gather3A_1216, %get3A_1223 : vector<16xf32>
        %add3A_1225 = arith.addf %add3A_1177, %mul3A_1224 : vector<16xf32>
        %get3A_1226 = arith.index_cast %add3A_1220 : i32 to index
        %get3A_1227 = arith.constant 16 : index
        %get3A_1228 = tpu.vector_load %arg13[%get3A_1226, %get3A_1227] {strides = array<i32>} : memref<128x128xf32, #tpu.memory_space<vmem>>, vector<16xf32>,
        %mul3A_1229 = arith.mulf %gather3A_1216, %get3A_1228 : vector<16xf32>
        %add3A_1230 = arith.addf %add3A_1182, %mul3A_1229 : vector<16xf32>
        %get3A_1231 = arith.index_cast %add3A_1220 : i32 to index
        %get3A_1232 = arith.constant 32 : index
        %get3A_1233 = tpu.vector_load %arg13[%get3A_1231, %get3A_1232] {strides = array<i32>} : memref<128x128xf32, #tpu.memory_space<vmem>>, vector<16xf32>,
        %mul3A_1234 = arith.mulf %gather3A_1216, %get3A_1233 : vector<16xf32>
        %add3A_1235 = arith.addf %add3A_1187, %mul3A_1234 : vector<16xf32>
        %get3A_1236 = arith.index_cast %add3A_1220 : i32 to index
        %get3A_1237 = arith.constant 48 : index
        %get3A_1238 = tpu.vector_load %arg13[%get3A_1236, %get3A_1237] {strides = array<i32>} : memref<128x128xf32, #tpu.memory_space<vmem>>, vector<16xf32>,
        %mul3A_1239 = arith.mulf %gather3A_1216, %get3A_1238 : vector<16xf32>
        %add3A_1240 = arith.addf %add3A_1192, %mul3A_1239 : vector<16xf32>
        %get3A_1241 = arith.index_cast %add3A_1220 : i32 to index
        %get3A_1242 = arith.constant 64 : index
        %get3A_1243 = tpu.vector_load %arg13[%get3A_1241, %get3A_1242] {strides = array<i32>} : memref<128x128xf32, #tpu.memory_space<vmem>>, vector<16xf32>,
        %mul3A_1244 = arith.mulf %gather3A_1216, %get3A_1243 : vector<16xf32>
        %add3A_1245 = arith.addf %add3A_1197, %mul3A_1244 : vector<16xf32>
        %get3A_1246 = arith.index_cast %add3A_1220 : i32 to index
        %get3A_1247 = arith.constant 80 : index
        %get3A_1248 = tpu.vector_load %arg13[%get3A_1246, %get3A_1247] {strides = array<i32>} : memref<128x128xf32, #tpu.memory_space<vmem>>, vector<16xf32>,
        %mul3A_1249 = arith.mulf %gather3A_1216, %get3A_1248 : vector<16xf32>
        %add3A_1250 = arith.addf %add3A_1202, %mul3A_1249 : vector<16xf32>
        %get3A_1251 = arith.index_cast %add3A_1220 : i32 to index
        %get3A_1252 = arith.constant 96 : index
        %get3A_1253 = tpu.vector_load %arg13[%get3A_1251, %get3A_1252] {strides = array<i32>} : memref<128x128xf32, #tpu.memory_space<vmem>>, vector<16xf32>,
        %mul3A_1254 = arith.mulf %gather3A_1216, %get3A_1253 : vector<16xf32>
        %add3A_1255 = arith.addf %add3A_1207, %mul3A_1254 : vector<16xf32>
        %get3A_1256 = arith.index_cast %add3A_1220 : i32 to index
        %get3A_1257 = arith.constant 112 : index
        %get3A_1258 = tpu.vector_load %arg13[%get3A_1256, %get3A_1257] {strides = array<i32>} : memref<128x128xf32, #tpu.memory_space<vmem>>, vector<16xf32>,
        %mul3A_1259 = arith.mulf %gather3A_1216, %get3A_1258 : vector<16xf32>
        %add3A_1260 = arith.addf %add3A_1212, %mul3A_1259 : vector<16xf32>
        %add3A_1261 = arith.constant 5 : i32
        %add3A_1262 = arith.addi %mul3A_1021, %add3A_1261 : i32
        %broadcast_in_dim3A_1263 = vector.broadcast %add3A_1262 : i32 to vector<16xi32>
        %gather3A_1264 = tpu.vector_load_idx %arg9[%broadcast_in_dim3A_906, %broadcast_in_dim3A_1263] : memref<18x64xf32, #tpu.memory_space<vmem>>[vector<16xi32>, vector<16xi32>], vector<16xf32>,
        %add3A_1265 = arith.constant 0 : i32
        %add3A_1266 = arith.addi %add3A_1265, %mul3A_1021 : i32
        %add3A_1267 = arith.constant 5 : i32
        %add3A_1268 = arith.addi %add3A_1266, %add3A_1267 : i32
        %get3A_1269 = arith.index_cast %add3A_1268 : i32 to index
        %get3A_1270 = arith.constant 0 : index
        %get3A_1271 = tpu.vector_load %arg13[%get3A_1269, %get3A_1270] {strides = array<i32>} : memref<128x128xf32, #tpu.memory_space<vmem>>, vector<16xf32>,
        %mul3A_1272 = arith.mulf %gather3A_1264, %get3A_1271 : vector<16xf32>
        %add3A_1273 = arith.addf %add3A_1225, %mul3A_1272 : vector<16xf32>
        %get3A_1274 = arith.index_cast %add3A_1268 : i32 to index
        %get3A_1275 = arith.constant 16 : index
        %get3A_1276 = tpu.vector_load %arg13[%get3A_1274, %get3A_1275] {strides = array<i32>} : memref<128x128xf32, #tpu.memory_space<vmem>>, vector<16xf32>,
        %mul3A_1277 = arith.mulf %gather3A_1264, %get3A_1276 : vector<16xf32>
        %add3A_1278 = arith.addf %add3A_1230, %mul3A_1277 : vector<16xf32>
        %get3A_1279 = arith.index_cast %add3A_1268 : i32 to index
        %get3A_1280 = arith.constant 32 : index
        %get3A_1281 = tpu.vector_load %arg13[%get3A_1279, %get3A_1280] {strides = array<i32>} : memref<128x128xf32, #tpu.memory_space<vmem>>, vector<16xf32>,
        %mul3A_1282 = arith.mulf %gather3A_1264, %get3A_1281 : vector<16xf32>
        %add3A_1283 = arith.addf %add3A_1235, %mul3A_1282 : vector<16xf32>
        %get3A_1284 = arith.index_cast %add3A_1268 : i32 to index
        %get3A_1285 = arith.constant 48 : index
        %get3A_1286 = tpu.vector_load %arg13[%get3A_1284, %get3A_1285] {strides = array<i32>} : memref<128x128xf32, #tpu.memory_space<vmem>>, vector<16xf32>,
        %mul3A_1287 = arith.mulf %gather3A_1264, %get3A_1286 : vector<16xf32>
        %add3A_1288 = arith.addf %add3A_1240, %mul3A_1287 : vector<16xf32>
        %get3A_1289 = arith.index_cast %add3A_1268 : i32 to index
        %get3A_1290 = arith.constant 64 : index
        %get3A_1291 = tpu.vector_load %arg13[%get3A_1289, %get3A_1290] {strides = array<i32>} : memref<128x128xf32, #tpu.memory_space<vmem>>, vector<16xf32>,
        %mul3A_1292 = arith.mulf %gather3A_1264, %get3A_1291 : vector<16xf32>
        %add3A_1293 = arith.addf %add3A_1245, %mul3A_1292 : vector<16xf32>
        %get3A_1294 = arith.index_cast %add3A_1268 : i32 to index
        %get3A_1295 = arith.constant 80 : index
        %get3A_1296 = tpu.vector_load %arg13[%get3A_1294, %get3A_1295] {strides = array<i32>} : memref<128x128xf32, #tpu.memory_space<vmem>>, vector<16xf32>,
        %mul3A_1297 = arith.mulf %gather3A_1264, %get3A_1296 : vector<16xf32>
        %add3A_1298 = arith.addf %add3A_1250, %mul3A_1297 : vector<16xf32>
        %get3A_1299 = arith.index_cast %add3A_1268 : i32 to index
        %get3A_1300 = arith.constant 96 : index
        %get3A_1301 = tpu.vector_load %arg13[%get3A_1299, %get3A_1300] {strides = array<i32>} : memref<128x128xf32, #tpu.memory_space<vmem>>, vector<16xf32>,
        %mul3A_1302 = arith.mulf %gather3A_1264, %get3A_1301 : vector<16xf32>
        %add3A_1303 = arith.addf %add3A_1255, %mul3A_1302 : vector<16xf32>
        %get3A_1304 = arith.index_cast %add3A_1268 : i32 to index
        %get3A_1305 = arith.constant 112 : index
        %get3A_1306 = tpu.vector_load %arg13[%get3A_1304, %get3A_1305] {strides = array<i32>} : memref<128x128xf32, #tpu.memory_space<vmem>>, vector<16xf32>,
        %mul3A_1307 = arith.mulf %gather3A_1264, %get3A_1306 : vector<16xf32>
        %add3A_1308 = arith.addf %add3A_1260, %mul3A_1307 : vector<16xf32>
        %add3A_1309 = arith.constant 6 : i32
        %add3A_1310 = arith.addi %mul3A_1021, %add3A_1309 : i32
        %broadcast_in_dim3A_1311 = vector.broadcast %add3A_1310 : i32 to vector<16xi32>
        %gather3A_1312 = tpu.vector_load_idx %arg9[%broadcast_in_dim3A_906, %broadcast_in_dim3A_1311] : memref<18x64xf32, #tpu.memory_space<vmem>>[vector<16xi32>, vector<16xi32>], vector<16xf32>,
        %add3A_1313 = arith.constant 0 : i32
        %add3A_1314 = arith.addi %add3A_1313, %mul3A_1021 : i32
        %add3A_1315 = arith.constant 6 : i32
        %add3A_1316 = arith.addi %add3A_1314, %add3A_1315 : i32
        %get3A_1317 = arith.index_cast %add3A_1316 : i32 to index
        %get3A_1318 = arith.constant 0 : index
        %get3A_1319 = tpu.vector_load %arg13[%get3A_1317, %get3A_1318] {strides = array<i32>} : memref<128x128xf32, #tpu.memory_space<vmem>>, vector<16xf32>,
        %mul3A_1320 = arith.mulf %gather3A_1312, %get3A_1319 : vector<16xf32>
        %add3A_1321 = arith.addf %add3A_1273, %mul3A_1320 : vector<16xf32>
        %get3A_1322 = arith.index_cast %add3A_1316 : i32 to index
        %get3A_1323 = arith.constant 16 : index
        %get3A_1324 = tpu.vector_load %arg13[%get3A_1322, %get3A_1323] {strides = array<i32>} : memref<128x128xf32, #tpu.memory_space<vmem>>, vector<16xf32>,
        %mul3A_1325 = arith.mulf %gather3A_1312, %get3A_1324 : vector<16xf32>
        %add3A_1326 = arith.addf %add3A_1278, %mul3A_1325 : vector<16xf32>
        %get3A_1327 = arith.index_cast %add3A_1316 : i32 to index
        %get3A_1328 = arith.constant 32 : index
        %get3A_1329 = tpu.vector_load %arg13[%get3A_1327, %get3A_1328] {strides = array<i32>} : memref<128x128xf32, #tpu.memory_space<vmem>>, vector<16xf32>,
        %mul3A_1330 = arith.mulf %gather3A_1312, %get3A_1329 : vector<16xf32>
        %add3A_1331 = arith.addf %add3A_1283, %mul3A_1330 : vector<16xf32>
        %get3A_1332 = arith.index_cast %add3A_1316 : i32 to index
        %get3A_1333 = arith.constant 48 : index
        %get3A_1334 = tpu.vector_load %arg13[%get3A_1332, %get3A_1333] {strides = array<i32>} : memref<128x128xf32, #tpu.memory_space<vmem>>, vector<16xf32>,
        %mul3A_1335 = arith.mulf %gather3A_1312, %get3A_1334 : vector<16xf32>
        %add3A_1336 = arith.addf %add3A_1288, %mul3A_1335 : vector<16xf32>
        %get3A_1337 = arith.index_cast %add3A_1316 : i32 to index
        %get3A_1338 = arith.constant 64 : index
        %get3A_1339 = tpu.vector_load %arg13[%get3A_1337, %get3A_1338] {strides = array<i32>} : memref<128x128xf32, #tpu.memory_space<vmem>>, vector<16xf32>,
        %mul3A_1340 = arith.mulf %gather3A_1312, %get3A_1339 : vector<16xf32>
        %add3A_1341 = arith.addf %add3A_1293, %mul3A_1340 : vector<16xf32>
        %get3A_1342 = arith.index_cast %add3A_1316 : i32 to index
        %get3A_1343 = arith.constant 80 : index
        %get3A_1344 = tpu.vector_load %arg13[%get3A_1342, %get3A_1343] {strides = array<i32>} : memref<128x128xf32, #tpu.memory_space<vmem>>, vector<16xf32>,
        %mul3A_1345 = arith.mulf %gather3A_1312, %get3A_1344 : vector<16xf32>
        %add3A_1346 = arith.addf %add3A_1298, %mul3A_1345 : vector<16xf32>
        %get3A_1347 = arith.index_cast %add3A_1316 : i32 to index
        %get3A_1348 = arith.constant 96 : index
        %get3A_1349 = tpu.vector_load %arg13[%get3A_1347, %get3A_1348] {strides = array<i32>} : memref<128x128xf32, #tpu.memory_space<vmem>>, vector<16xf32>,
        %mul3A_1350 = arith.mulf %gather3A_1312, %get3A_1349 : vector<16xf32>
        %add3A_1351 = arith.addf %add3A_1303, %mul3A_1350 : vector<16xf32>
        %get3A_1352 = arith.index_cast %add3A_1316 : i32 to index
        %get3A_1353 = arith.constant 112 : index
        %get3A_1354 = tpu.vector_load %arg13[%get3A_1352, %get3A_1353] {strides = array<i32>} : memref<128x128xf32, #tpu.memory_space<vmem>>, vector<16xf32>,
        %mul3A_1355 = arith.mulf %gather3A_1312, %get3A_1354 : vector<16xf32>
        %add3A_1356 = arith.addf %add3A_1308, %mul3A_1355 : vector<16xf32>
        %add3A_1357 = arith.constant 7 : i32
        %add3A_1358 = arith.addi %mul3A_1021, %add3A_1357 : i32
        %broadcast_in_dim3A_1359 = vector.broadcast %add3A_1358 : i32 to vector<16xi32>
        %gather3A_1360 = tpu.vector_load_idx %arg9[%broadcast_in_dim3A_906, %broadcast_in_dim3A_1359] : memref<18x64xf32, #tpu.memory_space<vmem>>[vector<16xi32>, vector<16xi32>], vector<16xf32>,
        %add3A_1361 = arith.constant 0 : i32
        %add3A_1362 = arith.addi %add3A_1361, %mul3A_1021 : i32
        %add3A_1363 = arith.constant 7 : i32
        %add3A_1364 = arith.addi %add3A_1362, %add3A_1363 : i32
        %get3A_1365 = arith.index_cast %add3A_1364 : i32 to index
        %get3A_1366 = arith.constant 0 : index
        %get3A_1367 = tpu.vector_load %arg13[%get3A_1365, %get3A_1366] {strides = array<i32>} : memref<128x128xf32, #tpu.memory_space<vmem>>, vector<16xf32>,
        %mul3A_1368 = arith.mulf %gather3A_1360, %get3A_1367 : vector<16xf32>
        %add3A_1369 = arith.addf %add3A_1321, %mul3A_1368 : vector<16xf32>
        %get3A_1370 = arith.index_cast %add3A_1364 : i32 to index
        %get3A_1371 = arith.constant 16 : index
        %get3A_1372 = tpu.vector_load %arg13[%get3A_1370, %get3A_1371] {strides = array<i32>} : memref<128x128xf32, #tpu.memory_space<vmem>>, vector<16xf32>,
        %mul3A_1373 = arith.mulf %gather3A_1360, %get3A_1372 : vector<16xf32>
        %add3A_1374 = arith.addf %add3A_1326, %mul3A_1373 : vector<16xf32>
        %get3A_1375 = arith.index_cast %add3A_1364 : i32 to index
        %get3A_1376 = arith.constant 32 : index
        %get3A_1377 = tpu.vector_load %arg13[%get3A_1375, %get3A_1376] {strides = array<i32>} : memref<128x128xf32, #tpu.memory_space<vmem>>, vector<16xf32>,
        %mul3A_1378 = arith.mulf %gather3A_1360, %get3A_1377 : vector<16xf32>
        %add3A_1379 = arith.addf %add3A_1331, %mul3A_1378 : vector<16xf32>
        %get3A_1380 = arith.index_cast %add3A_1364 : i32 to index
        %get3A_1381 = arith.constant 48 : index
        %get3A_1382 = tpu.vector_load %arg13[%get3A_1380, %get3A_1381] {strides = array<i32>} : memref<128x128xf32, #tpu.memory_space<vmem>>, vector<16xf32>,
        %mul3A_1383 = arith.mulf %gather3A_1360, %get3A_1382 : vector<16xf32>
        %add3A_1384 = arith.addf %add3A_1336, %mul3A_1383 : vector<16xf32>
        %get3A_1385 = arith.index_cast %add3A_1364 : i32 to index
        %get3A_1386 = arith.constant 64 : index
        %get3A_1387 = tpu.vector_load %arg13[%get3A_1385, %get3A_1386] {strides = array<i32>} : memref<128x128xf32, #tpu.memory_space<vmem>>, vector<16xf32>,
        %mul3A_1388 = arith.mulf %gather3A_1360, %get3A_1387 : vector<16xf32>
        %add3A_1389 = arith.addf %add3A_1341, %mul3A_1388 : vector<16xf32>
        %get3A_1390 = arith.index_cast %add3A_1364 : i32 to index
        %get3A_1391 = arith.constant 80 : index
        %get3A_1392 = tpu.vector_load %arg13[%get3A_1390, %get3A_1391] {strides = array<i32>} : memref<128x128xf32, #tpu.memory_space<vmem>>, vector<16xf32>,
        %mul3A_1393 = arith.mulf %gather3A_1360, %get3A_1392 : vector<16xf32>
        %add3A_1394 = arith.addf %add3A_1346, %mul3A_1393 : vector<16xf32>
        %get3A_1395 = arith.index_cast %add3A_1364 : i32 to index
        %get3A_1396 = arith.constant 96 : index
        %get3A_1397 = tpu.vector_load %arg13[%get3A_1395, %get3A_1396] {strides = array<i32>} : memref<128x128xf32, #tpu.memory_space<vmem>>, vector<16xf32>,
        %mul3A_1398 = arith.mulf %gather3A_1360, %get3A_1397 : vector<16xf32>
        %add3A_1399 = arith.addf %add3A_1351, %mul3A_1398 : vector<16xf32>
        %get3A_1400 = arith.index_cast %add3A_1364 : i32 to index
        %get3A_1401 = arith.constant 112 : index
        %get3A_1402 = tpu.vector_load %arg13[%get3A_1400, %get3A_1401] {strides = array<i32>} : memref<128x128xf32, #tpu.memory_space<vmem>>, vector<16xf32>,
        %mul3A_1403 = arith.mulf %gather3A_1360, %get3A_1402 : vector<16xf32>
        %add3A_1404 = arith.addf %add3A_1356, %mul3A_1403 : vector<16xf32>
        scf.yield %add3A_1369, %add3A_1374, %add3A_1379, %add3A_1384, %add3A_1389, %add3A_1394, %add3A_1399, %add3A_1404 : vector<16xf32>, vector<16xf32>, vector<16xf32>, vector<16xf32>, vector<16xf32>, vector<16xf32>, vector<16xf32>, vector<16xf32>
      }
      %scan3A_928 = arith.constant 8 : i32
      %swap3A_929 = arith.index_cast %mul3A_905 : i32 to index
      %swap3A_930 = arith.constant 0 : index
      %swap3A_931 = tpu.vector_load %arg10[%swap3A_929, %swap3A_930] {strides = array<i32>} : memref<18x128xf32, #tpu.memory_space<vmem>>, vector<16xf32>,
      tpu.vector_store %arg10[%swap3A_929, %swap3A_930], %scan3A_927#0 {strides = array<i32>} : memref<18x128xf32, #tpu.memory_space<vmem>>, vector<16xf32>,
      %swap3A_932 = arith.index_cast %mul3A_905 : i32 to index
      %swap3A_933 = arith.constant 16 : index
      %swap3A_934 = tpu.vector_load %arg10[%swap3A_932, %swap3A_933] {strides = array<i32>} : memref<18x128xf32, #tpu.memory_space<vmem>>, vector<16xf32>,
      tpu.vector_store %arg10[%swap3A_932, %swap3A_933], %scan3A_927#1 {strides = array<i32>} : memref<18x128xf32, #tpu.memory_space<vmem>>, vector<16xf32>,
      %swap3A_935 = arith.index_cast %mul3A_905 : i32 to index
      %swap3A_936 = arith.constant 32 : index
      %swap3A_937 = tpu.vector_load %arg10[%swap3A_935, %swap3A_936] {strides = array<i32>} : memref<18x128xf32, #tpu.memory_space<vmem>>, vector<16xf32>,
      tpu.vector_store %arg10[%swap3A_935, %swap3A_936], %scan3A_927#2 {strides = array<i32>} : memref<18x128xf32, #tpu.memory_space<vmem>>, vector<16xf32>,
      %swap3A_938 = arith.index_cast %mul3A_905 : i32 to index
      %swap3A_939 = arith.constant 48 : index
      %swap3A_940 = tpu.vector_load %arg10[%swap3A_938, %swap3A_939] {strides = array<i32>} : memref<18x128xf32, #tpu.memory_space<vmem>>, vector<16xf32>,
      tpu.vector_store %arg10[%swap3A_938, %swap3A_939], %scan3A_927#3 {strides = array<i32>} : memref<18x128xf32, #tpu.memory_space<vmem>>, vector<16xf32>,
      %swap3A_941 = arith.index_cast %mul3A_905 : i32 to index
      %swap3A_942 = arith.constant 64 : index
      %swap3A_943 = tpu.vector_load %arg10[%swap3A_941, %swap3A_942] {strides = array<i32>} : memref<18x128xf32, #tpu.memory_space<vmem>>, vector<16xf32>,
      tpu.vector_store %arg10[%swap3A_941, %swap3A_942], %scan3A_927#4 {strides = array<i32>} : memref<18x128xf32, #tpu.memory_space<vmem>>, vector<16xf32>,
      %swap3A_944 = arith.index_cast %mul3A_905 : i32 to index
      %swap3A_945 = arith.constant 80 : index
      %swap3A_946 = tpu.vector_load %arg10[%swap3A_944, %swap3A_945] {strides = array<i32>} : memref<18x128xf32, #tpu.memory_space<vmem>>, vector<16xf32>,
      tpu.vector_store %arg10[%swap3A_944, %swap3A_945], %scan3A_927#5 {strides = array<i32>} : memref<18x128xf32, #tpu.memory_space<vmem>>, vector<16xf32>,
      %swap3A_947 = arith.index_cast %mul3A_905 : i32 to index
      %swap3A_948 = arith.constant 96 : index
      %swap3A_949 = tpu.vector_load %arg10[%swap3A_947, %swap3A_948] {strides = array<i32>} : memref<18x128xf32, #tpu.memory_space<vmem>>, vector<16xf32>,
      tpu.vector_store %arg10[%swap3A_947, %swap3A_948], %scan3A_927#6 {strides = array<i32>} : memref<18x128xf32, #tpu.memory_space<vmem>>, vector<16xf32>,
      %swap3A_950 = arith.index_cast %mul3A_905 : i32 to index
      %swap3A_951 = arith.constant 112 : index
      %swap3A_952 = tpu.vector_load %arg10[%swap3A_950, %swap3A_951] {strides = array<i32>} : memref<18x128xf32, #tpu.memory_space<vmem>>, vector<16xf32>,
      tpu.vector_store %arg10[%swap3A_950, %swap3A_951], %scan3A_927#7 {strides = array<i32>} : memref<18x128xf32, #tpu.memory_space<vmem>>, vector<16xf32>,
      %mul3A_953 = arith.constant 2 : i32
      %mul3A_954 = arith.muli %mul3A_953, %add3A_896 : i32
      %add3A_955 = arith.constant 1 : i32
      %add3A_956 = arith.addi %mul3A_954, %add3A_955 : i32
      %broadcast_in_dim3A_957 = vector.broadcast %add3A_956 : i32 to vector<16xi32>
      %broadcast_in_dim3A_958 = arith.constant 0.000000e+00 : f32
      %broadcast_in_dim3A_959 = vector.broadcast %broadcast_in_dim3A_958 : f32 to vector<16xf32>
      %broadcast_in_dim3A_960 = arith.constant 0.000000e+00 : f32
      %broadcast_in_dim3A_961 = vector.broadcast %broadcast_in_dim3A_960 : f32 to vector<16xf32>
      %broadcast_in_dim3A_962 = arith.constant 0.000000e+00 : f32
      %broadcast_in_dim3A_963 = vector.broadcast %broadcast_in_dim3A_962 : f32 to vector<16xf32>
      %broadcast_in_dim3A_964 = arith.constant 0.000000e+00 : f32
      %broadcast_in_dim3A_965 = vector.broadcast %broadcast_in_dim3A_964 : f32 to vector<16xf32>
      %broadcast_in_dim3A_966 = arith.constant 0.000000e+00 : f32
      %broadcast_in_dim3A_967 = vector.broadcast %broadcast_in_dim3A_966 : f32 to vector<16xf32>
      %broadcast_in_dim3A_968 = arith.constant 0.000000e+00 : f32
      %broadcast_in_dim3A_969 = vector.broadcast %broadcast_in_dim3A_968 : f32 to vector<16xf32>
      %broadcast_in_dim3A_970 = arith.constant 0.000000e+00 : f32
      %broadcast_in_dim3A_971 = vector.broadcast %broadcast_in_dim3A_970 : f32 to vector<16xf32>
      %broadcast_in_dim3A_972 = arith.constant 0.000000e+00 : f32
      %broadcast_in_dim3A_973 = vector.broadcast %broadcast_in_dim3A_972 : f32 to vector<16xf32>
      %scan3A_974 = arith.constant 0 : i32
      %scan3A_975 = arith.constant 8 : i32
      %scan3A_976 = arith.addi %scan3A_974, %scan3A_975 : i32
      %scan3A_977 = arith.constant 1 : i32
      %scan3A_978:8 = scf.for %scan3A_1011 = %scan3A_974 to %scan3A_976 step %scan3A_977 iter_args(%scan3A_1012 = %broadcast_in_dim3A_959, %scan3A_1013 = %broadcast_in_dim3A_961, %scan3A_1014 = %broadcast_in_dim3A_963, %scan3A_1015 = %broadcast_in_dim3A_965, %scan3A_1016 = %broadcast_in_dim3A_967, %scan3A_1017 = %broadcast_in_dim3A_969, %scan3A_1018 = %broadcast_in_dim3A_971, %scan3A_1019 = %broadcast_in_dim3A_973) -> (vector<16xf32>, vector<16xf32>, vector<16xf32>, vector<16xf32>, vector<16xf32>, vector<16xf32>, vector<16xf32>, vector<16xf32>)  : i32 {
        %mul3A_1020 = arith.constant 8 : i32
        %mul3A_1021 = arith.muli %scan3A_1011, %mul3A_1020 : i32
        %add3A_1022 = arith.constant 0 : i32
        %add3A_1023 = arith.addi %mul3A_1021, %add3A_1022 : i32
        %broadcast_in_dim3A_1024 = vector.broadcast %add3A_1023 : i32 to vector<16xi32>
        %gather3A = tpu.vector_load_idx %arg9[%broadcast_in_dim3A_957, %broadcast_in_dim3A_1024] : memref<18x64xf32, #tpu.memory_space<vmem>>[vector<16xi32>, vector<16xi32>], vector<16xf32>,
        %add3A_1025 = arith.constant 64 : i32
        %add3A_1026 = arith.addi %add3A_1025, %mul3A_1021 : i32
        %add3A_1027 = arith.constant 0 : i32
        %add3A_1028 = arith.addi %add3A_1026, %add3A_1027 : i32
        %get3A_1029 = arith.index_cast %add3A_1028 : i32 to index
        %get3A_1030 = arith.constant 0 : index
        %get3A_1031 = tpu.vector_load %arg13[%get3A_1029, %get3A_1030] {strides = array<i32>} : memref<128x128xf32, #tpu.memory_space<vmem>>, vector<16xf32>,
        %mul3A_1032 = arith.mulf %gather3A, %get3A_1031 : vector<16xf32>
        %add3A_1033 = arith.addf %scan3A_1012, %mul3A_1032 : vector<16xf32>
        %get3A_1034 = arith.index_cast %add3A_1028 : i32 to index
        %get3A_1035 = arith.constant 16 : index
        %get3A_1036 = tpu.vector_load %arg13[%get3A_1034, %get3A_1035] {strides = array<i32>} : memref<128x128xf32, #tpu.memory_space<vmem>>, vector<16xf32>,
        %mul3A_1037 = arith.mulf %gather3A, %get3A_1036 : vector<16xf32>
        %add3A_1038 = arith.addf %scan3A_1013, %mul3A_1037 : vector<16xf32>
        %get3A_1039 = arith.index_cast %add3A_1028 : i32 to index
        %get3A_1040 = arith.constant 32 : index
        %get3A_1041 = tpu.vector_load %arg13[%get3A_1039, %get3A_1040] {strides = array<i32>} : memref<128x128xf32, #tpu.memory_space<vmem>>, vector<16xf32>,
        %mul3A_1042 = arith.mulf %gather3A, %get3A_1041 : vector<16xf32>
        %add3A_1043 = arith.addf %scan3A_1014, %mul3A_1042 : vector<16xf32>
        %get3A_1044 = arith.index_cast %add3A_1028 : i32 to index
        %get3A_1045 = arith.constant 48 : index
        %get3A_1046 = tpu.vector_load %arg13[%get3A_1044, %get3A_1045] {strides = array<i32>} : memref<128x128xf32, #tpu.memory_space<vmem>>, vector<16xf32>,
        %mul3A_1047 = arith.mulf %gather3A, %get3A_1046 : vector<16xf32>
        %add3A_1048 = arith.addf %scan3A_1015, %mul3A_1047 : vector<16xf32>
        %get3A_1049 = arith.index_cast %add3A_1028 : i32 to index
        %get3A_1050 = arith.constant 64 : index
        %get3A_1051 = tpu.vector_load %arg13[%get3A_1049, %get3A_1050] {strides = array<i32>} : memref<128x128xf32, #tpu.memory_space<vmem>>, vector<16xf32>,
        %mul3A_1052 = arith.mulf %gather3A, %get3A_1051 : vector<16xf32>
        %add3A_1053 = arith.addf %scan3A_1016, %mul3A_1052 : vector<16xf32>
        %get3A_1054 = arith.index_cast %add3A_1028 : i32 to index
        %get3A_1055 = arith.constant 80 : index
        %get3A_1056 = tpu.vector_load %arg13[%get3A_1054, %get3A_1055] {strides = array<i32>} : memref<128x128xf32, #tpu.memory_space<vmem>>, vector<16xf32>,
        %mul3A_1057 = arith.mulf %gather3A, %get3A_1056 : vector<16xf32>
        %add3A_1058 = arith.addf %scan3A_1017, %mul3A_1057 : vector<16xf32>
        %get3A_1059 = arith.index_cast %add3A_1028 : i32 to index
        %get3A_1060 = arith.constant 96 : index
        %get3A_1061 = tpu.vector_load %arg13[%get3A_1059, %get3A_1060] {strides = array<i32>} : memref<128x128xf32, #tpu.memory_space<vmem>>, vector<16xf32>,
        %mul3A_1062 = arith.mulf %gather3A, %get3A_1061 : vector<16xf32>
        %add3A_1063 = arith.addf %scan3A_1018, %mul3A_1062 : vector<16xf32>
        %get3A_1064 = arith.index_cast %add3A_1028 : i32 to index
        %get3A_1065 = arith.constant 112 : index
        %get3A_1066 = tpu.vector_load %arg13[%get3A_1064, %get3A_1065] {strides = array<i32>} : memref<128x128xf32, #tpu.memory_space<vmem>>, vector<16xf32>,
        %mul3A_1067 = arith.mulf %gather3A, %get3A_1066 : vector<16xf32>
        %add3A_1068 = arith.addf %scan3A_1019, %mul3A_1067 : vector<16xf32>
        %add3A_1069 = arith.constant 1 : i32
        %add3A_1070 = arith.addi %mul3A_1021, %add3A_1069 : i32
        %broadcast_in_dim3A_1071 = vector.broadcast %add3A_1070 : i32 to vector<16xi32>
        %gather3A_1072 = tpu.vector_load_idx %arg9[%broadcast_in_dim3A_957, %broadcast_in_dim3A_1071] : memref<18x64xf32, #tpu.memory_space<vmem>>[vector<16xi32>, vector<16xi32>], vector<16xf32>,
        %add3A_1073 = arith.constant 64 : i32
        %add3A_1074 = arith.addi %add3A_1073, %mul3A_1021 : i32
        %add3A_1075 = arith.constant 1 : i32
        %add3A_1076 = arith.addi %add3A_1074, %add3A_1075 : i32
        %get3A_1077 = arith.index_cast %add3A_1076 : i32 to index
        %get3A_1078 = arith.constant 0 : index
        %get3A_1079 = tpu.vector_load %arg13[%get3A_1077, %get3A_1078] {strides = array<i32>} : memref<128x128xf32, #tpu.memory_space<vmem>>, vector<16xf32>,
        %mul3A_1080 = arith.mulf %gather3A_1072, %get3A_1079 : vector<16xf32>
        %add3A_1081 = arith.addf %add3A_1033, %mul3A_1080 : vector<16xf32>
        %get3A_1082 = arith.index_cast %add3A_1076 : i32 to index
        %get3A_1083 = arith.constant 16 : index
        %get3A_1084 = tpu.vector_load %arg13[%get3A_1082, %get3A_1083] {strides = array<i32>} : memref<128x128xf32, #tpu.memory_space<vmem>>, vector<16xf32>,
        %mul3A_1085 = arith.mulf %gather3A_1072, %get3A_1084 : vector<16xf32>
        %add3A_1086 = arith.addf %add3A_1038, %mul3A_1085 : vector<16xf32>
        %get3A_1087 = arith.index_cast %add3A_1076 : i32 to index
        %get3A_1088 = arith.constant 32 : index
        %get3A_1089 = tpu.vector_load %arg13[%get3A_1087, %get3A_1088] {strides = array<i32>} : memref<128x128xf32, #tpu.memory_space<vmem>>, vector<16xf32>,
        %mul3A_1090 = arith.mulf %gather3A_1072, %get3A_1089 : vector<16xf32>
        %add3A_1091 = arith.addf %add3A_1043, %mul3A_1090 : vector<16xf32>
        %get3A_1092 = arith.index_cast %add3A_1076 : i32 to index
        %get3A_1093 = arith.constant 48 : index
        %get3A_1094 = tpu.vector_load %arg13[%get3A_1092, %get3A_1093] {strides = array<i32>} : memref<128x128xf32, #tpu.memory_space<vmem>>, vector<16xf32>,
        %mul3A_1095 = arith.mulf %gather3A_1072, %get3A_1094 : vector<16xf32>
        %add3A_1096 = arith.addf %add3A_1048, %mul3A_1095 : vector<16xf32>
        %get3A_1097 = arith.index_cast %add3A_1076 : i32 to index
        %get3A_1098 = arith.constant 64 : index
        %get3A_1099 = tpu.vector_load %arg13[%get3A_1097, %get3A_1098] {strides = array<i32>} : memref<128x128xf32, #tpu.memory_space<vmem>>, vector<16xf32>,
        %mul3A_1100 = arith.mulf %gather3A_1072, %get3A_1099 : vector<16xf32>
        %add3A_1101 = arith.addf %add3A_1053, %mul3A_1100 : vector<16xf32>
        %get3A_1102 = arith.index_cast %add3A_1076 : i32 to index
        %get3A_1103 = arith.constant 80 : index
        %get3A_1104 = tpu.vector_load %arg13[%get3A_1102, %get3A_1103] {strides = array<i32>} : memref<128x128xf32, #tpu.memory_space<vmem>>, vector<16xf32>,
        %mul3A_1105 = arith.mulf %gather3A_1072, %get3A_1104 : vector<16xf32>
        %add3A_1106 = arith.addf %add3A_1058, %mul3A_1105 : vector<16xf32>
        %get3A_1107 = arith.index_cast %add3A_1076 : i32 to index
        %get3A_1108 = arith.constant 96 : index
        %get3A_1109 = tpu.vector_load %arg13[%get3A_1107, %get3A_1108] {strides = array<i32>} : memref<128x128xf32, #tpu.memory_space<vmem>>, vector<16xf32>,
        %mul3A_1110 = arith.mulf %gather3A_1072, %get3A_1109 : vector<16xf32>
        %add3A_1111 = arith.addf %add3A_1063, %mul3A_1110 : vector<16xf32>
        %get3A_1112 = arith.index_cast %add3A_1076 : i32 to index
        %get3A_1113 = arith.constant 112 : index
        %get3A_1114 = tpu.vector_load %arg13[%get3A_1112, %get3A_1113] {strides = array<i32>} : memref<128x128xf32, #tpu.memory_space<vmem>>, vector<16xf32>,
        %mul3A_1115 = arith.mulf %gather3A_1072, %get3A_1114 : vector<16xf32>
        %add3A_1116 = arith.addf %add3A_1068, %mul3A_1115 : vector<16xf32>
        %add3A_1117 = arith.constant 2 : i32
        %add3A_1118 = arith.addi %mul3A_1021, %add3A_1117 : i32
        %broadcast_in_dim3A_1119 = vector.broadcast %add3A_1118 : i32 to vector<16xi32>
        %gather3A_1120 = tpu.vector_load_idx %arg9[%broadcast_in_dim3A_957, %broadcast_in_dim3A_1119] : memref<18x64xf32, #tpu.memory_space<vmem>>[vector<16xi32>, vector<16xi32>], vector<16xf32>,
        %add3A_1121 = arith.constant 64 : i32
        %add3A_1122 = arith.addi %add3A_1121, %mul3A_1021 : i32
        %add3A_1123 = arith.constant 2 : i32
        %add3A_1124 = arith.addi %add3A_1122, %add3A_1123 : i32
        %get3A_1125 = arith.index_cast %add3A_1124 : i32 to index
        %get3A_1126 = arith.constant 0 : index
        %get3A_1127 = tpu.vector_load %arg13[%get3A_1125, %get3A_1126] {strides = array<i32>} : memref<128x128xf32, #tpu.memory_space<vmem>>, vector<16xf32>,
        %mul3A_1128 = arith.mulf %gather3A_1120, %get3A_1127 : vector<16xf32>
        %add3A_1129 = arith.addf %add3A_1081, %mul3A_1128 : vector<16xf32>
        %get3A_1130 = arith.index_cast %add3A_1124 : i32 to index
        %get3A_1131 = arith.constant 16 : index
        %get3A_1132 = tpu.vector_load %arg13[%get3A_1130, %get3A_1131] {strides = array<i32>} : memref<128x128xf32, #tpu.memory_space<vmem>>, vector<16xf32>,
        %mul3A_1133 = arith.mulf %gather3A_1120, %get3A_1132 : vector<16xf32>
        %add3A_1134 = arith.addf %add3A_1086, %mul3A_1133 : vector<16xf32>
        %get3A_1135 = arith.index_cast %add3A_1124 : i32 to index
        %get3A_1136 = arith.constant 32 : index
        %get3A_1137 = tpu.vector_load %arg13[%get3A_1135, %get3A_1136] {strides = array<i32>} : memref<128x128xf32, #tpu.memory_space<vmem>>, vector<16xf32>,
        %mul3A_1138 = arith.mulf %gather3A_1120, %get3A_1137 : vector<16xf32>
        %add3A_1139 = arith.addf %add3A_1091, %mul3A_1138 : vector<16xf32>
        %get3A_1140 = arith.index_cast %add3A_1124 : i32 to index
        %get3A_1141 = arith.constant 48 : index
        %get3A_1142 = tpu.vector_load %arg13[%get3A_1140, %get3A_1141] {strides = array<i32>} : memref<128x128xf32, #tpu.memory_space<vmem>>, vector<16xf32>,
        %mul3A_1143 = arith.mulf %gather3A_1120, %get3A_1142 : vector<16xf32>
        %add3A_1144 = arith.addf %add3A_1096, %mul3A_1143 : vector<16xf32>
        %get3A_1145 = arith.index_cast %add3A_1124 : i32 to index
        %get3A_1146 = arith.constant 64 : index
        %get3A_1147 = tpu.vector_load %arg13[%get3A_1145, %get3A_1146] {strides = array<i32>} : memref<128x128xf32, #tpu.memory_space<vmem>>, vector<16xf32>,
        %mul3A_1148 = arith.mulf %gather3A_1120, %get3A_1147 : vector<16xf32>
        %add3A_1149 = arith.addf %add3A_1101, %mul3A_1148 : vector<16xf32>
        %get3A_1150 = arith.index_cast %add3A_1124 : i32 to index
        %get3A_1151 = arith.constant 80 : index
        %get3A_1152 = tpu.vector_load %arg13[%get3A_1150, %get3A_1151] {strides = array<i32>} : memref<128x128xf32, #tpu.memory_space<vmem>>, vector<16xf32>,
        %mul3A_1153 = arith.mulf %gather3A_1120, %get3A_1152 : vector<16xf32>
        %add3A_1154 = arith.addf %add3A_1106, %mul3A_1153 : vector<16xf32>
        %get3A_1155 = arith.index_cast %add3A_1124 : i32 to index
        %get3A_1156 = arith.constant 96 : index
        %get3A_1157 = tpu.vector_load %arg13[%get3A_1155, %get3A_1156] {strides = array<i32>} : memref<128x128xf32, #tpu.memory_space<vmem>>, vector<16xf32>,
        %mul3A_1158 = arith.mulf %gather3A_1120, %get3A_1157 : vector<16xf32>
        %add3A_1159 = arith.addf %add3A_1111, %mul3A_1158 : vector<16xf32>
        %get3A_1160 = arith.index_cast %add3A_1124 : i32 to index
        %get3A_1161 = arith.constant 112 : index
        %get3A_1162 = tpu.vector_load %arg13[%get3A_1160, %get3A_1161] {strides = array<i32>} : memref<128x128xf32, #tpu.memory_space<vmem>>, vector<16xf32>,
        %mul3A_1163 = arith.mulf %gather3A_1120, %get3A_1162 : vector<16xf32>
        %add3A_1164 = arith.addf %add3A_1116, %mul3A_1163 : vector<16xf32>
        %add3A_1165 = arith.constant 3 : i32
        %add3A_1166 = arith.addi %mul3A_1021, %add3A_1165 : i32
        %broadcast_in_dim3A_1167 = vector.broadcast %add3A_1166 : i32 to vector<16xi32>
        %gather3A_1168 = tpu.vector_load_idx %arg9[%broadcast_in_dim3A_957, %broadcast_in_dim3A_1167] : memref<18x64xf32, #tpu.memory_space<vmem>>[vector<16xi32>, vector<16xi32>], vector<16xf32>,
        %add3A_1169 = arith.constant 64 : i32
        %add3A_1170 = arith.addi %add3A_1169, %mul3A_1021 : i32
        %add3A_1171 = arith.constant 3 : i32
        %add3A_1172 = arith.addi %add3A_1170, %add3A_1171 : i32
        %get3A_1173 = arith.index_cast %add3A_1172 : i32 to index
        %get3A_1174 = arith.constant 0 : index
        %get3A_1175 = tpu.vector_load %arg13[%get3A_1173, %get3A_1174] {strides = array<i32>} : memref<128x128xf32, #tpu.memory_space<vmem>>, vector<16xf32>,
        %mul3A_1176 = arith.mulf %gather3A_1168, %get3A_1175 : vector<16xf32>
        %add3A_1177 = arith.addf %add3A_1129, %mul3A_1176 : vector<16xf32>
        %get3A_1178 = arith.index_cast %add3A_1172 : i32 to index
        %get3A_1179 = arith.constant 16 : index
        %get3A_1180 = tpu.vector_load %arg13[%get3A_1178, %get3A_1179] {strides = array<i32>} : memref<128x128xf32, #tpu.memory_space<vmem>>, vector<16xf32>,
        %mul3A_1181 = arith.mulf %gather3A_1168, %get3A_1180 : vector<16xf32>
        %add3A_1182 = arith.addf %add3A_1134, %mul3A_1181 : vector<16xf32>
        %get3A_1183 = arith.index_cast %add3A_1172 : i32 to index
        %get3A_1184 = arith.constant 32 : index
        %get3A_1185 = tpu.vector_load %arg13[%get3A_1183, %get3A_1184] {strides = array<i32>} : memref<128x128xf32, #tpu.memory_space<vmem>>, vector<16xf32>,
        %mul3A_1186 = arith.mulf %gather3A_1168, %get3A_1185 : vector<16xf32>
        %add3A_1187 = arith.addf %add3A_1139, %mul3A_1186 : vector<16xf32>
        %get3A_1188 = arith.index_cast %add3A_1172 : i32 to index
        %get3A_1189 = arith.constant 48 : index
        %get3A_1190 = tpu.vector_load %arg13[%get3A_1188, %get3A_1189] {strides = array<i32>} : memref<128x128xf32, #tpu.memory_space<vmem>>, vector<16xf32>,
        %mul3A_1191 = arith.mulf %gather3A_1168, %get3A_1190 : vector<16xf32>
        %add3A_1192 = arith.addf %add3A_1144, %mul3A_1191 : vector<16xf32>
        %get3A_1193 = arith.index_cast %add3A_1172 : i32 to index
        %get3A_1194 = arith.constant 64 : index
        %get3A_1195 = tpu.vector_load %arg13[%get3A_1193, %get3A_1194] {strides = array<i32>} : memref<128x128xf32, #tpu.memory_space<vmem>>, vector<16xf32>,
        %mul3A_1196 = arith.mulf %gather3A_1168, %get3A_1195 : vector<16xf32>
        %add3A_1197 = arith.addf %add3A_1149, %mul3A_1196 : vector<16xf32>
        %get3A_1198 = arith.index_cast %add3A_1172 : i32 to index
        %get3A_1199 = arith.constant 80 : index
        %get3A_1200 = tpu.vector_load %arg13[%get3A_1198, %get3A_1199] {strides = array<i32>} : memref<128x128xf32, #tpu.memory_space<vmem>>, vector<16xf32>,
        %mul3A_1201 = arith.mulf %gather3A_1168, %get3A_1200 : vector<16xf32>
        %add3A_1202 = arith.addf %add3A_1154, %mul3A_1201 : vector<16xf32>
        %get3A_1203 = arith.index_cast %add3A_1172 : i32 to index
        %get3A_1204 = arith.constant 96 : index
        %get3A_1205 = tpu.vector_load %arg13[%get3A_1203, %get3A_1204] {strides = array<i32>} : memref<128x128xf32, #tpu.memory_space<vmem>>, vector<16xf32>,
        %mul3A_1206 = arith.mulf %gather3A_1168, %get3A_1205 : vector<16xf32>
        %add3A_1207 = arith.addf %add3A_1159, %mul3A_1206 : vector<16xf32>
        %get3A_1208 = arith.index_cast %add3A_1172 : i32 to index
        %get3A_1209 = arith.constant 112 : index
        %get3A_1210 = tpu.vector_load %arg13[%get3A_1208, %get3A_1209] {strides = array<i32>} : memref<128x128xf32, #tpu.memory_space<vmem>>, vector<16xf32>,
        %mul3A_1211 = arith.mulf %gather3A_1168, %get3A_1210 : vector<16xf32>
        %add3A_1212 = arith.addf %add3A_1164, %mul3A_1211 : vector<16xf32>
        %add3A_1213 = arith.constant 4 : i32
        %add3A_1214 = arith.addi %mul3A_1021, %add3A_1213 : i32
        %broadcast_in_dim3A_1215 = vector.broadcast %add3A_1214 : i32 to vector<16xi32>
        %gather3A_1216 = tpu.vector_load_idx %arg9[%broadcast_in_dim3A_957, %broadcast_in_dim3A_1215] : memref<18x64xf32, #tpu.memory_space<vmem>>[vector<16xi32>, vector<16xi32>], vector<16xf32>,
        %add3A_1217 = arith.constant 64 : i32
        %add3A_1218 = arith.addi %add3A_1217, %mul3A_1021 : i32
        %add3A_1219 = arith.constant 4 : i32
        %add3A_1220 = arith.addi %add3A_1218, %add3A_1219 : i32
        %get3A_1221 = arith.index_cast %add3A_1220 : i32 to index
        %get3A_1222 = arith.constant 0 : index
        %get3A_1223 = tpu.vector_load %arg13[%get3A_1221, %get3A_1222] {strides = array<i32>} : memref<128x128xf32, #tpu.memory_space<vmem>>, vector<16xf32>,
        %mul3A_1224 = arith.mulf %gather3A_1216, %get3A_1223 : vector<16xf32>
        %add3A_1225 = arith.addf %add3A_1177, %mul3A_1224 : vector<16xf32>
        %get3A_1226 = arith.index_cast %add3A_1220 : i32 to index
        %get3A_1227 = arith.constant 16 : index
        %get3A_1228 = tpu.vector_load %arg13[%get3A_1226, %get3A_1227] {strides = array<i32>} : memref<128x128xf32, #tpu.memory_space<vmem>>, vector<16xf32>,
        %mul3A_1229 = arith.mulf %gather3A_1216, %get3A_1228 : vector<16xf32>
        %add3A_1230 = arith.addf %add3A_1182, %mul3A_1229 : vector<16xf32>
        %get3A_1231 = arith.index_cast %add3A_1220 : i32 to index
        %get3A_1232 = arith.constant 32 : index
        %get3A_1233 = tpu.vector_load %arg13[%get3A_1231, %get3A_1232] {strides = array<i32>} : memref<128x128xf32, #tpu.memory_space<vmem>>, vector<16xf32>,
        %mul3A_1234 = arith.mulf %gather3A_1216, %get3A_1233 : vector<16xf32>
        %add3A_1235 = arith.addf %add3A_1187, %mul3A_1234 : vector<16xf32>
        %get3A_1236 = arith.index_cast %add3A_1220 : i32 to index
        %get3A_1237 = arith.constant 48 : index
        %get3A_1238 = tpu.vector_load %arg13[%get3A_1236, %get3A_1237] {strides = array<i32>} : memref<128x128xf32, #tpu.memory_space<vmem>>, vector<16xf32>,
        %mul3A_1239 = arith.mulf %gather3A_1216, %get3A_1238 : vector<16xf32>
        %add3A_1240 = arith.addf %add3A_1192, %mul3A_1239 : vector<16xf32>
        %get3A_1241 = arith.index_cast %add3A_1220 : i32 to index
        %get3A_1242 = arith.constant 64 : index
        %get3A_1243 = tpu.vector_load %arg13[%get3A_1241, %get3A_1242] {strides = array<i32>} : memref<128x128xf32, #tpu.memory_space<vmem>>, vector<16xf32>,
        %mul3A_1244 = arith.mulf %gather3A_1216, %get3A_1243 : vector<16xf32>
        %add3A_1245 = arith.addf %add3A_1197, %mul3A_1244 : vector<16xf32>
        %get3A_1246 = arith.index_cast %add3A_1220 : i32 to index
        %get3A_1247 = arith.constant 80 : index
        %get3A_1248 = tpu.vector_load %arg13[%get3A_1246, %get3A_1247] {strides = array<i32>} : memref<128x128xf32, #tpu.memory_space<vmem>>, vector<16xf32>,
        %mul3A_1249 = arith.mulf %gather3A_1216, %get3A_1248 : vector<16xf32>
        %add3A_1250 = arith.addf %add3A_1202, %mul3A_1249 : vector<16xf32>
        %get3A_1251 = arith.index_cast %add3A_1220 : i32 to index
        %get3A_1252 = arith.constant 96 : index
        %get3A_1253 = tpu.vector_load %arg13[%get3A_1251, %get3A_1252] {strides = array<i32>} : memref<128x128xf32, #tpu.memory_space<vmem>>, vector<16xf32>,
        %mul3A_1254 = arith.mulf %gather3A_1216, %get3A_1253 : vector<16xf32>
        %add3A_1255 = arith.addf %add3A_1207, %mul3A_1254 : vector<16xf32>
        %get3A_1256 = arith.index_cast %add3A_1220 : i32 to index
        %get3A_1257 = arith.constant 112 : index
        %get3A_1258 = tpu.vector_load %arg13[%get3A_1256, %get3A_1257] {strides = array<i32>} : memref<128x128xf32, #tpu.memory_space<vmem>>, vector<16xf32>,
        %mul3A_1259 = arith.mulf %gather3A_1216, %get3A_1258 : vector<16xf32>
        %add3A_1260 = arith.addf %add3A_1212, %mul3A_1259 : vector<16xf32>
        %add3A_1261 = arith.constant 5 : i32
        %add3A_1262 = arith.addi %mul3A_1021, %add3A_1261 : i32
        %broadcast_in_dim3A_1263 = vector.broadcast %add3A_1262 : i32 to vector<16xi32>
        %gather3A_1264 = tpu.vector_load_idx %arg9[%broadcast_in_dim3A_957, %broadcast_in_dim3A_1263] : memref<18x64xf32, #tpu.memory_space<vmem>>[vector<16xi32>, vector<16xi32>], vector<16xf32>,
        %add3A_1265 = arith.constant 64 : i32
        %add3A_1266 = arith.addi %add3A_1265, %mul3A_1021 : i32
        %add3A_1267 = arith.constant 5 : i32
        %add3A_1268 = arith.addi %add3A_1266, %add3A_1267 : i32
        %get3A_1269 = arith.index_cast %add3A_1268 : i32 to index
        %get3A_1270 = arith.constant 0 : index
        %get3A_1271 = tpu.vector_load %arg13[%get3A_1269, %get3A_1270] {strides = array<i32>} : memref<128x128xf32, #tpu.memory_space<vmem>>, vector<16xf32>,
        %mul3A_1272 = arith.mulf %gather3A_1264, %get3A_1271 : vector<16xf32>
        %add3A_1273 = arith.addf %add3A_1225, %mul3A_1272 : vector<16xf32>
        %get3A_1274 = arith.index_cast %add3A_1268 : i32 to index
        %get3A_1275 = arith.constant 16 : index
        %get3A_1276 = tpu.vector_load %arg13[%get3A_1274, %get3A_1275] {strides = array<i32>} : memref<128x128xf32, #tpu.memory_space<vmem>>, vector<16xf32>,
        %mul3A_1277 = arith.mulf %gather3A_1264, %get3A_1276 : vector<16xf32>
        %add3A_1278 = arith.addf %add3A_1230, %mul3A_1277 : vector<16xf32>
        %get3A_1279 = arith.index_cast %add3A_1268 : i32 to index
        %get3A_1280 = arith.constant 32 : index
        %get3A_1281 = tpu.vector_load %arg13[%get3A_1279, %get3A_1280] {strides = array<i32>} : memref<128x128xf32, #tpu.memory_space<vmem>>, vector<16xf32>,
        %mul3A_1282 = arith.mulf %gather3A_1264, %get3A_1281 : vector<16xf32>
        %add3A_1283 = arith.addf %add3A_1235, %mul3A_1282 : vector<16xf32>
        %get3A_1284 = arith.index_cast %add3A_1268 : i32 to index
        %get3A_1285 = arith.constant 48 : index
        %get3A_1286 = tpu.vector_load %arg13[%get3A_1284, %get3A_1285] {strides = array<i32>} : memref<128x128xf32, #tpu.memory_space<vmem>>, vector<16xf32>,
        %mul3A_1287 = arith.mulf %gather3A_1264, %get3A_1286 : vector<16xf32>
        %add3A_1288 = arith.addf %add3A_1240, %mul3A_1287 : vector<16xf32>
        %get3A_1289 = arith.index_cast %add3A_1268 : i32 to index
        %get3A_1290 = arith.constant 64 : index
        %get3A_1291 = tpu.vector_load %arg13[%get3A_1289, %get3A_1290] {strides = array<i32>} : memref<128x128xf32, #tpu.memory_space<vmem>>, vector<16xf32>,
        %mul3A_1292 = arith.mulf %gather3A_1264, %get3A_1291 : vector<16xf32>
        %add3A_1293 = arith.addf %add3A_1245, %mul3A_1292 : vector<16xf32>
        %get3A_1294 = arith.index_cast %add3A_1268 : i32 to index
        %get3A_1295 = arith.constant 80 : index
        %get3A_1296 = tpu.vector_load %arg13[%get3A_1294, %get3A_1295] {strides = array<i32>} : memref<128x128xf32, #tpu.memory_space<vmem>>, vector<16xf32>,
        %mul3A_1297 = arith.mulf %gather3A_1264, %get3A_1296 : vector<16xf32>
        %add3A_1298 = arith.addf %add3A_1250, %mul3A_1297 : vector<16xf32>
        %get3A_1299 = arith.index_cast %add3A_1268 : i32 to index
        %get3A_1300 = arith.constant 96 : index
        %get3A_1301 = tpu.vector_load %arg13[%get3A_1299, %get3A_1300] {strides = array<i32>} : memref<128x128xf32, #tpu.memory_space<vmem>>, vector<16xf32>,
        %mul3A_1302 = arith.mulf %gather3A_1264, %get3A_1301 : vector<16xf32>
        %add3A_1303 = arith.addf %add3A_1255, %mul3A_1302 : vector<16xf32>
        %get3A_1304 = arith.index_cast %add3A_1268 : i32 to index
        %get3A_1305 = arith.constant 112 : index
        %get3A_1306 = tpu.vector_load %arg13[%get3A_1304, %get3A_1305] {strides = array<i32>} : memref<128x128xf32, #tpu.memory_space<vmem>>, vector<16xf32>,
        %mul3A_1307 = arith.mulf %gather3A_1264, %get3A_1306 : vector<16xf32>
        %add3A_1308 = arith.addf %add3A_1260, %mul3A_1307 : vector<16xf32>
        %add3A_1309 = arith.constant 6 : i32
        %add3A_1310 = arith.addi %mul3A_1021, %add3A_1309 : i32
        %broadcast_in_dim3A_1311 = vector.broadcast %add3A_1310 : i32 to vector<16xi32>
        %gather3A_1312 = tpu.vector_load_idx %arg9[%broadcast_in_dim3A_957, %broadcast_in_dim3A_1311] : memref<18x64xf32, #tpu.memory_space<vmem>>[vector<16xi32>, vector<16xi32>], vector<16xf32>,
        %add3A_1313 = arith.constant 64 : i32
        %add3A_1314 = arith.addi %add3A_1313, %mul3A_1021 : i32
        %add3A_1315 = arith.constant 6 : i32
        %add3A_1316 = arith.addi %add3A_1314, %add3A_1315 : i32
        %get3A_1317 = arith.index_cast %add3A_1316 : i32 to index
        %get3A_1318 = arith.constant 0 : index
        %get3A_1319 = tpu.vector_load %arg13[%get3A_1317, %get3A_1318] {strides = array<i32>} : memref<128x128xf32, #tpu.memory_space<vmem>>, vector<16xf32>,
        %mul3A_1320 = arith.mulf %gather3A_1312, %get3A_1319 : vector<16xf32>
        %add3A_1321 = arith.addf %add3A_1273, %mul3A_1320 : vector<16xf32>
        %get3A_1322 = arith.index_cast %add3A_1316 : i32 to index
        %get3A_1323 = arith.constant 16 : index
        %get3A_1324 = tpu.vector_load %arg13[%get3A_1322, %get3A_1323] {strides = array<i32>} : memref<128x128xf32, #tpu.memory_space<vmem>>, vector<16xf32>,
        %mul3A_1325 = arith.mulf %gather3A_1312, %get3A_1324 : vector<16xf32>
        %add3A_1326 = arith.addf %add3A_1278, %mul3A_1325 : vector<16xf32>
        %get3A_1327 = arith.index_cast %add3A_1316 : i32 to index
        %get3A_1328 = arith.constant 32 : index
        %get3A_1329 = tpu.vector_load %arg13[%get3A_1327, %get3A_1328] {strides = array<i32>} : memref<128x128xf32, #tpu.memory_space<vmem>>, vector<16xf32>,
        %mul3A_1330 = arith.mulf %gather3A_1312, %get3A_1329 : vector<16xf32>
        %add3A_1331 = arith.addf %add3A_1283, %mul3A_1330 : vector<16xf32>
        %get3A_1332 = arith.index_cast %add3A_1316 : i32 to index
        %get3A_1333 = arith.constant 48 : index
        %get3A_1334 = tpu.vector_load %arg13[%get3A_1332, %get3A_1333] {strides = array<i32>} : memref<128x128xf32, #tpu.memory_space<vmem>>, vector<16xf32>,
        %mul3A_1335 = arith.mulf %gather3A_1312, %get3A_1334 : vector<16xf32>
        %add3A_1336 = arith.addf %add3A_1288, %mul3A_1335 : vector<16xf32>
        %get3A_1337 = arith.index_cast %add3A_1316 : i32 to index
        %get3A_1338 = arith.constant 64 : index
        %get3A_1339 = tpu.vector_load %arg13[%get3A_1337, %get3A_1338] {strides = array<i32>} : memref<128x128xf32, #tpu.memory_space<vmem>>, vector<16xf32>,
        %mul3A_1340 = arith.mulf %gather3A_1312, %get3A_1339 : vector<16xf32>
        %add3A_1341 = arith.addf %add3A_1293, %mul3A_1340 : vector<16xf32>
        %get3A_1342 = arith.index_cast %add3A_1316 : i32 to index
        %get3A_1343 = arith.constant 80 : index
        %get3A_1344 = tpu.vector_load %arg13[%get3A_1342, %get3A_1343] {strides = array<i32>} : memref<128x128xf32, #tpu.memory_space<vmem>>, vector<16xf32>,
        %mul3A_1345 = arith.mulf %gather3A_1312, %get3A_1344 : vector<16xf32>
        %add3A_1346 = arith.addf %add3A_1298, %mul3A_1345 : vector<16xf32>
        %get3A_1347 = arith.index_cast %add3A_1316 : i32 to index
        %get3A_1348 = arith.constant 96 : index
        %get3A_1349 = tpu.vector_load %arg13[%get3A_1347, %get3A_1348] {strides = array<i32>} : memref<128x128xf32, #tpu.memory_space<vmem>>, vector<16xf32>,
        %mul3A_1350 = arith.mulf %gather3A_1312, %get3A_1349 : vector<16xf32>
        %add3A_1351 = arith.addf %add3A_1303, %mul3A_1350 : vector<16xf32>
        %get3A_1352 = arith.index_cast %add3A_1316 : i32 to index
        %get3A_1353 = arith.constant 112 : index
        %get3A_1354 = tpu.vector_load %arg13[%get3A_1352, %get3A_1353] {strides = array<i32>} : memref<128x128xf32, #tpu.memory_space<vmem>>, vector<16xf32>,
        %mul3A_1355 = arith.mulf %gather3A_1312, %get3A_1354 : vector<16xf32>
        %add3A_1356 = arith.addf %add3A_1308, %mul3A_1355 : vector<16xf32>
        %add3A_1357 = arith.constant 7 : i32
        %add3A_1358 = arith.addi %mul3A_1021, %add3A_1357 : i32
        %broadcast_in_dim3A_1359 = vector.broadcast %add3A_1358 : i32 to vector<16xi32>
        %gather3A_1360 = tpu.vector_load_idx %arg9[%broadcast_in_dim3A_957, %broadcast_in_dim3A_1359] : memref<18x64xf32, #tpu.memory_space<vmem>>[vector<16xi32>, vector<16xi32>], vector<16xf32>,
        %add3A_1361 = arith.constant 64 : i32
        %add3A_1362 = arith.addi %add3A_1361, %mul3A_1021 : i32
        %add3A_1363 = arith.constant 7 : i32
        %add3A_1364 = arith.addi %add3A_1362, %add3A_1363 : i32
        %get3A_1365 = arith.index_cast %add3A_1364 : i32 to index
        %get3A_1366 = arith.constant 0 : index
        %get3A_1367 = tpu.vector_load %arg13[%get3A_1365, %get3A_1366] {strides = array<i32>} : memref<128x128xf32, #tpu.memory_space<vmem>>, vector<16xf32>,
        %mul3A_1368 = arith.mulf %gather3A_1360, %get3A_1367 : vector<16xf32>
        %add3A_1369 = arith.addf %add3A_1321, %mul3A_1368 : vector<16xf32>
        %get3A_1370 = arith.index_cast %add3A_1364 : i32 to index
        %get3A_1371 = arith.constant 16 : index
        %get3A_1372 = tpu.vector_load %arg13[%get3A_1370, %get3A_1371] {strides = array<i32>} : memref<128x128xf32, #tpu.memory_space<vmem>>, vector<16xf32>,
        %mul3A_1373 = arith.mulf %gather3A_1360, %get3A_1372 : vector<16xf32>
        %add3A_1374 = arith.addf %add3A_1326, %mul3A_1373 : vector<16xf32>
        %get3A_1375 = arith.index_cast %add3A_1364 : i32 to index
        %get3A_1376 = arith.constant 32 : index
        %get3A_1377 = tpu.vector_load %arg13[%get3A_1375, %get3A_1376] {strides = array<i32>} : memref<128x128xf32, #tpu.memory_space<vmem>>, vector<16xf32>,
        %mul3A_1378 = arith.mulf %gather3A_1360, %get3A_1377 : vector<16xf32>
        %add3A_1379 = arith.addf %add3A_1331, %mul3A_1378 : vector<16xf32>
        %get3A_1380 = arith.index_cast %add3A_1364 : i32 to index
        %get3A_1381 = arith.constant 48 : index
        %get3A_1382 = tpu.vector_load %arg13[%get3A_1380, %get3A_1381] {strides = array<i32>} : memref<128x128xf32, #tpu.memory_space<vmem>>, vector<16xf32>,
        %mul3A_1383 = arith.mulf %gather3A_1360, %get3A_1382 : vector<16xf32>
        %add3A_1384 = arith.addf %add3A_1336, %mul3A_1383 : vector<16xf32>
        %get3A_1385 = arith.index_cast %add3A_1364 : i32 to index
        %get3A_1386 = arith.constant 64 : index
        %get3A_1387 = tpu.vector_load %arg13[%get3A_1385, %get3A_1386] {strides = array<i32>} : memref<128x128xf32, #tpu.memory_space<vmem>>, vector<16xf32>,
        %mul3A_1388 = arith.mulf %gather3A_1360, %get3A_1387 : vector<16xf32>
        %add3A_1389 = arith.addf %add3A_1341, %mul3A_1388 : vector<16xf32>
        %get3A_1390 = arith.index_cast %add3A_1364 : i32 to index
        %get3A_1391 = arith.constant 80 : index
        %get3A_1392 = tpu.vector_load %arg13[%get3A_1390, %get3A_1391] {strides = array<i32>} : memref<128x128xf32, #tpu.memory_space<vmem>>, vector<16xf32>,
        %mul3A_1393 = arith.mulf %gather3A_1360, %get3A_1392 : vector<16xf32>
        %add3A_1394 = arith.addf %add3A_1346, %mul3A_1393 : vector<16xf32>
        %get3A_1395 = arith.index_cast %add3A_1364 : i32 to index
        %get3A_1396 = arith.constant 96 : index
        %get3A_1397 = tpu.vector_load %arg13[%get3A_1395, %get3A_1396] {strides = array<i32>} : memref<128x128xf32, #tpu.memory_space<vmem>>, vector<16xf32>,
        %mul3A_1398 = arith.mulf %gather3A_1360, %get3A_1397 : vector<16xf32>
        %add3A_1399 = arith.addf %add3A_1351, %mul3A_1398 : vector<16xf32>
        %get3A_1400 = arith.index_cast %add3A_1364 : i32 to index
        %get3A_1401 = arith.constant 112 : index
        %get3A_1402 = tpu.vector_load %arg13[%get3A_1400, %get3A_1401] {strides = array<i32>} : memref<128x128xf32, #tpu.memory_space<vmem>>, vector<16xf32>,
        %mul3A_1403 = arith.mulf %gather3A_1360, %get3A_1402 : vector<16xf32>
        %add3A_1404 = arith.addf %add3A_1356, %mul3A_1403 : vector<16xf32>
        scf.yield %add3A_1369, %add3A_1374, %add3A_1379, %add3A_1384, %add3A_1389, %add3A_1394, %add3A_1399, %add3A_1404 : vector<16xf32>, vector<16xf32>, vector<16xf32>, vector<16xf32>, vector<16xf32>, vector<16xf32>, vector<16xf32>, vector<16xf32>
      }
      %scan3A_979 = arith.constant 8 : i32
      %swap3A_980 = arith.index_cast %add3A_956 : i32 to index
      %swap3A_981 = arith.constant 0 : index
      %swap3A_982 = tpu.vector_load %arg10[%swap3A_980, %swap3A_981] {strides = array<i32>} : memref<18x128xf32, #tpu.memory_space<vmem>>, vector<16xf32>,
      tpu.vector_store %arg10[%swap3A_980, %swap3A_981], %scan3A_978#0 {strides = array<i32>} : memref<18x128xf32, #tpu.memory_space<vmem>>, vector<16xf32>,
      %swap3A_983 = arith.index_cast %add3A_956 : i32 to index
      %swap3A_984 = arith.constant 16 : index
      %swap3A_985 = tpu.vector_load %arg10[%swap3A_983, %swap3A_984] {strides = array<i32>} : memref<18x128xf32, #tpu.memory_space<vmem>>, vector<16xf32>,
      tpu.vector_store %arg10[%swap3A_983, %swap3A_984], %scan3A_978#1 {strides = array<i32>} : memref<18x128xf32, #tpu.memory_space<vmem>>, vector<16xf32>,
      %swap3A_986 = arith.index_cast %add3A_956 : i32 to index
      %swap3A_987 = arith.constant 32 : index
      %swap3A_988 = tpu.vector_load %arg10[%swap3A_986, %swap3A_987] {strides = array<i32>} : memref<18x128xf32, #tpu.memory_space<vmem>>, vector<16xf32>,
      tpu.vector_store %arg10[%swap3A_986, %swap3A_987], %scan3A_978#2 {strides = array<i32>} : memref<18x128xf32, #tpu.memory_space<vmem>>, vector<16xf32>,
      %swap3A_989 = arith.index_cast %add3A_956 : i32 to index
      %swap3A_990 = arith.constant 48 : index
      %swap3A_991 = tpu.vector_load %arg10[%swap3A_989, %swap3A_990] {strides = array<i32>} : memref<18x128xf32, #tpu.memory_space<vmem>>, vector<16xf32>,
      tpu.vector_store %arg10[%swap3A_989, %swap3A_990], %scan3A_978#3 {strides = array<i32>} : memref<18x128xf32, #tpu.memory_space<vmem>>, vector<16xf32>,
      %swap3A_992 = arith.index_cast %add3A_956 : i32 to index
      %swap3A_993 = arith.constant 64 : index
      %swap3A_994 = tpu.vector_load %arg10[%swap3A_992, %swap3A_993] {strides = array<i32>} : memref<18x128xf32, #tpu.memory_space<vmem>>, vector<16xf32>,
      tpu.vector_store %arg10[%swap3A_992, %swap3A_993], %scan3A_978#4 {strides = array<i32>} : memref<18x128xf32, #tpu.memory_space<vmem>>, vector<16xf32>,
      %swap3A_995 = arith.index_cast %add3A_956 : i32 to index
      %swap3A_996 = arith.constant 80 : index
      %swap3A_997 = tpu.vector_load %arg10[%swap3A_995, %swap3A_996] {strides = array<i32>} : memref<18x128xf32, #tpu.memory_space<vmem>>, vector<16xf32>,
      tpu.vector_store %arg10[%swap3A_995, %swap3A_996], %scan3A_978#5 {strides = array<i32>} : memref<18x128xf32, #tpu.memory_space<vmem>>, vector<16xf32>,
      %swap3A_998 = arith.index_cast %add3A_956 : i32 to index
      %swap3A_999 = arith.constant 96 : index
      %swap3A_1000 = tpu.vector_load %arg10[%swap3A_998, %swap3A_999] {strides = array<i32>} : memref<18x128xf32, #tpu.memory_space<vmem>>, vector<16xf32>,
      tpu.vector_store %arg10[%swap3A_998, %swap3A_999], %scan3A_978#6 {strides = array<i32>} : memref<18x128xf32, #tpu.memory_space<vmem>>, vector<16xf32>,
      %swap3A_1001 = arith.index_cast %add3A_956 : i32 to index
      %swap3A_1002 = arith.constant 112 : index
      %swap3A_1003 = tpu.vector_load %arg10[%swap3A_1001, %swap3A_1002] {strides = array<i32>} : memref<18x128xf32, #tpu.memory_space<vmem>>, vector<16xf32>,
      tpu.vector_store %arg10[%swap3A_1001, %swap3A_1002], %scan3A_978#7 {strides = array<i32>} : memref<18x128xf32, #tpu.memory_space<vmem>>, vector<16xf32>,
      %add3A_1004 = arith.constant 3 : i32
      %add3A_1005 = arith.addi %add3A_896, %add3A_1004 : i32
      %lt3A_1006 = arith.constant 9 : i32
      %lt3A_1007 = arith.cmpi slt, %add3A_1005, %lt3A_1006 : i32
      %convert_element_type3A_1008 = arith.extui %lt3A_1007 : i1 to i32
      %cond3A_1009 = arith.constant 0 : i32
      %cond3A_1010 = arith.cmpi ne, %convert_element_type3A_1008, %cond3A_1009 : i32
      scf.if %cond3A_1010 {
        %dma_start3A_1011 = arith.constant 0 : i32
        %dma_start3A_1012 = tpu.memref_slice %arg7[%add3A_1005, %dma_start3A_1011] : memref<9x128xi32, #tpu.memory_space<vmem>> -> memref<1x128xi32, #tpu.memory_space<vmem>>
        %dma_start3A_1013 = tpu.memref_squeeze %dma_start3A_1012 : memref<1x128xi32, #tpu.memory_space<vmem>> -> memref<128xi32, #tpu.memory_space<vmem>>
        %dma_start3A_1014 = arith.constant 0 : i32
        %dma_start3A_1015 = arith.constant 0 : i32
        %dma_start3A_1016 = tpu.memref_slice %arg4[%dma_start3A_1014, %dma_start3A_1015] : memref<100000x128xf32, #tpu.memory_space<hbm>> -> memref<100000x128xf32, #tpu.memory_space<hbm>>
        tpu.enqueue_indirect_dma source(%dma_start3A_1016 : memref<100000x128xf32, #tpu.memory_space<hbm>>) target(%arg13 : memref<128x128xf32, #tpu.memory_space<vmem>>) offsets(%dma_start3A_1013 : memref<128xi32, #tpu.memory_space<vmem>>) semaphore(%arg16 : memref<!tpu.dma_semaphore, #tpu.memory_space<semaphore_mem>>)
      } else {
      }
    }
    %scan3A_659 = arith.constant 3 : i32
    "tpu.region"() ({
      %run_scoped3A = tpu.sem_alloc : memref<!tpu.dma_semaphore, #tpu.memory_space<semaphore_mem>>
      %dma_start3A_660 = arith.constant 0 : i32
      %dma_start3A_661 = tpu.memref_slice %arg5[%mul3A_5, %dma_start3A_660] : memref<572x128xf32, #tpu.memory_space<hbm>> -> memref<18x128xf32, #tpu.memory_space<hbm>>
      %dma_start3A_662 = arith.constant 0 : i32
      %dma_start3A_663 = tpu.memref_slice %arg5[%mul3A_5, %dma_start3A_662] : memref<572x128xf32, #tpu.memory_space<hbm>> -> memref<18x128xf32, #tpu.memory_space<hbm>>
      tpu.enqueue_dma source(%arg10 : memref<18x128xf32, #tpu.memory_space<vmem>>) target(%dma_start3A_663 : memref<18x128xf32, #tpu.memory_space<hbm>>) target_semaphore(%run_scoped3A : memref<!tpu.dma_semaphore, #tpu.memory_space<semaphore_mem>>)
      %dma_wait3A_664 = arith.constant 0 : i32
      %dma_wait3A_665 = tpu.memref_slice %arg5[%mul3A_5, %dma_wait3A_664] : memref<572x128xf32, #tpu.memory_space<hbm>> -> memref<18x128xf32, #tpu.memory_space<hbm>>
      %dma_wait3A_666 = arith.constant 0 : i32
      %dma_wait3A_667 = tpu.memref_slice %arg5[%mul3A_5, %dma_wait3A_666] : memref<572x128xf32, #tpu.memory_space<hbm>> -> memref<18x128xf32, #tpu.memory_space<hbm>>
      tpu.wait_dma2 semaphore(%run_scoped3A : memref<!tpu.dma_semaphore, #tpu.memory_space<semaphore_mem>>) src(%arg10 : memref<18x128xf32, #tpu.memory_space<vmem>>) dst(%dma_wait3A_667 : memref<18x128xf32, #tpu.memory_space<hbm>>)
      tpu.yield
    }) : () -> ()
    return
  }
}

module attributes {stable_mosaic.version = 14 : i64} {
  func.func @_final_body(%arg0: memref<572x128xf32, #tpu.memory_space<vmem>>, %arg1: memref<572x128xf32, #tpu.memory_space<vmem>>, %arg2: memref<256x128xf32, #tpu.memory_space<vmem>>, %arg3: memref<128xf32, #tpu.memory_space<vmem>>, %arg4: memref<128xf32, #tpu.memory_space<vmem>>, %arg5: memref<128xf32, #tpu.memory_space<vmem>>, %arg6: memref<572x128xf32, #tpu.memory_space<vmem>>) attributes {dimension_semantics = [], scalar_prefetch = 0 : i64, scratch_operands = 0 : i64, tpu.core_type = #tpu.core_type<tc>} {
    %get3A = arith.constant 0 : index
    %get3A_0 = arith.constant 0 : index
    %get3A_1 = vector.load %arg2[%get3A, %get3A_0] : memref<256x128xf32, #tpu.memory_space<vmem>>, vector<128x128xf32>
    %get3A_2 = arith.constant 128 : index
    %get3A_3 = arith.constant 0 : index
    %get3A_4 = vector.load %arg2[%get3A_2, %get3A_3] : memref<256x128xf32, #tpu.memory_space<vmem>>, vector<128x128xf32>
    %get3A_5 = arith.constant 0 : index
    %get3A_6 = arith.constant 0 : index
    %get3A_7 = vector.load %arg0[%get3A_5, %get3A_6] : memref<572x128xf32, #tpu.memory_space<vmem>>, vector<572x128xf32>
    %dot_general3A = arith.constant dense<0.000000e+00> : vector<572x128xf32>
    %dot_general3A_8 = tpu.matmul %get3A_7, %get3A_1, %dot_general3A {dimension_numbers = #tpu.dot_dimension_numbers<[1], [0], [0], [1], [0, 0, 1, 1], [], []>, transpose_lhs_hint = false} : vector<572x128xf32>, vector<128x128xf32>, vector<572x128xf32> -> vector<572x128xf32>
    %get3A_9 = arith.constant 0 : index
    %get3A_10 = arith.constant 0 : index
    %get3A_11 = vector.load %arg1[%get3A_9, %get3A_10] : memref<572x128xf32, #tpu.memory_space<vmem>>, vector<572x128xf32>
    %dot_general3A_12 = arith.constant dense<0.000000e+00> : vector<572x128xf32>
    %dot_general3A_13 = tpu.matmul %get3A_11, %get3A_4, %dot_general3A_12 {dimension_numbers = #tpu.dot_dimension_numbers<[1], [0], [0], [1], [0, 0, 1, 1], [], []>, transpose_lhs_hint = false} : vector<572x128xf32>, vector<128x128xf32>, vector<572x128xf32> -> vector<572x128xf32>
    %add3A = arith.addf %dot_general3A_8, %dot_general3A_13 : vector<572x128xf32>
    %get3A_14 = arith.constant 0 : index
    %get3A_15 = vector.load %arg3[%get3A_14] : memref<128xf32, #tpu.memory_space<vmem>>, vector<128xf32>
    %reshape3A = vector.shape_cast %get3A_15 : vector<128xf32> to vector<1x128xf32>
    %add3A_16 = vector.broadcast %reshape3A : vector<1x128xf32> to vector<572x128xf32>
    %add3A_17 = arith.addf %add3A, %add3A_16 : vector<572x128xf32>
    %max3A = arith.constant 0.000000e+00 : f32
    %max3A_18 = vector.broadcast %max3A : f32 to vector<572x128xf32>
    %max3A_19 = arith.maximumf %add3A_17, %max3A_18 : vector<572x128xf32>
    %reduce_sum3A = arith.constant dense<0.000000e+00> : vector<128xf32>
    %reduce_sum3A_20 = vector.multi_reduction <add>, %max3A_19, %reduce_sum3A [0] : vector<572x128xf32> to vector<128xf32>
    %broadcast_in_dim3A = vector.shape_cast %reduce_sum3A_20 : vector<128xf32> to vector<1x128xf32>
    %div3A = arith.constant 5.720000e+02 : f32
    %div3A_21 = vector.broadcast %div3A : f32 to vector<1x128xf32>
    %div3A_22 = arith.divf %broadcast_in_dim3A, %div3A_21 : vector<1x128xf32>
    %sub3A = vector.broadcast %div3A_22 : vector<1x128xf32> to vector<572x128xf32>
    %sub3A_23 = arith.subf %max3A_19, %sub3A : vector<572x128xf32>
    %mul3A = arith.mulf %sub3A_23, %sub3A_23 : vector<572x128xf32>
    %reduce_sum3A_24 = arith.constant dense<0.000000e+00> : vector<128xf32>
    %reduce_sum3A_25 = vector.multi_reduction <add>, %mul3A, %reduce_sum3A_24 [0] : vector<572x128xf32> to vector<128xf32>
    %broadcast_in_dim3A_26 = vector.shape_cast %reduce_sum3A_25 : vector<128xf32> to vector<1x128xf32>
    %div3A_27 = arith.constant 5.720000e+02 : f32
    %div3A_28 = vector.broadcast %div3A_27 : f32 to vector<1x128xf32>
    %div3A_29 = arith.divf %broadcast_in_dim3A_26, %div3A_28 : vector<1x128xf32>
    %get3A_30 = arith.constant 0 : index
    %get3A_31 = vector.load %arg4[%get3A_30] : memref<128xf32, #tpu.memory_space<vmem>>, vector<128xf32>
    %reshape3A_32 = vector.shape_cast %get3A_31 : vector<128xf32> to vector<1x128xf32>
    %mul3A_33 = vector.broadcast %reshape3A_32 : vector<1x128xf32> to vector<572x128xf32>
    %mul3A_34 = arith.mulf %mul3A_33, %sub3A_23 : vector<572x128xf32>
    %add3A_35 = arith.constant 9.99999974E-6 : f32
    %add3A_36 = vector.broadcast %add3A_35 : f32 to vector<1x128xf32>
    %add3A_37 = arith.addf %div3A_29, %add3A_36 : vector<1x128xf32>
    %rsqrt3A = math.rsqrt %add3A_37 : vector<1x128xf32>
    %mul3A_38 = vector.broadcast %rsqrt3A : vector<1x128xf32> to vector<572x128xf32>
    %mul3A_39 = arith.mulf %mul3A_34, %mul3A_38 : vector<572x128xf32>
    %get3A_40 = arith.constant 0 : index
    %get3A_41 = vector.load %arg5[%get3A_40] : memref<128xf32, #tpu.memory_space<vmem>>, vector<128xf32>
    %reshape3A_42 = vector.shape_cast %get3A_41 : vector<128xf32> to vector<1x128xf32>
    %add3A_43 = vector.broadcast %reshape3A_42 : vector<1x128xf32> to vector<572x128xf32>
    %add3A_44 = arith.addf %mul3A_39, %add3A_43 : vector<572x128xf32>
    %swap3A = arith.constant 0 : index
    %swap3A_45 = arith.constant 0 : index
    %swap3A_46 = vector.load %arg6[%swap3A, %swap3A_45] : memref<572x128xf32, #tpu.memory_space<vmem>>, vector<572x128xf32>
    tpu.vector_store %arg6[%swap3A, %swap3A_45], %add3A_44 {strides = array<i32>} : memref<572x128xf32, #tpu.memory_space<vmem>>, vector<572x128xf32>,
    return
  }
}

module attributes {stable_mosaic.version = 14 : i64} {
  func.func @_scores_body(%arg0: memref<572x128xf32, #tpu.memory_space<vmem>>, %arg1: memref<200x128xf32, #tpu.memory_space<vmem>>, %arg2: memref<64x572xi32, #tpu.memory_space<vmem>>, %arg3: memref<64x572xi32, #tpu.memory_space<vmem>>, %arg4: memref<1152x128xf32, #tpu.memory_space<vmem>>, %arg5: memref<576x128xi32, #tpu.memory_space<vmem>>) attributes {dimension_semantics = [], scalar_prefetch = 0 : i64, scratch_operands = 0 : i64, tpu.core_type = #tpu.core_type<tc>} {
    %get3A = arith.constant 0 : index
    %get3A_0 = arith.constant 0 : index
    %get3A_1 = vector.load %arg0[%get3A, %get3A_0] : memref<572x128xf32, #tpu.memory_space<vmem>>, vector<572x128xf32>
    %get3A_2 = arith.constant 0 : index
    %get3A_3 = arith.constant 0 : index
    %get3A_4 = vector.load %arg1[%get3A_2, %get3A_3] : memref<200x128xf32, #tpu.memory_space<vmem>>, vector<200x128xf32>
    %dot_general3A = arith.constant dense<0.000000e+00> : vector<572x200xf32>
    %dot_general3A_5 = tpu.matmul %get3A_1, %get3A_4, %dot_general3A {dimension_numbers = #tpu.dot_dimension_numbers<[1], [1], [0], [0], [0, 0, 1, 0], [], []>, transpose_lhs_hint = false} : vector<572x128xf32>, vector<200x128xf32>, vector<572x200xf32> -> vector<572x200xf32>
    %broadcast_in_dim3A = arith.constant 0.000000e+00 : f32
    %broadcast_in_dim3A_6 = vector.broadcast %broadcast_in_dim3A : f32 to vector<572x56xf32>
    %concatenate3A = tpu.concatenate %dot_general3A_5, %broadcast_in_dim3A_6 in 1 : vector<572x200xf32>, vector<572x56xf32> -> vector<572x256xf32>
    %broadcast_in_dim3A_7 = arith.constant 0.000000e+00 : f32
    %broadcast_in_dim3A_8 = vector.broadcast %broadcast_in_dim3A_7 : f32 to vector<4x256xf32>
    %concatenate3A_9 = tpu.concatenate %concatenate3A, %broadcast_in_dim3A_8 in 0 : vector<572x256xf32>, vector<4x256xf32> -> vector<576x256xf32>
    %slice3A = vector.extract_strided_slice %concatenate3A_9 {offsets = [0, 0], sizes = [576, 128], strides = [1, 1]} : vector<576x256xf32> to vector<576x128xf32>
    %swap3A = arith.constant 0 : index
    %swap3A_10 = arith.constant 0 : index
    %swap3A_11 = vector.load %arg4[%swap3A, %swap3A_10] : memref<1152x128xf32, #tpu.memory_space<vmem>>, vector<576x128xf32>
    tpu.vector_store %arg4[%swap3A, %swap3A_10], %slice3A {strides = array<i32>} : memref<1152x128xf32, #tpu.memory_space<vmem>>, vector<576x128xf32>,
    %slice3A_12 = vector.extract_strided_slice %concatenate3A_9 {offsets = [0, 128], sizes = [576, 128], strides = [1, 1]} : vector<576x256xf32> to vector<576x128xf32>
    %swap3A_13 = arith.constant 576 : index
    %swap3A_14 = arith.constant 0 : index
    %swap3A_15 = vector.load %arg4[%swap3A_13, %swap3A_14] : memref<1152x128xf32, #tpu.memory_space<vmem>>, vector<576x128xf32>
    tpu.vector_store %arg4[%swap3A_13, %swap3A_14], %slice3A_12 {strides = array<i32>} : memref<1152x128xf32, #tpu.memory_space<vmem>>, vector<576x128xf32>,
    %get3A_16 = arith.constant 0 : index
    %get3A_17 = arith.constant 0 : index
    %get3A_18 = vector.load %arg2[%get3A_16, %get3A_17] : memref<64x572xi32, #tpu.memory_space<vmem>>, vector<64x572xi32>
    %transpose3A = tpu.transpose %get3A_18, [1, 0] : vector<64x572xi32> -> vector<572x64xi32>
    %get3A_19 = arith.constant 0 : index
    %get3A_20 = arith.constant 0 : index
    %get3A_21 = vector.load %arg3[%get3A_19, %get3A_20] : memref<64x572xi32, #tpu.memory_space<vmem>>, vector<64x572xi32>
    %transpose3A_22 = tpu.transpose %get3A_21, [1, 0] : vector<64x572xi32> -> vector<572x64xi32>
    %concatenate3A_23 = tpu.concatenate %transpose3A, %transpose3A_22 in 1 : vector<572x64xi32>, vector<572x64xi32> -> vector<572x128xi32>
    %broadcast_in_dim3A_24 = arith.constant 0 : i32
    %broadcast_in_dim3A_25 = vector.broadcast %broadcast_in_dim3A_24 : i32 to vector<4x128xi32>
    %concatenate3A_26 = tpu.concatenate %concatenate3A_23, %broadcast_in_dim3A_25 in 0 : vector<572x128xi32>, vector<4x128xi32> -> vector<576x128xi32>
    %swap3A_27 = arith.constant 0 : index
    %swap3A_28 = arith.constant 0 : index
    %swap3A_29 = vector.load %arg5[%swap3A_27, %swap3A_28] : memref<576x128xi32, #tpu.memory_space<vmem>>, vector<576x128xi32>
    tpu.vector_store %arg5[%swap3A_27, %swap3A_28], %concatenate3A_26 {strides = array<i32>} : memref<576x128xi32, #tpu.memory_space<vmem>>, vector<576x128xi32>,
    return
  }
}

</mosaic_0001>

<sc_bundles>
// kernel: kernel.5.cloned.1.call-start
scs
__scs_entry_jumppad:
0x0: {  	(pc) =	sbr.rel $0x88, $3  }
0x1: {  	(tag) =	ssettag $0x0;
	lr =	simm.s32 $0x1  }
0x2: {  	[smem:$0x3F98] =	sst lr;
	_ =	strace $0xD0000000  }
0x3: {  	_ = 	snop  }
0x4: {  	_ = 	snop  }
0x5: {  	_ = 	snop  }
0x6: {  	_ = 	snop  }
0x7: {  	_ = 	snop  }
__scs_overlays_trampoline_lowered:
0x8: {  	[smem:$0x3FA7] =	sst s0  }
0x9: {  	[smem:$0x3FA8] =	sst s1  }
0xa: {  	[smem:$0x3FA9] =	sst s2  }
0xb: {  	[smem:$0x3FAA] =	sst s3  }
0xc: {  	[smem:$0x3FAB] =	sst s4  }
0xd: {  	[smem:$0x3FAC] =	sst s5  }
0xe: {  	[smem:$0x3FAD] =	sst s6  }
0xf: {  	[smem:$0x3FAE] =	sst s7  }
0x10: {  	[smem:$0x3FAF] =	sst s8  }
0x11: {  	[smem:$0x3FB0] =	sst s9;
	s0 =	simm.s32 @!p0 $0x0  }
0x12: {  	s1 =	sld [smem:$0x3F96];
	s0 =	simm.s32 @p0 $0x1  }
0x13: {  	[smem:$0x3FB1] =	sst s0;
	s0 =	simm.s32 @!p1 $0x0  }
0x14: {  	s2 =	sld [smem:$0x3F95];
	s0 =	simm.s32 @p1 $0x1  }
0x15: {  	[smem:$0x3FB2] =	sst s0;
	s0 =	simm.s32 @!p2 $0x0  }
0x16: {  	s3 =	sld [smem:$0x3FDB];
	s0 =	simm.s32 @p2 $0x1  }
0x17: {  	s4 =	simm.s32 $0x1BF5;
	[smem:$0x3FB4] =	sst s0  }
0x18: {  	s0 =	sld [smem:$0x3F97];
	_ =	swait.ge [sflag:s4], $0x0  }
0x19: {  	s7 =	sld [smem:$0x3F98]  }
0x1a: {  	s8 =	sadd.s32 $0xFFFFE003, lr  }
0x1b: {  	s9 =	sadd.s32 $0xFFFFFEF7, lr;
	s5 =	simm.s32 $0xFFFFFFFF;
	p2 =	slt.u32 s8, $0xFFFFF086  }
0x1c: {  	p1 =	slt.u32 s9, $0xF7A;
	s5 =	simm.s32 @!p2 $0x0  }
0x1d: {  	s5 =	simm.s32 @p1 $0x1;
	p0 =	seq.s32 s7, s2  }
0x1e: {  	s7 =	smul.u32 @!p0 $0xF7A, s2;
	p2 =	seq.s32 @!p0 s5, $0x0  }
0x1f: {  	s9 =	smul.u32 $0xF7A, s1;
	s8 =	simm.s32 @!p0 $0x1BF5;
	p2 =	por !p2, p0  }
0x20: {  	[sflag:s8] =	ssyncset.s32 @!p0 $0xFFFFF086;
	s6 =	sadd.s32 @!p0 s3, s7;
	s7 =	simm.s32 @!p0 $0x108  }
0x21: {  	s3 =	sadd.s32 s3, s9;
	s6 =	sadd.s32 @!p0 $0x88, s6;
	s7 =	simm.s32 @p2 $0x1082  }
0x22: {  	[simem:s7], [sflag:s8] =	dma.local @!p0 [hbm:s6], $0xF7A  }
0x23: {  	s9 =	sor.u32 $0xD0000000, s2;
	s6 =	simm.s32 $0x108;
	_ =	swait.ge @!p0 [sflag:s8], $0x0  }
0x24: {  	s3 =	sadd.s32 $0x88, s3;
	s6 =	simm.s32 @!p1 $0x1082;
	[sflag:s4] =	ssyncset.s32 $0xFFFFF086  }
0x25: {  	[simem:s6], [sflag:s4] =	dma.local [hbm:s3], $0xF7A  }
0x26: {  	[smem:$0x3F98] =	sst s1;
	(tag) =	ssettag s2;
	_ =	strace s9  }
0x27: {  	s1 =	sld [smem:$0x3FA8]  }
0x28: {  	s2 =	sld [smem:$0x3FA9]  }
0x29: {  	s4 =	sld [smem:$0x3FAB]  }
0x2a: {  	p0 =	seq.s32 s5, $0x0;
	s5 =	sld [smem:$0x3FAC]  }
0x2b: {  	s6 =	sld [smem:$0x3FAD]  }
0x2c: {  	s7 =	sld [smem:$0x3FAE]  }
0x2d: {  	s3 =	simm.s32 $0x108;
	s8 =	sld [smem:$0x3FAF]  }
0x2e: {  	s3 =	simm.s32 @!p0 $0x1082;
	s9 =	sld [smem:$0x3FB0]  }
0x2f: {  	lr =	sadd.s32 s0, s3;
	s0 =	sld [smem:$0x3FA7]  }
0x30: {  	s3 =	sld [smem:$0x3FAA]  }
0x31: {  	[smem:$0x3FB3] =	sst s10  }
0x32: {  	s10 =	sld [smem:$0x3FB1];
	_ =	sdelay $0x3  }
0x33: {  	p0 =	seq.s32 s10, $0x1;
	s10 =	sld [smem:$0x3FB3];
	_ =	sdelay $0x3  }
0x34: {  	[smem:$0x3FB3] =	sst s10  }
0x35: {  	s10 =	sld [smem:$0x3FB2];
	_ =	sdelay $0x3  }
0x36: {  	p1 =	seq.s32 s10, $0x1;
	s10 =	sld [smem:$0x3FB3];
	_ =	sdelay $0x3  }
0x37: {  	[smem:$0x3FB3] =	sst s10  }
0x38: {  	s10 =	sld [smem:$0x3FB4]  }
0x39: {  	_ = 	snop;
	(pc) =	sbr.ind lr, $3  }
0x3a: {  	_ = 	snop  }
0x3b: {  	_ = 	snop  }
0x3c: {  	p2 =	seq.s32 s10, $0x1;
	s10 =	sld [smem:$0x3FB3]  }
0x3d: {  	_ =	shalt  }
0x3e: {  	_ =	shalt  }
0x3f: {  	_ =	shalt  }
0x40: {  	_ =	shalt  }
0x41: {  	_ =	shalt  }
0x42: {  	_ =	shalt  }
0x43: {  	_ =	shalt  }
0x44: {  	_ =	shalt  }
0x45: {  	_ =	shalt  }
0x46: {  	_ =	shalt  }
0x47: {  	_ =	shalt  }
0x48: {  	_ =	shalt  }
0x49: {  	_ =	shalt  }
0x4a: {  	_ =	shalt  }
0x4b: {  	_ =	shalt  }
0x4c: {  	_ =	shalt  }
0x4d: {  	_ =	shalt  }
0x4e: {  	_ =	shalt  }
0x4f: {  	_ =	shalt  }
0x50: {  	_ =	shalt  }
0x51: {  	_ =	shalt  }
0x52: {  	_ =	shalt  }
0x53: {  	_ =	shalt  }
0x54: {  	_ =	shalt  }
0x55: {  	_ =	shalt  }
0x56: {  	_ =	shalt  }
0x57: {  	_ =	shalt  }
0x58: {  	_ =	shalt  }
0x59: {  	_ =	shalt  }
0x5a: {  	_ =	shalt  }
0x5b: {  	_ =	shalt  }
0x5c: {  	_ =	shalt  }
0x5d: {  	_ =	shalt  }
0x5e: {  	_ =	shalt  }
0x5f: {  	_ =	shalt  }
0x60: {  	_ =	shalt  }
0x61: {  	_ =	shalt  }
0x62: {  	_ =	shalt  }
0x63: {  	_ =	shalt  }
0x64: {  	_ =	shalt  }
0x65: {  	_ =	shalt  }
0x66: {  	_ =	shalt  }
0x67: {  	_ =	shalt  }
0x68: {  	_ =	shalt  }
0x69: {  	_ =	shalt  }
0x6a: {  	_ =	shalt  }
0x6b: {  	_ =	shalt  }
0x6c: {  	_ =	shalt  }
0x6d: {  	_ =	shalt  }
0x6e: {  	_ =	shalt  }
0x6f: {  	_ =	shalt  }
0x70: {  	_ =	shalt  }
0x71: {  	_ =	shalt  }
0x72: {  	_ =	shalt  }
0x73: {  	_ =	shalt  }
0x74: {  	_ =	shalt  }
0x75: {  	_ =	shalt  }
0x76: {  	_ =	shalt  }
0x77: {  	_ =	shalt  }
0x78: {  	_ =	shalt  }
0x79: {  	_ =	shalt  }
0x7a: {  	_ =	shalt  }
0x7b: {  	_ =	shalt  }
0x7c: {  	_ =	shalt  }
0x7d: {  	_ =	shalt  }
0x7e: {  	_ =	shalt  }
0x7f: {  	_ =	shalt  }
0x80: {  	_ =	shalt  }
0x81: {  	_ =	shalt  }
0x82: {  	_ =	shalt  }
0x83: {  	_ =	shalt  }
0x84: {  	_ =	shalt  }
0x85: {  	_ =	shalt  }
0x86: {  	_ =	shalt  }
0x87: {  	_ =	shalt  }
.Lfunc_end0:
.L_simem_size_0:
called_computation_lowered:
.L_overlay_start_0:
0x88: {  	s2 =	sld [smem:$0x3FD9]  }
0x89: {  	s3 =	sld [smem:$0x3FFE];
	_ =	sdelay $0x1  }
0x8a: {  	s1 =	srdreg.scid  }
0x8b: {  	s0 =	sand.u32 $0x1, s1  }
0x8c: {  	s17 =	sshll.u32 s0, $0xA;
	s2 =	sadd.s32 s3, s2  }
0x8d: {  	s2 =	sadd.s32 s2, s17  }
0x8e: {  	[smem:$0x3FBF] =	sst s2  }
0x8f: {  	_ = 	snop  }
0x90: {  	s2 =	sld [smem:$0x3FC5]  }
0x91: {  	s18 =	sld [smem:$0x3FD0];
	(tm) =	ssettm $0x1  }
0x92: {  	s4 =	sld [smem:$0x3FFB];
	_ =	sdelay $0x3  }
0x93: {  	_ =	strace s4  }
0x94: {  	s4 =	sld [smem:$0x3FFC];
	_ =	sdelay $0x3  }
0x95: {  	_ =	strace s4  }
0x96: {  	s4 =	sld [smem:$0x3FFD];
	_ =	sdelay $0x3  }
0x97: {  	_ =	strace s4  }
0x98: {  	_ =	strace $0x8FFFFFFF  }
0x99: {  	s19 =	sld [smem:$0x3FDB];
	_ =	sdelay $0x1  }
0x9a: {  	s5 =	simm.s32 $_scs_section_size  }
0x9b: {  	s6 =	simm.s32 $_size__tile_overlayer_lowered;
	s7 =	simm.s32 $_tile_overlayer_lowered  }
0x9c: {  	s22 =	simm.s32 $0x1BFF;
	s21 =	sshll.u32 s7, $0x1;
	s4 =	sadd.s32 s5, s19  }
0x9d: {  	s8 =	simm.s32 $0x0;
	s20 =	sshll.u32 s6, $0x1;
	s6 =	sadd.s32 s21, s4  }
0x9e: {  	[timem:s8], [sflag:s22] =	dma.local [hbm:s6], s20  }
0x9f: {  	_ =	swait.ge [sflag:s22], s20  }
0xa0: {  	s5 =	ssub.s32 $0x0, s20;
	[sflag:s22] =	ssyncset.done $0x0  }
0xa1: {  	[sflag:s22] =	ssyncadd.s32 s5;
	_ =	sdelay $0x1  }
0xa2: {  	s23 =	simm.s32 $0x1B8B  }
0xa3: {  	_ =	swait.ge [sflag:s23], $0x1  }
0xa4: {  	[sflag:s23] =	ssyncset.done $0x0  }
0xa5: {  	s25 =	simm.s32 $0x1B8E;
	s24 =	sld [smem:$0x3FFE];
	[sflag:s23] =	ssyncadd.s32 $0xFFFFFFFF  }
0xa6: {  	s26 =	simm.s32 $execute0_lowered;
	[smem:$0x3FD2] =	sst s25  }
0xa7: {  	s6 =	sshll.u32 s26, $0x1;
	_ =	strace $0x80000046;
	[dreg:$0x1] =	wrdreg $0xFFFFFFFF  }
0xa8: {  	s28 =	simm.s32 $_size_execute0_lowered;
	s4 =	sadd.s32 s4, s6;
	[dreg:$0x0] =	wrdreg $0x0  }
0xa9: {  	s6 =	sshll.u32 s28, $0x1;
	[dreg:$0x2] =	wrdreg s4  }
0xaa: {  	[dreg:$0x3] =	wrdreg s6  }
0xab: {  	[dreg:$0x4] =	wrdreg $0xC0  }
0xac: {  	_ =	task [dreg:s8], $0x5FFFF  }
0xad: {  	[dreg:$0x1] =	wrdreg $0xFFFFFFFF  }
0xae: {  	[dreg:$0x0] =	wrdreg $0x60  }
0xaf: {  	[dreg:$0x2] =	wrdreg s24  }
0xb0: {  	[dreg:$0x3] =	wrdreg s18  }
0xb1: {  	[dreg:$0x4] =	wrdreg s2  }
0xb2: {  	[dreg:$0x5] =	wrdreg $0x9  }
0xb3: {  	_ =	task.clear_ibuf [dreg:s8], $0x6FFFF;
	_ =	strace $0x90000046  }
0xb4: {  	s29 =	simm.s32 $0x9;
	_ =	strace $0x80000048  }
0xb5: {  	_ =	swait.ge [sflag:s29], $0x1  }
0xb6: {  	[sflag:s29] =	ssyncadd.s32 $0xFFFFFFFF  }
0xb7: {  	_ =	strace $0x90000048  }
0xb8: {  	_ =	sfence  }
0xb9: {  	s30 =	sld [smem:$0x0];
	_ =	sdelay $0x2  }
0xba: {  	s31 =	sshll.u32 s1, $0xD;
	s1 =	sshrl.u32 s1, $0x2  }
0xbb: {  	s3 =	sand.u32 $0x4000, s31;
	s1 =	sadd.s32 s1, s30  }
0xbc: {  	s0 =	sor.u32 s3, s0;
	s1 =	sshll.u32 s1, $0x11  }
0xbd: {  	s0 =	sor.u32 s1, s0  }
0xbe: {  	s0 =	sadd.s32 $0x8F2B, s0  }
0xbf: {  	[sflag:s0] =	ssyncadd.remote.s32 $0x1  }
0xc0: {  	_ =	sfence.sel $0xFFFF  }
0xc1: {  	[dreg:$0x0] =	wrdreg $0xFFFFFFFF;
	(pc) =	sbr.abs _section_cstart, $3  }
0xc2: {  	[dreg:$0x1] =	wrdreg $0xFFFFFFFF  }
0xc3: {  	_ =	task.clear_ibuf [dreg:s8], $0x2FFFF;
	_ =	strace $0x9FFFFFFF  }
0xc4: {  	(tm) =	ssettm $0x7FFFFFFF  }
0xc5: {  	_ =	shalt  }
tec
execute0_lowered:
.L_overlay_start_1:
0x0: {  	(tag) =	ssettag $0x1  }
0x1: {  	s1 =	srdreg.scid;
	s4 =	rddreg [dreg:$0x0]  }
0x2: {  	s0 =	stileid.u32;
	s5 =	rddreg [dreg:$0x1];
	s9 =	simm.s32 $0xD80  }
0x3: {  	s11 =	simm.s32 $0x4;
	s12 =	simm.s32 $0x80;
	s15 =	simm.s32 $0x980  }
0x4: {  	s16 =	simm.s32 $0x6D00;
	s17 =	simm.s32 $0xA00;
	s18 =	simm.s32 $0xAD00  }
0x5: {  	s19 =	simm.s32 $0x1;
	s1 =	sand.u32 $0x1, s1;
	s2 =	sshll.u32 s0, $0x1  }
0x6: {  	s20 =	simm.s32 $0x1F80;
	s21 =	simm.s32 $0x2;
	s3 =	sor.u32 s1, s2  }
0x7: {  	s22 =	simm.s32 $0x3;
	s23 =	simm.s32 $0x2400;
	s6 =	smul.u32 $0x9, s3  }
0x8: {  	s24 =	simm.s32 $0x5;
	s25 =	simm.s32 $0x0;
	s2 =	rddreg [dreg:$0x2]  }
.Ltmp0:
0x9: {  	s1 =	ssub.s32 $0x2, s1;
	s6 =	smin.u32 s6, $0x115;
	(pc) =	sbr.rel .LBB2_1-.Ltmp0, $4  }
0xa: {  	s3 =	simm.s32 $0x0;
	s7 =	sshrl.u32 s1, $0x1;
	s6 =	sshll.u32 s6, $0x5  }
0xb: {  	[smem:$0x7FF] =	sst s3;
	s1 =	ssub.s32 s1, s7;
	s8 =	sadd.s32 s6, s4  }
0xc: {  	v0 =	vimm.s32 $0x0;
	vm0 =	vcmask $0x300;
	_ =	strace $0x80000047;
	s4 =	sadd.s32 s5, s6;
	s5 =	sadd.s32 $0x1C00, s8  }
0xd: {  	v0 =	vsel vm0, $0x3, v0;
	s6 =	sadd.s32 $0x4000, s8;
	s7 =	sadd.s32 $0x6400, s8;
	s8 =	smax.u32 s1, $0x1  }
.LBB2_18:
0xe: {  	s25 =	sadd.s32 $0x1, s25  }
0xf: {  	p0 =	sne.s32 s25, s8  }
.Ltmp1:
0x10: {  	_ = 	snop;
	(pc) =	sbr.rel @!p0 .LBB2_19-.Ltmp1, $4  }
0x11: {  	[hbm4b:s7+s3] =	stream.linear.scatter [tilespmem:s23], [sflag:$0x5], $0x900, $0x38;
	[tilespmem:$0xED00] =	vst v63  }
0x12: {  	_ =	swait.ge [sflag:s24], $0x900  }
0x13: {  	[sflag:s24] =	ssyncset.done $0x0  }
0x14: {  	[sflag:s24] =	ssyncadd.s32 $0xFFFFF700  }
.LBB2_1:
0x15: {  	[tilespmem:s3], [sflag:$0x4] =	stream.linear.gather [hbm4b:s4+s3], $0x900, $0x38;
	[tilespmem:$0xED00] =	vst v63  }
0x16: {  	_ = 	snop  }
0x17: {  	[tilespmem:s9], [sflag:$0x4] =	stream.linear.gather [hbm4b:s5+s3], $0x900, $0x38;
	[tilespmem:$0xED00] =	vst v63  }
0x18: {  	s0 =	simm.s32 $0x1680  }
0x19: {  	[tilespmem:s0], [sflag:$0x4] =	stream.linear.gather [hbm4b:s6+s3], $0x900, $0x38;
	[tilespmem:$0xED00] =	vst v63  }
0x1a: {  	_ =	swait.ge [sflag:s11], $0x900  }
0x1b: {  	[sflag:s11] =	ssyncset.done $0x0  }
0x1c: {  	[sflag:s11] =	ssyncadd.s32 $0xFFFFF700  }
0x1d: {  	v1 =	vld [tilespmem:$0x0]  }
0x1e: {  	v2 =	vld [tilespmem:$0x80]  }
0x1f: {  	v3 =	vld [tilespmem:$0x10]  }
0x20: {  	v4 =	vld [tilespmem:$0x90]  }
0x21: {  	v5 =	vld [tilespmem:$0x20]  }
0x22: {  	[tilespmem:$0x900] =	vst v1;
	v1 =	vld [tilespmem:$0xA0]  }
0x23: {  	[tilespmem:$0x940] =	vst v2;
	v2 =	vld [tilespmem:$0x30]  }
0x24: {  	v38 =	vld [tilespmem:$0x100];
	[tilespmem:$0x910] =	vst v3  }
0x25: {  	v39 =	vld [tilespmem:$0x180];
	[tilespmem:$0x950] =	vst v4  }
0x26: {  	v3 =	vld [tilespmem:$0xB0];
	[tilespmem:$0x920] =	vst v5  }
0x27: {  	[tilespmem:$0x960] =	vst v1;
	v1 =	vld [tilespmem:$0x110]  }
0x28: {  	[tilespmem:$0x930] =	vst v2;
	v2 =	vld [tilespmem:$0x190]  }
0x29: {  	v40 =	vld [tilespmem:$0x1A0];
	[tilespmem:$0x980] =	vst v38  }
0x2a: {  	v41 =	vld [tilespmem:$0x130];
	[tilespmem:$0x9C0] =	vst v39  }
0x2b: {  	[tilespmem:$0x970] =	vst v3;
	v3 =	vld [tilespmem:$0x120]  }
0x2c: {  	[tilespmem:$0x990] =	vst v1;
	v1 =	vld [tilespmem:$0x1B0]  }
0x2d: {  	[tilespmem:$0x9D0] =	vst v2;
	v2 =	vld [tilespmem:$0x200]  }
0x2e: {  	v42 =	vld [tilespmem:$0x210];
	[tilespmem:$0x9E0] =	vst v40  }
0x2f: {  	v43 =	vld [tilespmem:$0x290];
	[tilespmem:$0x9B0] =	vst v41  }
0x30: {  	[tilespmem:$0x9A0] =	vst v3;
	v3 =	vld [tilespmem:$0x280]  }
0x31: {  	[tilespmem:$0x9F0] =	vst v1;
	v1 =	vld [tilespmem:$0x220]  }
0x32: {  	[tilespmem:$0xA00] =	vst v2;
	v2 =	vld [tilespmem:$0x2A0]  }
0x33: {  	v44 =	vld [tilespmem:$0x2B0];
	[tilespmem:$0xA10] =	vst v42  }
0x34: {  	v45 =	vld [tilespmem:$0x300];
	[tilespmem:$0xA50] =	vst v43  }
0x35: {  	[tilespmem:$0xA40] =	vst v3;
	v3 =	vld [tilespmem:$0x230]  }
0x36: {  	[tilespmem:$0xA20] =	vst v1;
	v1 =	vld [tilespmem:$0x380]  }
0x37: {  	[tilespmem:$0xA60] =	vst v2;
	v2 =	vld [tilespmem:$0x310]  }
0x38: {  	v46 =	vld [tilespmem:$0x320];
	[tilespmem:$0xA70] =	vst v44  }
0x39: {  	v47 =	vld [tilespmem:$0x3A0];
	[tilespmem:$0xA80] =	vst v45  }
0x3a: {  	[tilespmem:$0xA30] =	vst v3;
	v3 =	vld [tilespmem:$0x390]  }
0x3b: {  	[tilespmem:$0xAC0] =	vst v1;
	v1 =	vld [tilespmem:$0x330]  }
0x3c: {  	[tilespmem:$0xA90] =	vst v2;
	v2 =	vld [tilespmem:$0x3B0]  }
0x3d: {  	v48 =	vld [tilespmem:$0x480];
	[tilespmem:$0xAA0] =	vst v46  }
0x3e: {  	v49 =	vld [tilespmem:$0x410];
	[tilespmem:$0xAE0] =	vst v47  }
0x3f: {  	[tilespmem:$0xAD0] =	vst v3;
	v3 =	vld [tilespmem:$0x400]  }
0x40: {  	[tilespmem:$0xAB0] =	vst v1;
	v1 =	vld [tilespmem:$0x490]  }
0x41: {  	[tilespmem:$0xAF0] =	vst v2;
	v2 =	vld [tilespmem:$0x420]  }
0x42: {  	v50 =	vld [tilespmem:$0x430];
	[tilespmem:$0xB40] =	vst v48  }
0x43: {  	v51 =	vld [tilespmem:$0x4B0];
	[tilespmem:$0xB10] =	vst v49  }
0x44: {  	[tilespmem:$0xB00] =	vst v3;
	v3 =	vld [tilespmem:$0x4A0]  }
0x45: {  	[tilespmem:$0xB50] =	vst v1;
	v1 =	vld [tilespmem:$0x500]  }
0x46: {  	[tilespmem:$0xB20] =	vst v2;
	v2 =	vld [tilespmem:$0x580]  }
0x47: {  	v52 =	vld [tilespmem:$0x590];
	[tilespmem:$0xB30] =	vst v50  }
0x48: {  	v53 =	vld [tilespmem:$0x520];
	[tilespmem:$0xB70] =	vst v51  }
0x49: {  	[tilespmem:$0xB60] =	vst v3;
	v3 =	vld [tilespmem:$0x510]  }
0x4a: {  	[tilespmem:$0xB80] =	vst v1;
	v1 =	vld [tilespmem:$0x5A0]  }
0x4b: {  	[tilespmem:$0xBC0] =	vst v2;
	v2 =	vld [tilespmem:$0x530]  }
0x4c: {  	v54 =	vld [tilespmem:$0x600];
	[tilespmem:$0xBD0] =	vst v52  }
0x4d: {  	v55 =	vld [tilespmem:$0x680];
	[tilespmem:$0xBA0] =	vst v53  }
0x4e: {  	[tilespmem:$0xB90] =	vst v3;
	v3 =	vld [tilespmem:$0x5B0]  }
0x4f: {  	[tilespmem:$0xBE0] =	vst v1;
	v1 =	vld [tilespmem:$0x610]  }
0x50: {  	[tilespmem:$0xBB0] =	vst v2;
	v2 =	vld [tilespmem:$0x690]  }
0x51: {  	v56 =	vld [tilespmem:$0x6A0];
	[tilespmem:$0xC00] =	vst v54  }
0x52: {  	v57 =	vld [tilespmem:$0x630];
	[tilespmem:$0xC40] =	vst v55  }
0x53: {  	[tilespmem:$0xBF0] =	vst v3;
	v3 =	vld [tilespmem:$0x620]  }
0x54: {  	[tilespmem:$0xC10] =	vst v1;
	v1 =	vld [tilespmem:$0x6B0]  }
0x55: {  	[tilespmem:$0xC50] =	vst v2;
	v2 =	vld [tilespmem:$0x700]  }
0x56: {  	v58 =	vld [tilespmem:$0x710];
	[tilespmem:$0xC60] =	vst v56  }
0x57: {  	v59 =	vld [tilespmem:$0x790];
	[tilespmem:$0xC30] =	vst v57  }
0x58: {  	[tilespmem:$0xC20] =	vst v3;
	v3 =	vld [tilespmem:$0x780]  }
0x59: {  	[tilespmem:$0xC70] =	vst v1;
	v1 =	vld [tilespmem:$0x720]  }
0x5a: {  	[tilespmem:$0xC80] =	vst v2;
	v2 =	vld [tilespmem:$0x7A0]  }
0x5b: {  	v60 =	vld [tilespmem:$0x7B0];
	[tilespmem:$0xC90] =	vst v58  }
0x5c: {  	v61 =	vld [tilespmem:$0x800];
	[tilespmem:$0xCD0] =	vst v59  }
0x5d: {  	[tilespmem:$0xCC0] =	vst v3;
	v3 =	vld [tilespmem:$0x730]  }
0x5e: {  	[tilespmem:$0xCA0] =	vst v1;
	v1 =	vld [tilespmem:$0x880]  }
0x5f: {  	[tilespmem:$0xCE0] =	vst v2;
	v2 =	vld [tilespmem:$0x810]  }
0x60: {  	v62 =	vld [tilespmem:$0x820];
	[tilespmem:$0xCF0] =	vst v60  }
0x61: {  	v63 =	vld [tilespmem:$0x8A0];
	[tilespmem:$0xD00] =	vst v61  }
0x62: {  	[tilespmem:$0xCB0] =	vst v3;
	v3 =	vld [tilespmem:$0x890]  }
0x63: {  	[tilespmem:$0xD40] =	vst v1;
	v1 =	vld [tilespmem:$0x830]  }
0x64: {  	[tilespmem:$0xD10] =	vst v2;
	v2 =	vld [tilespmem:$0x8B0]  }
0x65: {  	[tilespmem:$0xD20] =	vst v62  }
0x66: {  	[tilespmem:$0xD60] =	vst v63  }
0x67: {  	[tilespmem:$0xD50] =	vst v3  }
0x68: {  	[tilespmem:$0xD30] =	vst v1  }
0x69: {  	s31 =	simm.s32 $0x900;
	s1 =	simm.s32 $0x2D00;
	[tilespmem:$0xD70] =	vst v2  }
0x6a: {  	[tilespmem:s1], [sflag:$0x1] =	stream.indirect.gather [hbm4b:s2+s12], $0x80, s31, s12, $0xb8;
	[tilespmem:$0xED00] =	vst v63  }
0x6b: {  	_ = 	snop  }
0x6c: {  	[tilespmem:s16], [sflag:$0x2] =	stream.indirect.gather [hbm4b:s2+s12], $0x80, s15, s12, $0xb8;
	[tilespmem:$0xED00] =	vst v63  }
0x6d: {  	_ = 	snop  }
0x6e: {  	[tilespmem:s18], [sflag:$0x3] =	stream.indirect.gather [hbm4b:s2+s12], $0x80, s17, s12, $0xb8;
	[tilespmem:$0xED00] =	vst v63  }
0x6f: {  	_ =	swait.ge [sflag:s11], $0x900  }
0x70: {  	[sflag:s11] =	ssyncset.done $0x0  }
0x71: {  	[sflag:s11] =	ssyncadd.s32 $0xFFFFF700  }
0x72: {  	_ =	swait.ge [sflag:s11], $0x900  }
0x73: {  	s26 =	simm.s32 $0x70;
	[sflag:s11] =	ssyncset.done $0x0  }
0x74: {  	s28 =	simm.s32 $0x0;
	s1 =	simm.s32 $0x1FA0;
	[sflag:s11] =	ssyncadd.s32 $0xFFFFF700  }
.LBB2_2:
0x75: {  	v1 =	vld [tilespmem:s26+$0xFFFFFFD0]  }
0x76: {  	v2 =	vld [tilespmem:s26+$0xFFFFFFE0]  }
0x77: {  	v3 =	vld [tilespmem:s26+$0xFFFFFFF0]  }
0x78: {  	v5 =	vld [tilespmem:s26+$0x0];
	_ =	sdelay $0x2  }
0x79: {  	v4 =	vshrl.u32 v1, $0x7;
	v6 =	vshrl.u32 v2, $0x7  }
0x7a: {  	v1 =	vand.u32 $0x7F, v1;
	v7 =	vshrl.u32 v3, $0x7;
	v4 =	vmul.u32 $0x12, v4  }
0x7b: {  	v8 =	vshrl.u32 v5, $0x7;
	v2 =	vand.u32 $0x7F, v2;
	v6 =	vmul.u32 $0x12, v6  }
0x7c: {  	v3 =	vand.u32 $0x7F, v3;
	v7 =	vmul.u32 $0x12, v7;
	v4 =	vadd.s32 s28, v4  }
0x7d: {  	v8 =	vmul.u32 $0x12, v8;
	v6 =	vadd.s32 s28, v6;
	v4 =	vshll.u32 v4, $0x7  }
0x7e: {  	v57 =	vadd.s32 s28, v7;
	v6 =	vshll.u32 v6, $0x7;
	v1 =	vor.u32 v1, v4  }
0x7f: {  	v58 =	vadd.s32 s28, v8;
	v2 =	vor.u32 v2, v6;
	v4 =	vshll.u32 v57, $0x7  }
0x80: {  	v5 =	vand.u32 $0x7F, v5;
	v59 =	vshll.u32 v58, $0x7;
	v3 =	vor.u32 v3, v4  }
0x81: {  	v4 =	vor.u32 v5, v59;
	_ =	sdelay $0x1  }
0x82: {  	v1 =	vld.idx.msk [tilespmem:v1+s9+$0x0], $0xffff  }
0x83: {  	v2 =	vld.idx.msk [tilespmem:v2+s9+$0x0], $0xffff  }
0x84: {  	v3 =	vld.idx.msk [tilespmem:v3+s9+$0x0], $0xffff  }
0x85: {  	v4 =	vld.idx.msk [tilespmem:v4+s9+$0x0], $0xffff;
	_ =	sdelay $0x4  }
0x86: {  	v60 =	vmax.f32 v1, v2;
	v61 =	vmax.f32 v3, v4  }
0x87: {  	v5 =	vmax.f32 v60, v61  }
0x88: {  	(xrf0) =	vmax.scan.msk.f32 $0xffff, v5;
	_ =	sdelay $0x5  }
0x89: {  	v5, _, _ =	vpop (xrf0)  }
0x8a: {  	v5 =	vbroadcast v5, $0xF;
	_ =	sdelay $0x1  }
0x8b: {  	v1 =	vsub.f32 v1, v5  }
0x8c: {  	v2 =	vsub.f32 v2, v5  }
0x8d: {  	v1 =	vmul.f32 $1.442695020e+00, v1  }
0x8e: {  	v3 =	vsub.f32 v3, v5;
	v2 =	vmul.f32 $1.442695020e+00, v2  }
0x8f: {  	(erf) = vpow2.f32 v1  }
0x90: {  	v1 =	vmul.f32 $1.442695020e+00, v3;
	(erf) = vpow2.f32 v2;
	v2 =	vsub.f32 v4, v5;
	_ =	sdelay $0x1  }
0x91: {  	(erf) = vpow2.f32 v1;
	v1 =	vmul.f32 $1.442695020e+00, v2;
	_ =	sdelay $0x1  }
0x92: {  	(erf) = vpow2.f32 v1;
	_ =	sdelay $0x3  }
0x93: {  	v1 =	vpop (erf)  }
0x94: {  	v2 =	vpop (erf)  }
0x95: {  	v3 =	vadd.f32 v2, v1  }
0x96: {  	v62 =	vpop (erf)  }
0x97: {  	v3 =	vadd.f32 v3, v62  }
0x98: {  	v63 =	vpop (erf)  }
0x99: {  	v3 =	vadd.f32 v3, v63;
	_ =	sdelay $0x1  }
0x9a: {  	(xrf2) =	vadd.scan.msk.f32 $0xffff, v3;
	_ =	sdelay $0x9  }
0x9b: {  	v3, _, _ =	vpop (xrf2)  }
0x9c: {  	v3 =	vbroadcast v3, $0xF;
	_ =	sdelay $0x1  }
0x9d: {  	(erf) = vrcp.f32 v3;
	_ =	sdelay $0x8  }
0x9e: {  	v3 =	vpop (erf)  }
0x9f: {  	p0 =	sne.s32 s28, $0x11;
	v1 =	vmul.f32 v3, v1  }
.Ltmp2:
0xa0: {  	v2 =	vmul.f32 v3, v2;
	(pc) =	sbr.rel @p0 .LBB2_2-.Ltmp2, $4  }
0xa1: {  	[tilespmem:s1+$0xFFFFFFE0] =	vst v1;
	v1 =	vmul.f32 v3, v62  }
0xa2: {  	[tilespmem:s1+$0xFFFFFFF0] =	vst v2;
	v2 =	vmul.f32 v3, v63  }
0xa3: {  	[tilespmem:s1+$0x0] =	vst v1  }
0xa4: {  	s26 =	sadd.s32 $0x80, s26;
	s28 =	sadd.s32 $0x1, s28;
	[tilespmem:s1+$0x10] =	vst v2;
	s1 =	sadd.s32 $0x40, s1  }
0xa5: {  	s26 =	simm.s32 $0x0  }
.LBB2_4:
0xa6: {  	_ =	swait.ge [sflag:s19], $0x4000  }
0xa7: {  	[sflag:s19] =	ssyncset.done $0x0  }
0xa8: {  	s29 =	simm.s32 $0x2F00;
	[sflag:s19] =	ssyncadd.s32 $0xFFFFC000  }
0xa9: {  	v11 =	vld [tilespmem:s29+$0x180]  }
0xaa: {  	v12 =	vld [tilespmem:s29+$0x190]  }
0xab: {  	v14 =	vld [tilespmem:s29+$0x1A0]  }
0xac: {  	v15 =	vld [tilespmem:s29+$0x1B0]  }
0xad: {  	v16 =	vld [tilespmem:s29+$0x1C0]  }
0xae: {  	v17 =	vld [tilespmem:s29+$0x1D0]  }
0xaf: {  	v18 =	vld [tilespmem:s29+$0x100]  }
0xb0: {  	v19 =	vld [tilespmem:s29+$0x110]  }
0xb1: {  	v21 =	vld [tilespmem:s29+$0x120]  }
0xb2: {  	v22 =	vld [tilespmem:s29+$0x130]  }
0xb3: {  	v23 =	vld [tilespmem:s29+$0x140]  }
0xb4: {  	s28 =	smul.u32 $0x6, s26;
	s10 =	simm.s32 $0x7;
	s13 =	simm.s32 $0x6;
	v24 =	vld [tilespmem:s29+$0x150]  }
0xb5: {  	s30 =	simm.s32 $0x5;
	s14 =	simm.s32 $0x3;
	s31 =	simm.s32 $0x4;
	v4 =	vmov s10;
	v10 =	vmov s13;
	v25 =	vld [tilespmem:s29+$0x80]  }
0xb6: {  	s0 =	simm.s32 $0x2;
	v13 =	vmov s30;
	v20 =	vmov s14;
	v30 =	vmov s31;
	s1 =	sshll.u32 s28, $0x6;
	v26 =	vld [tilespmem:s29+$0x90]  }
0xb7: {  	v32 =	vmov s0;
	v4 =	vshrl.u32 v4, $0x3;
	v1 =	vmov s1;
	v27 =	vld [tilespmem:s29+$0xA0]  }
0xb8: {  	s30 =	simm.s32 $0x1;
	s31 =	simm.s32 $0x0;
	v10 =	vshrl.u32 v10, $0x3;
	v28 =	vld [tilespmem:s29+$0xB0];
	v4 =	vshll.u32 v4, v0;
	v8 =	vor.u32 $0x7, v1  }
0xb9: {  	v31 =	vmov s30;
	v33 =	vmov s31;
	v29 =	vld [tilespmem:s29+$0xC0];
	v4 =	vadd.s32 v4, v8  }
0xba: {  	v13 =	vshrl.u32 v13, $0x3;
	v20 =	vshrl.u32 v20, $0x3;
	v35 =	vld [tilespmem:s29+$0xD0];
	v4 =	vbroadcast v4, $0x0  }
0xbb: {  	v30 =	vshrl.u32 v30, $0x3;
	v40 =	vld [tilespmem:s29+$0x0];
	v10 =	vshll.u32 v10, v0;
	v9 =	vor.u32 $0x6, v1  }
0xbc: {  	v32 =	vshrl.u32 v32, $0x3;
	v45 =	vld [tilespmem:s29+$0x10];
	v13 =	vshll.u32 v13, v0;
	v10 =	vadd.s32 v10, v9  }
0xbd: {  	v46 =	vld [tilespmem:s29+$0x20];
	v31 =	vshrl.u32 v31, $0x3;
	v33 =	vshrl.u32 v33, $0x3;
	v10 =	vbroadcast v10, $0x0  }
0xbe: {  	v49 =	vld [tilespmem:s29+$0x30];
	v30 =	vshll.u32 v30, v0;
	v32 =	vshll.u32 v32, v0;
	v7 =	vor.u32 $0x5, v1  }
0xbf: {  	v50 =	vld [tilespmem:s29+$0x40];
	v20 =	vshll.u32 v20, v0;
	v2 =	vor.u32 $0x1, v1;
	v13 =	vadd.s32 v13, v7  }
0xc0: {  	v3 =	vor.u32 $0x2, v1;
	v5 =	vor.u32 $0x3, v1;
	v13 =	vbroadcast v13, $0x0;
	v4 =	vld.idx.msk [tilespmem:v4+s20+$0x0], $0xffff  }
0xc1: {  	v51 =	vld [tilespmem:s29+$0x50];
	v6 =	vor.u32 $0x4, v1;
	v31 =	vshll.u32 v31, v0;
	v33 =	vshll.u32 v33, v0  }
0xc2: {  	v52 =	vld [tilespmem:s29+$0xFFFFFF80];
	v20 =	vadd.s32 v20, v5;
	v30 =	vadd.s32 v30, v6;
	v32 =	vadd.s32 v32, v3  }
0xc3: {  	v31 =	vadd.s32 v31, v2;
	v34 =	vbroadcast v30, $0x0;
	v47 =	vbroadcast v32, $0x0;
	v10 =	vld.idx.msk [tilespmem:v10+s20+$0x0], $0xffff  }
0xc4: {  	v53 =	vld [tilespmem:s29+$0xFFFFFF90];
	v30 =	vadd.s32 v1, v33;
	v41 =	vbroadcast v20, $0x0;
	v48 =	vbroadcast v31, $0x0  }
0xc5: {  	v54 =	vld [tilespmem:s29+$0xFFFFFF00];
	v55 =	vbroadcast v30, $0x0;
	v32 =	vmul.f32 v11, v4  }
0xc6: {  	v13 =	vld.idx.msk [tilespmem:v13+s20+$0x0], $0xffff;
	v33 =	vmul.f32 v12, v4;
	v31 =	vmul.f32 v14, v4  }
0xc7: {  	v56 =	vld [tilespmem:s29+$0xFFFFFF10];
	v30 =	vmul.f32 v15, v4;
	v12 =	vmul.f32 v16, v4  }
0xc8: {  	v57 =	vld [tilespmem:s29+$0xFFFFFE80];
	v11 =	vmul.f32 v17, v4;
	v38 =	vmul.f32 v18, v10  }
0xc9: {  	v20 =	vld.idx.msk [tilespmem:v34+s20+$0x0], $0xffff;
	v39 =	vmul.f32 v19, v10;
	v36 =	vmul.f32 v21, v10  }
0xca: {  	v34 =	vld.idx.msk [tilespmem:v47+s20+$0x0], $0xffff;
	v37 =	vmul.f32 v22, v10;
	v15 =	vmul.f32 v23, v10  }
0xcb: {  	v16 =	vld [tilespmem:s29+$0xFFFFFE90];
	v14 =	vmul.f32 v24, v10;
	v43 =	vmul.f32 v25, v13  }
0xcc: {  	v44 =	vmul.f32 v26, v13;
	v23 =	vld.idx.msk [tilespmem:v41+s20+$0x0], $0xffff;
	v41 =	vmul.f32 v27, v13  }
0xcd: {  	v17 =	vld [tilespmem:s29+$0xFFFFFE00];
	v42 =	vmul.f32 v28, v13;
	v22 =	vmul.f32 v29, v13  }
0xce: {  	v18 =	vld [tilespmem:s29+$0xFFFFFE10];
	v21 =	vmul.f32 v35, v13;
	v47 =	vmul.f32 v40, v20  }
0xcf: {  	v35 =	vld.idx.msk [tilespmem:v48+s20+$0x0], $0xffff;
	v48 =	vmul.f32 v45, v20;
	v45 =	vmul.f32 v46, v20  }
0xd0: {  	v40 =	vld.idx.msk [tilespmem:v55+s20+$0x0], $0xffff;
	v46 =	vmul.f32 v49, v20;
	v26 =	vmul.f32 v50, v20  }
0xd1: {  	v60 =	vld [tilespmem:s29+$0xFFFFFE30];
	v25 =	vmul.f32 v51, v20;
	v51 =	vmul.f32 v54, v34  }
0xd2: {  	v59 =	vld [tilespmem:s29+$0xFFFFFEA0];
	v24 =	vimm.f32 $0.0e+00;
	v29 =	vimm.f32 $0.0e+00;
	v49 =	vmul.f32 v52, v23  }
0xd3: {  	v58 =	vld [tilespmem:s29+$0xFFFFFF20];
	v27 =	vimm.f32 $0.0e+00;
	v50 =	vmul.f32 v53, v23;
	v52 =	vmul.f32 v56, v34  }
0xd4: {  	[tilespmem:$0x1FFF0] =	vst v9;
	v9 =	vmovc v7;
	v7 =	vmovc v5;
	v55 =	vld [tilespmem:s29+$0xFFFFFE20];
	v28 =	vimm.f32 $0.0e+00;
	v53 =	vmul.f32 v57, v35;
	v54 =	vmul.f32 v16, v35  }
0xd5: {  	[tilespmem:$0x1FFE0] =	vst v8;
	v8 =	vmovc v6;
	v5 =	vmovc v2;
	v19 =	vimm.f32 $0.0e+00;
	v56 =	vld [tilespmem:s29+$0xFFFFFEB0];
	v61 =	vmul.f32 v17, v40;
	v62 =	vmul.f32 v18, v40  }
0xd6: {  	s30 =	simm.s32 $0xF;
	v6 =	vmovc v3;
	v3 =	vmovc v1;
	v57 =	vld [tilespmem:s29+$0xFFFFFF30];
	v18 =	vimm.f32 $0.0e+00;
	v17 =	vimm.f32 $0.0e+00;
	v16 =	vimm.f32 $0.0e+00  }
.LBB2_5:
0xd7: {  	_ = 	snop  }
0xd8: {  	v63 =	vld [tilespmem:s29+$0xFFFFFFA0];
	v24 =	vadd.f32 v61, v24  }
0xd9: {  	v1 =	vld [tilespmem:$0x1FFE0];
	v29 =	vadd.f32 v62, v29  }
0xda: {  	v61 =	vld [tilespmem:s29+$0xFFFFFFB0];
	v24 =	vadd.f32 v53, v24  }
0xdb: {  	v29 =	vadd.f32 v54, v29;
	v54 =	vld [tilespmem:s29+$0xFFFFFFD0];
	v55 =	vmul.f32 v55, v40;
	v60 =	vmul.f32 v60, v40  }
0xdc: {  	v62 =	vmul.f32 v56, v35;
	v56 =	vld [tilespmem:s29+$0xFFFFFFC0];
	v24 =	vadd.f32 v51, v24  }
0xdd: {  	v59 =	vmul.f32 v59, v35;
	v51 =	vld [tilespmem:s29+$0xFFFFFF50];
	v27 =	vadd.f32 v55, v27;
	v28 =	vadd.f32 v60, v28  }
0xde: {  	v60 =	vmul.f32 v58, v34;
	v58 =	vld [tilespmem:s29+$0xFFFFFEC0]  }
0xdf: {  	v55 =	vld [tilespmem:s29+$0xFFFFFFE0];
	v27 =	vadd.f32 v59, v27;
	v28 =	vadd.f32 v62, v28;
	v62 =	vmul.f32 v57, v34  }
0xe0: {  	v29 =	vadd.f32 v52, v29;
	v63 =	vmul.f32 v63, v23;
	v24 =	vadd.f32 v49, v24;
	v57 =	vld [tilespmem:s29+$0xFFFFFF40]  }
0xe1: {  	v27 =	vadd.f32 v60, v27;
	v28 =	vadd.f32 v62, v28;
	v60 =	vmul.f32 v61, v23;
	v62 =	vld [tilespmem:s29+$0xFFFFFE40]  }
0xe2: {  	v29 =	vadd.f32 v50, v29;
	v52 =	vmul.f32 v54, v23;
	v24 =	vadd.f32 v47, v24;
	v61 =	vld [tilespmem:s29+$0xFFFFFED0]  }
0xe3: {  	v49 =	vmul.f32 v56, v23;
	v56 =	vld [tilespmem:s29+$0xFFFFFE60];
	v27 =	vadd.f32 v63, v27;
	v28 =	vadd.f32 v60, v28  }
0xe4: {  	v29 =	vadd.f32 v48, v29;
	v48 =	vmul.f32 v51, v34;
	v24 =	vadd.f32 v43, v24;
	v63 =	vld [tilespmem:s29+$0xFFFFFE50]  }
0xe5: {  	v54 =	vmul.f32 v57, v34;
	v57 =	vld [tilespmem:s29+$0xFFFFFE70];
	v27 =	vadd.f32 v45, v27;
	v28 =	vadd.f32 v46, v28  }
0xe6: {  	v59 =	vld [tilespmem:s29+$0xFFFFFEE0];
	v29 =	vadd.f32 v44, v29;
	v46 =	vmul.f32 v58, v35;
	v60 =	vmul.f32 v62, v40  }
0xe7: {  	v58 =	vmul.f32 v61, v35;
	v61 =	vld [tilespmem:s29+$0xFFFFFEF0];
	v27 =	vadd.f32 v41, v27;
	v28 =	vadd.f32 v42, v28  }
0xe8: {  	v51 =	vld [tilespmem:s29+$0xFFFFFF70];
	v29 =	vadd.f32 v39, v29;
	v50 =	vmul.f32 v56, v40;
	v19 =	vadd.f32 v60, v19  }
0xe9: {  	v62 =	vmul.f32 v63, v40;
	v63 =	vld [tilespmem:s29+$0xFFFFFF60];
	v27 =	vadd.f32 v36, v27;
	v28 =	vadd.f32 v37, v28  }
0xea: {  	v17 =	vadd.f32 v50, v17;
	v60 =	vld [tilespmem:s29+$0xE0];
	v53 =	vmul.f32 v57, v40;
	v19 =	vadd.f32 v46, v19  }
0xeb: {  	v27 =	vadd.f32 v31, v27;
	v28 =	vadd.f32 v30, v28;
	v31 =	vld [tilespmem:s29+$0xFFFFFFF0]  }
0xec: {  	v57 =	vld [tilespmem:s29+$0x60];
	v30 =	vmul.f32 v59, v35;
	v16 =	vadd.f32 v53, v16;
	v56 =	vmul.f32 v61, v35  }
0xed: {  	v18 =	vadd.f32 v62, v18;
	v62 =	vld [tilespmem:s29+$0x170];
	v19 =	vadd.f32 v54, v19  }
0xee: {  	v59 =	vld [tilespmem:s29+$0x70];
	v17 =	vadd.f32 v30, v17;
	v16 =	vadd.f32 v56, v16;
	v30 =	vmul.f32 v51, v34  }
0xef: {  	v29 =	vadd.f32 v33, v29;
	v61 =	vld [tilespmem:s29+$0xF0];
	v19 =	vadd.f32 v49, v19  }
0xf0: {  	v33 =	vmul.f32 v55, v23;
	v16 =	vadd.f32 v30, v16;
	v30 =	vld [tilespmem:s29+$0x160];
	v23 =	vmul.f32 v31, v23  }
0xf1: {  	v24 =	vadd.f32 v38, v24;
	v19 =	vadd.f32 v26, v19;
	v26 =	vld [tilespmem:s29+$0x1F0]  }
0xf2: {  	v16 =	vadd.f32 v23, v16;
	v23 =	vld [tilespmem:s29+$0x1E0];
	s29 =	sadd.s32 $0x400, s29  }
0xf3: {  	v24 =	vadd.f32 v32, v24;
	v32 =	vld [tilespmem:s29+$0x180]  }
0xf4: {  	v19 =	vadd.f32 v22, v19;
	v22 =	vld [tilespmem:s29+$0x1A0]  }
0xf5: {  	v18 =	vadd.f32 v58, v18;
	v58 =	vmul.f32 v63, v34;
	v34 =	vld [tilespmem:s29+$0x130]  }
0xf6: {  	v35 =	vld [tilespmem:s29+$0x140]  }
0xf7: {  	v40 =	vld [tilespmem:s29+$0x150]  }
0xf8: {  	v41 =	vld [tilespmem:s29+$0x80]  }
0xf9: {  	v18 =	vadd.f32 v48, v18;
	v17 =	vadd.f32 v58, v17;
	v42 =	vld [tilespmem:s29+$0x90]  }
0xfa: {  	v45 =	vld [tilespmem:s29+$0xA0]  }
0xfb: {  	v18 =	vadd.f32 v52, v18;
	v31 =	vmul.f32 v57, v20;
	v17 =	vadd.f32 v33, v17;
	v46 =	vld [tilespmem:s29+$0xB0]  }
0xfc: {  	v20 =	vmul.f32 v59, v20;
	v47 =	vld [tilespmem:s29+$0xC0]  }
0xfd: {  	v18 =	vadd.f32 v25, v18;
	v25 =	vmul.f32 v60, v13;
	v17 =	vadd.f32 v31, v17;
	v48 =	vld [tilespmem:s29+$0xD0]  }
0xfe: {  	v13 =	vmul.f32 v61, v13;
	v49 =	vld [tilespmem:s29+$0x0];
	v16 =	vadd.f32 v20, v16  }
0xff: {  	v50 =	vld [tilespmem:s29+$0x10];
	v18 =	vadd.f32 v21, v18;
	v21 =	vmul.f32 v30, v10;
	v17 =	vadd.f32 v25, v17  }
0x100: {  	v51 =	vld [tilespmem:s29+$0x20];
	v10 =	vmul.f32 v62, v10;
	v13 =	vadd.f32 v13, v16  }
0x101: {  	s10 =	sadd.s32 $0xFFFFFFFB, s30;
	v52 =	vld [tilespmem:s29+$0x30];
	v14 =	vadd.f32 v14, v18;
	v16 =	vmul.f32 v23, v4;
	v17 =	vadd.f32 v21, v17  }
0x102: {  	s1 =	sadd.s32 $0xFFFFFFFE, s30;
	v31 =	vmov s10;
	v53 =	vld [tilespmem:s29+$0x40];
	v4 =	vmul.f32 v26, v4;
	v10 =	vadd.f32 v10, v13  }
0x103: {  	v54 =	vld [tilespmem:s29+$0x50];
	v18 =	vadd.f32 v11, v14;
	v11 =	vmov s1;
	v17 =	vadd.f32 v16, v17  }
0x104: {  	v56 =	vld [tilespmem:s29+$0xFFFFFF80];
	v11 =	vshrl.u32 v11, $0x3;
	v16 =	vadd.f32 v4, v10;
	v4 =	vmov s30  }
0x105: {  	s14 =	sadd.s32 $0xFFFFFFFA, s30;
	v57 =	vld [tilespmem:s29+$0xFFFFFF90];
	v15 =	vadd.f32 v15, v19;
	v11 =	vshll.u32 v11, v0;
	v4 =	vshrl.u32 v4, $0x3  }
0x106: {  	v58 =	vld [tilespmem:s29+$0xFFFFFF00];
	v30 =	vmov s14;
	v11 =	vadd.s32 v11, v9;
	v4 =	vshll.u32 v4, v0  }
0x107: {  	s13 =	sadd.s32 $0xFFFFFFFC, s30;
	s31 =	sadd.s32 $0xFFFFFFFD, s30;
	v19 =	vadd.f32 v12, v15;
	v11 =	vbroadcast v11, $0x0;
	v4 =	vadd.s32 v4, v1;
	v1 =	vld [tilespmem:$0x1FFF0]  }
0x108: {  	s0 =	sadd.s32 $0xFFFFFFFF, s30;
	v61 =	vld [tilespmem:s29+$0xFFFFFF10];
	v12 =	vmov s13;
	v13 =	vmov s31;
	s31 =	sadd.s32 $0xFFFFFFF9, s30;
	v4 =	vbroadcast v4, $0x0  }
0x109: {  	v2 =	vld [tilespmem:s29+$0xFFFFFE00];
	v63 =	vmov s31;
	v13 =	vshrl.u32 v13, $0x3;
	v10 =	vmov s0  }
0x10a: {  	v20 =	vld [tilespmem:s29+$0x190];
	v33 =	vshrl.u32 v63, $0x3;
	v13 =	vshll.u32 v13, v0;
	v10 =	vshrl.u32 v10, $0x3  }
0x10b: {  	v62 =	vld [tilespmem:s29+$0xFFFFFE80];
	v33 =	vshll.u32 v33, v0;
	v13 =	vadd.s32 v13, v8;
	v10 =	vshll.u32 v10, v0  }
0x10c: {  	v25 =	vld [tilespmem:s29+$0x1B0];
	v36 =	vbroadcast v13, $0x0;
	v13 =	vadd.s32 v3, v33;
	v10 =	vadd.s32 v10, v1  }
0x10d: {  	v12 =	vshrl.u32 v12, $0x3;
	v59 =	vbroadcast v13, $0x0;
	v13 =	vld.idx.msk [tilespmem:v11+s20+$0x0], $0xffff;
	v10 =	vbroadcast v10, $0x0  }
0x10e: {  	v31 =	vshrl.u32 v31, $0x3;
	v30 =	vshrl.u32 v30, $0x3;
	v12 =	vshll.u32 v12, v0;
	v4 =	vld.idx.msk [tilespmem:v4+s20+$0x0], $0xffff  }
0x10f: {  	v31 =	vshll.u32 v31, v0;
	v30 =	vshll.u32 v30, v0;
	v23 =	vld [tilespmem:s29+$0x1C0];
	v12 =	vadd.s32 v12, v7  }
0x110: {  	v31 =	vadd.s32 v31, v6;
	v21 =	vld [tilespmem:s29+$0x1D0];
	v30 =	vadd.s32 v30, v5;
	v43 =	vbroadcast v12, $0x0  }
0x111: {  	v15 =	vld [tilespmem:s29+$0x110];
	v55 =	vbroadcast v31, $0x0;
	v60 =	vbroadcast v30, $0x0  }
0x112: {  	v14 =	vld [tilespmem:s29+$0x100];
	v44 =	vmul.f32 v42, v13;
	v42 =	vmul.f32 v46, v13  }
0x113: {  	v10 =	vld.idx.msk [tilespmem:v10+s20+$0x0], $0xffff;
	v32 =	vmul.f32 v32, v4;
	v33 =	vmul.f32 v20, v4  }
0x114: {  	v26 =	vld [tilespmem:s29+$0x120];
	v31 =	vmul.f32 v22, v4;
	v30 =	vmul.f32 v25, v4  }
0x115: {  	v12 =	vmul.f32 v23, v4;
	v11 =	vmul.f32 v21, v4;
	v20 =	vld.idx.msk [tilespmem:v36+s20+$0x0], $0xffff  }
0x116: {  	v23 =	vld.idx.msk [tilespmem:v43+s20+$0x0], $0xffff;
	v43 =	vmul.f32 v41, v13;
	v41 =	vmul.f32 v45, v13  }
0x117: {  	v63 =	vld [tilespmem:s29+$0xFFFFFE90];
	v22 =	vmul.f32 v47, v13;
	v21 =	vmul.f32 v48, v13  }
0x118: {  	v1 =	vld [tilespmem:s29+$0xFFFFFE10];
	v38 =	vmul.f32 v14, v10;
	v39 =	vmul.f32 v15, v10  }
0x119: {  	v36 =	vmul.f32 v26, v10;
	v37 =	vmul.f32 v34, v10;
	v34 =	vld.idx.msk [tilespmem:v55+s20+$0x0], $0xffff  }
0x11a: {  	v15 =	vmul.f32 v35, v10;
	v14 =	vmul.f32 v40, v10;
	v35 =	vld.idx.msk [tilespmem:v60+s20+$0x0], $0xffff  }
0x11b: {  	v40 =	vld.idx.msk [tilespmem:v59+s20+$0x0], $0xffff;
	v47 =	vmul.f32 v49, v20;
	v48 =	vmul.f32 v50, v20  }
0x11c: {  	p0 =	sne.s32 s30, $0x3F;
	v55 =	vld [tilespmem:s29+$0xFFFFFE20];
	v45 =	vmul.f32 v51, v20;
	v46 =	vmul.f32 v52, v20  }
.Ltmp3:
0x11d: {  	v60 =	vld [tilespmem:s29+$0xFFFFFE30];
	v26 =	vmul.f32 v53, v20;
	v25 =	vmul.f32 v54, v20;
	(pc) =	sbr.rel @p0 .LBB2_5-.Ltmp3, $4  }
0x11e: {  	v59 =	vld [tilespmem:s29+$0xFFFFFEA0];
	v49 =	vmul.f32 v56, v23;
	v50 =	vmul.f32 v57, v23  }
0x11f: {  	v56 =	vld [tilespmem:s29+$0xFFFFFEB0];
	v51 =	vmul.f32 v58, v34;
	v52 =	vmul.f32 v61, v34  }
0x120: {  	v57 =	vld [tilespmem:s29+$0xFFFFFF30];
	v53 =	vmul.f32 v62, v35;
	v54 =	vmul.f32 v63, v35  }
0x121: {  	s30 =	sadd.s32 $0x8, s30;
	v58 =	vld [tilespmem:s29+$0xFFFFFF20];
	v61 =	vmul.f32 v2, v40;
	v62 =	vmul.f32 v1, v40  }
0x122: {  	_ = 	snop  }
0x123: {  	v1 =	vmul.f32 v55, v40;
	v2 =	vmul.f32 v60, v40;
	v3 =	vld [tilespmem:s29+$0xFFFFFFA0]  }
0x124: {  	v8 =	vld [tilespmem:s29+$0xFFFFFFB0];
	v5 =	vadd.f32 v61, v24;
	v6 =	vadd.f32 v62, v29;
	v7 =	vmul.f32 v59, v35  }
0x125: {  	v1 =	vadd.f32 v1, v27;
	v2 =	vadd.f32 v2, v28;
	v9 =	vmul.f32 v56, v35  }
0x126: {  	v24 =	vld [tilespmem:s29+$0xFFFFFFC0];
	v5 =	vadd.f32 v53, v5;
	v6 =	vadd.f32 v54, v6;
	v27 =	vmul.f32 v58, v34  }
0x127: {  	v29 =	vld [tilespmem:s29+$0xFFFFFF50];
	v1 =	vadd.f32 v7, v1;
	v2 =	vadd.f32 v9, v2;
	v7 =	vmul.f32 v57, v34  }
0x128: {  	v28 =	vld [tilespmem:s29+$0xFFFFFFD0];
	v5 =	vadd.f32 v51, v5;
	v6 =	vadd.f32 v52, v6;
	v3 =	vmul.f32 v3, v23  }
0x129: {  	v52 =	vld [tilespmem:s29+$0xFFFFFE60];
	v1 =	vadd.f32 v27, v1;
	v2 =	vadd.f32 v7, v2;
	v7 =	vmul.f32 v8, v23  }
0x12a: {  	v9 =	vld [tilespmem:s29+$0xFFFFFF40];
	v5 =	vadd.f32 v49, v5;
	v6 =	vadd.f32 v50, v6  }
0x12b: {  	v8 =	vld [tilespmem:s29+$0xFFFFFEC0];
	v24 =	vmul.f32 v24, v23;
	v1 =	vadd.f32 v3, v1;
	v2 =	vadd.f32 v7, v2  }
0x12c: {  	v29 =	vmul.f32 v29, v34;
	v3 =	vld [tilespmem:s29+$0xFFFFFE40];
	v5 =	vadd.f32 v47, v5;
	v6 =	vadd.f32 v48, v6  }
0x12d: {  	v7 =	vmul.f32 v28, v23;
	v28 =	vld [tilespmem:s29+$0xFFFFFE50];
	v1 =	vadd.f32 v45, v1;
	v2 =	vadd.f32 v46, v2  }
0x12e: {  	v27 =	vld [tilespmem:s29+$0xFFFFFED0];
	v57 =	vmul.f32 v52, v40;
	v5 =	vadd.f32 v43, v5;
	v6 =	vadd.f32 v44, v6  }
0x12f: {  	v53 =	vld [tilespmem:s29+$0xFFFFFE70];
	v9 =	vmul.f32 v9, v34;
	v1 =	vadd.f32 v41, v1;
	v2 =	vadd.f32 v42, v2  }
0x130: {  	v54 =	vld [tilespmem:s29+$0xFFFFFEE0];
	v8 =	vmul.f32 v8, v35;
	v17 =	vadd.f32 v57, v17;
	v5 =	vadd.f32 v38, v5  }
0x131: {  	v55 =	vld [tilespmem:s29+$0xFFFFFEF0];
	v6 =	vadd.f32 v39, v6;
	v3 =	vmul.f32 v3, v40;
	v1 =	vadd.f32 v36, v1  }
0x132: {  	v56 =	vld [tilespmem:s29+$0xFFFFFF60];
	v28 =	vmul.f32 v28, v40;
	v2 =	vadd.f32 v37, v2;
	v5 =	vadd.f32 v32, v5  }
0x133: {  	v58 =	vld [tilespmem:s29+$0xFFFFFF70];
	v27 =	vmul.f32 v27, v35;
	v6 =	vadd.f32 v33, v6;
	v3 =	vadd.f32 v3, v19  }
0x134: {  	v19 =	vmul.f32 v53, v40;
	v18 =	vadd.f32 v28, v18;
	v1 =	vadd.f32 v31, v1;
	v31 =	vld [tilespmem:s29+$0xFFFFFFE0]  }
0x135: {  	v28 =	vmul.f32 v54, v35;
	v2 =	vadd.f32 v30, v2;
	v30 =	vld [tilespmem:s29+$0xFFFFFFF0];
	v3 =	vadd.f32 v8, v3  }
0x136: {  	v8 =	vadd.f32 v19, v16;
	v16 =	vmul.f32 v55, v35;
	v19 =	vld [tilespmem:s29+$0x60];
	v18 =	vadd.f32 v27, v18  }
0x137: {  	v59 =	vld [tilespmem:s29+$0x70];
	v27 =	vmul.f32 v56, v34;
	v17 =	vadd.f32 v28, v17;
	v3 =	vadd.f32 v9, v3  }
0x138: {  	v8 =	vadd.f32 v16, v8;
	v9 =	vmul.f32 v58, v34;
	v16 =	vld [tilespmem:s29+$0xE0];
	v18 =	vadd.f32 v29, v18  }
0x139: {  	v29 =	vld [tilespmem:s29+$0xF0];
	v17 =	vadd.f32 v27, v17;
	v28 =	vmul.f32 v31, v23;
	v3 =	vadd.f32 v24, v3  }
0x13a: {  	v8 =	vadd.f32 v9, v8;
	v9 =	vmul.f32 v30, v23;
	v23 =	vld [tilespmem:s29+$0x160];
	v7 =	vadd.f32 v7, v18  }
0x13b: {  	v18 =	vmul.f32 v19, v20;
	v19 =	vld [tilespmem:s29+$0x170];
	v17 =	vadd.f32 v28, v17;
	v3 =	vadd.f32 v26, v3  }
0x13c: {  	s0 =	smul.u32 $0xC00, s26;
	v8 =	vadd.f32 v9, v8;
	v9 =	vmul.f32 v59, v20;
	v20 =	vld [tilespmem:s29+$0x1E0];
	v7 =	vadd.f32 v25, v7  }
0x13d: {  	v24 =	vld [tilespmem:s29+$0x1F0];
	v16 =	vmul.f32 v16, v13;
	v17 =	vadd.f32 v18, v17;
	v3 =	vadd.f32 v22, v3  }
0x13e: {  	s0 =	sshra.s32 s0, $0x2;
	v8 =	vadd.f32 v9, v8;
	v9 =	vmul.f32 v29, v13;
	v7 =	vadd.f32 v21, v7  }
0x13f: {  	[tilespmem:s0+$0x2400] =	vst v5;
	v13 =	vmul.f32 v23, v10;
	v16 =	vadd.f32 v16, v17;
	v3 =	vadd.f32 v15, v3  }
0x140: {  	[tilespmem:s0+$0x2410] =	vst v6;
	v5 =	vadd.f32 v9, v8;
	v8 =	vmul.f32 v19, v10;
	v7 =	vadd.f32 v14, v7  }
0x141: {  	[tilespmem:s0+$0x2420] =	vst v1;
	v6 =	vmul.f32 v20, v4;
	v9 =	vadd.f32 v13, v16;
	v3 =	vadd.f32 v12, v3  }
0x142: {  	[tilespmem:s0+$0x2430] =	vst v2;
	v4 =	vmul.f32 v24, v4;
	v1 =	vadd.f32 v8, v5;
	v5 =	vadd.f32 v11, v7  }
0x143: {  	v2 =	vadd.f32 v6, v9;
	[tilespmem:s0+$0x2440] =	vst v3  }
0x144: {  	v1 =	vadd.f32 v4, v1;
	[tilespmem:s0+$0x2450] =	vst v5  }
0x145: {  	[tilespmem:s0+$0x2460] =	vst v2  }
0x146: {  	s29 =	simm.s32 $0x50F0;
	[tilespmem:s0+$0x2470] =	vst v1  }
0x147: {  	v5 =	vld [tilespmem:s29+$0xFFFFFF90]  }
0x148: {  	v7 =	vld [tilespmem:s29+$0xFFFFFFA0]  }
0x149: {  	v14 =	vld [tilespmem:s29+$0xFFFFFFB0]  }
0x14a: {  	v15 =	vld [tilespmem:s29+$0xFFFFFFC0]  }
0x14b: {  	v16 =	vld [tilespmem:s29+$0xFFFFFFD0]  }
0x14c: {  	v17 =	vld [tilespmem:s29+$0xFFFFFFE0]  }
0x14d: {  	v18 =	vld [tilespmem:s29+$0xFFFFFF10]  }
0x14e: {  	v19 =	vld [tilespmem:s29+$0xFFFFFF20]  }
0x14f: {  	v20 =	vld [tilespmem:s29+$0xFFFFFF30]  }
0x150: {  	v21 =	vld [tilespmem:s29+$0xFFFFFF40]  }
0x151: {  	v22 =	vld [tilespmem:s29+$0xFFFFFF50]  }
0x152: {  	v23 =	vld [tilespmem:s29+$0xFFFFFF60]  }
0x153: {  	v24 =	vld [tilespmem:s29+$0xFFFFFE90]  }
0x154: {  	v25 =	vld [tilespmem:s29+$0xFFFFFEA0]  }
0x155: {  	s30 =	sor.u32 $0x1, s28;
	s14 =	simm.s32 $0x0;
	v31 =	vld [tilespmem:s29+$0xFFFFFEB0]  }
0x156: {  	s31 =	sshll.u32 s30, $0x6;
	v1 =	vmov s14;
	v32 =	vld [tilespmem:s29+$0xFFFFFEC0]  }
0x157: {  	v3 =	vmov s31;
	v1 =	vshrl.u32 v1, $0x3;
	v33 =	vld [tilespmem:s29+$0xFFFFFED0]  }
0x158: {  	v2 =	vor.u32 $0x7, v3;
	v34 =	vld [tilespmem:s29+$0xFFFFFEE0];
	v13 =	vshll.u32 v1, v0  }
0x159: {  	v45 =	vld [tilespmem:s29+$0xFFFFFE10];
	v1 =	vadd.s32 v13, v2  }
0x15a: {  	v46 =	vld [tilespmem:s29+$0xFFFFFE20];
	v1 =	vbroadcast v1, $0x0  }
0x15b: {  	v4 =	vor.u32 $0x5, v3;
	v49 =	vld [tilespmem:s29+$0xFFFFFE30]  }
0x15c: {  	v50 =	vld [tilespmem:s29+$0xFFFFFE40];
	v9 =	vadd.s32 v13, v4  }
0x15d: {  	[tilespmem:$0x1FFB0] =	vst v2;
	v51 =	vld [tilespmem:s29+$0xFFFFFE50];
	v2 =	vor.u32 $0x6, v3;
	v26 =	vbroadcast v9, $0x0  }
0x15e: {  	v52 =	vld [tilespmem:s29+$0xFFFFFE60];
	[tilespmem:$0x1FFC0] =	vst v2;
	v2 =	vadd.s32 v13, v2  }
0x15f: {  	v10 =	vor.u32 $0x3, v3;
	v53 =	vld [tilespmem:s29+$0xFFFFFD90];
	v2 =	vbroadcast v2, $0x0  }
0x160: {  	v11 =	vor.u32 $0x4, v3;
	v12 =	vor.u32 $0x2, v3;
	v27 =	vadd.s32 v13, v10;
	v1 =	vld.idx.msk [tilespmem:v1+s20+$0x0], $0xffff  }
0x161: {  	v54 =	vld [tilespmem:s29+$0xFFFFFDA0];
	v28 =	vadd.s32 v13, v11;
	v30 =	vadd.s32 v13, v12;
	v9 =	vor.u32 $0x1, v3  }
0x162: {  	v55 =	vld [tilespmem:s29+$0xFFFFFD10];
	v28 =	vbroadcast v28, $0x0;
	v29 =	vadd.s32 v13, v9;
	v13 =	vadd.s32 v3, v13  }
0x163: {  	v35 =	vbroadcast v30, $0x0;
	v47 =	vbroadcast v13, $0x0;
	v13 =	vld.idx.msk [tilespmem:v26+s20+$0x0], $0xffff  }
0x164: {  	v61 =	vld [tilespmem:s29+$0xFFFFFD20];
	v40 =	vbroadcast v27, $0x0;
	v60 =	vbroadcast v29, $0x0  }
0x165: {  	v2 =	vld.idx.msk [tilespmem:v2+s20+$0x0], $0xffff;
	v29 =	vmul.f32 v5, v1;
	v30 =	vmul.f32 v7, v1  }
0x166: {  	v62 =	vld [tilespmem:s29+$0xFFFFFC90];
	v27 =	vmul.f32 v14, v1;
	v26 =	vmul.f32 v15, v1  }
0x167: {  	v63 =	vld [tilespmem:s29+$0xFFFFFCA0];
	v7 =	vmul.f32 v16, v1;
	v5 =	vmul.f32 v17, v1  }
0x168: {  	v16 =	vld.idx.msk [tilespmem:v28+s20+$0x0], $0xffff;
	v43 =	vmul.f32 v24, v13;
	v44 =	vmul.f32 v25, v13  }
0x169: {  	v28 =	vld.idx.msk [tilespmem:v35+s20+$0x0], $0xffff;
	v41 =	vmul.f32 v31, v13;
	v42 =	vmul.f32 v32, v13  }
0x16a: {  	v35 =	vld.idx.msk [tilespmem:v60+s20+$0x0], $0xffff;
	v17 =	vmul.f32 v34, v13;
	v38 =	vmul.f32 v18, v2  }
0x16b: {  	v39 =	vmul.f32 v19, v2;
	v19 =	vld [tilespmem:s29+$0xFFFFFC10];
	v36 =	vmul.f32 v20, v2  }
0x16c: {  	v37 =	vmul.f32 v21, v2;
	v20 =	vld [tilespmem:s29+$0xFFFFFC20];
	v15 =	vmul.f32 v22, v2  }
0x16d: {  	v14 =	vmul.f32 v23, v2;
	v23 =	vld.idx.msk [tilespmem:v40+s20+$0x0], $0xffff;
	v18 =	vmul.f32 v33, v13  }
0x16e: {  	v40 =	vld.idx.msk [tilespmem:v47+s20+$0x0], $0xffff;
	v47 =	vmul.f32 v45, v16;
	v48 =	vmul.f32 v46, v16  }
0x16f: {  	v21 =	vld [tilespmem:s29+$0xFFFFFC30];
	v45 =	vmul.f32 v49, v16;
	v46 =	vmul.f32 v50, v16  }
0x170: {  	v22 =	vld [tilespmem:s29+$0xFFFFFC40];
	v25 =	vmul.f32 v51, v16;
	v24 =	vmul.f32 v52, v16  }
0x171: {  	v31 =	vimm.f32 $0.0e+00;
	v51 =	vmul.f32 v55, v28;
	v52 =	vmul.f32 v61, v28  }
0x172: {  	v59 =	vld [tilespmem:s29+$0xFFFFFCB0];
	v34 =	vimm.f32 $0.0e+00;
	v49 =	vmul.f32 v53, v23;
	v50 =	vmul.f32 v54, v23  }
0x173: {  	v57 =	vld [tilespmem:s29+$0xFFFFFCC0];
	v32 =	vimm.f32 $0.0e+00;
	v53 =	vmul.f32 v62, v35;
	v54 =	vmul.f32 v63, v35  }
0x174: {  	v58 =	vld [tilespmem:s29+$0xFFFFFD30];
	v33 =	vimm.f32 $0.0e+00;
	v62 =	vmul.f32 v19, v40;
	v63 =	vmul.f32 v20, v40  }
0x175: {  	v56 =	vld [tilespmem:s29+$0xFFFFFD40];
	v60 =	vmul.f32 v21, v40;
	v61 =	vmul.f32 v22, v40;
	v22 =	vimm.f32 $0.0e+00  }
0x176: {  	s1 =	simm.s32 $0x8;
	v8 =	vmovc v3;
	[tilespmem:$0x1FFD0] =	vst v4;
	v55 =	vld [tilespmem:s29+$0xFFFFFDB0];
	v21 =	vimm.f32 $0.0e+00;
	v20 =	vimm.f32 $0.0e+00;
	v19 =	vimm.f32 $0.0e+00  }
.LBB2_7:
0x177: {  	v31 =	vadd.f32 v62, v31  }
0x178: {  	v3 =	vld [tilespmem:$0x1FFD0];
	v34 =	vadd.f32 v63, v34  }
0x179: {  	v62 =	vld [tilespmem:s29+$0xFFFFFDC0];
	v32 =	vadd.f32 v60, v32;
	v31 =	vadd.f32 v53, v31  }
0x17a: {  	v33 =	vadd.f32 v61, v33;
	v60 =	vld [tilespmem:s29+$0xFFFFFDD0];
	v34 =	vadd.f32 v54, v34;
	v59 =	vmul.f32 v59, v35  }
0x17b: {  	v57 =	vmul.f32 v57, v35;
	v63 =	vmul.f32 v58, v28;
	v58 =	vld [tilespmem:s29+$0xFFFFFC60];
	v31 =	vadd.f32 v51, v31  }
0x17c: {  	v54 =	vld [tilespmem:s29+$0xFFFFFDE0];
	v56 =	vmul.f32 v56, v28;
	v34 =	vadd.f32 v52, v34;
	v32 =	vadd.f32 v59, v32  }
0x17d: {  	v52 =	vmul.f32 v55, v23;
	v33 =	vadd.f32 v57, v33;
	v57 =	vld [tilespmem:s29+$0xFFFFFD50];
	v31 =	vadd.f32 v49, v31  }
0x17e: {  	v62 =	vmul.f32 v62, v23;
	v59 =	vld [tilespmem:s29+$0xFFFFFC70];
	v34 =	vadd.f32 v50, v34;
	v32 =	vadd.f32 v63, v32  }
0x17f: {  	v49 =	vmul.f32 v60, v23;
	v50 =	vld [tilespmem:s29+$0xFFFFFC50];
	v33 =	vadd.f32 v56, v33;
	v31 =	vadd.f32 v47, v31  }
0x180: {  	v51 =	vld [tilespmem:s29+$0xFFFFFD60];
	v34 =	vadd.f32 v48, v34;
	v55 =	vmul.f32 v58, v40;
	v32 =	vadd.f32 v52, v32  }
0x181: {  	v63 =	vld [tilespmem:s29+$0xFFFFFCE0];
	v33 =	vadd.f32 v62, v33;
	v52 =	vmul.f32 v54, v23;
	v31 =	vadd.f32 v43, v31  }
0x182: {  	v61 =	vld [tilespmem:s29+$0xFFFFFCD0];
	v54 =	vmul.f32 v57, v28;
	v34 =	vadd.f32 v44, v34;
	v21 =	vadd.f32 v55, v21  }
0x183: {  	v60 =	vld [tilespmem:s29+$0xFFFFFC80];
	v57 =	vmul.f32 v59, v40;
	v32 =	vadd.f32 v45, v32;
	v33 =	vadd.f32 v46, v33  }
0x184: {  	v56 =	vld [tilespmem:s29+$0xFFFFFD70];
	v50 =	vmul.f32 v50, v40;
	v31 =	vadd.f32 v38, v31;
	v34 =	vadd.f32 v39, v34  }
0x185: {  	v48 =	vmul.f32 v51, v28;
	v51 =	vld [tilespmem:s29+$0xFFFFFD00];
	v20 =	vadd.f32 v57, v20;
	v32 =	vadd.f32 v41, v32  }
0x186: {  	v62 =	vmul.f32 v63, v35;
	v63 =	vld [tilespmem:s29+$0xFFFFFCF0];
	v33 =	vadd.f32 v42, v33;
	v22 =	vadd.f32 v50, v22  }
0x187: {  	v61 =	vmul.f32 v61, v35;
	v58 =	vld [tilespmem:s29+$0xFFFFFD80];
	v31 =	vadd.f32 v29, v31;
	v34 =	vadd.f32 v30, v34  }
0x188: {  	v59 =	vld [tilespmem:s29+$0xFFFFFE70];
	v29 =	vmul.f32 v60, v40;
	v21 =	vadd.f32 v62, v21;
	v32 =	vadd.f32 v36, v32  }
0x189: {  	v30 =	vld [tilespmem:s29+$0xFFFFFDF0];
	v33 =	vadd.f32 v37, v33;
	v22 =	vadd.f32 v61, v22  }
0x18a: {  	v19 =	vadd.f32 v29, v19;
	v32 =	vadd.f32 v27, v32;
	v27 =	vld [tilespmem:s29+$0xFFFFFE00]  }
0x18b: {  	v62 =	vld [tilespmem:s29+$0xFFFFFF80];
	v29 =	vmul.f32 v51, v35;
	v33 =	vadd.f32 v26, v33;
	v26 =	vmul.f32 v63, v35  }
0x18c: {  	v60 =	vmul.f32 v56, v28;
	v61 =	vld [tilespmem:s29+$0xFFFFFE80];
	v22 =	vadd.f32 v54, v22  }
0x18d: {  	v19 =	vadd.f32 v29, v19;
	v20 =	vadd.f32 v26, v20;
	v26 =	vmul.f32 v58, v28;
	v28 =	vld [tilespmem:s29+$0xFFFFFEF0]  }
0x18e: {  	v21 =	vadd.f32 v48, v21;
	v29 =	vmul.f32 v30, v23;
	v30 =	vld [tilespmem:s29+$0xFFFFFF00];
	v22 =	vadd.f32 v49, v22  }
0x18f: {  	v20 =	vadd.f32 v60, v20;
	v19 =	vadd.f32 v26, v19;
	v26 =	vld [tilespmem:s29+$0xFFFFFF70];
	v23 =	vmul.f32 v27, v23  }
0x190: {  	v21 =	vadd.f32 v52, v21;
	v22 =	vadd.f32 v25, v22;
	v25 =	vld [tilespmem:s29+$0x0]  }
0x191: {  	v27 =	vmul.f32 v59, v16;
	v20 =	vadd.f32 v29, v20;
	v19 =	vadd.f32 v23, v19;
	v23 =	vld [tilespmem:s29+$0xFFFFFFF0];
	s29 =	sadd.s32 $0x400, s29  }
0x192: {  	v21 =	vadd.f32 v24, v21;
	v18 =	vadd.f32 v18, v22;
	v24 =	vmul.f32 v28, v13;
	v28 =	vld [tilespmem:s29+$0xFFFFFF90]  }
0x193: {  	v20 =	vadd.f32 v27, v20;
	v27 =	vld [tilespmem:s29+$0xFFFFFFA0]  }
0x194: {  	v15 =	vadd.f32 v15, v18;
	v18 =	vld [tilespmem:s29+$0xFFFFFFD0]  }
0x195: {  	v35 =	vld [tilespmem:s29+$0xFFFFFF60]  }
0x196: {  	v40 =	vld [tilespmem:s29+$0xFFFFFE90]  }
0x197: {  	v41 =	vld [tilespmem:s29+$0xFFFFFEA0]  }
0x198: {  	v42 =	vld [tilespmem:s29+$0xFFFFFEB0]  }
0x199: {  	v45 =	vld [tilespmem:s29+$0xFFFFFEC0]  }
0x19a: {  	v16 =	vmul.f32 v61, v16;
	v46 =	vld [tilespmem:s29+$0xFFFFFED0]  }
0x19b: {  	v47 =	vld [tilespmem:s29+$0xFFFFFEE0]  }
0x19c: {  	v13 =	vmul.f32 v30, v13;
	v48 =	vld [tilespmem:s29+$0xFFFFFE10];
	v16 =	vadd.f32 v16, v19  }
0x19d: {  	v17 =	vadd.f32 v17, v21;
	v49 =	vld [tilespmem:s29+$0xFFFFFE20];
	v19 =	vmul.f32 v26, v2  }
0x19e: {  	v50 =	vld [tilespmem:s29+$0xFFFFFE30];
	v2 =	vmul.f32 v62, v2;
	v20 =	vadd.f32 v24, v20;
	v13 =	vadd.f32 v13, v16  }
0x19f: {  	v14 =	vadd.f32 v14, v17;
	v51 =	vld [tilespmem:s29+$0xFFFFFE40];
	v17 =	vmul.f32 v23, v1  }
0x1a0: {  	v52 =	vld [tilespmem:s29+$0xFFFFFE50];
	v19 =	vadd.f32 v19, v20;
	v1 =	vmul.f32 v25, v1;
	v2 =	vadd.f32 v2, v13  }
0x1a1: {  	v53 =	vld [tilespmem:s29+$0xFFFFFE60]  }
0x1a2: {  	v20 =	vadd.f32 v17, v19;
	v19 =	vadd.f32 v1, v2;
	v1 =	vmov s1;
	v2 =	vld [tilespmem:$0x1FFC0]  }
0x1a3: {  	v54 =	vld [tilespmem:s29+$0xFFFFFD90];
	v1 =	vshrl.u32 v1, $0x3  }
0x1a4: {  	v21 =	vadd.f32 v5, v14;
	v5 =	vshll.u32 v1, v0;
	v1 =	vld [tilespmem:$0x1FFB0]  }
0x1a5: {  	v55 =	vld [tilespmem:s29+$0xFFFFFDA0]  }
0x1a6: {  	v58 =	vld [tilespmem:s29+$0xFFFFFD10];
	v22 =	vadd.f32 v7, v15;
	v7 =	vadd.s32 v5, v3  }
0x1a7: {  	v60 =	vld [tilespmem:s29+$0xFFFFFD20];
	v7 =	vbroadcast v7, $0x0;
	v2 =	vadd.s32 v5, v2  }
0x1a8: {  	v61 =	vld [tilespmem:s29+$0xFFFFFC90];
	v2 =	vbroadcast v2, $0x0  }
0x1a9: {  	v26 =	vld [tilespmem:s29+$0xFFFFFFB0];
	v1 =	vadd.s32 v5, v1  }
0x1aa: {  	v14 =	vld [tilespmem:s29+$0xFFFFFF10];
	v1 =	vbroadcast v1, $0x0  }
0x1ab: {  	v15 =	vld [tilespmem:s29+$0xFFFFFF20]  }
0x1ac: {  	v25 =	vld [tilespmem:s29+$0xFFFFFF50];
	v13 =	vadd.s32 v5, v10  }
0x1ad: {  	v43 =	vbroadcast v13, $0x0;
	v13 =	vld.idx.msk [tilespmem:v7+s20+$0x0], $0xffff  }
0x1ae: {  	v2 =	vld.idx.msk [tilespmem:v2+s20+$0x0], $0xffff  }
0x1af: {  	v17 =	vld [tilespmem:s29+$0xFFFFFF30];
	v29 =	vadd.s32 v5, v11;
	v30 =	vadd.s32 v5, v9;
	v63 =	vadd.s32 v5, v12  }
0x1b0: {  	v37 =	vbroadcast v29, $0x0;
	v56 =	vbroadcast v63, $0x0;
	v5 =	vadd.s32 v8, v5;
	v1 =	vld.idx.msk [tilespmem:v1+s20+$0x0], $0xffff  }
0x1b1: {  	v16 =	vld [tilespmem:s29+$0xFFFFFFC0];
	v59 =	vbroadcast v30, $0x0;
	v57 =	vbroadcast v5, $0x0  }
0x1b2: {  	v4 =	vld [tilespmem:s29+$0xFFFFFC30];
	v44 =	vmul.f32 v41, v13;
	v41 =	vmul.f32 v42, v13  }
0x1b3: {  	v24 =	vld [tilespmem:s29+$0xFFFFFF40];
	v42 =	vmul.f32 v45, v13;
	v38 =	vmul.f32 v14, v2  }
0x1b4: {  	v23 =	vld [tilespmem:s29+$0xFFFFFFE0];
	v39 =	vmul.f32 v15, v2;
	v36 =	vmul.f32 v17, v2  }
0x1b5: {  	v62 =	vld [tilespmem:s29+$0xFFFFFCA0];
	v15 =	vmul.f32 v25, v2;
	v30 =	vmul.f32 v27, v1  }
0x1b6: {  	v27 =	vmul.f32 v26, v1;
	v26 =	vmul.f32 v16, v1;
	v16 =	vld.idx.msk [tilespmem:v37+s20+$0x0], $0xffff  }
0x1b7: {  	v3 =	vld [tilespmem:s29+$0xFFFFFC20];
	v14 =	vmul.f32 v35, v2;
	v17 =	vmul.f32 v47, v13  }
0x1b8: {  	v63 =	vld [tilespmem:s29+$0xFFFFFC10];
	v29 =	vmul.f32 v28, v1;
	v7 =	vmul.f32 v18, v1  }
0x1b9: {  	v5 =	vmul.f32 v23, v1;
	v37 =	vmul.f32 v24, v2;
	v23 =	vld.idx.msk [tilespmem:v43+s20+$0x0], $0xffff  }
0x1ba: {  	v43 =	vmul.f32 v40, v13;
	v28 =	vld.idx.msk [tilespmem:v56+s20+$0x0], $0xffff;
	v18 =	vmul.f32 v46, v13  }
0x1bb: {  	v35 =	vld.idx.msk [tilespmem:v59+s20+$0x0], $0xffff;
	v47 =	vmul.f32 v48, v16;
	v48 =	vmul.f32 v49, v16  }
0x1bc: {  	v40 =	vld.idx.msk [tilespmem:v57+s20+$0x0], $0xffff;
	v45 =	vmul.f32 v50, v16;
	v46 =	vmul.f32 v51, v16  }
0x1bd: {  	p0 =	sne.s32 s1, $0x38;
	v6 =	vld [tilespmem:s29+$0xFFFFFC40];
	v25 =	vmul.f32 v52, v16;
	v24 =	vmul.f32 v53, v16  }
.Ltmp4:
0x1be: {  	v59 =	vld [tilespmem:s29+$0xFFFFFCB0];
	v49 =	vmul.f32 v54, v23;
	v50 =	vmul.f32 v55, v23;
	(pc) =	sbr.rel @p0 .LBB2_7-.Ltmp4, $4  }
0x1bf: {  	v57 =	vld [tilespmem:s29+$0xFFFFFCC0];
	v51 =	vmul.f32 v58, v28;
	v52 =	vmul.f32 v60, v28  }
0x1c0: {  	v56 =	vld [tilespmem:s29+$0xFFFFFD40];
	v53 =	vmul.f32 v61, v35;
	v54 =	vmul.f32 v62, v35  }
0x1c1: {  	v58 =	vld [tilespmem:s29+$0xFFFFFD30];
	v62 =	vmul.f32 v63, v40;
	v63 =	vmul.f32 v3, v40  }
0x1c2: {  	s1 =	sadd.s32 $0x8, s1;
	v60 =	vmul.f32 v4, v40;
	v61 =	vmul.f32 v6, v40;
	v55 =	vld [tilespmem:s29+$0xFFFFFDB0]  }
0x1c3: {  	_ = 	snop  }
0x1c4: {  	v3 =	vadd.f32 v62, v31;
	v4 =	vadd.f32 v63, v34;
	v6 =	vmul.f32 v59, v35;
	v8 =	vld [tilespmem:s29+$0xFFFFFDC0]  }
0x1c5: {  	v9 =	vadd.f32 v60, v32;
	v10 =	vadd.f32 v61, v33;
	v11 =	vmul.f32 v57, v35  }
0x1c6: {  	v12 =	vld [tilespmem:s29+$0xFFFFFDD0];
	v3 =	vadd.f32 v53, v3;
	v4 =	vadd.f32 v54, v4;
	v31 =	vmul.f32 v58, v28  }
0x1c7: {  	v63 =	vld [tilespmem:s29+$0xFFFFFD60];
	v6 =	vadd.f32 v6, v9;
	v9 =	vadd.f32 v11, v10;
	v10 =	vmul.f32 v56, v28  }
0x1c8: {  	v61 =	vld [tilespmem:s29+$0xFFFFFDE0];
	v3 =	vadd.f32 v51, v3;
	v4 =	vadd.f32 v52, v4;
	v62 =	vmul.f32 v55, v23  }
0x1c9: {  	v51 =	vld [tilespmem:s29+$0xFFFFFC60];
	v6 =	vadd.f32 v31, v6;
	v9 =	vadd.f32 v10, v9;
	v8 =	vmul.f32 v8, v23  }
0x1ca: {  	v11 =	vld [tilespmem:s29+$0xFFFFFD50];
	v3 =	vadd.f32 v49, v3;
	v4 =	vadd.f32 v50, v4  }
0x1cb: {  	v10 =	vld [tilespmem:s29+$0xFFFFFCD0];
	v12 =	vmul.f32 v12, v23;
	v6 =	vadd.f32 v62, v6;
	v8 =	vadd.f32 v8, v9  }
0x1cc: {  	v34 =	vmul.f32 v63, v28;
	v9 =	vld [tilespmem:s29+$0xFFFFFC50];
	v3 =	vadd.f32 v47, v3;
	v4 =	vadd.f32 v48, v4  }
0x1cd: {  	v31 =	vld [tilespmem:s29+$0xFFFFFCE0];
	v32 =	vmul.f32 v61, v23;
	v6 =	vadd.f32 v45, v6;
	v8 =	vadd.f32 v46, v8  }
0x1ce: {  	v52 =	vld [tilespmem:s29+$0xFFFFFC70];
	v33 =	vmul.f32 v51, v40;
	v3 =	vadd.f32 v43, v3;
	v4 =	vadd.f32 v44, v4  }
0x1cf: {  	v53 =	vld [tilespmem:s29+$0xFFFFFC80];
	v11 =	vmul.f32 v11, v28;
	v6 =	vadd.f32 v41, v6;
	v8 =	vadd.f32 v42, v8  }
0x1d0: {  	v54 =	vld [tilespmem:s29+$0xFFFFFCF0];
	v10 =	vmul.f32 v10, v35;
	v21 =	vadd.f32 v33, v21;
	v3 =	vadd.f32 v38, v3  }
0x1d1: {  	v55 =	vld [tilespmem:s29+$0xFFFFFD00];
	v4 =	vadd.f32 v39, v4;
	v9 =	vmul.f32 v9, v40;
	v6 =	vadd.f32 v36, v6  }
0x1d2: {  	v56 =	vld [tilespmem:s29+$0xFFFFFD70];
	v31 =	vmul.f32 v31, v35;
	v8 =	vadd.f32 v37, v8;
	v3 =	vadd.f32 v29, v3  }
0x1d3: {  	v4 =	vadd.f32 v30, v4;
	v29 =	vmul.f32 v52, v40;
	v30 =	vld [tilespmem:s29+$0xFFFFFD80];
	v9 =	vadd.f32 v9, v22  }
0x1d4: {  	v22 =	vmul.f32 v53, v40;
	v6 =	vadd.f32 v27, v6;
	v27 =	vld [tilespmem:s29+$0xFFFFFDF0];
	v8 =	vadd.f32 v26, v8  }
0x1d5: {  	v57 =	vld [tilespmem:s29+$0xFFFFFE00];
	v26 =	vmul.f32 v54, v35;
	v20 =	vadd.f32 v29, v20;
	v9 =	vadd.f32 v10, v9  }
0x1d6: {  	v21 =	vadd.f32 v31, v21;
	v10 =	vadd.f32 v22, v19;
	v19 =	vmul.f32 v55, v35;
	v22 =	vld [tilespmem:s29+$0xFFFFFE70]  }
0x1d7: {  	v31 =	vld [tilespmem:s29+$0xFFFFFE80];
	v29 =	vmul.f32 v56, v28;
	v20 =	vadd.f32 v26, v20;
	v9 =	vadd.f32 v11, v9  }
0x1d8: {  	v21 =	vadd.f32 v34, v21;
	v10 =	vadd.f32 v19, v10;
	v19 =	vld [tilespmem:s29+$0xFFFFFEF0];
	v11 =	vmul.f32 v30, v28  }
0x1d9: {  	v26 =	vmul.f32 v27, v23;
	v27 =	vld [tilespmem:s29+$0xFFFFFF00];
	v20 =	vadd.f32 v29, v20;
	v9 =	vadd.f32 v12, v9  }
0x1da: {  	v21 =	vadd.f32 v32, v21;
	v12 =	vld [tilespmem:s29+$0xFFFFFF70];
	v10 =	vadd.f32 v11, v10;
	v11 =	vmul.f32 v57, v23  }
0x1db: {  	v22 =	vmul.f32 v22, v16;
	v23 =	vld [tilespmem:s29+$0xFFFFFF80];
	v20 =	vadd.f32 v26, v20;
	v9 =	vadd.f32 v25, v9  }
0x1dc: {  	v21 =	vadd.f32 v24, v21;
	v10 =	vadd.f32 v11, v10;
	v11 =	vmul.f32 v31, v16;
	v16 =	vld [tilespmem:s29+$0xFFFFFFF0]  }
0x1dd: {  	s0 =	sshll.u32 s30, $0x7;
	v24 =	vld [tilespmem:s29+$0x0];
	v19 =	vmul.f32 v19, v13;
	v20 =	vadd.f32 v22, v20;
	v9 =	vadd.f32 v18, v9  }
0x1de: {  	s0 =	sand.u32 $0x3FFFFF80, s0;
	v10 =	vadd.f32 v11, v10;
	v11 =	vmul.f32 v27, v13;
	v13 =	vadd.f32 v17, v21  }
0x1df: {  	[tilespmem:s0+$0x2400] =	vst v3;
	v12 =	vmul.f32 v12, v2;
	v17 =	vadd.f32 v19, v20;
	v9 =	vadd.f32 v15, v9  }
0x1e0: {  	[tilespmem:s0+$0x2410] =	vst v4;
	v2 =	vmul.f32 v23, v2;
	v3 =	vadd.f32 v11, v10;
	v10 =	vadd.f32 v14, v13  }
0x1e1: {  	[tilespmem:s0+$0x2420] =	vst v6;
	v4 =	vmul.f32 v16, v1;
	v11 =	vadd.f32 v12, v17;
	v7 =	vadd.f32 v7, v9  }
0x1e2: {  	p0 =	seq.s32 s26, $0x2;
	[tilespmem:s0+$0x2430] =	vst v8;
	v1 =	vmul.f32 v24, v1;
	v2 =	vadd.f32 v2, v3;
	v3 =	vadd.f32 v5, v10  }
0x1e3: {  	s1 =	smul.u32 @!p0 $0x600, s26;
	v4 =	vadd.f32 v4, v11;
	[tilespmem:s0+$0x2440] =	vst v7  }
0x1e4: {  	v1 =	vadd.f32 v1, v2;
	[tilespmem:s0+$0x2450] =	vst v3  }
0x1e5: {  	s29 =	sshra.s32 @!p0 s1, $0x2;
	[tilespmem:s0+$0x2460] =	vst v4  }
0x1e6: {  	s10 =	simm.s32 @!p0 $0x2D00;
	s1 =	simm.s32 @!p0 $0x80;
	[tilespmem:s0+$0x2470] =	vst v1;
	s0 =	sadd.s32 @!p0 $0xA80, s29  }
0x1e7: {  	[tilespmem:s10], [sflag:$0x1] =	stream.indirect.gather @!p0 [hbm4b:s2+s1], $0x80, s0, s1, $0xb8;
	[tilespmem:$0xED00] =	vst v63  }
0x1e8: {  	_ =	swait.ge [sflag:s21], $0x4000  }
0x1e9: {  	[sflag:s21] =	ssyncset.done $0x0  }
0x1ea: {  	s30 =	simm.s32 $0x6F00;
	[sflag:s21] =	ssyncadd.s32 $0xFFFFC000  }
0x1eb: {  	v11 =	vld [tilespmem:s30+$0x180]  }
0x1ec: {  	v12 =	vld [tilespmem:s30+$0x190]  }
0x1ed: {  	v14 =	vld [tilespmem:s30+$0x1A0]  }
0x1ee: {  	v15 =	vld [tilespmem:s30+$0x1B0]  }
0x1ef: {  	v16 =	vld [tilespmem:s30+$0x1C0]  }
0x1f0: {  	v17 =	vld [tilespmem:s30+$0x1D0]  }
0x1f1: {  	v18 =	vld [tilespmem:s30+$0x100]  }
0x1f2: {  	v19 =	vld [tilespmem:s30+$0x110]  }
0x1f3: {  	v21 =	vld [tilespmem:s30+$0x120]  }
0x1f4: {  	v22 =	vld [tilespmem:s30+$0x130]  }
0x1f5: {  	s13 =	simm.s32 $0x5;
	v23 =	vld [tilespmem:s30+$0x140]  }
0x1f6: {  	s31 =	sadd.s32 $0x2, s28;
	v13 =	vmov s13;
	s13 =	simm.s32 $0x2;
	v24 =	vld [tilespmem:s30+$0x150]  }
0x1f7: {  	s14 =	sshll.u32 s31, $0x6;
	v58 =	vmov s13;
	v25 =	vld [tilespmem:s30+$0x80]  }
0x1f8: {  	v13 =	vshrl.u32 v13, $0x3;
	v32 =	vshrl.u32 v58, $0x3;
	v1 =	vmov s14;
	v26 =	vld [tilespmem:s30+$0x90]  }
0x1f9: {  	v13 =	vshll.u32 v13, v0;
	v32 =	vshll.u32 v32, v0;
	v2 =	vor.u32 $0x1, v1;
	v27 =	vld [tilespmem:s30+$0xA0]  }
0x1fa: {  	s14 =	simm.s32 $0x4;
	v3 =	vor.u32 $0x2, v1;
	v5 =	vor.u32 $0x3, v1;
	v6 =	vor.u32 $0x4, v1;
	v28 =	vld [tilespmem:s30+$0xB0]  }
0x1fb: {  	v7 =	vor.u32 $0x5, v1;
	v8 =	vor.u32 $0x7, v1;
	v30 =	vmov s14;
	v29 =	vld [tilespmem:s30+$0xC0]  }
0x1fc: {  	s1 =	simm.s32 $0x7;
	v9 =	vor.u32 $0x6, v1;
	v30 =	vshrl.u32 v30, $0x3;
	v13 =	vadd.s32 v13, v7;
	v35 =	vld [tilespmem:s30+$0xD0]  }
0x1fd: {  	s10 =	simm.s32 $0x6;
	s14 =	simm.s32 $0x0;
	v4 =	vmov s1;
	v30 =	vshll.u32 v30, v0;
	v13 =	vbroadcast v13, $0x0;
	v40 =	vld [tilespmem:s30+$0x0]  }
0x1fe: {  	v10 =	vmov s10;
	v59 =	vmov s14;
	v30 =	vadd.s32 v30, v6;
	v45 =	vld [tilespmem:s30+$0x10]  }
0x1ff: {  	s10 =	simm.s32 $0x3;
	v32 =	vadd.s32 v32, v3;
	v4 =	vshrl.u32 v4, $0x3;
	v46 =	vld [tilespmem:s30+$0x20];
	v34 =	vbroadcast v30, $0x0  }
0x200: {  	s1 =	simm.s32 $0x1;
	v10 =	vshrl.u32 v10, $0x3;
	v20 =	vmov s10;
	v4 =	vshll.u32 v4, v0;
	v49 =	vld [tilespmem:s30+$0x30]  }
0x201: {  	v31 =	vmov s1;
	v60 =	vbroadcast v32, $0x0;
	v4 =	vadd.s32 v4, v8;
	v50 =	vld [tilespmem:s30+$0x40]  }
0x202: {  	v10 =	vshll.u32 v10, v0;
	v20 =	vshrl.u32 v20, $0x3;
	v51 =	vld [tilespmem:s30+$0x50];
	v4 =	vbroadcast v4, $0x0  }
0x203: {  	v33 =	vshrl.u32 v59, $0x3;
	v10 =	vadd.s32 v10, v9;
	v20 =	vshll.u32 v20, v0;
	v13 =	vld.idx.msk [tilespmem:v13+s20+$0x0], $0xffff  }
0x204: {  	v31 =	vshrl.u32 v31, $0x3;
	v52 =	vld [tilespmem:s30+$0xFFFFFF80];
	v10 =	vbroadcast v10, $0x0;
	v20 =	vadd.s32 v20, v5  }
0x205: {  	v33 =	vshll.u32 v33, v0;
	v31 =	vshll.u32 v31, v0;
	v61 =	vbroadcast v20, $0x0;
	v20 =	vld.idx.msk [tilespmem:v34+s20+$0x0], $0xffff  }
0x206: {  	v30 =	vadd.s32 v1, v33;
	v54 =	vld [tilespmem:s30+$0xFFFFFF00];
	v31 =	vadd.s32 v31, v2  }
0x207: {  	v62 =	vbroadcast v30, $0x0;
	v63 =	vbroadcast v31, $0x0;
	v34 =	vld.idx.msk [tilespmem:v60+s20+$0x0], $0xffff  }
0x208: {  	v4 =	vld.idx.msk [tilespmem:v4+s20+$0x0], $0xffff;
	v43 =	vmul.f32 v25, v13;
	v44 =	vmul.f32 v26, v13  }
0x209: {  	v53 =	vld [tilespmem:s30+$0xFFFFFF90];
	v41 =	vmul.f32 v27, v13;
	v42 =	vmul.f32 v28, v13  }
0x20a: {  	v10 =	vld.idx.msk [tilespmem:v10+s20+$0x0], $0xffff;
	v47 =	vmul.f32 v40, v20;
	v48 =	vmul.f32 v45, v20  }
0x20b: {  	v56 =	vld [tilespmem:s30+$0xFFFFFF10];
	v45 =	vmul.f32 v46, v20;
	v46 =	vmul.f32 v49, v20  }
0x20c: {  	v57 =	vld [tilespmem:s30+$0xFFFFFE80];
	v26 =	vmul.f32 v50, v20;
	v25 =	vmul.f32 v51, v20  }
0x20d: {  	v40 =	vld.idx.msk [tilespmem:v62+s20+$0x0], $0xffff;
	v51 =	vmul.f32 v54, v34;
	v32 =	vmul.f32 v11, v4  }
0x20e: {  	v33 =	vmul.f32 v12, v4;
	v12 =	vmul.f32 v16, v4;
	v16 =	vld [tilespmem:s30+$0xFFFFFE90]  }
0x20f: {  	v30 =	vmul.f32 v15, v4;
	v15 =	vmul.f32 v23, v10;
	v23 =	vld.idx.msk [tilespmem:v61+s20+$0x0], $0xffff  }
0x210: {  	v31 =	vmul.f32 v14, v4;
	v11 =	vmul.f32 v17, v4;
	v17 =	vld [tilespmem:s30+$0xFFFFFE00]  }
0x211: {  	v36 =	vmul.f32 v21, v10;
	v21 =	vmul.f32 v35, v13;
	v35 =	vld.idx.msk [tilespmem:v63+s20+$0x0], $0xffff  }
0x212: {  	v38 =	vmul.f32 v18, v10;
	v39 =	vmul.f32 v19, v10;
	v18 =	vld [tilespmem:s30+$0xFFFFFE10]  }
0x213: {  	v55 =	vld [tilespmem:s30+$0xFFFFFE20];
	v27 =	vimm.f32 $0.0e+00;
	v37 =	vmul.f32 v22, v10;
	v14 =	vmul.f32 v24, v10  }
0x214: {  	v59 =	vld [tilespmem:s30+$0xFFFFFEA0];
	v28 =	vimm.f32 $0.0e+00;
	v22 =	vmul.f32 v29, v13;
	v49 =	vmul.f32 v52, v23  }
0x215: {  	v58 =	vld [tilespmem:s30+$0xFFFFFF20];
	v24 =	vimm.f32 $0.0e+00;
	v50 =	vmul.f32 v53, v23;
	v52 =	vmul.f32 v56, v34  }
0x216: {  	[tilespmem:$0x1FFA0] =	vst v9;
	v9 =	vmovc v7;
	v7 =	vmovc v5;
	v60 =	vld [tilespmem:s30+$0xFFFFFE30];
	v29 =	vimm.f32 $0.0e+00;
	v53 =	vmul.f32 v57, v35;
	v54 =	vmul.f32 v16, v35  }
0x217: {  	[tilespmem:$0x1FF90] =	vst v8;
	v8 =	vmovc v6;
	v6 =	vmovc v3;
	v19 =	vimm.f32 $0.0e+00;
	v56 =	vld [tilespmem:s30+$0xFFFFFEB0];
	v61 =	vmul.f32 v17, v40;
	v62 =	vmul.f32 v18, v40  }
0x218: {  	s1 =	simm.s32 $0xF;
	v3 =	vmovc v1;
	v5 =	vmovc v2;
	v57 =	vld [tilespmem:s30+$0xFFFFFF30];
	v18 =	vimm.f32 $0.0e+00;
	v17 =	vimm.f32 $0.0e+00;
	v16 =	vimm.f32 $0.0e+00  }
.LBB2_9:
0x219: {  	_ = 	snop  }
0x21a: {  	v63 =	vld [tilespmem:s30+$0xFFFFFFA0];
	v24 =	vadd.f32 v61, v24  }
0x21b: {  	v1 =	vld [tilespmem:$0x1FF90];
	v29 =	vadd.f32 v62, v29  }
0x21c: {  	v61 =	vld [tilespmem:s30+$0xFFFFFFB0];
	v24 =	vadd.f32 v53, v24  }
0x21d: {  	v29 =	vadd.f32 v54, v29;
	v54 =	vld [tilespmem:s30+$0xFFFFFFD0];
	v55 =	vmul.f32 v55, v40;
	v60 =	vmul.f32 v60, v40  }
0x21e: {  	v62 =	vmul.f32 v56, v35;
	v56 =	vld [tilespmem:s30+$0xFFFFFFC0];
	v24 =	vadd.f32 v51, v24  }
0x21f: {  	v59 =	vmul.f32 v59, v35;
	v51 =	vld [tilespmem:s30+$0xFFFFFF50];
	v27 =	vadd.f32 v55, v27;
	v28 =	vadd.f32 v60, v28  }
0x220: {  	v60 =	vmul.f32 v58, v34;
	v58 =	vld [tilespmem:s30+$0xFFFFFEC0]  }
0x221: {  	v55 =	vld [tilespmem:s30+$0xFFFFFFE0];
	v27 =	vadd.f32 v59, v27;
	v28 =	vadd.f32 v62, v28;
	v62 =	vmul.f32 v57, v34  }
0x222: {  	v29 =	vadd.f32 v52, v29;
	v63 =	vmul.f32 v63, v23;
	v24 =	vadd.f32 v49, v24;
	v57 =	vld [tilespmem:s30+$0xFFFFFF40]  }
0x223: {  	v27 =	vadd.f32 v60, v27;
	v28 =	vadd.f32 v62, v28;
	v60 =	vmul.f32 v61, v23;
	v62 =	vld [tilespmem:s30+$0xFFFFFE40]  }
0x224: {  	v29 =	vadd.f32 v50, v29;
	v52 =	vmul.f32 v54, v23;
	v24 =	vadd.f32 v47, v24;
	v61 =	vld [tilespmem:s30+$0xFFFFFED0]  }
0x225: {  	v49 =	vmul.f32 v56, v23;
	v56 =	vld [tilespmem:s30+$0xFFFFFE60];
	v27 =	vadd.f32 v63, v27;
	v28 =	vadd.f32 v60, v28  }
0x226: {  	v29 =	vadd.f32 v48, v29;
	v48 =	vmul.f32 v51, v34;
	v24 =	vadd.f32 v43, v24;
	v63 =	vld [tilespmem:s30+$0xFFFFFE50]  }
0x227: {  	v54 =	vmul.f32 v57, v34;
	v57 =	vld [tilespmem:s30+$0xFFFFFE70];
	v27 =	vadd.f32 v45, v27;
	v28 =	vadd.f32 v46, v28  }
0x228: {  	v59 =	vld [tilespmem:s30+$0xFFFFFEE0];
	v29 =	vadd.f32 v44, v29;
	v46 =	vmul.f32 v58, v35;
	v60 =	vmul.f32 v62, v40  }
0x229: {  	v58 =	vmul.f32 v61, v35;
	v61 =	vld [tilespmem:s30+$0xFFFFFEF0];
	v27 =	vadd.f32 v41, v27;
	v28 =	vadd.f32 v42, v28  }
0x22a: {  	v51 =	vld [tilespmem:s30+$0xFFFFFF70];
	v29 =	vadd.f32 v39, v29;
	v50 =	vmul.f32 v56, v40;
	v19 =	vadd.f32 v60, v19  }
0x22b: {  	v62 =	vmul.f32 v63, v40;
	v63 =	vld [tilespmem:s30+$0xFFFFFF60];
	v27 =	vadd.f32 v36, v27;
	v28 =	vadd.f32 v37, v28  }
0x22c: {  	v17 =	vadd.f32 v50, v17;
	v60 =	vld [tilespmem:s30+$0xE0];
	v53 =	vmul.f32 v57, v40;
	v19 =	vadd.f32 v46, v19  }
0x22d: {  	v27 =	vadd.f32 v31, v27;
	v28 =	vadd.f32 v30, v28;
	v31 =	vld [tilespmem:s30+$0xFFFFFFF0]  }
0x22e: {  	v57 =	vld [tilespmem:s30+$0x60];
	v30 =	vmul.f32 v59, v35;
	v16 =	vadd.f32 v53, v16;
	v56 =	vmul.f32 v61, v35  }
0x22f: {  	v18 =	vadd.f32 v62, v18;
	v62 =	vld [tilespmem:s30+$0x170];
	v19 =	vadd.f32 v54, v19  }
0x230: {  	v59 =	vld [tilespmem:s30+$0x70];
	v17 =	vadd.f32 v30, v17;
	v16 =	vadd.f32 v56, v16;
	v30 =	vmul.f32 v51, v34  }
0x231: {  	v29 =	vadd.f32 v33, v29;
	v61 =	vld [tilespmem:s30+$0xF0];
	v19 =	vadd.f32 v49, v19  }
0x232: {  	v33 =	vmul.f32 v55, v23;
	v16 =	vadd.f32 v30, v16;
	v30 =	vld [tilespmem:s30+$0x160];
	v23 =	vmul.f32 v31, v23  }
0x233: {  	v24 =	vadd.f32 v38, v24;
	v19 =	vadd.f32 v26, v19;
	v26 =	vld [tilespmem:s30+$0x1F0]  }
0x234: {  	v16 =	vadd.f32 v23, v16;
	v23 =	vld [tilespmem:s30+$0x1E0];
	s30 =	sadd.s32 $0x400, s30  }
0x235: {  	v24 =	vadd.f32 v32, v24;
	v32 =	vld [tilespmem:s30+$0x180]  }
0x236: {  	v19 =	vadd.f32 v22, v19;
	v22 =	vld [tilespmem:s30+$0x1A0]  }
0x237: {  	v18 =	vadd.f32 v58, v18;
	v58 =	vmul.f32 v63, v34;
	v34 =	vld [tilespmem:s30+$0x130]  }
0x238: {  	v35 =	vld [tilespmem:s30+$0x140]  }
0x239: {  	v40 =	vld [tilespmem:s30+$0x150]  }
0x23a: {  	v41 =	vld [tilespmem:s30+$0x80]  }
0x23b: {  	v18 =	vadd.f32 v48, v18;
	v17 =	vadd.f32 v58, v17;
	v42 =	vld [tilespmem:s30+$0x90]  }
0x23c: {  	v45 =	vld [tilespmem:s30+$0xA0]  }
0x23d: {  	v18 =	vadd.f32 v52, v18;
	v31 =	vmul.f32 v57, v20;
	v17 =	vadd.f32 v33, v17;
	v46 =	vld [tilespmem:s30+$0xB0]  }
0x23e: {  	v20 =	vmul.f32 v59, v20;
	v47 =	vld [tilespmem:s30+$0xC0]  }
0x23f: {  	v18 =	vadd.f32 v25, v18;
	v25 =	vmul.f32 v60, v13;
	v17 =	vadd.f32 v31, v17;
	v48 =	vld [tilespmem:s30+$0xD0]  }
0x240: {  	v13 =	vmul.f32 v61, v13;
	v49 =	vld [tilespmem:s30+$0x0];
	v16 =	vadd.f32 v20, v16  }
0x241: {  	v50 =	vld [tilespmem:s30+$0x10];
	v18 =	vadd.f32 v21, v18;
	v21 =	vmul.f32 v30, v10;
	v17 =	vadd.f32 v25, v17  }
0x242: {  	v51 =	vld [tilespmem:s30+$0x20];
	v10 =	vmul.f32 v62, v10;
	v13 =	vadd.f32 v13, v16  }
0x243: {  	v52 =	vld [tilespmem:s30+$0x30];
	v14 =	vadd.f32 v14, v18;
	v16 =	vmul.f32 v23, v4;
	v17 =	vadd.f32 v21, v17  }
0x244: {  	s10 =	sadd.s32 $0xFFFFFFFE, s1;
	v53 =	vld [tilespmem:s30+$0x40];
	v15 =	vadd.f32 v15, v19;
	v4 =	vmul.f32 v26, v4;
	v10 =	vadd.f32 v10, v13  }
0x245: {  	v54 =	vld [tilespmem:s30+$0x50];
	v18 =	vadd.f32 v11, v14;
	v11 =	vmov s10;
	v17 =	vadd.f32 v16, v17  }
0x246: {  	s14 =	sadd.s32 $0xFFFFFFFB, s1;
	v56 =	vld [tilespmem:s30+$0xFFFFFF80];
	v11 =	vshrl.u32 v11, $0x3;
	v16 =	vadd.f32 v4, v10;
	v4 =	vmov s1  }
0x247: {  	v31 =	vmov s14;
	v57 =	vld [tilespmem:s30+$0xFFFFFF90];
	v11 =	vshll.u32 v11, v0;
	v4 =	vshrl.u32 v4, $0x3  }
0x248: {  	s13 =	sadd.s32 $0xFFFFFFFD, s1;
	v58 =	vld [tilespmem:s30+$0xFFFFFF00];
	v19 =	vadd.f32 v12, v15;
	v11 =	vadd.s32 v11, v9;
	v4 =	vshll.u32 v4, v0  }
0x249: {  	s10 =	sadd.s32 $0xFFFFFFFA, s1;
	v13 =	vmov s13;
	s13 =	sadd.s32 $0xFFFFFFF9, s1;
	v11 =	vbroadcast v11, $0x0;
	v4 =	vadd.s32 v4, v1;
	v1 =	vld [tilespmem:$0x1FFA0]  }
0x24a: {  	s0 =	sadd.s32 $0xFFFFFFFF, s1;
	v61 =	vld [tilespmem:s30+$0xFFFFFF10];
	v30 =	vmov s10;
	v63 =	vmov s13;
	v4 =	vbroadcast v4, $0x0  }
0x24b: {  	v2 =	vld [tilespmem:s30+$0xFFFFFE00];
	v13 =	vshrl.u32 v13, $0x3;
	v10 =	vmov s0;
	s0 =	sadd.s32 $0xFFFFFFFC, s1;
	v33 =	vshrl.u32 v63, $0x3  }
0x24c: {  	v20 =	vld [tilespmem:s30+$0x190];
	v13 =	vshll.u32 v13, v0;
	v10 =	vshrl.u32 v10, $0x3;
	v12 =	vmov s0  }
0x24d: {  	v62 =	vld [tilespmem:s30+$0xFFFFFE80];
	v33 =	vshll.u32 v33, v0;
	v13 =	vadd.s32 v13, v8;
	v10 =	vshll.u32 v10, v0  }
0x24e: {  	v25 =	vld [tilespmem:s30+$0x1B0];
	v36 =	vbroadcast v13, $0x0;
	v13 =	vadd.s32 v3, v33;
	v10 =	vadd.s32 v10, v1  }
0x24f: {  	v12 =	vshrl.u32 v12, $0x3;
	v59 =	vbroadcast v13, $0x0;
	v13 =	vld.idx.msk [tilespmem:v11+s20+$0x0], $0xffff;
	v10 =	vbroadcast v10, $0x0  }
0x250: {  	v31 =	vshrl.u32 v31, $0x3;
	v30 =	vshrl.u32 v30, $0x3;
	v12 =	vshll.u32 v12, v0;
	v4 =	vld.idx.msk [tilespmem:v4+s20+$0x0], $0xffff  }
0x251: {  	v31 =	vshll.u32 v31, v0;
	v23 =	vld [tilespmem:s30+$0x1C0];
	v30 =	vshll.u32 v30, v0;
	v12 =	vadd.s32 v12, v7  }
0x252: {  	v31 =	vadd.s32 v31, v6;
	v21 =	vld [tilespmem:s30+$0x1D0];
	v30 =	vadd.s32 v30, v5;
	v43 =	vbroadcast v12, $0x0  }
0x253: {  	v15 =	vld [tilespmem:s30+$0x110];
	v55 =	vbroadcast v31, $0x0;
	v60 =	vbroadcast v30, $0x0  }
0x254: {  	v14 =	vld [tilespmem:s30+$0x100];
	v44 =	vmul.f32 v42, v13;
	v42 =	vmul.f32 v46, v13  }
0x255: {  	v10 =	vld.idx.msk [tilespmem:v10+s20+$0x0], $0xffff;
	v32 =	vmul.f32 v32, v4;
	v33 =	vmul.f32 v20, v4  }
0x256: {  	v26 =	vld [tilespmem:s30+$0x120];
	v31 =	vmul.f32 v22, v4;
	v30 =	vmul.f32 v25, v4  }
0x257: {  	v12 =	vmul.f32 v23, v4;
	v11 =	vmul.f32 v21, v4;
	v20 =	vld.idx.msk [tilespmem:v36+s20+$0x0], $0xffff  }
0x258: {  	v23 =	vld.idx.msk [tilespmem:v43+s20+$0x0], $0xffff;
	v43 =	vmul.f32 v41, v13;
	v41 =	vmul.f32 v45, v13  }
0x259: {  	v63 =	vld [tilespmem:s30+$0xFFFFFE90];
	v22 =	vmul.f32 v47, v13;
	v21 =	vmul.f32 v48, v13  }
0x25a: {  	v1 =	vld [tilespmem:s30+$0xFFFFFE10];
	v38 =	vmul.f32 v14, v10;
	v39 =	vmul.f32 v15, v10  }
0x25b: {  	v36 =	vmul.f32 v26, v10;
	v37 =	vmul.f32 v34, v10;
	v34 =	vld.idx.msk [tilespmem:v55+s20+$0x0], $0xffff  }
0x25c: {  	v15 =	vmul.f32 v35, v10;
	v14 =	vmul.f32 v40, v10;
	v35 =	vld.idx.msk [tilespmem:v60+s20+$0x0], $0xffff  }
0x25d: {  	v40 =	vld.idx.msk [tilespmem:v59+s20+$0x0], $0xffff;
	v47 =	vmul.f32 v49, v20;
	v48 =	vmul.f32 v50, v20  }
0x25e: {  	p1 =	sne.s32 s1, $0x3F;
	v55 =	vld [tilespmem:s30+$0xFFFFFE20];
	v45 =	vmul.f32 v51, v20;
	v46 =	vmul.f32 v52, v20  }
.Ltmp5:
0x25f: {  	v60 =	vld [tilespmem:s30+$0xFFFFFE30];
	v26 =	vmul.f32 v53, v20;
	v25 =	vmul.f32 v54, v20;
	(pc) =	sbr.rel @p1 .LBB2_9-.Ltmp5, $4  }
0x260: {  	v59 =	vld [tilespmem:s30+$0xFFFFFEA0];
	v49 =	vmul.f32 v56, v23;
	v50 =	vmul.f32 v57, v23  }
0x261: {  	v56 =	vld [tilespmem:s30+$0xFFFFFEB0];
	v51 =	vmul.f32 v58, v34;
	v52 =	vmul.f32 v61, v34  }
0x262: {  	v57 =	vld [tilespmem:s30+$0xFFFFFF30];
	v53 =	vmul.f32 v62, v35;
	v54 =	vmul.f32 v63, v35  }
0x263: {  	s1 =	sadd.s32 $0x8, s1;
	v58 =	vld [tilespmem:s30+$0xFFFFFF20];
	v61 =	vmul.f32 v2, v40;
	v62 =	vmul.f32 v1, v40  }
0x264: {  	_ = 	snop  }
0x265: {  	v1 =	vmul.f32 v55, v40;
	v2 =	vmul.f32 v60, v40;
	v3 =	vld [tilespmem:s30+$0xFFFFFFA0]  }
0x266: {  	v8 =	vld [tilespmem:s30+$0xFFFFFFB0];
	v5 =	vadd.f32 v61, v24;
	v6 =	vadd.f32 v62, v29;
	v7 =	vmul.f32 v59, v35  }
0x267: {  	v1 =	vadd.f32 v1, v27;
	v2 =	vadd.f32 v2, v28;
	v9 =	vmul.f32 v56, v35  }
0x268: {  	v24 =	vld [tilespmem:s30+$0xFFFFFFC0];
	v5 =	vadd.f32 v53, v5;
	v6 =	vadd.f32 v54, v6;
	v27 =	vmul.f32 v58, v34  }
0x269: {  	v29 =	vld [tilespmem:s30+$0xFFFFFF50];
	v1 =	vadd.f32 v7, v1;
	v2 =	vadd.f32 v9, v2;
	v7 =	vmul.f32 v57, v34  }
0x26a: {  	v28 =	vld [tilespmem:s30+$0xFFFFFFD0];
	v5 =	vadd.f32 v51, v5;
	v6 =	vadd.f32 v52, v6;
	v3 =	vmul.f32 v3, v23  }
0x26b: {  	v52 =	vld [tilespmem:s30+$0xFFFFFE60];
	v1 =	vadd.f32 v27, v1;
	v2 =	vadd.f32 v7, v2;
	v7 =	vmul.f32 v8, v23  }
0x26c: {  	v9 =	vld [tilespmem:s30+$0xFFFFFF40];
	v5 =	vadd.f32 v49, v5;
	v6 =	vadd.f32 v50, v6  }
0x26d: {  	v8 =	vld [tilespmem:s30+$0xFFFFFEC0];
	v24 =	vmul.f32 v24, v23;
	v1 =	vadd.f32 v3, v1;
	v2 =	vadd.f32 v7, v2  }
0x26e: {  	v29 =	vmul.f32 v29, v34;
	v3 =	vld [tilespmem:s30+$0xFFFFFE40];
	v5 =	vadd.f32 v47, v5;
	v6 =	vadd.f32 v48, v6  }
0x26f: {  	v7 =	vmul.f32 v28, v23;
	v28 =	vld [tilespmem:s30+$0xFFFFFE50];
	v1 =	vadd.f32 v45, v1;
	v2 =	vadd.f32 v46, v2  }
0x270: {  	v27 =	vld [tilespmem:s30+$0xFFFFFED0];
	v57 =	vmul.f32 v52, v40;
	v5 =	vadd.f32 v43, v5;
	v6 =	vadd.f32 v44, v6  }
0x271: {  	v53 =	vld [tilespmem:s30+$0xFFFFFE70];
	v9 =	vmul.f32 v9, v34;
	v1 =	vadd.f32 v41, v1;
	v2 =	vadd.f32 v42, v2  }
0x272: {  	v54 =	vld [tilespmem:s30+$0xFFFFFEE0];
	v8 =	vmul.f32 v8, v35;
	v17 =	vadd.f32 v57, v17;
	v5 =	vadd.f32 v38, v5  }
0x273: {  	v55 =	vld [tilespmem:s30+$0xFFFFFEF0];
	v6 =	vadd.f32 v39, v6;
	v3 =	vmul.f32 v3, v40;
	v1 =	vadd.f32 v36, v1  }
0x274: {  	v56 =	vld [tilespmem:s30+$0xFFFFFF60];
	v28 =	vmul.f32 v28, v40;
	v2 =	vadd.f32 v37, v2;
	v5 =	vadd.f32 v32, v5  }
0x275: {  	v58 =	vld [tilespmem:s30+$0xFFFFFF70];
	v27 =	vmul.f32 v27, v35;
	v6 =	vadd.f32 v33, v6;
	v3 =	vadd.f32 v3, v19  }
0x276: {  	v19 =	vmul.f32 v53, v40;
	v18 =	vadd.f32 v28, v18;
	v1 =	vadd.f32 v31, v1;
	v31 =	vld [tilespmem:s30+$0xFFFFFFE0]  }
0x277: {  	v28 =	vmul.f32 v54, v35;
	v2 =	vadd.f32 v30, v2;
	v30 =	vld [tilespmem:s30+$0xFFFFFFF0];
	v3 =	vadd.f32 v8, v3  }
0x278: {  	v8 =	vadd.f32 v19, v16;
	v16 =	vmul.f32 v55, v35;
	v19 =	vld [tilespmem:s30+$0x60];
	v18 =	vadd.f32 v27, v18  }
0x279: {  	v59 =	vld [tilespmem:s30+$0x70];
	v27 =	vmul.f32 v56, v34;
	v17 =	vadd.f32 v28, v17;
	v3 =	vadd.f32 v9, v3  }
0x27a: {  	v8 =	vadd.f32 v16, v8;
	v9 =	vmul.f32 v58, v34;
	v16 =	vld [tilespmem:s30+$0xE0];
	v18 =	vadd.f32 v29, v18  }
0x27b: {  	v29 =	vld [tilespmem:s30+$0xF0];
	v17 =	vadd.f32 v27, v17;
	v28 =	vmul.f32 v31, v23;
	v3 =	vadd.f32 v24, v3  }
0x27c: {  	v8 =	vadd.f32 v9, v8;
	v9 =	vmul.f32 v30, v23;
	v23 =	vld [tilespmem:s30+$0x160];
	v7 =	vadd.f32 v7, v18  }
0x27d: {  	v18 =	vmul.f32 v19, v20;
	v19 =	vld [tilespmem:s30+$0x170];
	v17 =	vadd.f32 v28, v17;
	v3 =	vadd.f32 v26, v3  }
0x27e: {  	v8 =	vadd.f32 v9, v8;
	v9 =	vmul.f32 v59, v20;
	v20 =	vld [tilespmem:s30+$0x1E0];
	v7 =	vadd.f32 v25, v7  }
0x27f: {  	s0 =	sshll.u32 s31, $0x7;
	v24 =	vld [tilespmem:s30+$0x1F0];
	v16 =	vmul.f32 v16, v13;
	v17 =	vadd.f32 v18, v17;
	v3 =	vadd.f32 v22, v3  }
0x280: {  	s0 =	sand.u32 $0x3FFFFF80, s0;
	v8 =	vadd.f32 v9, v8;
	v9 =	vmul.f32 v29, v13;
	v7 =	vadd.f32 v21, v7  }
0x281: {  	[tilespmem:s0+$0x2400] =	vst v5;
	v13 =	vmul.f32 v23, v10;
	v16 =	vadd.f32 v16, v17;
	v3 =	vadd.f32 v15, v3  }
0x282: {  	[tilespmem:s0+$0x2410] =	vst v6;
	v5 =	vadd.f32 v9, v8;
	v8 =	vmul.f32 v19, v10;
	v7 =	vadd.f32 v14, v7  }
0x283: {  	[tilespmem:s0+$0x2420] =	vst v1;
	v6 =	vmul.f32 v20, v4;
	v9 =	vadd.f32 v13, v16;
	v3 =	vadd.f32 v12, v3  }
0x284: {  	[tilespmem:s0+$0x2430] =	vst v2;
	v4 =	vmul.f32 v24, v4;
	v1 =	vadd.f32 v8, v5;
	v5 =	vadd.f32 v11, v7  }
0x285: {  	v2 =	vadd.f32 v6, v9;
	[tilespmem:s0+$0x2440] =	vst v3  }
0x286: {  	v1 =	vadd.f32 v4, v1;
	[tilespmem:s0+$0x2450] =	vst v5  }
0x287: {  	[tilespmem:s0+$0x2460] =	vst v2  }
0x288: {  	s30 =	simm.s32 $0x90F0;
	[tilespmem:s0+$0x2470] =	vst v1  }
0x289: {  	v5 =	vld [tilespmem:s30+$0xFFFFFF90]  }
0x28a: {  	v7 =	vld [tilespmem:s30+$0xFFFFFFA0]  }
0x28b: {  	v14 =	vld [tilespmem:s30+$0xFFFFFFB0]  }
0x28c: {  	v15 =	vld [tilespmem:s30+$0xFFFFFFC0]  }
0x28d: {  	v16 =	vld [tilespmem:s30+$0xFFFFFFD0]  }
0x28e: {  	v17 =	vld [tilespmem:s30+$0xFFFFFFE0]  }
0x28f: {  	v18 =	vld [tilespmem:s30+$0xFFFFFF10]  }
0x290: {  	v19 =	vld [tilespmem:s30+$0xFFFFFF20]  }
0x291: {  	v20 =	vld [tilespmem:s30+$0xFFFFFF30]  }
0x292: {  	v21 =	vld [tilespmem:s30+$0xFFFFFF40]  }
0x293: {  	v22 =	vld [tilespmem:s30+$0xFFFFFF50]  }
0x294: {  	v23 =	vld [tilespmem:s30+$0xFFFFFF60]  }
0x295: {  	v24 =	vld [tilespmem:s30+$0xFFFFFE90]  }
0x296: {  	v25 =	vld [tilespmem:s30+$0xFFFFFEA0]  }
0x297: {  	s31 =	sadd.s32 $0x3, s28;
	s13 =	simm.s32 $0x0;
	v31 =	vld [tilespmem:s30+$0xFFFFFEB0]  }
0x298: {  	s14 =	sshll.u32 s31, $0x6;
	v1 =	vmov s13;
	v32 =	vld [tilespmem:s30+$0xFFFFFEC0]  }
0x299: {  	v3 =	vmov s14;
	v1 =	vshrl.u32 v1, $0x3;
	v33 =	vld [tilespmem:s30+$0xFFFFFED0]  }
0x29a: {  	v2 =	vor.u32 $0x7, v3;
	v34 =	vld [tilespmem:s30+$0xFFFFFEE0];
	v13 =	vshll.u32 v1, v0  }
0x29b: {  	v45 =	vld [tilespmem:s30+$0xFFFFFE10];
	v1 =	vadd.s32 v13, v2  }
0x29c: {  	v46 =	vld [tilespmem:s30+$0xFFFFFE20];
	v1 =	vbroadcast v1, $0x0  }
0x29d: {  	v4 =	vor.u32 $0x5, v3;
	v49 =	vld [tilespmem:s30+$0xFFFFFE30]  }
0x29e: {  	v50 =	vld [tilespmem:s30+$0xFFFFFE40];
	v9 =	vadd.s32 v13, v4  }
0x29f: {  	[tilespmem:$0x1FF60] =	vst v2;
	v51 =	vld [tilespmem:s30+$0xFFFFFE50];
	v2 =	vor.u32 $0x6, v3;
	v26 =	vbroadcast v9, $0x0  }
0x2a0: {  	v52 =	vld [tilespmem:s30+$0xFFFFFE60];
	[tilespmem:$0x1FF70] =	vst v2;
	v2 =	vadd.s32 v13, v2  }
0x2a1: {  	v10 =	vor.u32 $0x3, v3;
	v53 =	vld [tilespmem:s30+$0xFFFFFD90];
	v2 =	vbroadcast v2, $0x0  }
0x2a2: {  	v11 =	vor.u32 $0x4, v3;
	v12 =	vor.u32 $0x2, v3;
	v27 =	vadd.s32 v13, v10;
	v1 =	vld.idx.msk [tilespmem:v1+s20+$0x0], $0xffff  }
0x2a3: {  	v54 =	vld [tilespmem:s30+$0xFFFFFDA0];
	v28 =	vadd.s32 v13, v11;
	v30 =	vadd.s32 v13, v12;
	v9 =	vor.u32 $0x1, v3  }
0x2a4: {  	v55 =	vld [tilespmem:s30+$0xFFFFFD10];
	v28 =	vbroadcast v28, $0x0;
	v29 =	vadd.s32 v13, v9;
	v13 =	vadd.s32 v3, v13  }
0x2a5: {  	v35 =	vbroadcast v30, $0x0;
	v47 =	vbroadcast v13, $0x0;
	v13 =	vld.idx.msk [tilespmem:v26+s20+$0x0], $0xffff  }
0x2a6: {  	v61 =	vld [tilespmem:s30+$0xFFFFFD20];
	v40 =	vbroadcast v27, $0x0;
	v60 =	vbroadcast v29, $0x0  }
0x2a7: {  	v2 =	vld.idx.msk [tilespmem:v2+s20+$0x0], $0xffff;
	v29 =	vmul.f32 v5, v1;
	v30 =	vmul.f32 v7, v1  }
0x2a8: {  	v62 =	vld [tilespmem:s30+$0xFFFFFC90];
	v27 =	vmul.f32 v14, v1;
	v26 =	vmul.f32 v15, v1  }
0x2a9: {  	v63 =	vld [tilespmem:s30+$0xFFFFFCA0];
	v7 =	vmul.f32 v16, v1;
	v5 =	vmul.f32 v17, v1  }
0x2aa: {  	v16 =	vld.idx.msk [tilespmem:v28+s20+$0x0], $0xffff;
	v43 =	vmul.f32 v24, v13;
	v44 =	vmul.f32 v25, v13  }
0x2ab: {  	v28 =	vld.idx.msk [tilespmem:v35+s20+$0x0], $0xffff;
	v41 =	vmul.f32 v31, v13;
	v42 =	vmul.f32 v32, v13  }
0x2ac: {  	v35 =	vld.idx.msk [tilespmem:v60+s20+$0x0], $0xffff;
	v17 =	vmul.f32 v34, v13;
	v38 =	vmul.f32 v18, v2  }
0x2ad: {  	v39 =	vmul.f32 v19, v2;
	v19 =	vld [tilespmem:s30+$0xFFFFFC10];
	v36 =	vmul.f32 v20, v2  }
0x2ae: {  	v37 =	vmul.f32 v21, v2;
	v20 =	vld [tilespmem:s30+$0xFFFFFC20];
	v15 =	vmul.f32 v22, v2  }
0x2af: {  	v14 =	vmul.f32 v23, v2;
	v23 =	vld.idx.msk [tilespmem:v40+s20+$0x0], $0xffff;
	v18 =	vmul.f32 v33, v13  }
0x2b0: {  	v40 =	vld.idx.msk [tilespmem:v47+s20+$0x0], $0xffff;
	v47 =	vmul.f32 v45, v16;
	v48 =	vmul.f32 v46, v16  }
0x2b1: {  	v21 =	vld [tilespmem:s30+$0xFFFFFC30];
	v45 =	vmul.f32 v49, v16;
	v46 =	vmul.f32 v50, v16  }
0x2b2: {  	v22 =	vld [tilespmem:s30+$0xFFFFFC40];
	v25 =	vmul.f32 v51, v16;
	v24 =	vmul.f32 v52, v16  }
0x2b3: {  	v31 =	vimm.f32 $0.0e+00;
	v51 =	vmul.f32 v55, v28;
	v52 =	vmul.f32 v61, v28  }
0x2b4: {  	v59 =	vld [tilespmem:s30+$0xFFFFFCB0];
	v34 =	vimm.f32 $0.0e+00;
	v49 =	vmul.f32 v53, v23;
	v50 =	vmul.f32 v54, v23  }
0x2b5: {  	v57 =	vld [tilespmem:s30+$0xFFFFFCC0];
	v32 =	vimm.f32 $0.0e+00;
	v53 =	vmul.f32 v62, v35;
	v54 =	vmul.f32 v63, v35  }
0x2b6: {  	v58 =	vld [tilespmem:s30+$0xFFFFFD30];
	v33 =	vimm.f32 $0.0e+00;
	v62 =	vmul.f32 v19, v40;
	v63 =	vmul.f32 v20, v40  }
0x2b7: {  	v56 =	vld [tilespmem:s30+$0xFFFFFD40];
	v60 =	vmul.f32 v21, v40;
	v61 =	vmul.f32 v22, v40;
	v22 =	vimm.f32 $0.0e+00  }
0x2b8: {  	s1 =	simm.s32 $0x8;
	v8 =	vmovc v3;
	[tilespmem:$0x1FF80] =	vst v4;
	v55 =	vld [tilespmem:s30+$0xFFFFFDB0];
	v21 =	vimm.f32 $0.0e+00;
	v20 =	vimm.f32 $0.0e+00;
	v19 =	vimm.f32 $0.0e+00  }
.LBB2_11:
0x2b9: {  	v31 =	vadd.f32 v62, v31  }
0x2ba: {  	v3 =	vld [tilespmem:$0x1FF80];
	v34 =	vadd.f32 v63, v34  }
0x2bb: {  	v62 =	vld [tilespmem:s30+$0xFFFFFDC0];
	v32 =	vadd.f32 v60, v32;
	v31 =	vadd.f32 v53, v31  }
0x2bc: {  	v33 =	vadd.f32 v61, v33;
	v60 =	vld [tilespmem:s30+$0xFFFFFDD0];
	v34 =	vadd.f32 v54, v34;
	v59 =	vmul.f32 v59, v35  }
0x2bd: {  	v57 =	vmul.f32 v57, v35;
	v63 =	vmul.f32 v58, v28;
	v58 =	vld [tilespmem:s30+$0xFFFFFC60];
	v31 =	vadd.f32 v51, v31  }
0x2be: {  	v54 =	vld [tilespmem:s30+$0xFFFFFDE0];
	v56 =	vmul.f32 v56, v28;
	v34 =	vadd.f32 v52, v34;
	v32 =	vadd.f32 v59, v32  }
0x2bf: {  	v52 =	vmul.f32 v55, v23;
	v33 =	vadd.f32 v57, v33;
	v57 =	vld [tilespmem:s30+$0xFFFFFD50];
	v31 =	vadd.f32 v49, v31  }
0x2c0: {  	v62 =	vmul.f32 v62, v23;
	v59 =	vld [tilespmem:s30+$0xFFFFFC70];
	v34 =	vadd.f32 v50, v34;
	v32 =	vadd.f32 v63, v32  }
0x2c1: {  	v49 =	vmul.f32 v60, v23;
	v50 =	vld [tilespmem:s30+$0xFFFFFC50];
	v33 =	vadd.f32 v56, v33;
	v31 =	vadd.f32 v47, v31  }
0x2c2: {  	v51 =	vld [tilespmem:s30+$0xFFFFFD60];
	v34 =	vadd.f32 v48, v34;
	v55 =	vmul.f32 v58, v40;
	v32 =	vadd.f32 v52, v32  }
0x2c3: {  	v63 =	vld [tilespmem:s30+$0xFFFFFCE0];
	v33 =	vadd.f32 v62, v33;
	v52 =	vmul.f32 v54, v23;
	v31 =	vadd.f32 v43, v31  }
0x2c4: {  	v61 =	vld [tilespmem:s30+$0xFFFFFCD0];
	v54 =	vmul.f32 v57, v28;
	v34 =	vadd.f32 v44, v34;
	v21 =	vadd.f32 v55, v21  }
0x2c5: {  	v60 =	vld [tilespmem:s30+$0xFFFFFC80];
	v57 =	vmul.f32 v59, v40;
	v32 =	vadd.f32 v45, v32;
	v33 =	vadd.f32 v46, v33  }
0x2c6: {  	v56 =	vld [tilespmem:s30+$0xFFFFFD70];
	v50 =	vmul.f32 v50, v40;
	v31 =	vadd.f32 v38, v31;
	v34 =	vadd.f32 v39, v34  }
0x2c7: {  	v48 =	vmul.f32 v51, v28;
	v51 =	vld [tilespmem:s30+$0xFFFFFD00];
	v20 =	vadd.f32 v57, v20;
	v32 =	vadd.f32 v41, v32  }
0x2c8: {  	v62 =	vmul.f32 v63, v35;
	v63 =	vld [tilespmem:s30+$0xFFFFFCF0];
	v33 =	vadd.f32 v42, v33;
	v22 =	vadd.f32 v50, v22  }
0x2c9: {  	v61 =	vmul.f32 v61, v35;
	v58 =	vld [tilespmem:s30+$0xFFFFFD80];
	v31 =	vadd.f32 v29, v31;
	v34 =	vadd.f32 v30, v34  }
0x2ca: {  	v59 =	vld [tilespmem:s30+$0xFFFFFE70];
	v29 =	vmul.f32 v60, v40;
	v21 =	vadd.f32 v62, v21;
	v32 =	vadd.f32 v36, v32  }
0x2cb: {  	v30 =	vld [tilespmem:s30+$0xFFFFFDF0];
	v33 =	vadd.f32 v37, v33;
	v22 =	vadd.f32 v61, v22  }
0x2cc: {  	v19 =	vadd.f32 v29, v19;
	v32 =	vadd.f32 v27, v32;
	v27 =	vld [tilespmem:s30+$0xFFFFFE00]  }
0x2cd: {  	v62 =	vld [tilespmem:s30+$0xFFFFFF80];
	v29 =	vmul.f32 v51, v35;
	v33 =	vadd.f32 v26, v33;
	v26 =	vmul.f32 v63, v35  }
0x2ce: {  	v60 =	vmul.f32 v56, v28;
	v61 =	vld [tilespmem:s30+$0xFFFFFE80];
	v22 =	vadd.f32 v54, v22  }
0x2cf: {  	v19 =	vadd.f32 v29, v19;
	v20 =	vadd.f32 v26, v20;
	v26 =	vmul.f32 v58, v28;
	v28 =	vld [tilespmem:s30+$0xFFFFFEF0]  }
0x2d0: {  	v21 =	vadd.f32 v48, v21;
	v29 =	vmul.f32 v30, v23;
	v30 =	vld [tilespmem:s30+$0xFFFFFF00];
	v22 =	vadd.f32 v49, v22  }
0x2d1: {  	v20 =	vadd.f32 v60, v20;
	v19 =	vadd.f32 v26, v19;
	v26 =	vld [tilespmem:s30+$0xFFFFFF70];
	v23 =	vmul.f32 v27, v23  }
0x2d2: {  	v21 =	vadd.f32 v52, v21;
	v22 =	vadd.f32 v25, v22;
	v25 =	vld [tilespmem:s30+$0x0]  }
0x2d3: {  	v27 =	vmul.f32 v59, v16;
	v20 =	vadd.f32 v29, v20;
	v19 =	vadd.f32 v23, v19;
	v23 =	vld [tilespmem:s30+$0xFFFFFFF0];
	s30 =	sadd.s32 $0x400, s30  }
0x2d4: {  	v21 =	vadd.f32 v24, v21;
	v18 =	vadd.f32 v18, v22;
	v24 =	vmul.f32 v28, v13;
	v28 =	vld [tilespmem:s30+$0xFFFFFF90]  }
0x2d5: {  	v20 =	vadd.f32 v27, v20;
	v27 =	vld [tilespmem:s30+$0xFFFFFFA0]  }
0x2d6: {  	v15 =	vadd.f32 v15, v18;
	v18 =	vld [tilespmem:s30+$0xFFFFFFD0]  }
0x2d7: {  	v35 =	vld [tilespmem:s30+$0xFFFFFF60]  }
0x2d8: {  	v40 =	vld [tilespmem:s30+$0xFFFFFE90]  }
0x2d9: {  	v41 =	vld [tilespmem:s30+$0xFFFFFEA0]  }
0x2da: {  	v42 =	vld [tilespmem:s30+$0xFFFFFEB0]  }
0x2db: {  	v45 =	vld [tilespmem:s30+$0xFFFFFEC0]  }
0x2dc: {  	v16 =	vmul.f32 v61, v16;
	v46 =	vld [tilespmem:s30+$0xFFFFFED0]  }
0x2dd: {  	v47 =	vld [tilespmem:s30+$0xFFFFFEE0]  }
0x2de: {  	v13 =	vmul.f32 v30, v13;
	v48 =	vld [tilespmem:s30+$0xFFFFFE10];
	v16 =	vadd.f32 v16, v19  }
0x2df: {  	v17 =	vadd.f32 v17, v21;
	v49 =	vld [tilespmem:s30+$0xFFFFFE20];
	v19 =	vmul.f32 v26, v2  }
0x2e0: {  	v50 =	vld [tilespmem:s30+$0xFFFFFE30];
	v2 =	vmul.f32 v62, v2;
	v20 =	vadd.f32 v24, v20;
	v13 =	vadd.f32 v13, v16  }
0x2e1: {  	v14 =	vadd.f32 v14, v17;
	v51 =	vld [tilespmem:s30+$0xFFFFFE40];
	v17 =	vmul.f32 v23, v1  }
0x2e2: {  	v52 =	vld [tilespmem:s30+$0xFFFFFE50];
	v19 =	vadd.f32 v19, v20;
	v1 =	vmul.f32 v25, v1;
	v2 =	vadd.f32 v2, v13  }
0x2e3: {  	v53 =	vld [tilespmem:s30+$0xFFFFFE60]  }
0x2e4: {  	v20 =	vadd.f32 v17, v19;
	v19 =	vadd.f32 v1, v2;
	v1 =	vmov s1;
	v2 =	vld [tilespmem:$0x1FF70]  }
0x2e5: {  	v54 =	vld [tilespmem:s30+$0xFFFFFD90];
	v1 =	vshrl.u32 v1, $0x3  }
0x2e6: {  	v21 =	vadd.f32 v5, v14;
	v5 =	vshll.u32 v1, v0;
	v1 =	vld [tilespmem:$0x1FF60]  }
0x2e7: {  	v55 =	vld [tilespmem:s30+$0xFFFFFDA0]  }
0x2e8: {  	v58 =	vld [tilespmem:s30+$0xFFFFFD10];
	v22 =	vadd.f32 v7, v15;
	v7 =	vadd.s32 v5, v3  }
0x2e9: {  	v60 =	vld [tilespmem:s30+$0xFFFFFD20];
	v7 =	vbroadcast v7, $0x0;
	v2 =	vadd.s32 v5, v2  }
0x2ea: {  	v61 =	vld [tilespmem:s30+$0xFFFFFC90];
	v2 =	vbroadcast v2, $0x0  }
0x2eb: {  	v26 =	vld [tilespmem:s30+$0xFFFFFFB0];
	v1 =	vadd.s32 v5, v1  }
0x2ec: {  	v14 =	vld [tilespmem:s30+$0xFFFFFF10];
	v1 =	vbroadcast v1, $0x0  }
0x2ed: {  	v15 =	vld [tilespmem:s30+$0xFFFFFF20]  }
0x2ee: {  	v25 =	vld [tilespmem:s30+$0xFFFFFF50];
	v13 =	vadd.s32 v5, v10  }
0x2ef: {  	v43 =	vbroadcast v13, $0x0;
	v13 =	vld.idx.msk [tilespmem:v7+s20+$0x0], $0xffff  }
0x2f0: {  	v2 =	vld.idx.msk [tilespmem:v2+s20+$0x0], $0xffff  }
0x2f1: {  	v17 =	vld [tilespmem:s30+$0xFFFFFF30];
	v29 =	vadd.s32 v5, v11;
	v30 =	vadd.s32 v5, v9;
	v63 =	vadd.s32 v5, v12  }
0x2f2: {  	v37 =	vbroadcast v29, $0x0;
	v56 =	vbroadcast v63, $0x0;
	v5 =	vadd.s32 v8, v5;
	v1 =	vld.idx.msk [tilespmem:v1+s20+$0x0], $0xffff  }
0x2f3: {  	v16 =	vld [tilespmem:s30+$0xFFFFFFC0];
	v59 =	vbroadcast v30, $0x0;
	v57 =	vbroadcast v5, $0x0  }
0x2f4: {  	v4 =	vld [tilespmem:s30+$0xFFFFFC30];
	v44 =	vmul.f32 v41, v13;
	v41 =	vmul.f32 v42, v13  }
0x2f5: {  	v24 =	vld [tilespmem:s30+$0xFFFFFF40];
	v42 =	vmul.f32 v45, v13;
	v38 =	vmul.f32 v14, v2  }
0x2f6: {  	v23 =	vld [tilespmem:s30+$0xFFFFFFE0];
	v39 =	vmul.f32 v15, v2;
	v36 =	vmul.f32 v17, v2  }
0x2f7: {  	v62 =	vld [tilespmem:s30+$0xFFFFFCA0];
	v15 =	vmul.f32 v25, v2;
	v30 =	vmul.f32 v27, v1  }
0x2f8: {  	v27 =	vmul.f32 v26, v1;
	v26 =	vmul.f32 v16, v1;
	v16 =	vld.idx.msk [tilespmem:v37+s20+$0x0], $0xffff  }
0x2f9: {  	v3 =	vld [tilespmem:s30+$0xFFFFFC20];
	v14 =	vmul.f32 v35, v2;
	v17 =	vmul.f32 v47, v13  }
0x2fa: {  	v63 =	vld [tilespmem:s30+$0xFFFFFC10];
	v29 =	vmul.f32 v28, v1;
	v7 =	vmul.f32 v18, v1  }
0x2fb: {  	v5 =	vmul.f32 v23, v1;
	v37 =	vmul.f32 v24, v2;
	v23 =	vld.idx.msk [tilespmem:v43+s20+$0x0], $0xffff  }
0x2fc: {  	v43 =	vmul.f32 v40, v13;
	v28 =	vld.idx.msk [tilespmem:v56+s20+$0x0], $0xffff;
	v18 =	vmul.f32 v46, v13  }
0x2fd: {  	v35 =	vld.idx.msk [tilespmem:v59+s20+$0x0], $0xffff;
	v47 =	vmul.f32 v48, v16;
	v48 =	vmul.f32 v49, v16  }
0x2fe: {  	v40 =	vld.idx.msk [tilespmem:v57+s20+$0x0], $0xffff;
	v45 =	vmul.f32 v50, v16;
	v46 =	vmul.f32 v51, v16  }
0x2ff: {  	p1 =	sne.s32 s1, $0x38;
	v6 =	vld [tilespmem:s30+$0xFFFFFC40];
	v25 =	vmul.f32 v52, v16;
	v24 =	vmul.f32 v53, v16  }
.Ltmp6:
0x300: {  	v59 =	vld [tilespmem:s30+$0xFFFFFCB0];
	v49 =	vmul.f32 v54, v23;
	v50 =	vmul.f32 v55, v23;
	(pc) =	sbr.rel @p1 .LBB2_11-.Ltmp6, $4  }
0x301: {  	v57 =	vld [tilespmem:s30+$0xFFFFFCC0];
	v51 =	vmul.f32 v58, v28;
	v52 =	vmul.f32 v60, v28  }
0x302: {  	v56 =	vld [tilespmem:s30+$0xFFFFFD40];
	v53 =	vmul.f32 v61, v35;
	v54 =	vmul.f32 v62, v35  }
0x303: {  	v58 =	vld [tilespmem:s30+$0xFFFFFD30];
	v62 =	vmul.f32 v63, v40;
	v63 =	vmul.f32 v3, v40  }
0x304: {  	s1 =	sadd.s32 $0x8, s1;
	v60 =	vmul.f32 v4, v40;
	v61 =	vmul.f32 v6, v40;
	v55 =	vld [tilespmem:s30+$0xFFFFFDB0]  }
0x305: {  	_ = 	snop  }
0x306: {  	v3 =	vadd.f32 v62, v31;
	v4 =	vadd.f32 v63, v34;
	v6 =	vmul.f32 v59, v35;
	v8 =	vld [tilespmem:s30+$0xFFFFFDC0]  }
0x307: {  	v9 =	vadd.f32 v60, v32;
	v10 =	vadd.f32 v61, v33;
	v11 =	vmul.f32 v57, v35  }
0x308: {  	v12 =	vld [tilespmem:s30+$0xFFFFFDD0];
	v3 =	vadd.f32 v53, v3;
	v4 =	vadd.f32 v54, v4;
	v31 =	vmul.f32 v58, v28  }
0x309: {  	v63 =	vld [tilespmem:s30+$0xFFFFFD60];
	v6 =	vadd.f32 v6, v9;
	v9 =	vadd.f32 v11, v10;
	v10 =	vmul.f32 v56, v28  }
0x30a: {  	v61 =	vld [tilespmem:s30+$0xFFFFFDE0];
	v3 =	vadd.f32 v51, v3;
	v4 =	vadd.f32 v52, v4;
	v62 =	vmul.f32 v55, v23  }
0x30b: {  	v51 =	vld [tilespmem:s30+$0xFFFFFC60];
	v6 =	vadd.f32 v31, v6;
	v9 =	vadd.f32 v10, v9;
	v8 =	vmul.f32 v8, v23  }
0x30c: {  	v11 =	vld [tilespmem:s30+$0xFFFFFD50];
	v3 =	vadd.f32 v49, v3;
	v4 =	vadd.f32 v50, v4  }
0x30d: {  	v10 =	vld [tilespmem:s30+$0xFFFFFCD0];
	v12 =	vmul.f32 v12, v23;
	v6 =	vadd.f32 v62, v6;
	v8 =	vadd.f32 v8, v9  }
0x30e: {  	v34 =	vmul.f32 v63, v28;
	v9 =	vld [tilespmem:s30+$0xFFFFFC50];
	v3 =	vadd.f32 v47, v3;
	v4 =	vadd.f32 v48, v4  }
0x30f: {  	v31 =	vld [tilespmem:s30+$0xFFFFFCE0];
	v32 =	vmul.f32 v61, v23;
	v6 =	vadd.f32 v45, v6;
	v8 =	vadd.f32 v46, v8  }
0x310: {  	v52 =	vld [tilespmem:s30+$0xFFFFFC70];
	v33 =	vmul.f32 v51, v40;
	v3 =	vadd.f32 v43, v3;
	v4 =	vadd.f32 v44, v4  }
0x311: {  	v53 =	vld [tilespmem:s30+$0xFFFFFC80];
	v11 =	vmul.f32 v11, v28;
	v6 =	vadd.f32 v41, v6;
	v8 =	vadd.f32 v42, v8  }
0x312: {  	v54 =	vld [tilespmem:s30+$0xFFFFFCF0];
	v10 =	vmul.f32 v10, v35;
	v21 =	vadd.f32 v33, v21;
	v3 =	vadd.f32 v38, v3  }
0x313: {  	v55 =	vld [tilespmem:s30+$0xFFFFFD00];
	v4 =	vadd.f32 v39, v4;
	v9 =	vmul.f32 v9, v40;
	v6 =	vadd.f32 v36, v6  }
0x314: {  	v56 =	vld [tilespmem:s30+$0xFFFFFD70];
	v31 =	vmul.f32 v31, v35;
	v8 =	vadd.f32 v37, v8;
	v3 =	vadd.f32 v29, v3  }
0x315: {  	v4 =	vadd.f32 v30, v4;
	v29 =	vmul.f32 v52, v40;
	v30 =	vld [tilespmem:s30+$0xFFFFFD80];
	v9 =	vadd.f32 v9, v22  }
0x316: {  	v22 =	vmul.f32 v53, v40;
	v6 =	vadd.f32 v27, v6;
	v27 =	vld [tilespmem:s30+$0xFFFFFDF0];
	v8 =	vadd.f32 v26, v8  }
0x317: {  	v57 =	vld [tilespmem:s30+$0xFFFFFE00];
	v26 =	vmul.f32 v54, v35;
	v20 =	vadd.f32 v29, v20;
	v9 =	vadd.f32 v10, v9  }
0x318: {  	v21 =	vadd.f32 v31, v21;
	v10 =	vadd.f32 v22, v19;
	v19 =	vmul.f32 v55, v35;
	v22 =	vld [tilespmem:s30+$0xFFFFFE70]  }
0x319: {  	v31 =	vld [tilespmem:s30+$0xFFFFFE80];
	v29 =	vmul.f32 v56, v28;
	v20 =	vadd.f32 v26, v20;
	v9 =	vadd.f32 v11, v9  }
0x31a: {  	v21 =	vadd.f32 v34, v21;
	v10 =	vadd.f32 v19, v10;
	v19 =	vld [tilespmem:s30+$0xFFFFFEF0];
	v11 =	vmul.f32 v30, v28  }
0x31b: {  	v26 =	vmul.f32 v27, v23;
	v27 =	vld [tilespmem:s30+$0xFFFFFF00];
	v20 =	vadd.f32 v29, v20;
	v9 =	vadd.f32 v12, v9  }
0x31c: {  	v21 =	vadd.f32 v32, v21;
	v12 =	vld [tilespmem:s30+$0xFFFFFF70];
	v10 =	vadd.f32 v11, v10;
	v11 =	vmul.f32 v57, v23  }
0x31d: {  	v22 =	vmul.f32 v22, v16;
	v23 =	vld [tilespmem:s30+$0xFFFFFF80];
	v20 =	vadd.f32 v26, v20;
	v9 =	vadd.f32 v25, v9  }
0x31e: {  	v21 =	vadd.f32 v24, v21;
	v10 =	vadd.f32 v11, v10;
	v11 =	vmul.f32 v31, v16;
	v16 =	vld [tilespmem:s30+$0xFFFFFFF0]  }
0x31f: {  	s0 =	sshll.u32 s31, $0x7;
	v24 =	vld [tilespmem:s30+$0x0];
	v19 =	vmul.f32 v19, v13;
	v20 =	vadd.f32 v22, v20;
	v9 =	vadd.f32 v18, v9  }
0x320: {  	s0 =	sand.u32 $0x3FFFFF80, s0;
	v10 =	vadd.f32 v11, v10;
	v11 =	vmul.f32 v27, v13;
	v13 =	vadd.f32 v17, v21  }
0x321: {  	[tilespmem:s0+$0x2400] =	vst v3;
	v12 =	vmul.f32 v12, v2;
	v17 =	vadd.f32 v19, v20;
	v9 =	vadd.f32 v15, v9  }
0x322: {  	[tilespmem:s0+$0x2410] =	vst v4;
	v2 =	vmul.f32 v23, v2;
	v3 =	vadd.f32 v11, v10;
	v10 =	vadd.f32 v14, v13  }
0x323: {  	[tilespmem:s0+$0x2420] =	vst v6;
	v4 =	vmul.f32 v16, v1;
	v11 =	vadd.f32 v12, v17;
	v7 =	vadd.f32 v7, v9  }
0x324: {  	[tilespmem:s0+$0x2430] =	vst v8;
	v1 =	vmul.f32 v24, v1;
	v2 =	vadd.f32 v2, v3;
	v3 =	vadd.f32 v5, v10  }
0x325: {  	v4 =	vadd.f32 v4, v11;
	[tilespmem:s0+$0x2440] =	vst v7  }
0x326: {  	v1 =	vadd.f32 v1, v2;
	[tilespmem:s0+$0x2450] =	vst v3  }
0x327: {  	[tilespmem:s0+$0x2460] =	vst v4  }
0x328: {  	s1 =	simm.s32 @!p0 $0x80;
	s10 =	simm.s32 @!p0 $0x6D00;
	[tilespmem:s0+$0x2470] =	vst v1;
	s0 =	sadd.s32 @!p0 $0xB00, s29  }
0x329: {  	[tilespmem:s10], [sflag:$0x2] =	stream.indirect.gather @!p0 [hbm4b:s2+s1], $0x80, s0, s1, $0xb8;
	[tilespmem:$0xED00] =	vst v63  }
0x32a: {  	_ =	swait.ge [sflag:s22], $0x4000  }
0x32b: {  	[sflag:s22] =	ssyncset.done $0x0  }
0x32c: {  	s29 =	simm.s32 $0xAF00;
	[sflag:s22] =	ssyncadd.s32 $0xFFFFC000  }
0x32d: {  	v11 =	vld [tilespmem:s29+$0x180]  }
0x32e: {  	v12 =	vld [tilespmem:s29+$0x190]  }
0x32f: {  	v14 =	vld [tilespmem:s29+$0x1A0]  }
0x330: {  	v15 =	vld [tilespmem:s29+$0x1B0]  }
0x331: {  	v16 =	vld [tilespmem:s29+$0x1C0]  }
0x332: {  	v17 =	vld [tilespmem:s29+$0x1D0]  }
0x333: {  	v18 =	vld [tilespmem:s29+$0x100]  }
0x334: {  	v19 =	vld [tilespmem:s29+$0x110]  }
0x335: {  	v21 =	vld [tilespmem:s29+$0x120]  }
0x336: {  	v22 =	vld [tilespmem:s29+$0x130]  }
0x337: {  	v23 =	vld [tilespmem:s29+$0x140]  }
0x338: {  	s31 =	simm.s32 $0x4;
	v24 =	vld [tilespmem:s29+$0x150]  }
0x339: {  	v30 =	vmov s31;
	s31 =	simm.s32 $0x0;
	v25 =	vld [tilespmem:s29+$0x80]  }
0x33a: {  	s13 =	simm.s32 $0x6;
	v59 =	vmov s31;
	s30 =	sadd.s32 $0x4, s28;
	v26 =	vld [tilespmem:s29+$0x90]  }
0x33b: {  	v30 =	vshrl.u32 v30, $0x3;
	v33 =	vshrl.u32 v59, $0x3;
	v10 =	vmov s13;
	s1 =	sshll.u32 s30, $0x6;
	v27 =	vld [tilespmem:s29+$0xA0]  }
0x33c: {  	s14 =	simm.s32 $0x5;
	v30 =	vshll.u32 v30, v0;
	v10 =	vshrl.u32 v10, $0x3;
	v1 =	vmov s1;
	v28 =	vld [tilespmem:s29+$0xB0]  }
0x33d: {  	v13 =	vmov s14;
	v10 =	vshll.u32 v10, v0;
	v9 =	vor.u32 $0x6, v1;
	v29 =	vld [tilespmem:s29+$0xC0]  }
0x33e: {  	v33 =	vshll.u32 v33, v0;
	v13 =	vshrl.u32 v13, $0x3;
	v10 =	vadd.s32 v10, v9;
	v35 =	vld [tilespmem:s29+$0xD0]  }
0x33f: {  	s14 =	simm.s32 $0x1;
	s13 =	simm.s32 $0x2;
	v13 =	vshll.u32 v13, v0;
	v7 =	vor.u32 $0x5, v1;
	v40 =	vld [tilespmem:s29+$0x0];
	v10 =	vbroadcast v10, $0x0  }
0x340: {  	v31 =	vmov s14;
	v58 =	vmov s13;
	v13 =	vadd.s32 v13, v7;
	v45 =	vld [tilespmem:s29+$0x10]  }
0x341: {  	v31 =	vshrl.u32 v31, $0x3;
	v32 =	vshrl.u32 v58, $0x3;
	v46 =	vld [tilespmem:s29+$0x20];
	v13 =	vbroadcast v13, $0x0  }
0x342: {  	v31 =	vshll.u32 v31, v0;
	v32 =	vshll.u32 v32, v0;
	s10 =	simm.s32 $0x7;
	v6 =	vor.u32 $0x4, v1;
	v49 =	vld [tilespmem:s29+$0x30]  }
0x343: {  	v4 =	vmov s10;
	v2 =	vor.u32 $0x1, v1;
	v30 =	vadd.s32 v30, v6;
	v50 =	vld [tilespmem:s29+$0x40]  }
0x344: {  	s10 =	simm.s32 $0x3;
	v3 =	vor.u32 $0x2, v1;
	v4 =	vshrl.u32 v4, $0x3;
	v51 =	vld [tilespmem:s29+$0x50];
	v34 =	vbroadcast v30, $0x0  }
0x345: {  	v8 =	vor.u32 $0x7, v1;
	v20 =	vmov s10;
	v4 =	vshll.u32 v4, v0;
	v10 =	vld.idx.msk [tilespmem:v10+s20+$0x0], $0xffff  }
0x346: {  	v5 =	vor.u32 $0x3, v1;
	v20 =	vshrl.u32 v20, $0x3;
	v4 =	vadd.s32 v4, v8;
	v52 =	vld [tilespmem:s29+$0xFFFFFF80]  }
0x347: {  	v31 =	vadd.s32 v31, v2;
	v32 =	vadd.s32 v32, v3;
	v4 =	vbroadcast v4, $0x0;
	v13 =	vld.idx.msk [tilespmem:v13+s20+$0x0], $0xffff  }
0x348: {  	v20 =	vshll.u32 v20, v0;
	v53 =	vld [tilespmem:s29+$0xFFFFFF90];
	v30 =	vadd.s32 v1, v33;
	v60 =	vbroadcast v32, $0x0  }
0x349: {  	v54 =	vld [tilespmem:s29+$0xFFFFFF00];
	v63 =	vbroadcast v31, $0x0;
	v20 =	vadd.s32 v20, v5;
	v62 =	vbroadcast v30, $0x0  }
0x34a: {  	v61 =	vbroadcast v20, $0x0;
	v20 =	vld.idx.msk [tilespmem:v34+s20+$0x0], $0xffff;
	v38 =	vmul.f32 v18, v10  }
0x34b: {  	v56 =	vld [tilespmem:s29+$0xFFFFFF10];
	v39 =	vmul.f32 v19, v10;
	v36 =	vmul.f32 v21, v10  }
0x34c: {  	v57 =	vld [tilespmem:s29+$0xFFFFFE80];
	v37 =	vmul.f32 v22, v10;
	v43 =	vmul.f32 v25, v13  }
0x34d: {  	v4 =	vld.idx.msk [tilespmem:v4+s20+$0x0], $0xffff;
	v44 =	vmul.f32 v26, v13;
	v41 =	vmul.f32 v27, v13  }
0x34e: {  	v34 =	vld.idx.msk [tilespmem:v60+s20+$0x0], $0xffff;
	v42 =	vmul.f32 v28, v13;
	v22 =	vmul.f32 v29, v13  }
0x34f: {  	v55 =	vld [tilespmem:s29+$0xFFFFFE20];
	v21 =	vmul.f32 v35, v13;
	v47 =	vmul.f32 v40, v20  }
0x350: {  	v18 =	vld [tilespmem:s29+$0xFFFFFE10];
	v48 =	vmul.f32 v45, v20;
	v45 =	vmul.f32 v46, v20  }
0x351: {  	v40 =	vld.idx.msk [tilespmem:v62+s20+$0x0], $0xffff;
	v46 =	vmul.f32 v49, v20;
	v26 =	vmul.f32 v50, v20  }
0x352: {  	v30 =	vmul.f32 v15, v4;
	v15 =	vmul.f32 v23, v10;
	v23 =	vld.idx.msk [tilespmem:v61+s20+$0x0], $0xffff  }
0x353: {  	v35 =	vld.idx.msk [tilespmem:v63+s20+$0x0], $0xffff;
	v25 =	vmul.f32 v51, v20;
	v51 =	vmul.f32 v54, v34  }
0x354: {  	v29 =	vimm.f32 $0.0e+00;
	v33 =	vmul.f32 v12, v4;
	v12 =	vmul.f32 v16, v4;
	v16 =	vld [tilespmem:s29+$0xFFFFFE90]  }
0x355: {  	v27 =	vimm.f32 $0.0e+00;
	v32 =	vmul.f32 v11, v4;
	v11 =	vmul.f32 v17, v4;
	v17 =	vld [tilespmem:s29+$0xFFFFFE00]  }
0x356: {  	v59 =	vld [tilespmem:s29+$0xFFFFFEA0];
	v28 =	vimm.f32 $0.0e+00;
	v31 =	vmul.f32 v14, v4;
	v14 =	vmul.f32 v24, v10  }
0x357: {  	v58 =	vld [tilespmem:s29+$0xFFFFFF20];
	v19 =	vimm.f32 $0.0e+00;
	v62 =	vmul.f32 v18, v40;
	v49 =	vmul.f32 v52, v23  }
0x358: {  	[tilespmem:$0x1FF50] =	vst v9;
	v9 =	vmovc v7;
	v7 =	vmovc v5;
	v60 =	vld [tilespmem:s29+$0xFFFFFE30];
	v24 =	vimm.f32 $0.0e+00;
	v50 =	vmul.f32 v53, v23;
	v52 =	vmul.f32 v56, v34  }
0x359: {  	[tilespmem:$0x1FF40] =	vst v8;
	v8 =	vmovc v6;
	v5 =	vmovc v2;
	v18 =	vimm.f32 $0.0e+00;
	v53 =	vmul.f32 v57, v35;
	v54 =	vmul.f32 v16, v35;
	v56 =	vld [tilespmem:s29+$0xFFFFFEB0]  }
0x35a: {  	s1 =	simm.s32 $0xF;
	v6 =	vmovc v3;
	v3 =	vmovc v1;
	v61 =	vmul.f32 v17, v40;
	v57 =	vld [tilespmem:s29+$0xFFFFFF30];
	v17 =	vimm.f32 $0.0e+00;
	v16 =	vimm.f32 $0.0e+00  }
.LBB2_13:
0x35b: {  	_ = 	snop  }
0x35c: {  	v63 =	vld [tilespmem:s29+$0xFFFFFFA0];
	v24 =	vadd.f32 v61, v24  }
0x35d: {  	v1 =	vld [tilespmem:$0x1FF40];
	v29 =	vadd.f32 v62, v29  }
0x35e: {  	v61 =	vld [tilespmem:s29+$0xFFFFFFB0];
	v24 =	vadd.f32 v53, v24  }
0x35f: {  	v29 =	vadd.f32 v54, v29;
	v54 =	vld [tilespmem:s29+$0xFFFFFFD0];
	v55 =	vmul.f32 v55, v40;
	v60 =	vmul.f32 v60, v40  }
0x360: {  	v62 =	vmul.f32 v56, v35;
	v56 =	vld [tilespmem:s29+$0xFFFFFFC0];
	v24 =	vadd.f32 v51, v24  }
0x361: {  	v59 =	vmul.f32 v59, v35;
	v51 =	vld [tilespmem:s29+$0xFFFFFF50];
	v27 =	vadd.f32 v55, v27;
	v28 =	vadd.f32 v60, v28  }
0x362: {  	v60 =	vmul.f32 v58, v34;
	v58 =	vld [tilespmem:s29+$0xFFFFFEC0]  }
0x363: {  	v55 =	vld [tilespmem:s29+$0xFFFFFFE0];
	v27 =	vadd.f32 v59, v27;
	v28 =	vadd.f32 v62, v28;
	v62 =	vmul.f32 v57, v34  }
0x364: {  	v29 =	vadd.f32 v52, v29;
	v63 =	vmul.f32 v63, v23;
	v24 =	vadd.f32 v49, v24;
	v57 =	vld [tilespmem:s29+$0xFFFFFF40]  }
0x365: {  	v27 =	vadd.f32 v60, v27;
	v28 =	vadd.f32 v62, v28;
	v60 =	vmul.f32 v61, v23;
	v62 =	vld [tilespmem:s29+$0xFFFFFE40]  }
0x366: {  	v29 =	vadd.f32 v50, v29;
	v52 =	vmul.f32 v54, v23;
	v24 =	vadd.f32 v47, v24;
	v61 =	vld [tilespmem:s29+$0xFFFFFED0]  }
0x367: {  	v49 =	vmul.f32 v56, v23;
	v56 =	vld [tilespmem:s29+$0xFFFFFE60];
	v27 =	vadd.f32 v63, v27;
	v28 =	vadd.f32 v60, v28  }
0x368: {  	v29 =	vadd.f32 v48, v29;
	v48 =	vmul.f32 v51, v34;
	v24 =	vadd.f32 v43, v24;
	v63 =	vld [tilespmem:s29+$0xFFFFFE50]  }
0x369: {  	v54 =	vmul.f32 v57, v34;
	v57 =	vld [tilespmem:s29+$0xFFFFFE70];
	v27 =	vadd.f32 v45, v27;
	v28 =	vadd.f32 v46, v28  }
0x36a: {  	v59 =	vld [tilespmem:s29+$0xFFFFFEE0];
	v29 =	vadd.f32 v44, v29;
	v46 =	vmul.f32 v58, v35;
	v60 =	vmul.f32 v62, v40  }
0x36b: {  	v58 =	vmul.f32 v61, v35;
	v61 =	vld [tilespmem:s29+$0xFFFFFEF0];
	v27 =	vadd.f32 v41, v27;
	v28 =	vadd.f32 v42, v28  }
0x36c: {  	v51 =	vld [tilespmem:s29+$0xFFFFFF70];
	v29 =	vadd.f32 v39, v29;
	v50 =	vmul.f32 v56, v40;
	v19 =	vadd.f32 v60, v19  }
0x36d: {  	v62 =	vmul.f32 v63, v40;
	v63 =	vld [tilespmem:s29+$0xFFFFFF60];
	v27 =	vadd.f32 v36, v27;
	v28 =	vadd.f32 v37, v28  }
0x36e: {  	v17 =	vadd.f32 v50, v17;
	v60 =	vld [tilespmem:s29+$0xE0];
	v53 =	vmul.f32 v57, v40;
	v19 =	vadd.f32 v46, v19  }
0x36f: {  	v27 =	vadd.f32 v31, v27;
	v28 =	vadd.f32 v30, v28;
	v31 =	vld [tilespmem:s29+$0xFFFFFFF0]  }
0x370: {  	v57 =	vld [tilespmem:s29+$0x60];
	v30 =	vmul.f32 v59, v35;
	v16 =	vadd.f32 v53, v16;
	v56 =	vmul.f32 v61, v35  }
0x371: {  	v18 =	vadd.f32 v62, v18;
	v62 =	vld [tilespmem:s29+$0x170];
	v19 =	vadd.f32 v54, v19  }
0x372: {  	v59 =	vld [tilespmem:s29+$0x70];
	v17 =	vadd.f32 v30, v17;
	v16 =	vadd.f32 v56, v16;
	v30 =	vmul.f32 v51, v34  }
0x373: {  	v29 =	vadd.f32 v33, v29;
	v61 =	vld [tilespmem:s29+$0xF0];
	v19 =	vadd.f32 v49, v19  }
0x374: {  	v33 =	vmul.f32 v55, v23;
	v16 =	vadd.f32 v30, v16;
	v30 =	vld [tilespmem:s29+$0x160];
	v23 =	vmul.f32 v31, v23  }
0x375: {  	v24 =	vadd.f32 v38, v24;
	v19 =	vadd.f32 v26, v19;
	v26 =	vld [tilespmem:s29+$0x1F0]  }
0x376: {  	v16 =	vadd.f32 v23, v16;
	v23 =	vld [tilespmem:s29+$0x1E0];
	s29 =	sadd.s32 $0x400, s29  }
0x377: {  	v24 =	vadd.f32 v32, v24;
	v32 =	vld [tilespmem:s29+$0x180]  }
0x378: {  	v19 =	vadd.f32 v22, v19;
	v22 =	vld [tilespmem:s29+$0x1A0]  }
0x379: {  	v18 =	vadd.f32 v58, v18;
	v58 =	vmul.f32 v63, v34;
	v34 =	vld [tilespmem:s29+$0x130]  }
0x37a: {  	v35 =	vld [tilespmem:s29+$0x140]  }
0x37b: {  	v40 =	vld [tilespmem:s29+$0x150]  }
0x37c: {  	v41 =	vld [tilespmem:s29+$0x80]  }
0x37d: {  	v18 =	vadd.f32 v48, v18;
	v17 =	vadd.f32 v58, v17;
	v42 =	vld [tilespmem:s29+$0x90]  }
0x37e: {  	v45 =	vld [tilespmem:s29+$0xA0]  }
0x37f: {  	v18 =	vadd.f32 v52, v18;
	v31 =	vmul.f32 v57, v20;
	v17 =	vadd.f32 v33, v17;
	v46 =	vld [tilespmem:s29+$0xB0]  }
0x380: {  	v20 =	vmul.f32 v59, v20;
	v47 =	vld [tilespmem:s29+$0xC0]  }
0x381: {  	v18 =	vadd.f32 v25, v18;
	v25 =	vmul.f32 v60, v13;
	v17 =	vadd.f32 v31, v17;
	v48 =	vld [tilespmem:s29+$0xD0]  }
0x382: {  	v13 =	vmul.f32 v61, v13;
	v49 =	vld [tilespmem:s29+$0x0];
	v16 =	vadd.f32 v20, v16  }
0x383: {  	v50 =	vld [tilespmem:s29+$0x10];
	v18 =	vadd.f32 v21, v18;
	v21 =	vmul.f32 v30, v10;
	v17 =	vadd.f32 v25, v17  }
0x384: {  	v51 =	vld [tilespmem:s29+$0x20];
	v10 =	vmul.f32 v62, v10;
	v13 =	vadd.f32 v13, v16  }
0x385: {  	v52 =	vld [tilespmem:s29+$0x30];
	v14 =	vadd.f32 v14, v18;
	v16 =	vmul.f32 v23, v4;
	v17 =	vadd.f32 v21, v17  }
0x386: {  	s10 =	sadd.s32 $0xFFFFFFFE, s1;
	v53 =	vld [tilespmem:s29+$0x40];
	v15 =	vadd.f32 v15, v19;
	v4 =	vmul.f32 v26, v4;
	v10 =	vadd.f32 v10, v13  }
0x387: {  	v54 =	vld [tilespmem:s29+$0x50];
	v18 =	vadd.f32 v11, v14;
	v11 =	vmov s10;
	v17 =	vadd.f32 v16, v17  }
0x388: {  	s14 =	sadd.s32 $0xFFFFFFFB, s1;
	v56 =	vld [tilespmem:s29+$0xFFFFFF80];
	v11 =	vshrl.u32 v11, $0x3;
	v16 =	vadd.f32 v4, v10;
	v4 =	vmov s1  }
0x389: {  	v31 =	vmov s14;
	v57 =	vld [tilespmem:s29+$0xFFFFFF90];
	v11 =	vshll.u32 v11, v0;
	v4 =	vshrl.u32 v4, $0x3  }
0x38a: {  	s31 =	sadd.s32 $0xFFFFFFFC, s1;
	v58 =	vld [tilespmem:s29+$0xFFFFFF00];
	v19 =	vadd.f32 v12, v15;
	v11 =	vadd.s32 v11, v9;
	v4 =	vshll.u32 v4, v0  }
0x38b: {  	s13 =	sadd.s32 $0xFFFFFFFD, s1;
	v12 =	vmov s31;
	s31 =	sadd.s32 $0xFFFFFFF9, s1;
	v11 =	vbroadcast v11, $0x0;
	v4 =	vadd.s32 v4, v1;
	v1 =	vld [tilespmem:$0x1FF50]  }
0x38c: {  	s0 =	sadd.s32 $0xFFFFFFFF, s1;
	v61 =	vld [tilespmem:s29+$0xFFFFFF10];
	v63 =	vmov s31;
	v13 =	vmov s13;
	v4 =	vbroadcast v4, $0x0  }
0x38d: {  	v2 =	vld [tilespmem:s29+$0xFFFFFE00];
	v12 =	vshrl.u32 v12, $0x3;
	v13 =	vshrl.u32 v13, $0x3;
	v10 =	vmov s0  }
0x38e: {  	v20 =	vld [tilespmem:s29+$0x190];
	v33 =	vshrl.u32 v63, $0x3;
	v13 =	vshll.u32 v13, v0;
	v10 =	vshrl.u32 v10, $0x3  }
0x38f: {  	v62 =	vld [tilespmem:s29+$0xFFFFFE80];
	v33 =	vshll.u32 v33, v0;
	v13 =	vadd.s32 v13, v8;
	v10 =	vshll.u32 v10, v0  }
0x390: {  	v25 =	vld [tilespmem:s29+$0x1B0];
	s10 =	sadd.s32 $0xFFFFFFFA, s1;
	v36 =	vbroadcast v13, $0x0;
	v13 =	vadd.s32 v3, v33;
	v10 =	vadd.s32 v10, v1  }
0x391: {  	v30 =	vmov s10;
	v59 =	vbroadcast v13, $0x0;
	v13 =	vld.idx.msk [tilespmem:v11+s20+$0x0], $0xffff;
	v10 =	vbroadcast v10, $0x0  }
0x392: {  	v31 =	vshrl.u32 v31, $0x3;
	v12 =	vshll.u32 v12, v0;
	v30 =	vshrl.u32 v30, $0x3;
	v4 =	vld.idx.msk [tilespmem:v4+s20+$0x0], $0xffff  }
0x393: {  	v31 =	vshll.u32 v31, v0;
	v23 =	vld [tilespmem:s29+$0x1C0];
	v12 =	vadd.s32 v12, v7;
	v30 =	vshll.u32 v30, v0  }
0x394: {  	v31 =	vadd.s32 v31, v6;
	v21 =	vld [tilespmem:s29+$0x1D0];
	v43 =	vbroadcast v12, $0x0;
	v30 =	vadd.s32 v30, v5  }
0x395: {  	v15 =	vld [tilespmem:s29+$0x110];
	v55 =	vbroadcast v31, $0x0;
	v60 =	vbroadcast v30, $0x0  }
0x396: {  	v14 =	vld [tilespmem:s29+$0x100];
	v44 =	vmul.f32 v42, v13;
	v42 =	vmul.f32 v46, v13  }
0x397: {  	v10 =	vld.idx.msk [tilespmem:v10+s20+$0x0], $0xffff;
	v32 =	vmul.f32 v32, v4;
	v33 =	vmul.f32 v20, v4  }
0x398: {  	v26 =	vld [tilespmem:s29+$0x120];
	v31 =	vmul.f32 v22, v4;
	v30 =	vmul.f32 v25, v4  }
0x399: {  	v12 =	vmul.f32 v23, v4;
	v11 =	vmul.f32 v21, v4;
	v20 =	vld.idx.msk [tilespmem:v36+s20+$0x0], $0xffff  }
0x39a: {  	v23 =	vld.idx.msk [tilespmem:v43+s20+$0x0], $0xffff;
	v43 =	vmul.f32 v41, v13;
	v41 =	vmul.f32 v45, v13  }
0x39b: {  	v63 =	vld [tilespmem:s29+$0xFFFFFE90];
	v22 =	vmul.f32 v47, v13;
	v21 =	vmul.f32 v48, v13  }
0x39c: {  	v1 =	vld [tilespmem:s29+$0xFFFFFE10];
	v38 =	vmul.f32 v14, v10;
	v39 =	vmul.f32 v15, v10  }
0x39d: {  	v36 =	vmul.f32 v26, v10;
	v37 =	vmul.f32 v34, v10;
	v34 =	vld.idx.msk [tilespmem:v55+s20+$0x0], $0xffff  }
0x39e: {  	v15 =	vmul.f32 v35, v10;
	v14 =	vmul.f32 v40, v10;
	v35 =	vld.idx.msk [tilespmem:v60+s20+$0x0], $0xffff  }
0x39f: {  	v40 =	vld.idx.msk [tilespmem:v59+s20+$0x0], $0xffff;
	v47 =	vmul.f32 v49, v20;
	v48 =	vmul.f32 v50, v20  }
0x3a0: {  	p1 =	sne.s32 s1, $0x3F;
	v55 =	vld [tilespmem:s29+$0xFFFFFE20];
	v45 =	vmul.f32 v51, v20;
	v46 =	vmul.f32 v52, v20  }
.Ltmp7:
0x3a1: {  	v60 =	vld [tilespmem:s29+$0xFFFFFE30];
	v26 =	vmul.f32 v53, v20;
	v25 =	vmul.f32 v54, v20;
	(pc) =	sbr.rel @p1 .LBB2_13-.Ltmp7, $4  }
0x3a2: {  	v59 =	vld [tilespmem:s29+$0xFFFFFEA0];
	v49 =	vmul.f32 v56, v23;
	v50 =	vmul.f32 v57, v23  }
0x3a3: {  	v56 =	vld [tilespmem:s29+$0xFFFFFEB0];
	v51 =	vmul.f32 v58, v34;
	v52 =	vmul.f32 v61, v34  }
0x3a4: {  	v57 =	vld [tilespmem:s29+$0xFFFFFF30];
	v53 =	vmul.f32 v62, v35;
	v54 =	vmul.f32 v63, v35  }
0x3a5: {  	s1 =	sadd.s32 $0x8, s1;
	v58 =	vld [tilespmem:s29+$0xFFFFFF20];
	v61 =	vmul.f32 v2, v40;
	v62 =	vmul.f32 v1, v40  }
0x3a6: {  	_ = 	snop  }
0x3a7: {  	v1 =	vmul.f32 v55, v40;
	v2 =	vmul.f32 v60, v40;
	v3 =	vld [tilespmem:s29+$0xFFFFFFA0]  }
0x3a8: {  	v8 =	vld [tilespmem:s29+$0xFFFFFFB0];
	v5 =	vadd.f32 v61, v24;
	v6 =	vadd.f32 v62, v29;
	v7 =	vmul.f32 v59, v35  }
0x3a9: {  	v1 =	vadd.f32 v1, v27;
	v2 =	vadd.f32 v2, v28;
	v9 =	vmul.f32 v56, v35  }
0x3aa: {  	v24 =	vld [tilespmem:s29+$0xFFFFFFC0];
	v5 =	vadd.f32 v53, v5;
	v6 =	vadd.f32 v54, v6;
	v27 =	vmul.f32 v58, v34  }
0x3ab: {  	v29 =	vld [tilespmem:s29+$0xFFFFFF50];
	v1 =	vadd.f32 v7, v1;
	v2 =	vadd.f32 v9, v2;
	v7 =	vmul.f32 v57, v34  }
0x3ac: {  	v28 =	vld [tilespmem:s29+$0xFFFFFFD0];
	v5 =	vadd.f32 v51, v5;
	v6 =	vadd.f32 v52, v6;
	v3 =	vmul.f32 v3, v23  }
0x3ad: {  	v52 =	vld [tilespmem:s29+$0xFFFFFE60];
	v1 =	vadd.f32 v27, v1;
	v2 =	vadd.f32 v7, v2;
	v7 =	vmul.f32 v8, v23  }
0x3ae: {  	v9 =	vld [tilespmem:s29+$0xFFFFFF40];
	v5 =	vadd.f32 v49, v5;
	v6 =	vadd.f32 v50, v6  }
0x3af: {  	v8 =	vld [tilespmem:s29+$0xFFFFFEC0];
	v24 =	vmul.f32 v24, v23;
	v1 =	vadd.f32 v3, v1;
	v2 =	vadd.f32 v7, v2  }
0x3b0: {  	v29 =	vmul.f32 v29, v34;
	v3 =	vld [tilespmem:s29+$0xFFFFFE40];
	v5 =	vadd.f32 v47, v5;
	v6 =	vadd.f32 v48, v6  }
0x3b1: {  	v7 =	vmul.f32 v28, v23;
	v28 =	vld [tilespmem:s29+$0xFFFFFE50];
	v1 =	vadd.f32 v45, v1;
	v2 =	vadd.f32 v46, v2  }
0x3b2: {  	v27 =	vld [tilespmem:s29+$0xFFFFFED0];
	v57 =	vmul.f32 v52, v40;
	v5 =	vadd.f32 v43, v5;
	v6 =	vadd.f32 v44, v6  }
0x3b3: {  	v53 =	vld [tilespmem:s29+$0xFFFFFE70];
	v9 =	vmul.f32 v9, v34;
	v1 =	vadd.f32 v41, v1;
	v2 =	vadd.f32 v42, v2  }
0x3b4: {  	v54 =	vld [tilespmem:s29+$0xFFFFFEE0];
	v8 =	vmul.f32 v8, v35;
	v17 =	vadd.f32 v57, v17;
	v5 =	vadd.f32 v38, v5  }
0x3b5: {  	v55 =	vld [tilespmem:s29+$0xFFFFFEF0];
	v6 =	vadd.f32 v39, v6;
	v3 =	vmul.f32 v3, v40;
	v1 =	vadd.f32 v36, v1  }
0x3b6: {  	v56 =	vld [tilespmem:s29+$0xFFFFFF60];
	v28 =	vmul.f32 v28, v40;
	v2 =	vadd.f32 v37, v2;
	v5 =	vadd.f32 v32, v5  }
0x3b7: {  	v58 =	vld [tilespmem:s29+$0xFFFFFF70];
	v27 =	vmul.f32 v27, v35;
	v6 =	vadd.f32 v33, v6;
	v3 =	vadd.f32 v3, v19  }
0x3b8: {  	v19 =	vmul.f32 v53, v40;
	v18 =	vadd.f32 v28, v18;
	v1 =	vadd.f32 v31, v1;
	v31 =	vld [tilespmem:s29+$0xFFFFFFE0]  }
0x3b9: {  	v28 =	vmul.f32 v54, v35;
	v2 =	vadd.f32 v30, v2;
	v30 =	vld [tilespmem:s29+$0xFFFFFFF0];
	v3 =	vadd.f32 v8, v3  }
0x3ba: {  	v8 =	vadd.f32 v19, v16;
	v16 =	vmul.f32 v55, v35;
	v19 =	vld [tilespmem:s29+$0x60];
	v18 =	vadd.f32 v27, v18  }
0x3bb: {  	v59 =	vld [tilespmem:s29+$0x70];
	v27 =	vmul.f32 v56, v34;
	v17 =	vadd.f32 v28, v17;
	v3 =	vadd.f32 v9, v3  }
0x3bc: {  	v8 =	vadd.f32 v16, v8;
	v9 =	vmul.f32 v58, v34;
	v16 =	vld [tilespmem:s29+$0xE0];
	v18 =	vadd.f32 v29, v18  }
0x3bd: {  	v29 =	vld [tilespmem:s29+$0xF0];
	v17 =	vadd.f32 v27, v17;
	v28 =	vmul.f32 v31, v23;
	v3 =	vadd.f32 v24, v3  }
0x3be: {  	v8 =	vadd.f32 v9, v8;
	v9 =	vmul.f32 v30, v23;
	v23 =	vld [tilespmem:s29+$0x160];
	v7 =	vadd.f32 v7, v18  }
0x3bf: {  	v18 =	vmul.f32 v19, v20;
	v19 =	vld [tilespmem:s29+$0x170];
	v17 =	vadd.f32 v28, v17;
	v3 =	vadd.f32 v26, v3  }
0x3c0: {  	v8 =	vadd.f32 v9, v8;
	v9 =	vmul.f32 v59, v20;
	v20 =	vld [tilespmem:s29+$0x1E0];
	v7 =	vadd.f32 v25, v7  }
0x3c1: {  	s0 =	sshll.u32 s30, $0x7;
	v24 =	vld [tilespmem:s29+$0x1F0];
	v16 =	vmul.f32 v16, v13;
	v17 =	vadd.f32 v18, v17;
	v3 =	vadd.f32 v22, v3  }
0x3c2: {  	s0 =	sand.u32 $0x3FFFFF80, s0;
	v8 =	vadd.f32 v9, v8;
	v9 =	vmul.f32 v29, v13;
	v7 =	vadd.f32 v21, v7  }
0x3c3: {  	[tilespmem:s0+$0x2400] =	vst v5;
	v13 =	vmul.f32 v23, v10;
	v16 =	vadd.f32 v16, v17;
	v3 =	vadd.f32 v15, v3  }
0x3c4: {  	[tilespmem:s0+$0x2410] =	vst v6;
	v5 =	vadd.f32 v9, v8;
	v8 =	vmul.f32 v19, v10;
	v7 =	vadd.f32 v14, v7  }
0x3c5: {  	[tilespmem:s0+$0x2420] =	vst v1;
	v6 =	vmul.f32 v20, v4;
	v9 =	vadd.f32 v13, v16;
	v3 =	vadd.f32 v12, v3  }
0x3c6: {  	[tilespmem:s0+$0x2430] =	vst v2;
	v4 =	vmul.f32 v24, v4;
	v1 =	vadd.f32 v8, v5;
	v5 =	vadd.f32 v11, v7  }
0x3c7: {  	v2 =	vadd.f32 v6, v9;
	[tilespmem:s0+$0x2440] =	vst v3  }
0x3c8: {  	v1 =	vadd.f32 v4, v1;
	[tilespmem:s0+$0x2450] =	vst v5  }
0x3c9: {  	[tilespmem:s0+$0x2460] =	vst v2  }
0x3ca: {  	s29 =	simm.s32 $0xD0F0;
	[tilespmem:s0+$0x2470] =	vst v1  }
0x3cb: {  	v5 =	vld [tilespmem:s29+$0xFFFFFF90]  }
0x3cc: {  	v7 =	vld [tilespmem:s29+$0xFFFFFFA0]  }
0x3cd: {  	v14 =	vld [tilespmem:s29+$0xFFFFFFB0]  }
0x3ce: {  	v15 =	vld [tilespmem:s29+$0xFFFFFFC0]  }
0x3cf: {  	v16 =	vld [tilespmem:s29+$0xFFFFFFD0]  }
0x3d0: {  	v17 =	vld [tilespmem:s29+$0xFFFFFFE0]  }
0x3d1: {  	v18 =	vld [tilespmem:s29+$0xFFFFFF10]  }
0x3d2: {  	v19 =	vld [tilespmem:s29+$0xFFFFFF20]  }
0x3d3: {  	v20 =	vld [tilespmem:s29+$0xFFFFFF30]  }
0x3d4: {  	v21 =	vld [tilespmem:s29+$0xFFFFFF40]  }
0x3d5: {  	v22 =	vld [tilespmem:s29+$0xFFFFFF50]  }
0x3d6: {  	v23 =	vld [tilespmem:s29+$0xFFFFFF60]  }
0x3d7: {  	v24 =	vld [tilespmem:s29+$0xFFFFFE90]  }
0x3d8: {  	v25 =	vld [tilespmem:s29+$0xFFFFFEA0]  }
0x3d9: {  	s28 =	sadd.s32 $0x5, s28;
	s30 =	simm.s32 $0x0;
	v31 =	vld [tilespmem:s29+$0xFFFFFEB0]  }
0x3da: {  	s31 =	sshll.u32 s28, $0x6;
	v1 =	vmov s30;
	v32 =	vld [tilespmem:s29+$0xFFFFFEC0]  }
0x3db: {  	v3 =	vmov s31;
	v1 =	vshrl.u32 v1, $0x3;
	v33 =	vld [tilespmem:s29+$0xFFFFFED0]  }
0x3dc: {  	v2 =	vor.u32 $0x7, v3;
	v34 =	vld [tilespmem:s29+$0xFFFFFEE0];
	v13 =	vshll.u32 v1, v0  }
0x3dd: {  	v45 =	vld [tilespmem:s29+$0xFFFFFE10];
	v1 =	vadd.s32 v13, v2  }
0x3de: {  	v46 =	vld [tilespmem:s29+$0xFFFFFE20];
	v1 =	vbroadcast v1, $0x0  }
0x3df: {  	v4 =	vor.u32 $0x5, v3;
	v49 =	vld [tilespmem:s29+$0xFFFFFE30]  }
0x3e0: {  	v50 =	vld [tilespmem:s29+$0xFFFFFE40];
	v9 =	vadd.s32 v13, v4  }
0x3e1: {  	[tilespmem:$0x1FF10] =	vst v2;
	v51 =	vld [tilespmem:s29+$0xFFFFFE50];
	v2 =	vor.u32 $0x6, v3;
	v26 =	vbroadcast v9, $0x0  }
0x3e2: {  	v52 =	vld [tilespmem:s29+$0xFFFFFE60];
	[tilespmem:$0x1FF20] =	vst v2;
	v2 =	vadd.s32 v13, v2  }
0x3e3: {  	v10 =	vor.u32 $0x3, v3;
	v53 =	vld [tilespmem:s29+$0xFFFFFD90];
	v2 =	vbroadcast v2, $0x0  }
0x3e4: {  	v11 =	vor.u32 $0x4, v3;
	v12 =	vor.u32 $0x2, v3;
	v27 =	vadd.s32 v13, v10;
	v1 =	vld.idx.msk [tilespmem:v1+s20+$0x0], $0xffff  }
0x3e5: {  	v54 =	vld [tilespmem:s29+$0xFFFFFDA0];
	v28 =	vadd.s32 v13, v11;
	v30 =	vadd.s32 v13, v12;
	v9 =	vor.u32 $0x1, v3  }
0x3e6: {  	v55 =	vld [tilespmem:s29+$0xFFFFFD10];
	v28 =	vbroadcast v28, $0x0;
	v29 =	vadd.s32 v13, v9;
	v13 =	vadd.s32 v3, v13  }
0x3e7: {  	v35 =	vbroadcast v30, $0x0;
	v47 =	vbroadcast v13, $0x0;
	v13 =	vld.idx.msk [tilespmem:v26+s20+$0x0], $0xffff  }
0x3e8: {  	v61 =	vld [tilespmem:s29+$0xFFFFFD20];
	v40 =	vbroadcast v27, $0x0;
	v60 =	vbroadcast v29, $0x0  }
0x3e9: {  	v2 =	vld.idx.msk [tilespmem:v2+s20+$0x0], $0xffff;
	v29 =	vmul.f32 v5, v1;
	v30 =	vmul.f32 v7, v1  }
0x3ea: {  	v62 =	vld [tilespmem:s29+$0xFFFFFC90];
	v27 =	vmul.f32 v14, v1;
	v26 =	vmul.f32 v15, v1  }
0x3eb: {  	v63 =	vld [tilespmem:s29+$0xFFFFFCA0];
	v7 =	vmul.f32 v16, v1;
	v5 =	vmul.f32 v17, v1  }
0x3ec: {  	v16 =	vld.idx.msk [tilespmem:v28+s20+$0x0], $0xffff;
	v43 =	vmul.f32 v24, v13;
	v44 =	vmul.f32 v25, v13  }
0x3ed: {  	v28 =	vld.idx.msk [tilespmem:v35+s20+$0x0], $0xffff;
	v41 =	vmul.f32 v31, v13;
	v42 =	vmul.f32 v32, v13  }
0x3ee: {  	v35 =	vld.idx.msk [tilespmem:v60+s20+$0x0], $0xffff;
	v17 =	vmul.f32 v34, v13;
	v38 =	vmul.f32 v18, v2  }
0x3ef: {  	v39 =	vmul.f32 v19, v2;
	v19 =	vld [tilespmem:s29+$0xFFFFFC10];
	v36 =	vmul.f32 v20, v2  }
0x3f0: {  	v37 =	vmul.f32 v21, v2;
	v20 =	vld [tilespmem:s29+$0xFFFFFC20];
	v15 =	vmul.f32 v22, v2  }
0x3f1: {  	v14 =	vmul.f32 v23, v2;
	v23 =	vld.idx.msk [tilespmem:v40+s20+$0x0], $0xffff;
	v18 =	vmul.f32 v33, v13  }
0x3f2: {  	v40 =	vld.idx.msk [tilespmem:v47+s20+$0x0], $0xffff;
	v47 =	vmul.f32 v45, v16;
	v48 =	vmul.f32 v46, v16  }
0x3f3: {  	v21 =	vld [tilespmem:s29+$0xFFFFFC30];
	v45 =	vmul.f32 v49, v16;
	v46 =	vmul.f32 v50, v16  }
0x3f4: {  	v22 =	vld [tilespmem:s29+$0xFFFFFC40];
	v25 =	vmul.f32 v51, v16;
	v24 =	vmul.f32 v52, v16  }
0x3f5: {  	v31 =	vimm.f32 $0.0e+00;
	v51 =	vmul.f32 v55, v28;
	v52 =	vmul.f32 v61, v28  }
0x3f6: {  	v59 =	vld [tilespmem:s29+$0xFFFFFCB0];
	v34 =	vimm.f32 $0.0e+00;
	v49 =	vmul.f32 v53, v23;
	v50 =	vmul.f32 v54, v23  }
0x3f7: {  	v57 =	vld [tilespmem:s29+$0xFFFFFCC0];
	v32 =	vimm.f32 $0.0e+00;
	v53 =	vmul.f32 v62, v35;
	v54 =	vmul.f32 v63, v35  }
0x3f8: {  	v58 =	vld [tilespmem:s29+$0xFFFFFD30];
	v33 =	vimm.f32 $0.0e+00;
	v62 =	vmul.f32 v19, v40;
	v63 =	vmul.f32 v20, v40  }
0x3f9: {  	v56 =	vld [tilespmem:s29+$0xFFFFFD40];
	v60 =	vmul.f32 v21, v40;
	v61 =	vmul.f32 v22, v40;
	v22 =	vimm.f32 $0.0e+00  }
0x3fa: {  	s1 =	simm.s32 $0x8;
	v8 =	vmovc v3;
	[tilespmem:$0x1FF30] =	vst v4;
	v55 =	vld [tilespmem:s29+$0xFFFFFDB0];
	v21 =	vimm.f32 $0.0e+00;
	v20 =	vimm.f32 $0.0e+00;
	v19 =	vimm.f32 $0.0e+00  }
.LBB2_15:
0x3fb: {  	v31 =	vadd.f32 v62, v31  }
0x3fc: {  	v3 =	vld [tilespmem:$0x1FF30];
	v34 =	vadd.f32 v63, v34  }
0x3fd: {  	v62 =	vld [tilespmem:s29+$0xFFFFFDC0];
	v32 =	vadd.f32 v60, v32;
	v31 =	vadd.f32 v53, v31  }
0x3fe: {  	v33 =	vadd.f32 v61, v33;
	v60 =	vld [tilespmem:s29+$0xFFFFFDD0];
	v34 =	vadd.f32 v54, v34;
	v59 =	vmul.f32 v59, v35  }
0x3ff: {  	v57 =	vmul.f32 v57, v35;
	v63 =	vmul.f32 v58, v28;
	v58 =	vld [tilespmem:s29+$0xFFFFFC60];
	v31 =	vadd.f32 v51, v31  }
0x400: {  	v54 =	vld [tilespmem:s29+$0xFFFFFDE0];
	v56 =	vmul.f32 v56, v28;
	v34 =	vadd.f32 v52, v34;
	v32 =	vadd.f32 v59, v32  }
0x401: {  	v52 =	vmul.f32 v55, v23;
	v33 =	vadd.f32 v57, v33;
	v57 =	vld [tilespmem:s29+$0xFFFFFD50];
	v31 =	vadd.f32 v49, v31  }
0x402: {  	v62 =	vmul.f32 v62, v23;
	v59 =	vld [tilespmem:s29+$0xFFFFFC70];
	v34 =	vadd.f32 v50, v34;
	v32 =	vadd.f32 v63, v32  }
0x403: {  	v49 =	vmul.f32 v60, v23;
	v50 =	vld [tilespmem:s29+$0xFFFFFC50];
	v33 =	vadd.f32 v56, v33;
	v31 =	vadd.f32 v47, v31  }
0x404: {  	v51 =	vld [tilespmem:s29+$0xFFFFFD60];
	v34 =	vadd.f32 v48, v34;
	v55 =	vmul.f32 v58, v40;
	v32 =	vadd.f32 v52, v32  }
0x405: {  	v63 =	vld [tilespmem:s29+$0xFFFFFCE0];
	v33 =	vadd.f32 v62, v33;
	v52 =	vmul.f32 v54, v23;
	v31 =	vadd.f32 v43, v31  }
0x406: {  	v61 =	vld [tilespmem:s29+$0xFFFFFCD0];
	v54 =	vmul.f32 v57, v28;
	v34 =	vadd.f32 v44, v34;
	v21 =	vadd.f32 v55, v21  }
0x407: {  	v60 =	vld [tilespmem:s29+$0xFFFFFC80];
	v57 =	vmul.f32 v59, v40;
	v32 =	vadd.f32 v45, v32;
	v33 =	vadd.f32 v46, v33  }
0x408: {  	v56 =	vld [tilespmem:s29+$0xFFFFFD70];
	v50 =	vmul.f32 v50, v40;
	v31 =	vadd.f32 v38, v31;
	v34 =	vadd.f32 v39, v34  }
0x409: {  	v48 =	vmul.f32 v51, v28;
	v51 =	vld [tilespmem:s29+$0xFFFFFD00];
	v20 =	vadd.f32 v57, v20;
	v32 =	vadd.f32 v41, v32  }
0x40a: {  	v62 =	vmul.f32 v63, v35;
	v63 =	vld [tilespmem:s29+$0xFFFFFCF0];
	v33 =	vadd.f32 v42, v33;
	v22 =	vadd.f32 v50, v22  }
0x40b: {  	v61 =	vmul.f32 v61, v35;
	v58 =	vld [tilespmem:s29+$0xFFFFFD80];
	v31 =	vadd.f32 v29, v31;
	v34 =	vadd.f32 v30, v34  }
0x40c: {  	v59 =	vld [tilespmem:s29+$0xFFFFFE70];
	v29 =	vmul.f32 v60, v40;
	v21 =	vadd.f32 v62, v21;
	v32 =	vadd.f32 v36, v32  }
0x40d: {  	v30 =	vld [tilespmem:s29+$0xFFFFFDF0];
	v33 =	vadd.f32 v37, v33;
	v22 =	vadd.f32 v61, v22  }
0x40e: {  	v19 =	vadd.f32 v29, v19;
	v32 =	vadd.f32 v27, v32;
	v27 =	vld [tilespmem:s29+$0xFFFFFE00]  }
0x40f: {  	v62 =	vld [tilespmem:s29+$0xFFFFFF80];
	v29 =	vmul.f32 v51, v35;
	v33 =	vadd.f32 v26, v33;
	v26 =	vmul.f32 v63, v35  }
0x410: {  	v60 =	vmul.f32 v56, v28;
	v61 =	vld [tilespmem:s29+$0xFFFFFE80];
	v22 =	vadd.f32 v54, v22  }
0x411: {  	v19 =	vadd.f32 v29, v19;
	v20 =	vadd.f32 v26, v20;
	v26 =	vmul.f32 v58, v28;
	v28 =	vld [tilespmem:s29+$0xFFFFFEF0]  }
0x412: {  	v21 =	vadd.f32 v48, v21;
	v29 =	vmul.f32 v30, v23;
	v30 =	vld [tilespmem:s29+$0xFFFFFF00];
	v22 =	vadd.f32 v49, v22  }
0x413: {  	v20 =	vadd.f32 v60, v20;
	v19 =	vadd.f32 v26, v19;
	v26 =	vld [tilespmem:s29+$0xFFFFFF70];
	v23 =	vmul.f32 v27, v23  }
0x414: {  	v21 =	vadd.f32 v52, v21;
	v22 =	vadd.f32 v25, v22;
	v25 =	vld [tilespmem:s29+$0x0]  }
0x415: {  	v27 =	vmul.f32 v59, v16;
	v20 =	vadd.f32 v29, v20;
	v19 =	vadd.f32 v23, v19;
	v23 =	vld [tilespmem:s29+$0xFFFFFFF0];
	s29 =	sadd.s32 $0x400, s29  }
0x416: {  	v21 =	vadd.f32 v24, v21;
	v18 =	vadd.f32 v18, v22;
	v24 =	vmul.f32 v28, v13;
	v28 =	vld [tilespmem:s29+$0xFFFFFF90]  }
0x417: {  	v20 =	vadd.f32 v27, v20;
	v27 =	vld [tilespmem:s29+$0xFFFFFFA0]  }
0x418: {  	v15 =	vadd.f32 v15, v18;
	v18 =	vld [tilespmem:s29+$0xFFFFFFD0]  }
0x419: {  	v35 =	vld [tilespmem:s29+$0xFFFFFF60]  }
0x41a: {  	v40 =	vld [tilespmem:s29+$0xFFFFFE90]  }
0x41b: {  	v41 =	vld [tilespmem:s29+$0xFFFFFEA0]  }
0x41c: {  	v42 =	vld [tilespmem:s29+$0xFFFFFEB0]  }
0x41d: {  	v45 =	vld [tilespmem:s29+$0xFFFFFEC0]  }
0x41e: {  	v16 =	vmul.f32 v61, v16;
	v46 =	vld [tilespmem:s29+$0xFFFFFED0]  }
0x41f: {  	v47 =	vld [tilespmem:s29+$0xFFFFFEE0]  }
0x420: {  	v13 =	vmul.f32 v30, v13;
	v48 =	vld [tilespmem:s29+$0xFFFFFE10];
	v16 =	vadd.f32 v16, v19  }
0x421: {  	v17 =	vadd.f32 v17, v21;
	v49 =	vld [tilespmem:s29+$0xFFFFFE20];
	v19 =	vmul.f32 v26, v2  }
0x422: {  	v50 =	vld [tilespmem:s29+$0xFFFFFE30];
	v2 =	vmul.f32 v62, v2;
	v20 =	vadd.f32 v24, v20;
	v13 =	vadd.f32 v13, v16  }
0x423: {  	v14 =	vadd.f32 v14, v17;
	v51 =	vld [tilespmem:s29+$0xFFFFFE40];
	v17 =	vmul.f32 v23, v1  }
0x424: {  	v52 =	vld [tilespmem:s29+$0xFFFFFE50];
	v19 =	vadd.f32 v19, v20;
	v1 =	vmul.f32 v25, v1;
	v2 =	vadd.f32 v2, v13  }
0x425: {  	v53 =	vld [tilespmem:s29+$0xFFFFFE60]  }
0x426: {  	v20 =	vadd.f32 v17, v19;
	v19 =	vadd.f32 v1, v2;
	v1 =	vmov s1;
	v2 =	vld [tilespmem:$0x1FF20]  }
0x427: {  	v54 =	vld [tilespmem:s29+$0xFFFFFD90];
	v1 =	vshrl.u32 v1, $0x3  }
0x428: {  	v21 =	vadd.f32 v5, v14;
	v5 =	vshll.u32 v1, v0;
	v1 =	vld [tilespmem:$0x1FF10]  }
0x429: {  	v55 =	vld [tilespmem:s29+$0xFFFFFDA0]  }
0x42a: {  	v58 =	vld [tilespmem:s29+$0xFFFFFD10];
	v22 =	vadd.f32 v7, v15;
	v7 =	vadd.s32 v5, v3  }
0x42b: {  	v60 =	vld [tilespmem:s29+$0xFFFFFD20];
	v7 =	vbroadcast v7, $0x0;
	v2 =	vadd.s32 v5, v2  }
0x42c: {  	v61 =	vld [tilespmem:s29+$0xFFFFFC90];
	v2 =	vbroadcast v2, $0x0  }
0x42d: {  	v26 =	vld [tilespmem:s29+$0xFFFFFFB0];
	v1 =	vadd.s32 v5, v1  }
0x42e: {  	v14 =	vld [tilespmem:s29+$0xFFFFFF10];
	v1 =	vbroadcast v1, $0x0  }
0x42f: {  	v15 =	vld [tilespmem:s29+$0xFFFFFF20]  }
0x430: {  	v25 =	vld [tilespmem:s29+$0xFFFFFF50];
	v13 =	vadd.s32 v5, v10  }
0x431: {  	v43 =	vbroadcast v13, $0x0;
	v13 =	vld.idx.msk [tilespmem:v7+s20+$0x0], $0xffff  }
0x432: {  	v2 =	vld.idx.msk [tilespmem:v2+s20+$0x0], $0xffff  }
0x433: {  	v17 =	vld [tilespmem:s29+$0xFFFFFF30];
	v29 =	vadd.s32 v5, v11;
	v30 =	vadd.s32 v5, v9;
	v63 =	vadd.s32 v5, v12  }
0x434: {  	v37 =	vbroadcast v29, $0x0;
	v56 =	vbroadcast v63, $0x0;
	v5 =	vadd.s32 v8, v5;
	v1 =	vld.idx.msk [tilespmem:v1+s20+$0x0], $0xffff  }
0x435: {  	v16 =	vld [tilespmem:s29+$0xFFFFFFC0];
	v59 =	vbroadcast v30, $0x0;
	v57 =	vbroadcast v5, $0x0  }
0x436: {  	v4 =	vld [tilespmem:s29+$0xFFFFFC30];
	v44 =	vmul.f32 v41, v13;
	v41 =	vmul.f32 v42, v13  }
0x437: {  	v24 =	vld [tilespmem:s29+$0xFFFFFF40];
	v42 =	vmul.f32 v45, v13;
	v38 =	vmul.f32 v14, v2  }
0x438: {  	v23 =	vld [tilespmem:s29+$0xFFFFFFE0];
	v39 =	vmul.f32 v15, v2;
	v36 =	vmul.f32 v17, v2  }
0x439: {  	v62 =	vld [tilespmem:s29+$0xFFFFFCA0];
	v15 =	vmul.f32 v25, v2;
	v30 =	vmul.f32 v27, v1  }
0x43a: {  	v27 =	vmul.f32 v26, v1;
	v26 =	vmul.f32 v16, v1;
	v16 =	vld.idx.msk [tilespmem:v37+s20+$0x0], $0xffff  }
0x43b: {  	v3 =	vld [tilespmem:s29+$0xFFFFFC20];
	v14 =	vmul.f32 v35, v2;
	v17 =	vmul.f32 v47, v13  }
0x43c: {  	v63 =	vld [tilespmem:s29+$0xFFFFFC10];
	v29 =	vmul.f32 v28, v1;
	v7 =	vmul.f32 v18, v1  }
0x43d: {  	v5 =	vmul.f32 v23, v1;
	v37 =	vmul.f32 v24, v2;
	v23 =	vld.idx.msk [tilespmem:v43+s20+$0x0], $0xffff  }
0x43e: {  	v43 =	vmul.f32 v40, v13;
	v28 =	vld.idx.msk [tilespmem:v56+s20+$0x0], $0xffff;
	v18 =	vmul.f32 v46, v13  }
0x43f: {  	v35 =	vld.idx.msk [tilespmem:v59+s20+$0x0], $0xffff;
	v47 =	vmul.f32 v48, v16;
	v48 =	vmul.f32 v49, v16  }
0x440: {  	v40 =	vld.idx.msk [tilespmem:v57+s20+$0x0], $0xffff;
	v45 =	vmul.f32 v50, v16;
	v46 =	vmul.f32 v51, v16  }
0x441: {  	p1 =	sne.s32 s1, $0x38;
	v6 =	vld [tilespmem:s29+$0xFFFFFC40];
	v25 =	vmul.f32 v52, v16;
	v24 =	vmul.f32 v53, v16  }
.Ltmp8:
0x442: {  	v59 =	vld [tilespmem:s29+$0xFFFFFCB0];
	v49 =	vmul.f32 v54, v23;
	v50 =	vmul.f32 v55, v23;
	(pc) =	sbr.rel @p1 .LBB2_15-.Ltmp8, $4  }
0x443: {  	v57 =	vld [tilespmem:s29+$0xFFFFFCC0];
	v51 =	vmul.f32 v58, v28;
	v52 =	vmul.f32 v60, v28  }
0x444: {  	v56 =	vld [tilespmem:s29+$0xFFFFFD40];
	v53 =	vmul.f32 v61, v35;
	v54 =	vmul.f32 v62, v35  }
0x445: {  	v58 =	vld [tilespmem:s29+$0xFFFFFD30];
	v62 =	vmul.f32 v63, v40;
	v63 =	vmul.f32 v3, v40  }
0x446: {  	s1 =	sadd.s32 $0x8, s1;
	v60 =	vmul.f32 v4, v40;
	v61 =	vmul.f32 v6, v40;
	v55 =	vld [tilespmem:s29+$0xFFFFFDB0]  }
0x447: {  	v3 =	vadd.f32 v62, v31;
	v4 =	vadd.f32 v63, v34;
	v6 =	vmul.f32 v59, v35;
	v8 =	vld [tilespmem:s29+$0xFFFFFDC0]  }
0x448: {  	v63 =	vld [tilespmem:s29+$0xFFFFFD50];
	v9 =	vadd.f32 v60, v32;
	v10 =	vadd.f32 v61, v33;
	v11 =	vmul.f32 v57, v35  }
0x449: {  	v57 =	vld [tilespmem:s29+$0xFFFFFC60];
	v3 =	vadd.f32 v53, v3;
	v4 =	vadd.f32 v54, v4;
	v62 =	vmul.f32 v56, v28  }
0x44a: {  	v60 =	vld [tilespmem:s29+$0xFFFFFDE0];
	v59 =	vmul.f32 v58, v28;
	v6 =	vadd.f32 v6, v9;
	v61 =	vadd.f32 v11, v10  }
0x44b: {  	v56 =	vld [tilespmem:s29+$0xFFFFFC50];
	v3 =	vadd.f32 v51, v3;
	v4 =	vadd.f32 v52, v4  }
0x44c: {  	v58 =	vld [tilespmem:s29+$0xFFFFFC70];
	v52 =	vmul.f32 v55, v23;
	v6 =	vadd.f32 v59, v6;
	v9 =	vadd.f32 v62, v61  }
0x44d: {  	v54 =	vld [tilespmem:s29+$0xFFFFFCD0];
	v8 =	vmul.f32 v8, v23;
	v11 =	vmul.f32 v63, v28;
	v3 =	vadd.f32 v49, v3  }
0x44e: {  	v55 =	vld [tilespmem:s29+$0xFFFFFCE0];
	v4 =	vadd.f32 v50, v4;
	v33 =	vmul.f32 v57, v40;
	v6 =	vadd.f32 v52, v6  }
0x44f: {  	v32 =	vmul.f32 v60, v23;
	v8 =	vadd.f32 v8, v9;
	v3 =	vadd.f32 v47, v3  }
0x450: {  	v60 =	vld [tilespmem:s29+$0xFFFFFCF0];
	v9 =	vmul.f32 v56, v40;
	v4 =	vadd.f32 v48, v4;
	v21 =	vadd.f32 v33, v21  }
0x451: {  	v59 =	vld [tilespmem:s29+$0xFFFFFC80];
	v63 =	vmul.f32 v58, v40;
	v6 =	vadd.f32 v45, v6;
	v8 =	vadd.f32 v46, v8  }
0x452: {  	v53 =	vld [tilespmem:s29+$0xFFFFFD60];
	v10 =	vmul.f32 v54, v35;
	v9 =	vadd.f32 v9, v22;
	v3 =	vadd.f32 v43, v3  }
0x453: {  	v12 =	vld [tilespmem:s29+$0xFFFFFDD0];
	v31 =	vmul.f32 v55, v35;
	v4 =	vadd.f32 v44, v4;
	v20 =	vadd.f32 v63, v20  }
0x454: {  	v62 =	vld [tilespmem:s29+$0xFFFFFD70];
	v6 =	vadd.f32 v41, v6;
	v8 =	vadd.f32 v42, v8  }
0x455: {  	v61 =	vld [tilespmem:s29+$0xFFFFFD00];
	v41 =	vmul.f32 v60, v35;
	v9 =	vadd.f32 v10, v9;
	v21 =	vadd.f32 v31, v21  }
0x456: {  	v3 =	vadd.f32 v38, v3;
	v4 =	vadd.f32 v39, v4;
	v39 =	vmul.f32 v59, v40;
	v40 =	vld [tilespmem:s29+$0xFFFFFDF0]  }
0x457: {  	v34 =	vmul.f32 v53, v28;
	v6 =	vadd.f32 v36, v6;
	v8 =	vadd.f32 v37, v8;
	v37 =	vld [tilespmem:s29+$0xFFFFFD80]  }
0x458: {  	v45 =	vld [tilespmem:s29+$0xFFFFFE70];
	v20 =	vadd.f32 v41, v20;
	v9 =	vadd.f32 v11, v9  }
0x459: {  	v46 =	vmul.f32 v62, v28;
	v42 =	vld [tilespmem:s29+$0xFFFFFE00];
	v21 =	vadd.f32 v34, v21;
	v3 =	vadd.f32 v29, v3  }
0x45a: {  	v47 =	vld [tilespmem:s29+$0xFFFFFE80];
	v44 =	vmul.f32 v61, v35;
	v4 =	vadd.f32 v30, v4;
	v43 =	vadd.f32 v39, v19  }
0x45b: {  	v12 =	vmul.f32 v12, v23;
	v49 =	vld [tilespmem:s29+$0xFFFFFEF0];
	v6 =	vadd.f32 v27, v6;
	v20 =	vadd.f32 v46, v20  }
0x45c: {  	v51 =	vld [tilespmem:s29+$0xFFFFFF00];
	v10 =	vadd.f32 v44, v43;
	v50 =	vmul.f32 v40, v23;
	v48 =	vmul.f32 v37, v28  }
0x45d: {  	v53 =	vld [tilespmem:s29+$0xFFFFFF70];
	v22 =	vmul.f32 v45, v16;
	v8 =	vadd.f32 v26, v8;
	v9 =	vadd.f32 v12, v9  }
0x45e: {  	v56 =	vld [tilespmem:s29+$0xFFFFFFF0];
	v52 =	vmul.f32 v42, v23;
	v20 =	vadd.f32 v50, v20;
	v10 =	vadd.f32 v48, v10  }
0x45f: {  	v54 =	vld [tilespmem:s29+$0xFFFFFF80];
	v55 =	vmul.f32 v47, v16;
	v21 =	vadd.f32 v32, v21;
	v9 =	vadd.f32 v25, v9  }
0x460: {  	v19 =	vmul.f32 v49, v13;
	v20 =	vadd.f32 v22, v20;
	v10 =	vadd.f32 v52, v10  }
0x461: {  	s0 =	sshll.u32 s28, $0x7;
	v57 =	vld [tilespmem:s29+$0x0];
	v58 =	vmul.f32 v51, v13;
	v21 =	vadd.f32 v24, v21;
	v9 =	vadd.f32 v18, v9  }
0x462: {  	s0 =	sand.u32 $0x3FFFFF80, s0;
	v12 =	vmul.f32 v53, v2;
	v60 =	vadd.f32 v19, v20;
	v10 =	vadd.f32 v55, v10  }
0x463: {  	v62 =	vmul.f32 v56, v1;
	[tilespmem:s0+$0x2400] =	vst v3;
	v59 =	vadd.f32 v17, v21;
	v9 =	vadd.f32 v15, v9  }
0x464: {  	v2 =	vmul.f32 v54, v2;
	[tilespmem:s0+$0x2410] =	vst v4;
	v63 =	vadd.f32 v12, v60;
	v3 =	vadd.f32 v58, v10  }
0x465: {  	[tilespmem:s0+$0x2420] =	vst v6;
	v61 =	vadd.f32 v14, v59;
	v7 =	vadd.f32 v7, v9  }
.Ltmp9:
0x466: {  	v1 =	vmul.f32 v57, v1;
	[tilespmem:s0+$0x2430] =	vst v8;
	v4 =	vadd.f32 v62, v63;
	v2 =	vadd.f32 v2, v3;
	(pc) =	sbr.rel @p0 .LBB2_18-.Ltmp9, $4  }
0x467: {  	[tilespmem:s0+$0x2440] =	vst v7;
	v3 =	vadd.f32 v5, v61  }
0x468: {  	[tilespmem:s0+$0x2460] =	vst v4;
	v1 =	vadd.f32 v1, v2  }
0x469: {  	[tilespmem:s0+$0x2450] =	vst v3  }
0x46a: {  	[tilespmem:s0+$0x2470] =	vst v1  }
0x46b: {  	s0 =	smul.u32 $0x600, s26  }
.Ltmp10:
0x46c: {  	_ = 	snop;
	(pc) =	sbr.rel .LBB2_4-.Ltmp10, $4  }
0x46d: {  	_ = 	snop  }
0x46e: {  	s0 =	sshra.s32 s0, $0x2  }
0x46f: {  	s26 =	sadd.s32 $0x1, s26;
	s0 =	sadd.s32 $0xB80, s0  }
0x470: {  	[tilespmem:s18], [sflag:$0x3] =	stream.indirect.gather [hbm4b:s2+s12], $0x80, s0, s12, $0xb8;
	[tilespmem:$0xED00] =	vst v63  }
.LBB2_19:
0x471: {  	_ =	sfence.sel $0x180000  }
0x472: {  	[bflag:$0x0] =	sbarrier.arrive $0xFFFF  }
0x473: {  	_ =	strace $0x90000047  }
0x474: {  	s0 =	stileid.u32;
	[bflag:$0x2] =	sbarrier.arrive $0xFFFF  }
0x475: {  	p0 =	sne.s32 s0, $0x0;
	s0 =	rddreg [dreg:$0x3]  }
0x476: {  	s0 =	sadd.s32 @!p0 $0x100000, s0  }
0x477: {  	[sflag:s0] =	ssyncadd.tile.s32 @!p0 $0x1;
	_ =	shalt  }
.Lfunc_end2:
_tile_overlayer_lowered:
.L_overlay_start_2:
0x478: {  	(tag) =	ssettag $0x2  }
0x479: {  	s0 =	rddreg [dreg:$0x0];
	s2 =	stileid.u32  }
0x47a: {  	s1 =	rddreg [dreg:$0x1];
	p0 =	sne.s32 s2, $0x0  }
0x47b: {  	s3 =	rddreg [dreg:$0x2];
	[bflag:$0x3] =	sbarrier.arrive $0xFFFF;
	s2 =	simm.s32 @!p0 $0x1C05  }
0x47c: {  	[timem:s3], [sflag:s2] =	dma.local @!p0 [hbm:s0], s1  }
0x47d: {  	s0 =	simm.s32 @!p0 $0x5  }
0x47e: {  	_ =	swait.ge @!p0 [sflag:s0], s1  }
0x47f: {  	s1 =	ssub.s32 @!p0 $0x0, s1;
	[sflag:s0] =	ssyncset.done @!p0 $0x0  }
0x480: {  	[sflag:s0] =	ssyncadd.s32 @!p0 s1  }
0x481: {  	[bflag:$0x3] =	sbarrier.arrive $0xFFFF  }
0x482: {  	_ =	shalt  }

</sc_bundles>
